<compile_context>
chip_gen: v7x
topology: tpu7x:2x2x1
jax: 0.10.2.dev20260603
libtpu: 0.0.44.dev20260713+nightly
codegen_flags: <defaults>
</compile_context>

<pallas_src>
import functools

import jax
import jax.numpy as jnp
from jax import lax
from jax.experimental import pallas as pl
from jax.experimental.pallas import tpu as pltpu
from jax.experimental.pallas import tpu_sc as plsc

N = 10000
E = 320000
D_HID = 128
D_OUT = 64
EPS = 1e-5

NC = 2
NS = 16
NW = NC * NS
B = 128
N_PAD = 10240
E_PAD = 327680
TPT = E_PAD // NW
NBLK = TPT // B
NBLK0 = 134
NBLK1 = 26
RPT = N_PAD // NS


def _zero_vmem(buf, rows, cols):
    z = jnp.zeros((16,), jnp.float32)
    for i in range(rows):
        for j in range(cols // 16):
            buf[i, pl.ds(j * 16, 16)] = z


def _make_deg():
    mesh = plsc.VectorSubcoreMesh(
        core_axis_name="c", subcore_axis_name="s", num_cores=NC,
        num_subcores=NS)

    @functools.partial(
        pl.kernel,
        out_type=jax.ShapeDtypeStruct((NC * N_PAD, 16), jnp.float32),
        mesh=mesh,
        compiler_params=pltpu.CompilerParams(use_tc_tiling_on_sc=False),
        scratch_types=[
            pltpu.VMEM((NBLK, B), jnp.int32),
            pltpu.VMEM((B, 16), jnp.float32),
            pltpu.VMEM((16, 16), jnp.float32),
            pltpu.VMEM_SHARED((N_PAD, 16), jnp.float32),
        ],
    )
    def deg_kernel(dst_hbm, out_hbm, didx, ones_v, zbuf, acc):
        cid = lax.axis_index("c")
        sid = lax.axis_index("s")
        wid = cid * NS + sid
        _zero_vmem(zbuf, 16, 16)
        one = jnp.full((16,), 1.0, jnp.float32)
        for i in range(B):
            ones_v[i, pl.ds(0, 16)] = one
        pltpu.sync_copy(dst_hbm.at[pl.ds(wid * NBLK, NBLK)], didx)

        def zrow(r, _):
            pltpu.sync_copy(zbuf, acc.at[pl.ds(sid * RPT + r * 16, 16)])
            return 0
        lax.fori_loop(0, RPT // 16, zrow, 0)
        plsc.subcore_barrier()

        def body(j, _):
            pltpu.sync_copy(ones_v, acc.at[didx.at[j]], add=True)
            return 0
        lax.fori_loop(0, NBLK, body, 0)
        plsc.subcore_barrier()
        pltpu.sync_copy(acc.at[pl.ds(sid * RPT, RPT)],
                        out_hbm.at[pl.ds(cid * N_PAD + sid * RPT, RPT)])

    return deg_kernel


def _make_prop(d):
    mesh = plsc.VectorSubcoreMesh(
        core_axis_name="c", subcore_axis_name="s", num_cores=NC,
        num_subcores=NS)

    @functools.partial(
        pl.kernel,
        out_type=jax.ShapeDtypeStruct((NC * N_PAD, d), jnp.float32),
        mesh=mesh,
        compiler_params=pltpu.CompilerParams(use_tc_tiling_on_sc=False),
        scratch_types=[
            pltpu.VMEM((2, B), jnp.int32),
            pltpu.VMEM((2, B), jnp.int32),
            pltpu.VMEM((B, d), jnp.float32),
            pltpu.VMEM((16, d), jnp.float32),
            pltpu.VMEM_SHARED((N_PAD, d), jnp.float32),
            pltpu.SemaphoreType.DMA,
            pltpu.SemaphoreType.DMA,
            pltpu.SemaphoreType.DMA,
        ],
    )
    def prop_kernel(idx_hbm, u_hbm, out_hbm,
                    ib0, ib1, rows, zbuf, acc, sem, isem0, isem1):
        cid = lax.axis_index("c")
        sid = lax.axis_index("s")
        _zero_vmem(zbuf, 16, d)

        def zrow(r, _):
            pltpu.sync_copy(zbuf, acc.at[pl.ds(sid * RPT + r * 16, 16)])
            return 0
        lax.fori_loop(0, RPT // 16, zrow, 0)
        plsc.subcore_barrier()

        tile_base = jnp.where(cid == 0, sid * NBLK0,
                              NS * NBLK0 + sid * NBLK1)
        nblk = jnp.where(cid == 0, NBLK0, NBLK1)

        pltpu.async_copy(idx_hbm.at[tile_base], ib0, isem0)

        def step(row, ib, isem, nib, nisem):
            pltpu.make_async_copy(idx_hbm.at[row], ib, isem).wait()
            pltpu.async_copy(idx_hbm.at[row + 1], nib, nisem)
            pltpu.async_copy(u_hbm.at[ib.at[0]], rows, sem).wait()
            pltpu.sync_copy(rows, acc.at[ib.at[1]], add=True)

        def body(k, _):
            row = tile_base + 2 * k
            step(row, ib0, isem0, ib1, isem1)
            step(row + 1, ib1, isem1, ib0, isem0)
            return 0
        lax.fori_loop(0, nblk // 2, body, 0)
        pltpu.make_async_copy(idx_hbm.at[tile_base], ib0, isem0).wait()
        plsc.subcore_barrier()
        pltpu.sync_copy(acc.at[pl.ds(sid * RPT, RPT)],
                        out_hbm.at[pl.ds(cid * N_PAD + sid * RPT, RPT)])

    return prop_kernel


_R = 1000


def _dinv(dp0, dp1):
    deg = 1.0 + dp0[:, 0:1] + dp1[:, 0:1]
    return lax.rsqrt(deg)


def _tc_first(x_ref, w_ref, dp0_ref, dp1_ref, u_ref):
    di = _dinv(dp0_ref[...], dp1_ref[...])
    u_ref[...] = di * jnp.dot(x_ref[...], w_ref[...],
                              preferred_element_type=jnp.float32)


def _tc_mid(s0_ref, s1_ref, u_ref, w_ref, b_ref, g_ref, be_ref,
            dp0_ref, dp1_ref, o_ref):
    di = _dinv(dp0_ref[...], dp1_ref[...])
    s = s0_ref[...] + s1_ref[...] + u_ref[...]
    out = di * s + b_ref[...]
    z = g_ref[...] * (out * (1.0 / jnp.sqrt(1.0 + EPS))) + be_ref[...]
    r = jnp.maximum(z, 0.0)
    o_ref[...] = di * jnp.dot(r, w_ref[...],
                              preferred_element_type=jnp.float32)


def _tc_last(s0_ref, s1_ref, u_ref, b_ref, dp0_ref, dp1_ref, o_ref):
    di = _dinv(dp0_ref[...], dp1_ref[...])
    o_ref[...] = di * (s0_ref[...] + s1_ref[...] + u_ref[...]) + b_ref[...]


def _row_spec(d):
    return pl.BlockSpec((_R, d), lambda i: (i, 0))


def _full_spec(r, c):
    return pl.BlockSpec((r, c), lambda i: (0, 0))


def kernel(x, edge_index, W1, b1, g1, be1, W2, b2, g2, be2, W3, b3):
    src = edge_index[0]
    dst = edge_index[1]
    pad = E_PAD - E
    src_p = jnp.concatenate(
        [src, jnp.zeros((pad,), jnp.int32)]).reshape(E_PAD // B, B)
    dst_pad = N + (jnp.arange(pad, dtype=jnp.int32) % (N_PAD - N))
    dst_p = jnp.concatenate([dst, dst_pad]).reshape(E_PAD // B, B)
    idx_p = jnp.concatenate(
        [jnp.stack([src_p, dst_p], axis=1),
         jnp.zeros((1, 2, B), jnp.int32)])

    deg_fn = _make_deg()
    prop128 = _make_prop(D_HID)
    prop64 = _make_prop(D_OUT)

    deg_out = deg_fn(dst_p)
    dp0 = deg_out[:N]
    dp1 = deg_out[N_PAD:N_PAD + N]

    grid = (N // _R,)
    dspec = pl.BlockSpec((_R, 16), lambda i: (i, 0))

    u1 = pl.pallas_call(
        _tc_first,
        grid=grid,
        in_specs=[_row_spec(D_HID), _full_spec(D_HID, D_HID), dspec, dspec],
        out_specs=_row_spec(D_HID),
        out_shape=jax.ShapeDtypeStruct((N, D_HID), jnp.float32),
    )(x, W1, dp0, dp1)

    p1 = prop128(idx_p, u1)
    u2 = pl.pallas_call(
        _tc_mid,
        grid=grid,
        in_specs=[_row_spec(D_HID), _row_spec(D_HID), _row_spec(D_HID),
                  _full_spec(D_HID, D_HID), _full_spec(1, D_HID),
                  _full_spec(1, D_HID), _full_spec(1, D_HID), dspec, dspec],
        out_specs=_row_spec(D_HID),
        out_shape=jax.ShapeDtypeStruct((N, D_HID), jnp.float32),
    )(p1[:N], p1[N_PAD:N_PAD + N], u1, W2, b1.reshape(1, -1),
      g1.reshape(1, -1), be1.reshape(1, -1), dp0, dp1)

    p2 = prop128(idx_p, u2)
    u3 = pl.pallas_call(
        _tc_mid,
        grid=grid,
        in_specs=[_row_spec(D_HID), _row_spec(D_HID), _row_spec(D_HID),
                  _full_spec(D_HID, D_OUT), _full_spec(1, D_HID),
                  _full_spec(1, D_HID), _full_spec(1, D_HID), dspec, dspec],
        out_specs=_row_spec(D_OUT),
        out_shape=jax.ShapeDtypeStruct((N, D_OUT), jnp.float32),
    )(p2[:N], p2[N_PAD:N_PAD + N], u2, W3, b2.reshape(1, -1),
      g2.reshape(1, -1), be2.reshape(1, -1), dp0, dp1)

    p3 = prop64(idx_p, u3)
    out = pl.pallas_call(
        _tc_last,
        grid=grid,
        in_specs=[_row_spec(D_OUT), _row_spec(D_OUT), _row_spec(D_OUT),
                  _full_spec(1, D_OUT), dspec, dspec],
        out_specs=_row_spec(D_OUT),
        out_shape=jax.ShapeDtypeStruct((N, D_OUT), jnp.float32),
    )(p3[:N], p3[N_PAD:N_PAD + N], u3, b3.reshape(1, -1), dp0, dp1)

    return out

# --- scband reference (transcript-rebuilt; emitter-appended) ---
"""Pipeline reference for scband-gcnmodel-19473381720257 (READ-ONLY COPY).

The authoritative reference and input builder live on the scoring server;
editing this copy changes nothing except your own understanding.
"""

import jax, jax.numpy as jnp
import numpy as np

N = 10000
E = 320000
D_IN = 128
D_HID = 128
D_OUT = 64
EPS = 1e-5


def setup_inputs(seed: int = 0) -> dict:
    key = jax.random.key(seed)
    ks = jax.random.split(key, 8)
    x = jax.random.normal(ks[0], (N, D_IN), dtype=jnp.float32)
    edge_index = jax.random.randint(ks[1], (2, E), 0, N, dtype=jnp.int32)
    W1 = jax.random.normal(ks[2], (D_IN, D_HID), dtype=jnp.float32) * (1.0 / np.sqrt(D_IN))
    b1 = jnp.zeros((D_HID,), dtype=jnp.float32)
    g1 = jnp.ones((D_HID,), dtype=jnp.float32)
    be1 = jnp.zeros((D_HID,), dtype=jnp.float32)
    W2 = jax.random.normal(ks[3], (D_HID, D_HID), dtype=jnp.float32) * (1.0 / np.sqrt(D_HID))
    b2 = jnp.zeros((D_HID,), dtype=jnp.float32)
    g2 = jnp.ones((D_HID,), dtype=jnp.float32)
    be2 = jnp.zeros((D_HID,), dtype=jnp.float32)
    W3 = jax.random.normal(ks[4], (D_HID, D_OUT), dtype=jnp.float32) * (1.0 / np.sqrt(D_HID))
    b3 = jnp.zeros((D_OUT,), dtype=jnp.float32)
    return {"x": x, "edge_index": edge_index, "W1": W1, "b1": b1, "g1": g1, "be1": be1,
            "W2": W2, "b2": b2, "g2": g2, "be2": be2, "W3": W3, "b3": b3}


def gcn_conv(x, edge_index, W, b):
    # GCNConv with added self-loops and symmetric normalization:
    # out = D^{-1/2} (A + I) D^{-1/2} X W + b
    src = edge_index[0]
    dst = edge_index[1]
    loop = jnp.arange(N, dtype=src.dtype)
    src = jnp.concatenate([src, loop])
    dst = jnp.concatenate([dst, loop])
    h = x @ W
    deg = jnp.zeros((N,), dtype=x.dtype).at[dst].add(1.0)
    dinv = jnp.where(deg > 0, 1.0 / jnp.sqrt(deg), 0.0)
    norm = dinv[src] * dinv[dst]
    msg = h[src] * norm[:, None]
    out = jnp.zeros((N, W.shape[1]), dtype=x.dtype).at[dst].add(msg)
    return out + b


def bn_eval(x, gamma, beta):
    # BatchNorm1d in eval mode with running_mean=0, running_var=1
    return gamma * (x / jnp.sqrt(1.0 + EPS)) + beta


def reference(x, edge_index, W1, b1, g1, be1, W2, b2, g2, be2, W3, b3):
    h = gcn_conv(x, edge_index, W1, b1)
    h = bn_eval(h, g1, be1)
    h = jax.nn.relu(h)
    # dropout is identity in eval mode
    h = gcn_conv(h, edge_index, W2, b2)
    h = bn_eval(h, g2, be2)
    h = jax.nn.relu(h)
    out = gcn_conv(h, edge_index, W3, b3)
    return out

if __name__ == "__main__":
    import jax
    _d = setup_inputs()
    print(jax.jit(kernel)(*tuple(_d.values())))

</pallas_src>

<mosaic_0001>
#map = affine_map<(d0, d1) -> (0, 0, 0)>
#map1 = affine_map<(d0, d1) -> (0, 0)>
module attributes {stable_mosaic.version = 14 : i64} {
  func.func @prop_kernel(%arg0: i32, %arg1: i32, %arg2: memref<2561x2x128xi32, #tpu.memory_space<hbm>>, %arg3: memref<10000x64xf32, #tpu.memory_space<hbm>>, %arg4: memref<20480x64xf32, #tpu.memory_space<hbm>>, %arg5: memref<2x128xi32, #tpu.memory_space<vmem>>, %arg6: memref<2x128xi32, #tpu.memory_space<vmem>>, %arg7: memref<128x64xf32, #tpu.memory_space<vmem>>, %arg8: memref<16x64xf32, #tpu.memory_space<vmem>>, %arg9: memref<10240x64xf32, #tpu.memory_space<vmem_shared>>, %arg10: memref<!tpu.dma_semaphore, #tpu.memory_space<semaphore_mem>>, %arg11: memref<!tpu.dma_semaphore, #tpu.memory_space<semaphore_mem>>, %arg12: memref<!tpu.dma_semaphore, #tpu.memory_space<semaphore_mem>>) attributes {dimension_semantics = [#tpu.dimension_semantics<core_parallel>, #tpu.dimension_semantics<subcore_parallel>], iteration_bounds = array<i64: 2, 16>, scalar_prefetch = 0 : i64, scratch_operands = 8 : i64, tpu.core_type = #tpu.core_type<sc_vector_subcore>, window_params = [{transform_indices = #map}, {transform_indices = #map1}, {transform_indices = #map1}]} {
    %broadcast_in_dim3A = arith.constant 0.000000e+00 : f32
    %broadcast_in_dim3A_0 = vector.broadcast %broadcast_in_dim3A : f32 to vector<16xf32>
    %swap3A = arith.constant 0 : i32
    %swap3A_1 = arith.index_cast %swap3A : i32 to index
    %swap3A_2 = arith.constant 0 : index
    %swap3A_3 = tpu.vector_load %arg8[%swap3A_1, %swap3A_2] {strides = array<i32>} : memref<16x64xf32, #tpu.memory_space<vmem>>, vector<1x16xf32>,
    %swap3A_4 = vector.shape_cast %swap3A_3 : vector<1x16xf32> to vector<16xf32>
    %swap3A_5 = vector.shape_cast %broadcast_in_dim3A_0 : vector<16xf32> to vector<1x16xf32>
    tpu.vector_store %arg8[%swap3A_1, %swap3A_2], %swap3A_5 {strides = array<i32>} : memref<16x64xf32, #tpu.memory_space<vmem>>, vector<1x16xf32>,
    %swap3A_6 = arith.constant 0 : i32
    %swap3A_7 = arith.index_cast %swap3A_6 : i32 to index
    %swap3A_8 = arith.constant 16 : index
    %swap3A_9 = tpu.vector_load %arg8[%swap3A_7, %swap3A_8] {strides = array<i32>} : memref<16x64xf32, #tpu.memory_space<vmem>>, vector<1x16xf32>,
    %swap3A_10 = vector.shape_cast %swap3A_9 : vector<1x16xf32> to vector<16xf32>
    %swap3A_11 = vector.shape_cast %broadcast_in_dim3A_0 : vector<16xf32> to vector<1x16xf32>
    tpu.vector_store %arg8[%swap3A_7, %swap3A_8], %swap3A_11 {strides = array<i32>} : memref<16x64xf32, #tpu.memory_space<vmem>>, vector<1x16xf32>,
    %swap3A_12 = arith.constant 0 : i32
    %swap3A_13 = arith.index_cast %swap3A_12 : i32 to index
    %swap3A_14 = arith.constant 32 : index
    %swap3A_15 = tpu.vector_load %arg8[%swap3A_13, %swap3A_14] {strides = array<i32>} : memref<16x64xf32, #tpu.memory_space<vmem>>, vector<1x16xf32>,
    %swap3A_16 = vector.shape_cast %swap3A_15 : vector<1x16xf32> to vector<16xf32>
    %swap3A_17 = vector.shape_cast %broadcast_in_dim3A_0 : vector<16xf32> to vector<1x16xf32>
    tpu.vector_store %arg8[%swap3A_13, %swap3A_14], %swap3A_17 {strides = array<i32>} : memref<16x64xf32, #tpu.memory_space<vmem>>, vector<1x16xf32>,
    %swap3A_18 = arith.constant 0 : i32
    %swap3A_19 = arith.index_cast %swap3A_18 : i32 to index
    %swap3A_20 = arith.constant 48 : index
    %swap3A_21 = tpu.vector_load %arg8[%swap3A_19, %swap3A_20] {strides = array<i32>} : memref<16x64xf32, #tpu.memory_space<vmem>>, vector<1x16xf32>,
    %swap3A_22 = vector.shape_cast %swap3A_21 : vector<1x16xf32> to vector<16xf32>
    %swap3A_23 = vector.shape_cast %broadcast_in_dim3A_0 : vector<16xf32> to vector<1x16xf32>
    tpu.vector_store %arg8[%swap3A_19, %swap3A_20], %swap3A_23 {strides = array<i32>} : memref<16x64xf32, #tpu.memory_space<vmem>>, vector<1x16xf32>,
    %swap3A_24 = arith.constant 1 : i32
    %swap3A_25 = arith.index_cast %swap3A_24 : i32 to index
    %swap3A_26 = arith.constant 0 : index
    %swap3A_27 = tpu.vector_load %arg8[%swap3A_25, %swap3A_26] {strides = array<i32>} : memref<16x64xf32, #tpu.memory_space<vmem>>, vector<1x16xf32>,
    %swap3A_28 = vector.shape_cast %swap3A_27 : vector<1x16xf32> to vector<16xf32>
    %swap3A_29 = vector.shape_cast %broadcast_in_dim3A_0 : vector<16xf32> to vector<1x16xf32>
    tpu.vector_store %arg8[%swap3A_25, %swap3A_26], %swap3A_29 {strides = array<i32>} : memref<16x64xf32, #tpu.memory_space<vmem>>, vector<1x16xf32>,
    %swap3A_30 = arith.constant 1 : i32
    %swap3A_31 = arith.index_cast %swap3A_30 : i32 to index
    %swap3A_32 = arith.constant 16 : index
    %swap3A_33 = tpu.vector_load %arg8[%swap3A_31, %swap3A_32] {strides = array<i32>} : memref<16x64xf32, #tpu.memory_space<vmem>>, vector<1x16xf32>,
    %swap3A_34 = vector.shape_cast %swap3A_33 : vector<1x16xf32> to vector<16xf32>
    %swap3A_35 = vector.shape_cast %broadcast_in_dim3A_0 : vector<16xf32> to vector<1x16xf32>
    tpu.vector_store %arg8[%swap3A_31, %swap3A_32], %swap3A_35 {strides = array<i32>} : memref<16x64xf32, #tpu.memory_space<vmem>>, vector<1x16xf32>,
    %swap3A_36 = arith.constant 1 : i32
    %swap3A_37 = arith.index_cast %swap3A_36 : i32 to index
    %swap3A_38 = arith.constant 32 : index
    %swap3A_39 = tpu.vector_load %arg8[%swap3A_37, %swap3A_38] {strides = array<i32>} : memref<16x64xf32, #tpu.memory_space<vmem>>, vector<1x16xf32>,
    %swap3A_40 = vector.shape_cast %swap3A_39 : vector<1x16xf32> to vector<16xf32>
    %swap3A_41 = vector.shape_cast %broadcast_in_dim3A_0 : vector<16xf32> to vector<1x16xf32>
    tpu.vector_store %arg8[%swap3A_37, %swap3A_38], %swap3A_41 {strides = array<i32>} : memref<16x64xf32, #tpu.memory_space<vmem>>, vector<1x16xf32>,
    %swap3A_42 = arith.constant 1 : i32
    %swap3A_43 = arith.index_cast %swap3A_42 : i32 to index
    %swap3A_44 = arith.constant 48 : index
    %swap3A_45 = tpu.vector_load %arg8[%swap3A_43, %swap3A_44] {strides = array<i32>} : memref<16x64xf32, #tpu.memory_space<vmem>>, vector<1x16xf32>,
    %swap3A_46 = vector.shape_cast %swap3A_45 : vector<1x16xf32> to vector<16xf32>
    %swap3A_47 = vector.shape_cast %broadcast_in_dim3A_0 : vector<16xf32> to vector<1x16xf32>
    tpu.vector_store %arg8[%swap3A_43, %swap3A_44], %swap3A_47 {strides = array<i32>} : memref<16x64xf32, #tpu.memory_space<vmem>>, vector<1x16xf32>,
    %swap3A_48 = arith.constant 2 : i32
    %swap3A_49 = arith.index_cast %swap3A_48 : i32 to index
    %swap3A_50 = arith.constant 0 : index
    %swap3A_51 = tpu.vector_load %arg8[%swap3A_49, %swap3A_50] {strides = array<i32>} : memref<16x64xf32, #tpu.memory_space<vmem>>, vector<1x16xf32>,
    %swap3A_52 = vector.shape_cast %swap3A_51 : vector<1x16xf32> to vector<16xf32>
    %swap3A_53 = vector.shape_cast %broadcast_in_dim3A_0 : vector<16xf32> to vector<1x16xf32>
    tpu.vector_store %arg8[%swap3A_49, %swap3A_50], %swap3A_53 {strides = array<i32>} : memref<16x64xf32, #tpu.memory_space<vmem>>, vector<1x16xf32>,
    %swap3A_54 = arith.constant 2 : i32
    %swap3A_55 = arith.index_cast %swap3A_54 : i32 to index
    %swap3A_56 = arith.constant 16 : index
    %swap3A_57 = tpu.vector_load %arg8[%swap3A_55, %swap3A_56] {strides = array<i32>} : memref<16x64xf32, #tpu.memory_space<vmem>>, vector<1x16xf32>,
    %swap3A_58 = vector.shape_cast %swap3A_57 : vector<1x16xf32> to vector<16xf32>
    %swap3A_59 = vector.shape_cast %broadcast_in_dim3A_0 : vector<16xf32> to vector<1x16xf32>
    tpu.vector_store %arg8[%swap3A_55, %swap3A_56], %swap3A_59 {strides = array<i32>} : memref<16x64xf32, #tpu.memory_space<vmem>>, vector<1x16xf32>,
    %swap3A_60 = arith.constant 2 : i32
    %swap3A_61 = arith.index_cast %swap3A_60 : i32 to index
    %swap3A_62 = arith.constant 32 : index
    %swap3A_63 = tpu.vector_load %arg8[%swap3A_61, %swap3A_62] {strides = array<i32>} : memref<16x64xf32, #tpu.memory_space<vmem>>, vector<1x16xf32>,
    %swap3A_64 = vector.shape_cast %swap3A_63 : vector<1x16xf32> to vector<16xf32>
    %swap3A_65 = vector.shape_cast %broadcast_in_dim3A_0 : vector<16xf32> to vector<1x16xf32>
    tpu.vector_store %arg8[%swap3A_61, %swap3A_62], %swap3A_65 {strides = array<i32>} : memref<16x64xf32, #tpu.memory_space<vmem>>, vector<1x16xf32>,
    %swap3A_66 = arith.constant 2 : i32
    %swap3A_67 = arith.index_cast %swap3A_66 : i32 to index
    %swap3A_68 = arith.constant 48 : index
    %swap3A_69 = tpu.vector_load %arg8[%swap3A_67, %swap3A_68] {strides = array<i32>} : memref<16x64xf32, #tpu.memory_space<vmem>>, vector<1x16xf32>,
    %swap3A_70 = vector.shape_cast %swap3A_69 : vector<1x16xf32> to vector<16xf32>
    %swap3A_71 = vector.shape_cast %broadcast_in_dim3A_0 : vector<16xf32> to vector<1x16xf32>
    tpu.vector_store %arg8[%swap3A_67, %swap3A_68], %swap3A_71 {strides = array<i32>} : memref<16x64xf32, #tpu.memory_space<vmem>>, vector<1x16xf32>,
    %swap3A_72 = arith.constant 3 : i32
    %swap3A_73 = arith.index_cast %swap3A_72 : i32 to index
    %swap3A_74 = arith.constant 0 : index
    %swap3A_75 = tpu.vector_load %arg8[%swap3A_73, %swap3A_74] {strides = array<i32>} : memref<16x64xf32, #tpu.memory_space<vmem>>, vector<1x16xf32>,
    %swap3A_76 = vector.shape_cast %swap3A_75 : vector<1x16xf32> to vector<16xf32>
    %swap3A_77 = vector.shape_cast %broadcast_in_dim3A_0 : vector<16xf32> to vector<1x16xf32>
    tpu.vector_store %arg8[%swap3A_73, %swap3A_74], %swap3A_77 {strides = array<i32>} : memref<16x64xf32, #tpu.memory_space<vmem>>, vector<1x16xf32>,
    %swap3A_78 = arith.constant 3 : i32
    %swap3A_79 = arith.index_cast %swap3A_78 : i32 to index
    %swap3A_80 = arith.constant 16 : index
    %swap3A_81 = tpu.vector_load %arg8[%swap3A_79, %swap3A_80] {strides = array<i32>} : memref<16x64xf32, #tpu.memory_space<vmem>>, vector<1x16xf32>,
    %swap3A_82 = vector.shape_cast %swap3A_81 : vector<1x16xf32> to vector<16xf32>
    %swap3A_83 = vector.shape_cast %broadcast_in_dim3A_0 : vector<16xf32> to vector<1x16xf32>
    tpu.vector_store %arg8[%swap3A_79, %swap3A_80], %swap3A_83 {strides = array<i32>} : memref<16x64xf32, #tpu.memory_space<vmem>>, vector<1x16xf32>,
    %swap3A_84 = arith.constant 3 : i32
    %swap3A_85 = arith.index_cast %swap3A_84 : i32 to index
    %swap3A_86 = arith.constant 32 : index
    %swap3A_87 = tpu.vector_load %arg8[%swap3A_85, %swap3A_86] {strides = array<i32>} : memref<16x64xf32, #tpu.memory_space<vmem>>, vector<1x16xf32>,
    %swap3A_88 = vector.shape_cast %swap3A_87 : vector<1x16xf32> to vector<16xf32>
    %swap3A_89 = vector.shape_cast %broadcast_in_dim3A_0 : vector<16xf32> to vector<1x16xf32>
    tpu.vector_store %arg8[%swap3A_85, %swap3A_86], %swap3A_89 {strides = array<i32>} : memref<16x64xf32, #tpu.memory_space<vmem>>, vector<1x16xf32>,
    %swap3A_90 = arith.constant 3 : i32
    %swap3A_91 = arith.index_cast %swap3A_90 : i32 to index
    %swap3A_92 = arith.constant 48 : index
    %swap3A_93 = tpu.vector_load %arg8[%swap3A_91, %swap3A_92] {strides = array<i32>} : memref<16x64xf32, #tpu.memory_space<vmem>>, vector<1x16xf32>,
    %swap3A_94 = vector.shape_cast %swap3A_93 : vector<1x16xf32> to vector<16xf32>
    %swap3A_95 = vector.shape_cast %broadcast_in_dim3A_0 : vector<16xf32> to vector<1x16xf32>
    tpu.vector_store %arg8[%swap3A_91, %swap3A_92], %swap3A_95 {strides = array<i32>} : memref<16x64xf32, #tpu.memory_space<vmem>>, vector<1x16xf32>,
    %swap3A_96 = arith.constant 4 : i32
    %swap3A_97 = arith.index_cast %swap3A_96 : i32 to index
    %swap3A_98 = arith.constant 0 : index
    %swap3A_99 = tpu.vector_load %arg8[%swap3A_97, %swap3A_98] {strides = array<i32>} : memref<16x64xf32, #tpu.memory_space<vmem>>, vector<1x16xf32>,
    %swap3A_100 = vector.shape_cast %swap3A_99 : vector<1x16xf32> to vector<16xf32>
    %swap3A_101 = vector.shape_cast %broadcast_in_dim3A_0 : vector<16xf32> to vector<1x16xf32>
    tpu.vector_store %arg8[%swap3A_97, %swap3A_98], %swap3A_101 {strides = array<i32>} : memref<16x64xf32, #tpu.memory_space<vmem>>, vector<1x16xf32>,
    %swap3A_102 = arith.constant 4 : i32
    %swap3A_103 = arith.index_cast %swap3A_102 : i32 to index
    %swap3A_104 = arith.constant 16 : index
    %swap3A_105 = tpu.vector_load %arg8[%swap3A_103, %swap3A_104] {strides = array<i32>} : memref<16x64xf32, #tpu.memory_space<vmem>>, vector<1x16xf32>,
    %swap3A_106 = vector.shape_cast %swap3A_105 : vector<1x16xf32> to vector<16xf32>
    %swap3A_107 = vector.shape_cast %broadcast_in_dim3A_0 : vector<16xf32> to vector<1x16xf32>
    tpu.vector_store %arg8[%swap3A_103, %swap3A_104], %swap3A_107 {strides = array<i32>} : memref<16x64xf32, #tpu.memory_space<vmem>>, vector<1x16xf32>,
    %swap3A_108 = arith.constant 4 : i32
    %swap3A_109 = arith.index_cast %swap3A_108 : i32 to index
    %swap3A_110 = arith.constant 32 : index
    %swap3A_111 = tpu.vector_load %arg8[%swap3A_109, %swap3A_110] {strides = array<i32>} : memref<16x64xf32, #tpu.memory_space<vmem>>, vector<1x16xf32>,
    %swap3A_112 = vector.shape_cast %swap3A_111 : vector<1x16xf32> to vector<16xf32>
    %swap3A_113 = vector.shape_cast %broadcast_in_dim3A_0 : vector<16xf32> to vector<1x16xf32>
    tpu.vector_store %arg8[%swap3A_109, %swap3A_110], %swap3A_113 {strides = array<i32>} : memref<16x64xf32, #tpu.memory_space<vmem>>, vector<1x16xf32>,
    %swap3A_114 = arith.constant 4 : i32
    %swap3A_115 = arith.index_cast %swap3A_114 : i32 to index
    %swap3A_116 = arith.constant 48 : index
    %swap3A_117 = tpu.vector_load %arg8[%swap3A_115, %swap3A_116] {strides = array<i32>} : memref<16x64xf32, #tpu.memory_space<vmem>>, vector<1x16xf32>,
    %swap3A_118 = vector.shape_cast %swap3A_117 : vector<1x16xf32> to vector<16xf32>
    %swap3A_119 = vector.shape_cast %broadcast_in_dim3A_0 : vector<16xf32> to vector<1x16xf32>
    tpu.vector_store %arg8[%swap3A_115, %swap3A_116], %swap3A_119 {strides = array<i32>} : memref<16x64xf32, #tpu.memory_space<vmem>>, vector<1x16xf32>,
    %swap3A_120 = arith.constant 5 : i32
    %swap3A_121 = arith.index_cast %swap3A_120 : i32 to index
    %swap3A_122 = arith.constant 0 : index
    %swap3A_123 = tpu.vector_load %arg8[%swap3A_121, %swap3A_122] {strides = array<i32>} : memref<16x64xf32, #tpu.memory_space<vmem>>, vector<1x16xf32>,
    %swap3A_124 = vector.shape_cast %swap3A_123 : vector<1x16xf32> to vector<16xf32>
    %swap3A_125 = vector.shape_cast %broadcast_in_dim3A_0 : vector<16xf32> to vector<1x16xf32>
    tpu.vector_store %arg8[%swap3A_121, %swap3A_122], %swap3A_125 {strides = array<i32>} : memref<16x64xf32, #tpu.memory_space<vmem>>, vector<1x16xf32>,
    %swap3A_126 = arith.constant 5 : i32
    %swap3A_127 = arith.index_cast %swap3A_126 : i32 to index
    %swap3A_128 = arith.constant 16 : index
    %swap3A_129 = tpu.vector_load %arg8[%swap3A_127, %swap3A_128] {strides = array<i32>} : memref<16x64xf32, #tpu.memory_space<vmem>>, vector<1x16xf32>,
    %swap3A_130 = vector.shape_cast %swap3A_129 : vector<1x16xf32> to vector<16xf32>
    %swap3A_131 = vector.shape_cast %broadcast_in_dim3A_0 : vector<16xf32> to vector<1x16xf32>
    tpu.vector_store %arg8[%swap3A_127, %swap3A_128], %swap3A_131 {strides = array<i32>} : memref<16x64xf32, #tpu.memory_space<vmem>>, vector<1x16xf32>,
    %swap3A_132 = arith.constant 5 : i32
    %swap3A_133 = arith.index_cast %swap3A_132 : i32 to index
    %swap3A_134 = arith.constant 32 : index
    %swap3A_135 = tpu.vector_load %arg8[%swap3A_133, %swap3A_134] {strides = array<i32>} : memref<16x64xf32, #tpu.memory_space<vmem>>, vector<1x16xf32>,
    %swap3A_136 = vector.shape_cast %swap3A_135 : vector<1x16xf32> to vector<16xf32>
    %swap3A_137 = vector.shape_cast %broadcast_in_dim3A_0 : vector<16xf32> to vector<1x16xf32>
    tpu.vector_store %arg8[%swap3A_133, %swap3A_134], %swap3A_137 {strides = array<i32>} : memref<16x64xf32, #tpu.memory_space<vmem>>, vector<1x16xf32>,
    %swap3A_138 = arith.constant 5 : i32
    %swap3A_139 = arith.index_cast %swap3A_138 : i32 to index
    %swap3A_140 = arith.constant 48 : index
    %swap3A_141 = tpu.vector_load %arg8[%swap3A_139, %swap3A_140] {strides = array<i32>} : memref<16x64xf32, #tpu.memory_space<vmem>>, vector<1x16xf32>,
    %swap3A_142 = vector.shape_cast %swap3A_141 : vector<1x16xf32> to vector<16xf32>
    %swap3A_143 = vector.shape_cast %broadcast_in_dim3A_0 : vector<16xf32> to vector<1x16xf32>
    tpu.vector_store %arg8[%swap3A_139, %swap3A_140], %swap3A_143 {strides = array<i32>} : memref<16x64xf32, #tpu.memory_space<vmem>>, vector<1x16xf32>,
    %swap3A_144 = arith.constant 6 : i32
    %swap3A_145 = arith.index_cast %swap3A_144 : i32 to index
    %swap3A_146 = arith.constant 0 : index
    %swap3A_147 = tpu.vector_load %arg8[%swap3A_145, %swap3A_146] {strides = array<i32>} : memref<16x64xf32, #tpu.memory_space<vmem>>, vector<1x16xf32>,
    %swap3A_148 = vector.shape_cast %swap3A_147 : vector<1x16xf32> to vector<16xf32>
    %swap3A_149 = vector.shape_cast %broadcast_in_dim3A_0 : vector<16xf32> to vector<1x16xf32>
    tpu.vector_store %arg8[%swap3A_145, %swap3A_146], %swap3A_149 {strides = array<i32>} : memref<16x64xf32, #tpu.memory_space<vmem>>, vector<1x16xf32>,
    %swap3A_150 = arith.constant 6 : i32
    %swap3A_151 = arith.index_cast %swap3A_150 : i32 to index
    %swap3A_152 = arith.constant 16 : index
    %swap3A_153 = tpu.vector_load %arg8[%swap3A_151, %swap3A_152] {strides = array<i32>} : memref<16x64xf32, #tpu.memory_space<vmem>>, vector<1x16xf32>,
    %swap3A_154 = vector.shape_cast %swap3A_153 : vector<1x16xf32> to vector<16xf32>
    %swap3A_155 = vector.shape_cast %broadcast_in_dim3A_0 : vector<16xf32> to vector<1x16xf32>
    tpu.vector_store %arg8[%swap3A_151, %swap3A_152], %swap3A_155 {strides = array<i32>} : memref<16x64xf32, #tpu.memory_space<vmem>>, vector<1x16xf32>,
    %swap3A_156 = arith.constant 6 : i32
    %swap3A_157 = arith.index_cast %swap3A_156 : i32 to index
    %swap3A_158 = arith.constant 32 : index
    %swap3A_159 = tpu.vector_load %arg8[%swap3A_157, %swap3A_158] {strides = array<i32>} : memref<16x64xf32, #tpu.memory_space<vmem>>, vector<1x16xf32>,
    %swap3A_160 = vector.shape_cast %swap3A_159 : vector<1x16xf32> to vector<16xf32>
    %swap3A_161 = vector.shape_cast %broadcast_in_dim3A_0 : vector<16xf32> to vector<1x16xf32>
    tpu.vector_store %arg8[%swap3A_157, %swap3A_158], %swap3A_161 {strides = array<i32>} : memref<16x64xf32, #tpu.memory_space<vmem>>, vector<1x16xf32>,
    %swap3A_162 = arith.constant 6 : i32
    %swap3A_163 = arith.index_cast %swap3A_162 : i32 to index
    %swap3A_164 = arith.constant 48 : index
    %swap3A_165 = tpu.vector_load %arg8[%swap3A_163, %swap3A_164] {strides = array<i32>} : memref<16x64xf32, #tpu.memory_space<vmem>>, vector<1x16xf32>,
    %swap3A_166 = vector.shape_cast %swap3A_165 : vector<1x16xf32> to vector<16xf32>
    %swap3A_167 = vector.shape_cast %broadcast_in_dim3A_0 : vector<16xf32> to vector<1x16xf32>
    tpu.vector_store %arg8[%swap3A_163, %swap3A_164], %swap3A_167 {strides = array<i32>} : memref<16x64xf32, #tpu.memory_space<vmem>>, vector<1x16xf32>,
    %swap3A_168 = arith.constant 7 : i32
    %swap3A_169 = arith.index_cast %swap3A_168 : i32 to index
    %swap3A_170 = arith.constant 0 : index
    %swap3A_171 = tpu.vector_load %arg8[%swap3A_169, %swap3A_170] {strides = array<i32>} : memref<16x64xf32, #tpu.memory_space<vmem>>, vector<1x16xf32>,
    %swap3A_172 = vector.shape_cast %swap3A_171 : vector<1x16xf32> to vector<16xf32>
    %swap3A_173 = vector.shape_cast %broadcast_in_dim3A_0 : vector<16xf32> to vector<1x16xf32>
    tpu.vector_store %arg8[%swap3A_169, %swap3A_170], %swap3A_173 {strides = array<i32>} : memref<16x64xf32, #tpu.memory_space<vmem>>, vector<1x16xf32>,
    %swap3A_174 = arith.constant 7 : i32
    %swap3A_175 = arith.index_cast %swap3A_174 : i32 to index
    %swap3A_176 = arith.constant 16 : index
    %swap3A_177 = tpu.vector_load %arg8[%swap3A_175, %swap3A_176] {strides = array<i32>} : memref<16x64xf32, #tpu.memory_space<vmem>>, vector<1x16xf32>,
    %swap3A_178 = vector.shape_cast %swap3A_177 : vector<1x16xf32> to vector<16xf32>
    %swap3A_179 = vector.shape_cast %broadcast_in_dim3A_0 : vector<16xf32> to vector<1x16xf32>
    tpu.vector_store %arg8[%swap3A_175, %swap3A_176], %swap3A_179 {strides = array<i32>} : memref<16x64xf32, #tpu.memory_space<vmem>>, vector<1x16xf32>,
    %swap3A_180 = arith.constant 7 : i32
    %swap3A_181 = arith.index_cast %swap3A_180 : i32 to index
    %swap3A_182 = arith.constant 32 : index
    %swap3A_183 = tpu.vector_load %arg8[%swap3A_181, %swap3A_182] {strides = array<i32>} : memref<16x64xf32, #tpu.memory_space<vmem>>, vector<1x16xf32>,
    %swap3A_184 = vector.shape_cast %swap3A_183 : vector<1x16xf32> to vector<16xf32>
    %swap3A_185 = vector.shape_cast %broadcast_in_dim3A_0 : vector<16xf32> to vector<1x16xf32>
    tpu.vector_store %arg8[%swap3A_181, %swap3A_182], %swap3A_185 {strides = array<i32>} : memref<16x64xf32, #tpu.memory_space<vmem>>, vector<1x16xf32>,
    %swap3A_186 = arith.constant 7 : i32
    %swap3A_187 = arith.index_cast %swap3A_186 : i32 to index
    %swap3A_188 = arith.constant 48 : index
    %swap3A_189 = tpu.vector_load %arg8[%swap3A_187, %swap3A_188] {strides = array<i32>} : memref<16x64xf32, #tpu.memory_space<vmem>>, vector<1x16xf32>,
    %swap3A_190 = vector.shape_cast %swap3A_189 : vector<1x16xf32> to vector<16xf32>
    %swap3A_191 = vector.shape_cast %broadcast_in_dim3A_0 : vector<16xf32> to vector<1x16xf32>
    tpu.vector_store %arg8[%swap3A_187, %swap3A_188], %swap3A_191 {strides = array<i32>} : memref<16x64xf32, #tpu.memory_space<vmem>>, vector<1x16xf32>,
    %swap3A_192 = arith.constant 8 : i32
    %swap3A_193 = arith.index_cast %swap3A_192 : i32 to index
    %swap3A_194 = arith.constant 0 : index
    %swap3A_195 = tpu.vector_load %arg8[%swap3A_193, %swap3A_194] {strides = array<i32>} : memref<16x64xf32, #tpu.memory_space<vmem>>, vector<1x16xf32>,
    %swap3A_196 = vector.shape_cast %swap3A_195 : vector<1x16xf32> to vector<16xf32>
    %swap3A_197 = vector.shape_cast %broadcast_in_dim3A_0 : vector<16xf32> to vector<1x16xf32>
    tpu.vector_store %arg8[%swap3A_193, %swap3A_194], %swap3A_197 {strides = array<i32>} : memref<16x64xf32, #tpu.memory_space<vmem>>, vector<1x16xf32>,
    %swap3A_198 = arith.constant 8 : i32
    %swap3A_199 = arith.index_cast %swap3A_198 : i32 to index
    %swap3A_200 = arith.constant 16 : index
    %swap3A_201 = tpu.vector_load %arg8[%swap3A_199, %swap3A_200] {strides = array<i32>} : memref<16x64xf32, #tpu.memory_space<vmem>>, vector<1x16xf32>,
    %swap3A_202 = vector.shape_cast %swap3A_201 : vector<1x16xf32> to vector<16xf32>
    %swap3A_203 = vector.shape_cast %broadcast_in_dim3A_0 : vector<16xf32> to vector<1x16xf32>
    tpu.vector_store %arg8[%swap3A_199, %swap3A_200], %swap3A_203 {strides = array<i32>} : memref<16x64xf32, #tpu.memory_space<vmem>>, vector<1x16xf32>,
    %swap3A_204 = arith.constant 8 : i32
    %swap3A_205 = arith.index_cast %swap3A_204 : i32 to index
    %swap3A_206 = arith.constant 32 : index
    %swap3A_207 = tpu.vector_load %arg8[%swap3A_205, %swap3A_206] {strides = array<i32>} : memref<16x64xf32, #tpu.memory_space<vmem>>, vector<1x16xf32>,
    %swap3A_208 = vector.shape_cast %swap3A_207 : vector<1x16xf32> to vector<16xf32>
    %swap3A_209 = vector.shape_cast %broadcast_in_dim3A_0 : vector<16xf32> to vector<1x16xf32>
    tpu.vector_store %arg8[%swap3A_205, %swap3A_206], %swap3A_209 {strides = array<i32>} : memref<16x64xf32, #tpu.memory_space<vmem>>, vector<1x16xf32>,
    %swap3A_210 = arith.constant 8 : i32
    %swap3A_211 = arith.index_cast %swap3A_210 : i32 to index
    %swap3A_212 = arith.constant 48 : index
    %swap3A_213 = tpu.vector_load %arg8[%swap3A_211, %swap3A_212] {strides = array<i32>} : memref<16x64xf32, #tpu.memory_space<vmem>>, vector<1x16xf32>,
    %swap3A_214 = vector.shape_cast %swap3A_213 : vector<1x16xf32> to vector<16xf32>
    %swap3A_215 = vector.shape_cast %broadcast_in_dim3A_0 : vector<16xf32> to vector<1x16xf32>
    tpu.vector_store %arg8[%swap3A_211, %swap3A_212], %swap3A_215 {strides = array<i32>} : memref<16x64xf32, #tpu.memory_space<vmem>>, vector<1x16xf32>,
    %swap3A_216 = arith.constant 9 : i32
    %swap3A_217 = arith.index_cast %swap3A_216 : i32 to index
    %swap3A_218 = arith.constant 0 : index
    %swap3A_219 = tpu.vector_load %arg8[%swap3A_217, %swap3A_218] {strides = array<i32>} : memref<16x64xf32, #tpu.memory_space<vmem>>, vector<1x16xf32>,
    %swap3A_220 = vector.shape_cast %swap3A_219 : vector<1x16xf32> to vector<16xf32>
    %swap3A_221 = vector.shape_cast %broadcast_in_dim3A_0 : vector<16xf32> to vector<1x16xf32>
    tpu.vector_store %arg8[%swap3A_217, %swap3A_218], %swap3A_221 {strides = array<i32>} : memref<16x64xf32, #tpu.memory_space<vmem>>, vector<1x16xf32>,
    %swap3A_222 = arith.constant 9 : i32
    %swap3A_223 = arith.index_cast %swap3A_222 : i32 to index
    %swap3A_224 = arith.constant 16 : index
    %swap3A_225 = tpu.vector_load %arg8[%swap3A_223, %swap3A_224] {strides = array<i32>} : memref<16x64xf32, #tpu.memory_space<vmem>>, vector<1x16xf32>,
    %swap3A_226 = vector.shape_cast %swap3A_225 : vector<1x16xf32> to vector<16xf32>
    %swap3A_227 = vector.shape_cast %broadcast_in_dim3A_0 : vector<16xf32> to vector<1x16xf32>
    tpu.vector_store %arg8[%swap3A_223, %swap3A_224], %swap3A_227 {strides = array<i32>} : memref<16x64xf32, #tpu.memory_space<vmem>>, vector<1x16xf32>,
    %swap3A_228 = arith.constant 9 : i32
    %swap3A_229 = arith.index_cast %swap3A_228 : i32 to index
    %swap3A_230 = arith.constant 32 : index
    %swap3A_231 = tpu.vector_load %arg8[%swap3A_229, %swap3A_230] {strides = array<i32>} : memref<16x64xf32, #tpu.memory_space<vmem>>, vector<1x16xf32>,
    %swap3A_232 = vector.shape_cast %swap3A_231 : vector<1x16xf32> to vector<16xf32>
    %swap3A_233 = vector.shape_cast %broadcast_in_dim3A_0 : vector<16xf32> to vector<1x16xf32>
    tpu.vector_store %arg8[%swap3A_229, %swap3A_230], %swap3A_233 {strides = array<i32>} : memref<16x64xf32, #tpu.memory_space<vmem>>, vector<1x16xf32>,
    %swap3A_234 = arith.constant 9 : i32
    %swap3A_235 = arith.index_cast %swap3A_234 : i32 to index
    %swap3A_236 = arith.constant 48 : index
    %swap3A_237 = tpu.vector_load %arg8[%swap3A_235, %swap3A_236] {strides = array<i32>} : memref<16x64xf32, #tpu.memory_space<vmem>>, vector<1x16xf32>,
    %swap3A_238 = vector.shape_cast %swap3A_237 : vector<1x16xf32> to vector<16xf32>
    %swap3A_239 = vector.shape_cast %broadcast_in_dim3A_0 : vector<16xf32> to vector<1x16xf32>
    tpu.vector_store %arg8[%swap3A_235, %swap3A_236], %swap3A_239 {strides = array<i32>} : memref<16x64xf32, #tpu.memory_space<vmem>>, vector<1x16xf32>,
    %swap3A_240 = arith.constant 10 : i32
    %swap3A_241 = arith.index_cast %swap3A_240 : i32 to index
    %swap3A_242 = arith.constant 0 : index
    %swap3A_243 = tpu.vector_load %arg8[%swap3A_241, %swap3A_242] {strides = array<i32>} : memref<16x64xf32, #tpu.memory_space<vmem>>, vector<1x16xf32>,
    %swap3A_244 = vector.shape_cast %swap3A_243 : vector<1x16xf32> to vector<16xf32>
    %swap3A_245 = vector.shape_cast %broadcast_in_dim3A_0 : vector<16xf32> to vector<1x16xf32>
    tpu.vector_store %arg8[%swap3A_241, %swap3A_242], %swap3A_245 {strides = array<i32>} : memref<16x64xf32, #tpu.memory_space<vmem>>, vector<1x16xf32>,
    %swap3A_246 = arith.constant 10 : i32
    %swap3A_247 = arith.index_cast %swap3A_246 : i32 to index
    %swap3A_248 = arith.constant 16 : index
    %swap3A_249 = tpu.vector_load %arg8[%swap3A_247, %swap3A_248] {strides = array<i32>} : memref<16x64xf32, #tpu.memory_space<vmem>>, vector<1x16xf32>,
    %swap3A_250 = vector.shape_cast %swap3A_249 : vector<1x16xf32> to vector<16xf32>
    %swap3A_251 = vector.shape_cast %broadcast_in_dim3A_0 : vector<16xf32> to vector<1x16xf32>
    tpu.vector_store %arg8[%swap3A_247, %swap3A_248], %swap3A_251 {strides = array<i32>} : memref<16x64xf32, #tpu.memory_space<vmem>>, vector<1x16xf32>,
    %swap3A_252 = arith.constant 10 : i32
    %swap3A_253 = arith.index_cast %swap3A_252 : i32 to index
    %swap3A_254 = arith.constant 32 : index
    %swap3A_255 = tpu.vector_load %arg8[%swap3A_253, %swap3A_254] {strides = array<i32>} : memref<16x64xf32, #tpu.memory_space<vmem>>, vector<1x16xf32>,
    %swap3A_256 = vector.shape_cast %swap3A_255 : vector<1x16xf32> to vector<16xf32>
    %swap3A_257 = vector.shape_cast %broadcast_in_dim3A_0 : vector<16xf32> to vector<1x16xf32>
    tpu.vector_store %arg8[%swap3A_253, %swap3A_254], %swap3A_257 {strides = array<i32>} : memref<16x64xf32, #tpu.memory_space<vmem>>, vector<1x16xf32>,
    %swap3A_258 = arith.constant 10 : i32
    %swap3A_259 = arith.index_cast %swap3A_258 : i32 to index
    %swap3A_260 = arith.constant 48 : index
    %swap3A_261 = tpu.vector_load %arg8[%swap3A_259, %swap3A_260] {strides = array<i32>} : memref<16x64xf32, #tpu.memory_space<vmem>>, vector<1x16xf32>,
    %swap3A_262 = vector.shape_cast %swap3A_261 : vector<1x16xf32> to vector<16xf32>
    %swap3A_263 = vector.shape_cast %broadcast_in_dim3A_0 : vector<16xf32> to vector<1x16xf32>
    tpu.vector_store %arg8[%swap3A_259, %swap3A_260], %swap3A_263 {strides = array<i32>} : memref<16x64xf32, #tpu.memory_space<vmem>>, vector<1x16xf32>,
    %swap3A_264 = arith.constant 11 : i32
    %swap3A_265 = arith.index_cast %swap3A_264 : i32 to index
    %swap3A_266 = arith.constant 0 : index
    %swap3A_267 = tpu.vector_load %arg8[%swap3A_265, %swap3A_266] {strides = array<i32>} : memref<16x64xf32, #tpu.memory_space<vmem>>, vector<1x16xf32>,
    %swap3A_268 = vector.shape_cast %swap3A_267 : vector<1x16xf32> to vector<16xf32>
    %swap3A_269 = vector.shape_cast %broadcast_in_dim3A_0 : vector<16xf32> to vector<1x16xf32>
    tpu.vector_store %arg8[%swap3A_265, %swap3A_266], %swap3A_269 {strides = array<i32>} : memref<16x64xf32, #tpu.memory_space<vmem>>, vector<1x16xf32>,
    %swap3A_270 = arith.constant 11 : i32
    %swap3A_271 = arith.index_cast %swap3A_270 : i32 to index
    %swap3A_272 = arith.constant 16 : index
    %swap3A_273 = tpu.vector_load %arg8[%swap3A_271, %swap3A_272] {strides = array<i32>} : memref<16x64xf32, #tpu.memory_space<vmem>>, vector<1x16xf32>,
    %swap3A_274 = vector.shape_cast %swap3A_273 : vector<1x16xf32> to vector<16xf32>
    %swap3A_275 = vector.shape_cast %broadcast_in_dim3A_0 : vector<16xf32> to vector<1x16xf32>
    tpu.vector_store %arg8[%swap3A_271, %swap3A_272], %swap3A_275 {strides = array<i32>} : memref<16x64xf32, #tpu.memory_space<vmem>>, vector<1x16xf32>,
    %swap3A_276 = arith.constant 11 : i32
    %swap3A_277 = arith.index_cast %swap3A_276 : i32 to index
    %swap3A_278 = arith.constant 32 : index
    %swap3A_279 = tpu.vector_load %arg8[%swap3A_277, %swap3A_278] {strides = array<i32>} : memref<16x64xf32, #tpu.memory_space<vmem>>, vector<1x16xf32>,
    %swap3A_280 = vector.shape_cast %swap3A_279 : vector<1x16xf32> to vector<16xf32>
    %swap3A_281 = vector.shape_cast %broadcast_in_dim3A_0 : vector<16xf32> to vector<1x16xf32>
    tpu.vector_store %arg8[%swap3A_277, %swap3A_278], %swap3A_281 {strides = array<i32>} : memref<16x64xf32, #tpu.memory_space<vmem>>, vector<1x16xf32>,
    %swap3A_282 = arith.constant 11 : i32
    %swap3A_283 = arith.index_cast %swap3A_282 : i32 to index
    %swap3A_284 = arith.constant 48 : index
    %swap3A_285 = tpu.vector_load %arg8[%swap3A_283, %swap3A_284] {strides = array<i32>} : memref<16x64xf32, #tpu.memory_space<vmem>>, vector<1x16xf32>,
    %swap3A_286 = vector.shape_cast %swap3A_285 : vector<1x16xf32> to vector<16xf32>
    %swap3A_287 = vector.shape_cast %broadcast_in_dim3A_0 : vector<16xf32> to vector<1x16xf32>
    tpu.vector_store %arg8[%swap3A_283, %swap3A_284], %swap3A_287 {strides = array<i32>} : memref<16x64xf32, #tpu.memory_space<vmem>>, vector<1x16xf32>,
    %swap3A_288 = arith.constant 12 : i32
    %swap3A_289 = arith.index_cast %swap3A_288 : i32 to index
    %swap3A_290 = arith.constant 0 : index
    %swap3A_291 = tpu.vector_load %arg8[%swap3A_289, %swap3A_290] {strides = array<i32>} : memref<16x64xf32, #tpu.memory_space<vmem>>, vector<1x16xf32>,
    %swap3A_292 = vector.shape_cast %swap3A_291 : vector<1x16xf32> to vector<16xf32>
    %swap3A_293 = vector.shape_cast %broadcast_in_dim3A_0 : vector<16xf32> to vector<1x16xf32>
    tpu.vector_store %arg8[%swap3A_289, %swap3A_290], %swap3A_293 {strides = array<i32>} : memref<16x64xf32, #tpu.memory_space<vmem>>, vector<1x16xf32>,
    %swap3A_294 = arith.constant 12 : i32
    %swap3A_295 = arith.index_cast %swap3A_294 : i32 to index
    %swap3A_296 = arith.constant 16 : index
    %swap3A_297 = tpu.vector_load %arg8[%swap3A_295, %swap3A_296] {strides = array<i32>} : memref<16x64xf32, #tpu.memory_space<vmem>>, vector<1x16xf32>,
    %swap3A_298 = vector.shape_cast %swap3A_297 : vector<1x16xf32> to vector<16xf32>
    %swap3A_299 = vector.shape_cast %broadcast_in_dim3A_0 : vector<16xf32> to vector<1x16xf32>
    tpu.vector_store %arg8[%swap3A_295, %swap3A_296], %swap3A_299 {strides = array<i32>} : memref<16x64xf32, #tpu.memory_space<vmem>>, vector<1x16xf32>,
    %swap3A_300 = arith.constant 12 : i32
    %swap3A_301 = arith.index_cast %swap3A_300 : i32 to index
    %swap3A_302 = arith.constant 32 : index
    %swap3A_303 = tpu.vector_load %arg8[%swap3A_301, %swap3A_302] {strides = array<i32>} : memref<16x64xf32, #tpu.memory_space<vmem>>, vector<1x16xf32>,
    %swap3A_304 = vector.shape_cast %swap3A_303 : vector<1x16xf32> to vector<16xf32>
    %swap3A_305 = vector.shape_cast %broadcast_in_dim3A_0 : vector<16xf32> to vector<1x16xf32>
    tpu.vector_store %arg8[%swap3A_301, %swap3A_302], %swap3A_305 {strides = array<i32>} : memref<16x64xf32, #tpu.memory_space<vmem>>, vector<1x16xf32>,
    %swap3A_306 = arith.constant 12 : i32
    %swap3A_307 = arith.index_cast %swap3A_306 : i32 to index
    %swap3A_308 = arith.constant 48 : index
    %swap3A_309 = tpu.vector_load %arg8[%swap3A_307, %swap3A_308] {strides = array<i32>} : memref<16x64xf32, #tpu.memory_space<vmem>>, vector<1x16xf32>,
    %swap3A_310 = vector.shape_cast %swap3A_309 : vector<1x16xf32> to vector<16xf32>
    %swap3A_311 = vector.shape_cast %broadcast_in_dim3A_0 : vector<16xf32> to vector<1x16xf32>
    tpu.vector_store %arg8[%swap3A_307, %swap3A_308], %swap3A_311 {strides = array<i32>} : memref<16x64xf32, #tpu.memory_space<vmem>>, vector<1x16xf32>,
    %swap3A_312 = arith.constant 13 : i32
    %swap3A_313 = arith.index_cast %swap3A_312 : i32 to index
    %swap3A_314 = arith.constant 0 : index
    %swap3A_315 = tpu.vector_load %arg8[%swap3A_313, %swap3A_314] {strides = array<i32>} : memref<16x64xf32, #tpu.memory_space<vmem>>, vector<1x16xf32>,
    %swap3A_316 = vector.shape_cast %swap3A_315 : vector<1x16xf32> to vector<16xf32>
    %swap3A_317 = vector.shape_cast %broadcast_in_dim3A_0 : vector<16xf32> to vector<1x16xf32>
    tpu.vector_store %arg8[%swap3A_313, %swap3A_314], %swap3A_317 {strides = array<i32>} : memref<16x64xf32, #tpu.memory_space<vmem>>, vector<1x16xf32>,
    %swap3A_318 = arith.constant 13 : i32
    %swap3A_319 = arith.index_cast %swap3A_318 : i32 to index
    %swap3A_320 = arith.constant 16 : index
    %swap3A_321 = tpu.vector_load %arg8[%swap3A_319, %swap3A_320] {strides = array<i32>} : memref<16x64xf32, #tpu.memory_space<vmem>>, vector<1x16xf32>,
    %swap3A_322 = vector.shape_cast %swap3A_321 : vector<1x16xf32> to vector<16xf32>
    %swap3A_323 = vector.shape_cast %broadcast_in_dim3A_0 : vector<16xf32> to vector<1x16xf32>
    tpu.vector_store %arg8[%swap3A_319, %swap3A_320], %swap3A_323 {strides = array<i32>} : memref<16x64xf32, #tpu.memory_space<vmem>>, vector<1x16xf32>,
    %swap3A_324 = arith.constant 13 : i32
    %swap3A_325 = arith.index_cast %swap3A_324 : i32 to index
    %swap3A_326 = arith.constant 32 : index
    %swap3A_327 = tpu.vector_load %arg8[%swap3A_325, %swap3A_326] {strides = array<i32>} : memref<16x64xf32, #tpu.memory_space<vmem>>, vector<1x16xf32>,
    %swap3A_328 = vector.shape_cast %swap3A_327 : vector<1x16xf32> to vector<16xf32>
    %swap3A_329 = vector.shape_cast %broadcast_in_dim3A_0 : vector<16xf32> to vector<1x16xf32>
    tpu.vector_store %arg8[%swap3A_325, %swap3A_326], %swap3A_329 {strides = array<i32>} : memref<16x64xf32, #tpu.memory_space<vmem>>, vector<1x16xf32>,
    %swap3A_330 = arith.constant 13 : i32
    %swap3A_331 = arith.index_cast %swap3A_330 : i32 to index
    %swap3A_332 = arith.constant 48 : index
    %swap3A_333 = tpu.vector_load %arg8[%swap3A_331, %swap3A_332] {strides = array<i32>} : memref<16x64xf32, #tpu.memory_space<vmem>>, vector<1x16xf32>,
    %swap3A_334 = vector.shape_cast %swap3A_333 : vector<1x16xf32> to vector<16xf32>
    %swap3A_335 = vector.shape_cast %broadcast_in_dim3A_0 : vector<16xf32> to vector<1x16xf32>
    tpu.vector_store %arg8[%swap3A_331, %swap3A_332], %swap3A_335 {strides = array<i32>} : memref<16x64xf32, #tpu.memory_space<vmem>>, vector<1x16xf32>,
    %swap3A_336 = arith.constant 14 : i32
    %swap3A_337 = arith.index_cast %swap3A_336 : i32 to index
    %swap3A_338 = arith.constant 0 : index
    %swap3A_339 = tpu.vector_load %arg8[%swap3A_337, %swap3A_338] {strides = array<i32>} : memref<16x64xf32, #tpu.memory_space<vmem>>, vector<1x16xf32>,
    %swap3A_340 = vector.shape_cast %swap3A_339 : vector<1x16xf32> to vector<16xf32>
    %swap3A_341 = vector.shape_cast %broadcast_in_dim3A_0 : vector<16xf32> to vector<1x16xf32>
    tpu.vector_store %arg8[%swap3A_337, %swap3A_338], %swap3A_341 {strides = array<i32>} : memref<16x64xf32, #tpu.memory_space<vmem>>, vector<1x16xf32>,
    %swap3A_342 = arith.constant 14 : i32
    %swap3A_343 = arith.index_cast %swap3A_342 : i32 to index
    %swap3A_344 = arith.constant 16 : index
    %swap3A_345 = tpu.vector_load %arg8[%swap3A_343, %swap3A_344] {strides = array<i32>} : memref<16x64xf32, #tpu.memory_space<vmem>>, vector<1x16xf32>,
    %swap3A_346 = vector.shape_cast %swap3A_345 : vector<1x16xf32> to vector<16xf32>
    %swap3A_347 = vector.shape_cast %broadcast_in_dim3A_0 : vector<16xf32> to vector<1x16xf32>
    tpu.vector_store %arg8[%swap3A_343, %swap3A_344], %swap3A_347 {strides = array<i32>} : memref<16x64xf32, #tpu.memory_space<vmem>>, vector<1x16xf32>,
    %swap3A_348 = arith.constant 14 : i32
    %swap3A_349 = arith.index_cast %swap3A_348 : i32 to index
    %swap3A_350 = arith.constant 32 : index
    %swap3A_351 = tpu.vector_load %arg8[%swap3A_349, %swap3A_350] {strides = array<i32>} : memref<16x64xf32, #tpu.memory_space<vmem>>, vector<1x16xf32>,
    %swap3A_352 = vector.shape_cast %swap3A_351 : vector<1x16xf32> to vector<16xf32>
    %swap3A_353 = vector.shape_cast %broadcast_in_dim3A_0 : vector<16xf32> to vector<1x16xf32>
    tpu.vector_store %arg8[%swap3A_349, %swap3A_350], %swap3A_353 {strides = array<i32>} : memref<16x64xf32, #tpu.memory_space<vmem>>, vector<1x16xf32>,
    %swap3A_354 = arith.constant 14 : i32
    %swap3A_355 = arith.index_cast %swap3A_354 : i32 to index
    %swap3A_356 = arith.constant 48 : index
    %swap3A_357 = tpu.vector_load %arg8[%swap3A_355, %swap3A_356] {strides = array<i32>} : memref<16x64xf32, #tpu.memory_space<vmem>>, vector<1x16xf32>,
    %swap3A_358 = vector.shape_cast %swap3A_357 : vector<1x16xf32> to vector<16xf32>
    %swap3A_359 = vector.shape_cast %broadcast_in_dim3A_0 : vector<16xf32> to vector<1x16xf32>
    tpu.vector_store %arg8[%swap3A_355, %swap3A_356], %swap3A_359 {strides = array<i32>} : memref<16x64xf32, #tpu.memory_space<vmem>>, vector<1x16xf32>,
    %swap3A_360 = arith.constant 15 : i32
    %swap3A_361 = arith.index_cast %swap3A_360 : i32 to index
    %swap3A_362 = arith.constant 0 : index
    %swap3A_363 = tpu.vector_load %arg8[%swap3A_361, %swap3A_362] {strides = array<i32>} : memref<16x64xf32, #tpu.memory_space<vmem>>, vector<1x16xf32>,
    %swap3A_364 = vector.shape_cast %swap3A_363 : vector<1x16xf32> to vector<16xf32>
    %swap3A_365 = vector.shape_cast %broadcast_in_dim3A_0 : vector<16xf32> to vector<1x16xf32>
    tpu.vector_store %arg8[%swap3A_361, %swap3A_362], %swap3A_365 {strides = array<i32>} : memref<16x64xf32, #tpu.memory_space<vmem>>, vector<1x16xf32>,
    %swap3A_366 = arith.constant 15 : i32
    %swap3A_367 = arith.index_cast %swap3A_366 : i32 to index
    %swap3A_368 = arith.constant 16 : index
    %swap3A_369 = tpu.vector_load %arg8[%swap3A_367, %swap3A_368] {strides = array<i32>} : memref<16x64xf32, #tpu.memory_space<vmem>>, vector<1x16xf32>,
    %swap3A_370 = vector.shape_cast %swap3A_369 : vector<1x16xf32> to vector<16xf32>
    %swap3A_371 = vector.shape_cast %broadcast_in_dim3A_0 : vector<16xf32> to vector<1x16xf32>
    tpu.vector_store %arg8[%swap3A_367, %swap3A_368], %swap3A_371 {strides = array<i32>} : memref<16x64xf32, #tpu.memory_space<vmem>>, vector<1x16xf32>,
    %swap3A_372 = arith.constant 15 : i32
    %swap3A_373 = arith.index_cast %swap3A_372 : i32 to index
    %swap3A_374 = arith.constant 32 : index
    %swap3A_375 = tpu.vector_load %arg8[%swap3A_373, %swap3A_374] {strides = array<i32>} : memref<16x64xf32, #tpu.memory_space<vmem>>, vector<1x16xf32>,
    %swap3A_376 = vector.shape_cast %swap3A_375 : vector<1x16xf32> to vector<16xf32>
    %swap3A_377 = vector.shape_cast %broadcast_in_dim3A_0 : vector<16xf32> to vector<1x16xf32>
    tpu.vector_store %arg8[%swap3A_373, %swap3A_374], %swap3A_377 {strides = array<i32>} : memref<16x64xf32, #tpu.memory_space<vmem>>, vector<1x16xf32>,
    %swap3A_378 = arith.constant 15 : i32
    %swap3A_379 = arith.index_cast %swap3A_378 : i32 to index
    %swap3A_380 = arith.constant 48 : index
    %swap3A_381 = tpu.vector_load %arg8[%swap3A_379, %swap3A_380] {strides = array<i32>} : memref<16x64xf32, #tpu.memory_space<vmem>>, vector<1x16xf32>,
    %swap3A_382 = vector.shape_cast %swap3A_381 : vector<1x16xf32> to vector<16xf32>
    %swap3A_383 = vector.shape_cast %broadcast_in_dim3A_0 : vector<16xf32> to vector<1x16xf32>
    tpu.vector_store %arg8[%swap3A_379, %swap3A_380], %swap3A_383 {strides = array<i32>} : memref<16x64xf32, #tpu.memory_space<vmem>>, vector<1x16xf32>,
    %scan3A = arith.constant 0 : i32
    %scan3A_384 = arith.constant 0 : i32
    %scan3A_385 = arith.constant 40 : i32
    %scan3A_386 = arith.addi %scan3A_384, %scan3A_385 : i32
    %scan3A_387 = arith.constant 1 : i32
    %scan3A_388 = scf.for %scan3A_450 = %scan3A_384 to %scan3A_386 step %scan3A_387 iter_args(%scan3A_451 = %scan3A) -> (i32)  : i32 {
      %mul3A_452 = arith.constant 640 : i32
      %mul3A_453 = arith.muli %arg1, %mul3A_452 : i32
      %mul3A_454 = arith.constant 16 : i32
      %mul3A_455 = arith.muli %scan3A_450, %mul3A_454 : i32
      %add3A_456 = arith.addi %mul3A_453, %mul3A_455 : i32
      "tpu.region"() ({
        %run_scoped3A = tpu.sem_alloc : memref<!tpu.dma_semaphore, #tpu.memory_space<semaphore_mem>>
        %dma_start3A_458 = arith.constant 0 : i32
        %dma_start3A_459 = tpu.memref_slice %arg9[%add3A_456, %dma_start3A_458] : memref<10240x64xf32, #tpu.memory_space<vmem_shared>> -> memref<16x64xf32, #tpu.memory_space<vmem_shared>>
        %dma_start3A_460 = arith.constant 0 : i32
        %dma_start3A_461 = tpu.memref_slice %arg9[%add3A_456, %dma_start3A_460] : memref<10240x64xf32, #tpu.memory_space<vmem_shared>> -> memref<16x64xf32, #tpu.memory_space<vmem_shared>>
        tpu.enqueue_dma source(%arg8 : memref<16x64xf32, #tpu.memory_space<vmem>>) target(%dma_start3A_461 : memref<16x64xf32, #tpu.memory_space<vmem_shared>>) target_semaphore(%run_scoped3A : memref<!tpu.dma_semaphore, #tpu.memory_space<semaphore_mem>>)
        %dma_wait3A_462 = arith.constant 0 : i32
        %dma_wait3A_463 = tpu.memref_slice %arg9[%add3A_456, %dma_wait3A_462] : memref<10240x64xf32, #tpu.memory_space<vmem_shared>> -> memref<16x64xf32, #tpu.memory_space<vmem_shared>>
        %dma_wait3A_464 = arith.constant 0 : i32
        %dma_wait3A_465 = tpu.memref_slice %arg9[%add3A_456, %dma_wait3A_464] : memref<10240x64xf32, #tpu.memory_space<vmem_shared>> -> memref<16x64xf32, #tpu.memory_space<vmem_shared>>
        tpu.wait_dma2 semaphore(%run_scoped3A : memref<!tpu.dma_semaphore, #tpu.memory_space<semaphore_mem>>) src(%arg8 : memref<16x64xf32, #tpu.memory_space<vmem>>) dst(%dma_wait3A_465 : memref<16x64xf32, #tpu.memory_space<vmem_shared>>)
        tpu.yield
      }) : () -> ()
      %scan3A_457 = arith.constant 0 : i32
      scf.yield %scan3A_457 : i32
    }
    %scan3A_389 = arith.constant 40 : i32
    %barrier3A = arith.constant 0 : index
    tpu.barrier barrier_id(%barrier3A)
    %eq3A = arith.constant 0 : i32
    %eq3A_390 = arith.cmpi eq, %arg0, %eq3A : i32
    %mul3A = arith.constant 134 : i32
    %mul3A_391 = arith.muli %arg1, %mul3A : i32
    %mul3A_392 = arith.constant 26 : i32
    %mul3A_393 = arith.muli %arg1, %mul3A_392 : i32
    %add3A = arith.constant 2144 : i32
    %add3A_394 = arith.addi %add3A, %mul3A_393 : i32
    %select_n3A = arith.select %eq3A_390, %mul3A_391, %add3A_394 : i32
    %eq3A_395 = arith.constant 0 : i32
    %eq3A_396 = arith.cmpi eq, %arg0, %eq3A_395 : i32
    %jit3A = arith.constant 134 : i32
    %jit3A_397 = arith.constant 26 : i32
    %select_n3A_398 = arith.select %eq3A_396, %jit3A, %jit3A_397 : i32
    %dma_start3A = arith.constant 0 : i32
    %dma_start3A_399 = arith.constant 0 : i32
    %dma_start3A_400 = tpu.memref_slice %arg2[%select_n3A, %dma_start3A, %dma_start3A_399] : memref<2561x2x128xi32, #tpu.memory_space<hbm>> -> memref<1x2x128xi32, #tpu.memory_space<hbm>>
    %dma_start3A_401 = tpu.memref_squeeze %dma_start3A_400 : memref<1x2x128xi32, #tpu.memory_space<hbm>> -> memref<2x128xi32, #tpu.memory_space<hbm>>
    %dma_start3A_402 = arith.constant 0 : i32
    %dma_start3A_403 = arith.constant 0 : i32
    %dma_start3A_404 = tpu.memref_slice %arg2[%select_n3A, %dma_start3A_402, %dma_start3A_403] : memref<2561x2x128xi32, #tpu.memory_space<hbm>> -> memref<1x2x128xi32, #tpu.memory_space<hbm>>
    %dma_start3A_405 = tpu.memref_squeeze %dma_start3A_404 : memref<1x2x128xi32, #tpu.memory_space<hbm>> -> memref<2x128xi32, #tpu.memory_space<hbm>>
    tpu.enqueue_dma source(%dma_start3A_405 : memref<2x128xi32, #tpu.memory_space<hbm>>) target(%arg5 : memref<2x128xi32, #tpu.memory_space<vmem>>) target_semaphore(%arg11 : memref<!tpu.dma_semaphore, #tpu.memory_space<semaphore_mem>>)
    %jit3A_406 = arith.constant 2 : i32
    %div3A = arith.divsi %select_n3A_398, %jit3A_406 : i32
    %sign3A = arith.constant 0 : i32
    %sign3A_407 = arith.cmpi sgt, %select_n3A_398, %sign3A : i32
    %sign3A_408 = arith.extui %sign3A_407 : i1 to i32
    %sign3A_409 = arith.constant 0 : i32
    %sign3A_410 = arith.cmpi slt, %select_n3A_398, %sign3A_409 : i32
    %sign3A_411 = arith.extui %sign3A_410 : i1 to i32
    %sign3A_412 = arith.subi %sign3A_408, %sign3A_411 : i32
    %sign3A_413 = arith.constant 0 : i32
    %sign3A_414 = arith.cmpi sgt, %jit3A_406, %sign3A_413 : i32
    %sign3A_415 = arith.extui %sign3A_414 : i1 to i32
    %sign3A_416 = arith.constant 0 : i32
    %sign3A_417 = arith.cmpi slt, %jit3A_406, %sign3A_416 : i32
    %sign3A_418 = arith.extui %sign3A_417 : i1 to i32
    %sign3A_419 = arith.subi %sign3A_415, %sign3A_418 : i32
    %ne3A = arith.cmpi ne, %sign3A_412, %sign3A_419 : i32
    %rem3A = arith.remsi %select_n3A_398, %jit3A_406 : i32
    %ne3A_420 = arith.constant 0 : i32
    %ne3A_421 = arith.cmpi ne, %rem3A, %ne3A_420 : i32
    %and3A = arith.andi %ne3A, %ne3A_421 : i1
    %sub3A = arith.constant 1 : i32
    %sub3A_422 = arith.subi %div3A, %sub3A : i32
    %select_n3A_423 = arith.select %and3A, %sub3A_422, %div3A : i32
    %while3A = arith.constant 0 : i32
    %while3A_424 = arith.constant 0 : i32
    %while3A_425 = arith.subi %select_n3A_423, %while3A : i32
    %while3A_426 = arith.addi %while3A, %while3A_425 : i32
    %while3A_427 = arith.constant 1 : i32
    %while3A_428 = arith.divsi %while3A_425, %while3A_427 : i32
    %while3A_429 = arith.muli %while3A_428, %while3A_427 : i32
    %while3A_430 = arith.addi %while3A, %while3A_429 : i32
    %while3A_431 = arith.constant 1 : i32
    %while3A_432 = scf.for %while3A_450 = %while3A to %while3A_430 step %while3A_431 iter_args(%while3A_451 = %while3A_424) -> (i32)  : i32 {
      %mul3A_452 = arith.constant 2 : i32
      %mul3A_453 = arith.muli %mul3A_452, %while3A_450 : i32
      %add3A_454 = arith.addi %select_n3A, %mul3A_453 : i32
      %dma_wait3A_455 = arith.constant 0 : i32
      %dma_wait3A_456 = arith.constant 0 : i32
      %dma_wait3A_457 = tpu.memref_slice %arg2[%add3A_454, %dma_wait3A_455, %dma_wait3A_456] : memref<2561x2x128xi32, #tpu.memory_space<hbm>> -> memref<1x2x128xi32, #tpu.memory_space<hbm>>
      %dma_wait3A_458 = tpu.memref_squeeze %dma_wait3A_457 : memref<1x2x128xi32, #tpu.memory_space<hbm>> -> memref<2x128xi32, #tpu.memory_space<hbm>>
      %dma_wait3A_459 = arith.constant 0 : i32
      %dma_wait3A_460 = arith.constant 0 : i32
      %dma_wait3A_461 = tpu.memref_slice %arg2[%add3A_454, %dma_wait3A_459, %dma_wait3A_460] : memref<2561x2x128xi32, #tpu.memory_space<hbm>> -> memref<1x2x128xi32, #tpu.memory_space<hbm>>
      %dma_wait3A_462 = tpu.memref_squeeze %dma_wait3A_461 : memref<1x2x128xi32, #tpu.memory_space<hbm>> -> memref<2x128xi32, #tpu.memory_space<hbm>>
      tpu.wait_dma2 semaphore(%arg11 : memref<!tpu.dma_semaphore, #tpu.memory_space<semaphore_mem>>) src(%dma_wait3A_462 : memref<2x128xi32, #tpu.memory_space<hbm>>) dst(%arg5 : memref<2x128xi32, #tpu.memory_space<vmem>>)
      %add3A_463 = arith.constant 1 : i32
      %add3A_464 = arith.addi %add3A_454, %add3A_463 : i32
      %dma_start3A_465 = arith.constant 0 : i32
      %dma_start3A_466 = arith.constant 0 : i32
      %dma_start3A_467 = tpu.memref_slice %arg2[%add3A_464, %dma_start3A_465, %dma_start3A_466] : memref<2561x2x128xi32, #tpu.memory_space<hbm>> -> memref<1x2x128xi32, #tpu.memory_space<hbm>>
      %dma_start3A_468 = tpu.memref_squeeze %dma_start3A_467 : memref<1x2x128xi32, #tpu.memory_space<hbm>> -> memref<2x128xi32, #tpu.memory_space<hbm>>
      %dma_start3A_469 = arith.constant 0 : i32
      %dma_start3A_470 = arith.constant 0 : i32
      %dma_start3A_471 = tpu.memref_slice %arg2[%add3A_464, %dma_start3A_469, %dma_start3A_470] : memref<2561x2x128xi32, #tpu.memory_space<hbm>> -> memref<1x2x128xi32, #tpu.memory_space<hbm>>
      %dma_start3A_472 = tpu.memref_squeeze %dma_start3A_471 : memref<1x2x128xi32, #tpu.memory_space<hbm>> -> memref<2x128xi32, #tpu.memory_space<hbm>>
      tpu.enqueue_dma source(%dma_start3A_472 : memref<2x128xi32, #tpu.memory_space<hbm>>) target(%arg6 : memref<2x128xi32, #tpu.memory_space<vmem>>) target_semaphore(%arg12 : memref<!tpu.dma_semaphore, #tpu.memory_space<semaphore_mem>>)
      %dma_start3A_473 = arith.constant 0 : i32
      %dma_start3A_474 = arith.constant 0 : i32
      %dma_start3A_475 = tpu.memref_slice %arg5[%dma_start3A_473, %dma_start3A_474] : memref<2x128xi32, #tpu.memory_space<vmem>> -> memref<1x128xi32, #tpu.memory_space<vmem>>
      %dma_start3A_476 = tpu.memref_squeeze %dma_start3A_475 : memref<1x128xi32, #tpu.memory_space<vmem>> -> memref<128xi32, #tpu.memory_space<vmem>>
      %dma_start3A_477 = arith.constant 0 : i32
      %dma_start3A_478 = arith.constant 0 : i32
      %dma_start3A_479 = tpu.memref_slice %arg3[%dma_start3A_477, %dma_start3A_478] : memref<10000x64xf32, #tpu.memory_space<hbm>> -> memref<10000x64xf32, #tpu.memory_space<hbm>>
      tpu.enqueue_indirect_dma source(%dma_start3A_479 : memref<10000x64xf32, #tpu.memory_space<hbm>>) target(%arg7 : memref<128x64xf32, #tpu.memory_space<vmem>>) offsets(%dma_start3A_476 : memref<128xi32, #tpu.memory_space<vmem>>) semaphore(%arg10 : memref<!tpu.dma_semaphore, #tpu.memory_space<semaphore_mem>>)
      %dma_wait3A_480 = arith.constant 0 : i32
      %dma_wait3A_481 = arith.constant 0 : i32
      %dma_wait3A_482 = tpu.memref_slice %arg5[%dma_wait3A_480, %dma_wait3A_481] : memref<2x128xi32, #tpu.memory_space<vmem>> -> memref<1x128xi32, #tpu.memory_space<vmem>>
      %dma_wait3A_483 = tpu.memref_squeeze %dma_wait3A_482 : memref<1x128xi32, #tpu.memory_space<vmem>> -> memref<128xi32, #tpu.memory_space<vmem>>
      %dma_wait3A_484 = arith.constant 0 : i32
      %dma_wait3A_485 = arith.constant 0 : i32
      %dma_wait3A_486 = tpu.memref_slice %arg3[%dma_wait3A_484, %dma_wait3A_485] : memref<10000x64xf32, #tpu.memory_space<hbm>> -> memref<10000x64xf32, #tpu.memory_space<hbm>>
      tpu.wait_indirect_dma semaphore(%arg10 : memref<!tpu.dma_semaphore, #tpu.memory_space<semaphore_mem>>) src(%dma_wait3A_486 : memref<10000x64xf32, #tpu.memory_space<hbm>>) dst(%arg7 : memref<128x64xf32, #tpu.memory_space<vmem>>)
      %run_scoped3A = arith.constant 1 : i32
      "tpu.region"() ({
        %run_scoped3A_523 = tpu.sem_alloc : memref<!tpu.dma_semaphore, #tpu.memory_space<semaphore_mem>>
        %dma_start3A_524 = arith.constant 0 : i32
        %dma_start3A_525 = tpu.memref_slice %arg5[%run_scoped3A, %dma_start3A_524] : memref<2x128xi32, #tpu.memory_space<vmem>> -> memref<1x128xi32, #tpu.memory_space<vmem>>
        %dma_start3A_526 = tpu.memref_squeeze %dma_start3A_525 : memref<1x128xi32, #tpu.memory_space<vmem>> -> memref<128xi32, #tpu.memory_space<vmem>>
        %dma_start3A_527 = arith.constant 0 : i32
        %dma_start3A_528 = arith.constant 0 : i32
        %dma_start3A_529 = tpu.memref_slice %arg9[%dma_start3A_527, %dma_start3A_528] : memref<10240x64xf32, #tpu.memory_space<vmem_shared>> -> memref<10240x64xf32, #tpu.memory_space<vmem_shared>>
        tpu.enqueue_indirect_dma source(%arg7 : memref<128x64xf32, #tpu.memory_space<vmem>>) target(%dma_start3A_529 : memref<10240x64xf32, #tpu.memory_space<vmem_shared>>) offsets(%dma_start3A_526 : memref<128xi32, #tpu.memory_space<vmem>>) semaphore(%run_scoped3A_523 : memref<!tpu.dma_semaphore, #tpu.memory_space<semaphore_mem>>) {add = true}
        %dma_wait3A_530 = arith.constant 0 : i32
        %dma_wait3A_531 = tpu.memref_slice %arg5[%run_scoped3A, %dma_wait3A_530] : memref<2x128xi32, #tpu.memory_space<vmem>> -> memref<1x128xi32, #tpu.memory_space<vmem>>
        %dma_wait3A_532 = tpu.memref_squeeze %dma_wait3A_531 : memref<1x128xi32, #tpu.memory_space<vmem>> -> memref<128xi32, #tpu.memory_space<vmem>>
        %dma_wait3A_533 = arith.constant 0 : i32
        %dma_wait3A_534 = arith.constant 0 : i32
        %dma_wait3A_535 = tpu.memref_slice %arg9[%dma_wait3A_533, %dma_wait3A_534] : memref<10240x64xf32, #tpu.memory_space<vmem_shared>> -> memref<10240x64xf32, #tpu.memory_space<vmem_shared>>
        tpu.wait_indirect_dma semaphore(%run_scoped3A_523 : memref<!tpu.dma_semaphore, #tpu.memory_space<semaphore_mem>>) src(%arg7 : memref<128x64xf32, #tpu.memory_space<vmem>>) dst(%dma_wait3A_535 : memref<10240x64xf32, #tpu.memory_space<vmem_shared>>)
        tpu.yield
      }) : () -> ()
      %add3A_487 = arith.constant 1 : i32
      %add3A_488 = arith.addi %add3A_454, %add3A_487 : i32
      %dma_wait3A_489 = arith.constant 0 : i32
      %dma_wait3A_490 = arith.constant 0 : i32
      %dma_wait3A_491 = tpu.memref_slice %arg2[%add3A_488, %dma_wait3A_489, %dma_wait3A_490] : memref<2561x2x128xi32, #tpu.memory_space<hbm>> -> memref<1x2x128xi32, #tpu.memory_space<hbm>>
      %dma_wait3A_492 = tpu.memref_squeeze %dma_wait3A_491 : memref<1x2x128xi32, #tpu.memory_space<hbm>> -> memref<2x128xi32, #tpu.memory_space<hbm>>
      %dma_wait3A_493 = arith.constant 0 : i32
      %dma_wait3A_494 = arith.constant 0 : i32
      %dma_wait3A_495 = tpu.memref_slice %arg2[%add3A_488, %dma_wait3A_493, %dma_wait3A_494] : memref<2561x2x128xi32, #tpu.memory_space<hbm>> -> memref<1x2x128xi32, #tpu.memory_space<hbm>>
      %dma_wait3A_496 = tpu.memref_squeeze %dma_wait3A_495 : memref<1x2x128xi32, #tpu.memory_space<hbm>> -> memref<2x128xi32, #tpu.memory_space<hbm>>
      tpu.wait_dma2 semaphore(%arg12 : memref<!tpu.dma_semaphore, #tpu.memory_space<semaphore_mem>>) src(%dma_wait3A_496 : memref<2x128xi32, #tpu.memory_space<hbm>>) dst(%arg6 : memref<2x128xi32, #tpu.memory_space<vmem>>)
      %add3A_497 = arith.constant 1 : i32
      %add3A_498 = arith.addi %add3A_488, %add3A_497 : i32
      %dma_start3A_499 = arith.constant 0 : i32
      %dma_start3A_500 = arith.constant 0 : i32
      %dma_start3A_501 = tpu.memref_slice %arg2[%add3A_498, %dma_start3A_499, %dma_start3A_500] : memref<2561x2x128xi32, #tpu.memory_space<hbm>> -> memref<1x2x128xi32, #tpu.memory_space<hbm>>
      %dma_start3A_502 = tpu.memref_squeeze %dma_start3A_501 : memref<1x2x128xi32, #tpu.memory_space<hbm>> -> memref<2x128xi32, #tpu.memory_space<hbm>>
      %dma_start3A_503 = arith.constant 0 : i32
      %dma_start3A_504 = arith.constant 0 : i32
      %dma_start3A_505 = tpu.memref_slice %arg2[%add3A_498, %dma_start3A_503, %dma_start3A_504] : memref<2561x2x128xi32, #tpu.memory_space<hbm>> -> memref<1x2x128xi32, #tpu.memory_space<hbm>>
      %dma_start3A_506 = tpu.memref_squeeze %dma_start3A_505 : memref<1x2x128xi32, #tpu.memory_space<hbm>> -> memref<2x128xi32, #tpu.memory_space<hbm>>
      tpu.enqueue_dma source(%dma_start3A_506 : memref<2x128xi32, #tpu.memory_space<hbm>>) target(%arg5 : memref<2x128xi32, #tpu.memory_space<vmem>>) target_semaphore(%arg11 : memref<!tpu.dma_semaphore, #tpu.memory_space<semaphore_mem>>)
      %dma_start3A_507 = arith.constant 0 : i32
      %dma_start3A_508 = arith.constant 0 : i32
      %dma_start3A_509 = tpu.memref_slice %arg6[%dma_start3A_507, %dma_start3A_508] : memref<2x128xi32, #tpu.memory_space<vmem>> -> memref<1x128xi32, #tpu.memory_space<vmem>>
      %dma_start3A_510 = tpu.memref_squeeze %dma_start3A_509 : memref<1x128xi32, #tpu.memory_space<vmem>> -> memref<128xi32, #tpu.memory_space<vmem>>
      %dma_start3A_511 = arith.constant 0 : i32
      %dma_start3A_512 = arith.constant 0 : i32
      %dma_start3A_513 = tpu.memref_slice %arg3[%dma_start3A_511, %dma_start3A_512] : memref<10000x64xf32, #tpu.memory_space<hbm>> -> memref<10000x64xf32, #tpu.memory_space<hbm>>
      tpu.enqueue_indirect_dma source(%dma_start3A_513 : memref<10000x64xf32, #tpu.memory_space<hbm>>) target(%arg7 : memref<128x64xf32, #tpu.memory_space<vmem>>) offsets(%dma_start3A_510 : memref<128xi32, #tpu.memory_space<vmem>>) semaphore(%arg10 : memref<!tpu.dma_semaphore, #tpu.memory_space<semaphore_mem>>)
      %dma_wait3A_514 = arith.constant 0 : i32
      %dma_wait3A_515 = arith.constant 0 : i32
      %dma_wait3A_516 = tpu.memref_slice %arg6[%dma_wait3A_514, %dma_wait3A_515] : memref<2x128xi32, #tpu.memory_space<vmem>> -> memref<1x128xi32, #tpu.memory_space<vmem>>
      %dma_wait3A_517 = tpu.memref_squeeze %dma_wait3A_516 : memref<1x128xi32, #tpu.memory_space<vmem>> -> memref<128xi32, #tpu.memory_space<vmem>>
      %dma_wait3A_518 = arith.constant 0 : i32
      %dma_wait3A_519 = arith.constant 0 : i32
      %dma_wait3A_520 = tpu.memref_slice %arg3[%dma_wait3A_518, %dma_wait3A_519] : memref<10000x64xf32, #tpu.memory_space<hbm>> -> memref<10000x64xf32, #tpu.memory_space<hbm>>
      tpu.wait_indirect_dma semaphore(%arg10 : memref<!tpu.dma_semaphore, #tpu.memory_space<semaphore_mem>>) src(%dma_wait3A_520 : memref<10000x64xf32, #tpu.memory_space<hbm>>) dst(%arg7 : memref<128x64xf32, #tpu.memory_space<vmem>>)
      %run_scoped3A_521 = arith.constant 1 : i32
      "tpu.region"() ({
        %run_scoped3A_523 = tpu.sem_alloc : memref<!tpu.dma_semaphore, #tpu.memory_space<semaphore_mem>>
        %dma_start3A_524 = arith.constant 0 : i32
        %dma_start3A_525 = tpu.memref_slice %arg6[%run_scoped3A_521, %dma_start3A_524] : memref<2x128xi32, #tpu.memory_space<vmem>> -> memref<1x128xi32, #tpu.memory_space<vmem>>
        %dma_start3A_526 = tpu.memref_squeeze %dma_start3A_525 : memref<1x128xi32, #tpu.memory_space<vmem>> -> memref<128xi32, #tpu.memory_space<vmem>>
        %dma_start3A_527 = arith.constant 0 : i32
        %dma_start3A_528 = arith.constant 0 : i32
        %dma_start3A_529 = tpu.memref_slice %arg9[%dma_start3A_527, %dma_start3A_528] : memref<10240x64xf32, #tpu.memory_space<vmem_shared>> -> memref<10240x64xf32, #tpu.memory_space<vmem_shared>>
        tpu.enqueue_indirect_dma source(%arg7 : memref<128x64xf32, #tpu.memory_space<vmem>>) target(%dma_start3A_529 : memref<10240x64xf32, #tpu.memory_space<vmem_shared>>) offsets(%dma_start3A_526 : memref<128xi32, #tpu.memory_space<vmem>>) semaphore(%run_scoped3A_523 : memref<!tpu.dma_semaphore, #tpu.memory_space<semaphore_mem>>) {add = true}
        %dma_wait3A_530 = arith.constant 0 : i32
        %dma_wait3A_531 = tpu.memref_slice %arg6[%run_scoped3A_521, %dma_wait3A_530] : memref<2x128xi32, #tpu.memory_space<vmem>> -> memref<1x128xi32, #tpu.memory_space<vmem>>
        %dma_wait3A_532 = tpu.memref_squeeze %dma_wait3A_531 : memref<1x128xi32, #tpu.memory_space<vmem>> -> memref<128xi32, #tpu.memory_space<vmem>>
        %dma_wait3A_533 = arith.constant 0 : i32
        %dma_wait3A_534 = arith.constant 0 : i32
        %dma_wait3A_535 = tpu.memref_slice %arg9[%dma_wait3A_533, %dma_wait3A_534] : memref<10240x64xf32, #tpu.memory_space<vmem_shared>> -> memref<10240x64xf32, #tpu.memory_space<vmem_shared>>
        tpu.wait_indirect_dma semaphore(%run_scoped3A_523 : memref<!tpu.dma_semaphore, #tpu.memory_space<semaphore_mem>>) src(%arg7 : memref<128x64xf32, #tpu.memory_space<vmem>>) dst(%dma_wait3A_535 : memref<10240x64xf32, #tpu.memory_space<vmem_shared>>)
        tpu.yield
      }) : () -> ()
      %while3A_522 = arith.constant 0 : i32
      scf.yield %while3A_522 : i32
    }
    %while3A_433 = arith.constant 1 : i32
    %while3A_434 = scf.for %while3A_450 = %while3A_430 to %while3A_426 step %while3A_433 iter_args(%while3A_451 = %while3A_432) -> (i32)  : i32 {
      %mul3A_452 = arith.constant 2 : i32
      %mul3A_453 = arith.muli %mul3A_452, %while3A_450 : i32
      %add3A_454 = arith.addi %select_n3A, %mul3A_453 : i32
      %dma_wait3A_455 = arith.constant 0 : i32
      %dma_wait3A_456 = arith.constant 0 : i32
      %dma_wait3A_457 = tpu.memref_slice %arg2[%add3A_454, %dma_wait3A_455, %dma_wait3A_456] : memref<2561x2x128xi32, #tpu.memory_space<hbm>> -> memref<1x2x128xi32, #tpu.memory_space<hbm>>
      %dma_wait3A_458 = tpu.memref_squeeze %dma_wait3A_457 : memref<1x2x128xi32, #tpu.memory_space<hbm>> -> memref<2x128xi32, #tpu.memory_space<hbm>>
      %dma_wait3A_459 = arith.constant 0 : i32
      %dma_wait3A_460 = arith.constant 0 : i32
      %dma_wait3A_461 = tpu.memref_slice %arg2[%add3A_454, %dma_wait3A_459, %dma_wait3A_460] : memref<2561x2x128xi32, #tpu.memory_space<hbm>> -> memref<1x2x128xi32, #tpu.memory_space<hbm>>
      %dma_wait3A_462 = tpu.memref_squeeze %dma_wait3A_461 : memref<1x2x128xi32, #tpu.memory_space<hbm>> -> memref<2x128xi32, #tpu.memory_space<hbm>>
      tpu.wait_dma2 semaphore(%arg11 : memref<!tpu.dma_semaphore, #tpu.memory_space<semaphore_mem>>) src(%dma_wait3A_462 : memref<2x128xi32, #tpu.memory_space<hbm>>) dst(%arg5 : memref<2x128xi32, #tpu.memory_space<vmem>>)
      %add3A_463 = arith.constant 1 : i32
      %add3A_464 = arith.addi %add3A_454, %add3A_463 : i32
      %dma_start3A_465 = arith.constant 0 : i32
      %dma_start3A_466 = arith.constant 0 : i32
      %dma_start3A_467 = tpu.memref_slice %arg2[%add3A_464, %dma_start3A_465, %dma_start3A_466] : memref<2561x2x128xi32, #tpu.memory_space<hbm>> -> memref<1x2x128xi32, #tpu.memory_space<hbm>>
      %dma_start3A_468 = tpu.memref_squeeze %dma_start3A_467 : memref<1x2x128xi32, #tpu.memory_space<hbm>> -> memref<2x128xi32, #tpu.memory_space<hbm>>
      %dma_start3A_469 = arith.constant 0 : i32
      %dma_start3A_470 = arith.constant 0 : i32
      %dma_start3A_471 = tpu.memref_slice %arg2[%add3A_464, %dma_start3A_469, %dma_start3A_470] : memref<2561x2x128xi32, #tpu.memory_space<hbm>> -> memref<1x2x128xi32, #tpu.memory_space<hbm>>
      %dma_start3A_472 = tpu.memref_squeeze %dma_start3A_471 : memref<1x2x128xi32, #tpu.memory_space<hbm>> -> memref<2x128xi32, #tpu.memory_space<hbm>>
      tpu.enqueue_dma source(%dma_start3A_472 : memref<2x128xi32, #tpu.memory_space<hbm>>) target(%arg6 : memref<2x128xi32, #tpu.memory_space<vmem>>) target_semaphore(%arg12 : memref<!tpu.dma_semaphore, #tpu.memory_space<semaphore_mem>>)
      %dma_start3A_473 = arith.constant 0 : i32
      %dma_start3A_474 = arith.constant 0 : i32
      %dma_start3A_475 = tpu.memref_slice %arg5[%dma_start3A_473, %dma_start3A_474] : memref<2x128xi32, #tpu.memory_space<vmem>> -> memref<1x128xi32, #tpu.memory_space<vmem>>
      %dma_start3A_476 = tpu.memref_squeeze %dma_start3A_475 : memref<1x128xi32, #tpu.memory_space<vmem>> -> memref<128xi32, #tpu.memory_space<vmem>>
      %dma_start3A_477 = arith.constant 0 : i32
      %dma_start3A_478 = arith.constant 0 : i32
      %dma_start3A_479 = tpu.memref_slice %arg3[%dma_start3A_477, %dma_start3A_478] : memref<10000x64xf32, #tpu.memory_space<hbm>> -> memref<10000x64xf32, #tpu.memory_space<hbm>>
      tpu.enqueue_indirect_dma source(%dma_start3A_479 : memref<10000x64xf32, #tpu.memory_space<hbm>>) target(%arg7 : memref<128x64xf32, #tpu.memory_space<vmem>>) offsets(%dma_start3A_476 : memref<128xi32, #tpu.memory_space<vmem>>) semaphore(%arg10 : memref<!tpu.dma_semaphore, #tpu.memory_space<semaphore_mem>>)
      %dma_wait3A_480 = arith.constant 0 : i32
      %dma_wait3A_481 = arith.constant 0 : i32
      %dma_wait3A_482 = tpu.memref_slice %arg5[%dma_wait3A_480, %dma_wait3A_481] : memref<2x128xi32, #tpu.memory_space<vmem>> -> memref<1x128xi32, #tpu.memory_space<vmem>>
      %dma_wait3A_483 = tpu.memref_squeeze %dma_wait3A_482 : memref<1x128xi32, #tpu.memory_space<vmem>> -> memref<128xi32, #tpu.memory_space<vmem>>
      %dma_wait3A_484 = arith.constant 0 : i32
      %dma_wait3A_485 = arith.constant 0 : i32
      %dma_wait3A_486 = tpu.memref_slice %arg3[%dma_wait3A_484, %dma_wait3A_485] : memref<10000x64xf32, #tpu.memory_space<hbm>> -> memref<10000x64xf32, #tpu.memory_space<hbm>>
      tpu.wait_indirect_dma semaphore(%arg10 : memref<!tpu.dma_semaphore, #tpu.memory_space<semaphore_mem>>) src(%dma_wait3A_486 : memref<10000x64xf32, #tpu.memory_space<hbm>>) dst(%arg7 : memref<128x64xf32, #tpu.memory_space<vmem>>)
      %run_scoped3A = arith.constant 1 : i32
      "tpu.region"() ({
        %run_scoped3A_523 = tpu.sem_alloc : memref<!tpu.dma_semaphore, #tpu.memory_space<semaphore_mem>>
        %dma_start3A_524 = arith.constant 0 : i32
        %dma_start3A_525 = tpu.memref_slice %arg5[%run_scoped3A, %dma_start3A_524] : memref<2x128xi32, #tpu.memory_space<vmem>> -> memref<1x128xi32, #tpu.memory_space<vmem>>
        %dma_start3A_526 = tpu.memref_squeeze %dma_start3A_525 : memref<1x128xi32, #tpu.memory_space<vmem>> -> memref<128xi32, #tpu.memory_space<vmem>>
        %dma_start3A_527 = arith.constant 0 : i32
        %dma_start3A_528 = arith.constant 0 : i32
        %dma_start3A_529 = tpu.memref_slice %arg9[%dma_start3A_527, %dma_start3A_528] : memref<10240x64xf32, #tpu.memory_space<vmem_shared>> -> memref<10240x64xf32, #tpu.memory_space<vmem_shared>>
        tpu.enqueue_indirect_dma source(%arg7 : memref<128x64xf32, #tpu.memory_space<vmem>>) target(%dma_start3A_529 : memref<10240x64xf32, #tpu.memory_space<vmem_shared>>) offsets(%dma_start3A_526 : memref<128xi32, #tpu.memory_space<vmem>>) semaphore(%run_scoped3A_523 : memref<!tpu.dma_semaphore, #tpu.memory_space<semaphore_mem>>) {add = true}
        %dma_wait3A_530 = arith.constant 0 : i32
        %dma_wait3A_531 = tpu.memref_slice %arg5[%run_scoped3A, %dma_wait3A_530] : memref<2x128xi32, #tpu.memory_space<vmem>> -> memref<1x128xi32, #tpu.memory_space<vmem>>
        %dma_wait3A_532 = tpu.memref_squeeze %dma_wait3A_531 : memref<1x128xi32, #tpu.memory_space<vmem>> -> memref<128xi32, #tpu.memory_space<vmem>>
        %dma_wait3A_533 = arith.constant 0 : i32
        %dma_wait3A_534 = arith.constant 0 : i32
        %dma_wait3A_535 = tpu.memref_slice %arg9[%dma_wait3A_533, %dma_wait3A_534] : memref<10240x64xf32, #tpu.memory_space<vmem_shared>> -> memref<10240x64xf32, #tpu.memory_space<vmem_shared>>
        tpu.wait_indirect_dma semaphore(%run_scoped3A_523 : memref<!tpu.dma_semaphore, #tpu.memory_space<semaphore_mem>>) src(%arg7 : memref<128x64xf32, #tpu.memory_space<vmem>>) dst(%dma_wait3A_535 : memref<10240x64xf32, #tpu.memory_space<vmem_shared>>)
        tpu.yield
      }) : () -> ()
      %add3A_487 = arith.constant 1 : i32
      %add3A_488 = arith.addi %add3A_454, %add3A_487 : i32
      %dma_wait3A_489 = arith.constant 0 : i32
      %dma_wait3A_490 = arith.constant 0 : i32
      %dma_wait3A_491 = tpu.memref_slice %arg2[%add3A_488, %dma_wait3A_489, %dma_wait3A_490] : memref<2561x2x128xi32, #tpu.memory_space<hbm>> -> memref<1x2x128xi32, #tpu.memory_space<hbm>>
      %dma_wait3A_492 = tpu.memref_squeeze %dma_wait3A_491 : memref<1x2x128xi32, #tpu.memory_space<hbm>> -> memref<2x128xi32, #tpu.memory_space<hbm>>
      %dma_wait3A_493 = arith.constant 0 : i32
      %dma_wait3A_494 = arith.constant 0 : i32
      %dma_wait3A_495 = tpu.memref_slice %arg2[%add3A_488, %dma_wait3A_493, %dma_wait3A_494] : memref<2561x2x128xi32, #tpu.memory_space<hbm>> -> memref<1x2x128xi32, #tpu.memory_space<hbm>>
      %dma_wait3A_496 = tpu.memref_squeeze %dma_wait3A_495 : memref<1x2x128xi32, #tpu.memory_space<hbm>> -> memref<2x128xi32, #tpu.memory_space<hbm>>
      tpu.wait_dma2 semaphore(%arg12 : memref<!tpu.dma_semaphore, #tpu.memory_space<semaphore_mem>>) src(%dma_wait3A_496 : memref<2x128xi32, #tpu.memory_space<hbm>>) dst(%arg6 : memref<2x128xi32, #tpu.memory_space<vmem>>)
      %add3A_497 = arith.constant 1 : i32
      %add3A_498 = arith.addi %add3A_488, %add3A_497 : i32
      %dma_start3A_499 = arith.constant 0 : i32
      %dma_start3A_500 = arith.constant 0 : i32
      %dma_start3A_501 = tpu.memref_slice %arg2[%add3A_498, %dma_start3A_499, %dma_start3A_500] : memref<2561x2x128xi32, #tpu.memory_space<hbm>> -> memref<1x2x128xi32, #tpu.memory_space<hbm>>
      %dma_start3A_502 = tpu.memref_squeeze %dma_start3A_501 : memref<1x2x128xi32, #tpu.memory_space<hbm>> -> memref<2x128xi32, #tpu.memory_space<hbm>>
      %dma_start3A_503 = arith.constant 0 : i32
      %dma_start3A_504 = arith.constant 0 : i32
      %dma_start3A_505 = tpu.memref_slice %arg2[%add3A_498, %dma_start3A_503, %dma_start3A_504] : memref<2561x2x128xi32, #tpu.memory_space<hbm>> -> memref<1x2x128xi32, #tpu.memory_space<hbm>>
      %dma_start3A_506 = tpu.memref_squeeze %dma_start3A_505 : memref<1x2x128xi32, #tpu.memory_space<hbm>> -> memref<2x128xi32, #tpu.memory_space<hbm>>
      tpu.enqueue_dma source(%dma_start3A_506 : memref<2x128xi32, #tpu.memory_space<hbm>>) target(%arg5 : memref<2x128xi32, #tpu.memory_space<vmem>>) target_semaphore(%arg11 : memref<!tpu.dma_semaphore, #tpu.memory_space<semaphore_mem>>)
      %dma_start3A_507 = arith.constant 0 : i32
      %dma_start3A_508 = arith.constant 0 : i32
      %dma_start3A_509 = tpu.memref_slice %arg6[%dma_start3A_507, %dma_start3A_508] : memref<2x128xi32, #tpu.memory_space<vmem>> -> memref<1x128xi32, #tpu.memory_space<vmem>>
      %dma_start3A_510 = tpu.memref_squeeze %dma_start3A_509 : memref<1x128xi32, #tpu.memory_space<vmem>> -> memref<128xi32, #tpu.memory_space<vmem>>
      %dma_start3A_511 = arith.constant 0 : i32
      %dma_start3A_512 = arith.constant 0 : i32
      %dma_start3A_513 = tpu.memref_slice %arg3[%dma_start3A_511, %dma_start3A_512] : memref<10000x64xf32, #tpu.memory_space<hbm>> -> memref<10000x64xf32, #tpu.memory_space<hbm>>
      tpu.enqueue_indirect_dma source(%dma_start3A_513 : memref<10000x64xf32, #tpu.memory_space<hbm>>) target(%arg7 : memref<128x64xf32, #tpu.memory_space<vmem>>) offsets(%dma_start3A_510 : memref<128xi32, #tpu.memory_space<vmem>>) semaphore(%arg10 : memref<!tpu.dma_semaphore, #tpu.memory_space<semaphore_mem>>)
      %dma_wait3A_514 = arith.constant 0 : i32
      %dma_wait3A_515 = arith.constant 0 : i32
      %dma_wait3A_516 = tpu.memref_slice %arg6[%dma_wait3A_514, %dma_wait3A_515] : memref<2x128xi32, #tpu.memory_space<vmem>> -> memref<1x128xi32, #tpu.memory_space<vmem>>
      %dma_wait3A_517 = tpu.memref_squeeze %dma_wait3A_516 : memref<1x128xi32, #tpu.memory_space<vmem>> -> memref<128xi32, #tpu.memory_space<vmem>>
      %dma_wait3A_518 = arith.constant 0 : i32
      %dma_wait3A_519 = arith.constant 0 : i32
      %dma_wait3A_520 = tpu.memref_slice %arg3[%dma_wait3A_518, %dma_wait3A_519] : memref<10000x64xf32, #tpu.memory_space<hbm>> -> memref<10000x64xf32, #tpu.memory_space<hbm>>
      tpu.wait_indirect_dma semaphore(%arg10 : memref<!tpu.dma_semaphore, #tpu.memory_space<semaphore_mem>>) src(%dma_wait3A_520 : memref<10000x64xf32, #tpu.memory_space<hbm>>) dst(%arg7 : memref<128x64xf32, #tpu.memory_space<vmem>>)
      %run_scoped3A_521 = arith.constant 1 : i32
      "tpu.region"() ({
        %run_scoped3A_523 = tpu.sem_alloc : memref<!tpu.dma_semaphore, #tpu.memory_space<semaphore_mem>>
        %dma_start3A_524 = arith.constant 0 : i32
        %dma_start3A_525 = tpu.memref_slice %arg6[%run_scoped3A_521, %dma_start3A_524] : memref<2x128xi32, #tpu.memory_space<vmem>> -> memref<1x128xi32, #tpu.memory_space<vmem>>
        %dma_start3A_526 = tpu.memref_squeeze %dma_start3A_525 : memref<1x128xi32, #tpu.memory_space<vmem>> -> memref<128xi32, #tpu.memory_space<vmem>>
        %dma_start3A_527 = arith.constant 0 : i32
        %dma_start3A_528 = arith.constant 0 : i32
        %dma_start3A_529 = tpu.memref_slice %arg9[%dma_start3A_527, %dma_start3A_528] : memref<10240x64xf32, #tpu.memory_space<vmem_shared>> -> memref<10240x64xf32, #tpu.memory_space<vmem_shared>>
        tpu.enqueue_indirect_dma source(%arg7 : memref<128x64xf32, #tpu.memory_space<vmem>>) target(%dma_start3A_529 : memref<10240x64xf32, #tpu.memory_space<vmem_shared>>) offsets(%dma_start3A_526 : memref<128xi32, #tpu.memory_space<vmem>>) semaphore(%run_scoped3A_523 : memref<!tpu.dma_semaphore, #tpu.memory_space<semaphore_mem>>) {add = true}
        %dma_wait3A_530 = arith.constant 0 : i32
        %dma_wait3A_531 = tpu.memref_slice %arg6[%run_scoped3A_521, %dma_wait3A_530] : memref<2x128xi32, #tpu.memory_space<vmem>> -> memref<1x128xi32, #tpu.memory_space<vmem>>
        %dma_wait3A_532 = tpu.memref_squeeze %dma_wait3A_531 : memref<1x128xi32, #tpu.memory_space<vmem>> -> memref<128xi32, #tpu.memory_space<vmem>>
        %dma_wait3A_533 = arith.constant 0 : i32
        %dma_wait3A_534 = arith.constant 0 : i32
        %dma_wait3A_535 = tpu.memref_slice %arg9[%dma_wait3A_533, %dma_wait3A_534] : memref<10240x64xf32, #tpu.memory_space<vmem_shared>> -> memref<10240x64xf32, #tpu.memory_space<vmem_shared>>
        tpu.wait_indirect_dma semaphore(%run_scoped3A_523 : memref<!tpu.dma_semaphore, #tpu.memory_space<semaphore_mem>>) src(%arg7 : memref<128x64xf32, #tpu.memory_space<vmem>>) dst(%dma_wait3A_535 : memref<10240x64xf32, #tpu.memory_space<vmem_shared>>)
        tpu.yield
      }) : () -> ()
      %while3A_522 = arith.constant 0 : i32
      scf.yield %while3A_522 : i32
    }
    %dma_wait3A = arith.constant 0 : i32
    %dma_wait3A_435 = arith.constant 0 : i32
    %dma_wait3A_436 = tpu.memref_slice %arg2[%select_n3A, %dma_wait3A, %dma_wait3A_435] : memref<2561x2x128xi32, #tpu.memory_space<hbm>> -> memref<1x2x128xi32, #tpu.memory_space<hbm>>
    %dma_wait3A_437 = tpu.memref_squeeze %dma_wait3A_436 : memref<1x2x128xi32, #tpu.memory_space<hbm>> -> memref<2x128xi32, #tpu.memory_space<hbm>>
    %dma_wait3A_438 = arith.constant 0 : i32
    %dma_wait3A_439 = arith.constant 0 : i32
    %dma_wait3A_440 = tpu.memref_slice %arg2[%select_n3A, %dma_wait3A_438, %dma_wait3A_439] : memref<2561x2x128xi32, #tpu.memory_space<hbm>> -> memref<1x2x128xi32, #tpu.memory_space<hbm>>
    %dma_wait3A_441 = tpu.memref_squeeze %dma_wait3A_440 : memref<1x2x128xi32, #tpu.memory_space<hbm>> -> memref<2x128xi32, #tpu.memory_space<hbm>>
    tpu.wait_dma2 semaphore(%arg11 : memref<!tpu.dma_semaphore, #tpu.memory_space<semaphore_mem>>) src(%dma_wait3A_441 : memref<2x128xi32, #tpu.memory_space<hbm>>) dst(%arg5 : memref<2x128xi32, #tpu.memory_space<vmem>>)
    %barrier3A_442 = arith.constant 0 : index
    tpu.barrier barrier_id(%barrier3A_442)
    %mul3A_443 = arith.constant 640 : i32
    %mul3A_444 = arith.muli %arg1, %mul3A_443 : i32
    %mul3A_445 = arith.constant 10240 : i32
    %mul3A_446 = arith.muli %arg0, %mul3A_445 : i32
    %mul3A_447 = arith.constant 640 : i32
    %mul3A_448 = arith.muli %arg1, %mul3A_447 : i32
    %add3A_449 = arith.addi %mul3A_446, %mul3A_448 : i32
    "tpu.region"() ({
      %run_scoped3A = tpu.sem_alloc : memref<!tpu.dma_semaphore, #tpu.memory_space<semaphore_mem>>
      %dma_start3A_450 = arith.constant 0 : i32
      %dma_start3A_451 = tpu.memref_slice %arg4[%add3A_449, %dma_start3A_450] : memref<20480x64xf32, #tpu.memory_space<hbm>> -> memref<640x64xf32, #tpu.memory_space<hbm>>
      %dma_start3A_452 = arith.constant 0 : i32
      %dma_start3A_453 = tpu.memref_slice %arg9[%mul3A_444, %dma_start3A_452] : memref<10240x64xf32, #tpu.memory_space<vmem_shared>> -> memref<640x64xf32, #tpu.memory_space<vmem_shared>>
      tpu.enqueue_dma source(%dma_start3A_453 : memref<640x64xf32, #tpu.memory_space<vmem_shared>>) target(%dma_start3A_451 : memref<640x64xf32, #tpu.memory_space<hbm>>) target_semaphore(%run_scoped3A : memref<!tpu.dma_semaphore, #tpu.memory_space<semaphore_mem>>)
      %dma_wait3A_454 = arith.constant 0 : i32
      %dma_wait3A_455 = tpu.memref_slice %arg4[%add3A_449, %dma_wait3A_454] : memref<20480x64xf32, #tpu.memory_space<hbm>> -> memref<640x64xf32, #tpu.memory_space<hbm>>
      %dma_wait3A_456 = arith.constant 0 : i32
      %dma_wait3A_457 = tpu.memref_slice %arg9[%mul3A_444, %dma_wait3A_456] : memref<10240x64xf32, #tpu.memory_space<vmem_shared>> -> memref<640x64xf32, #tpu.memory_space<vmem_shared>>
      tpu.wait_dma2 semaphore(%run_scoped3A : memref<!tpu.dma_semaphore, #tpu.memory_space<semaphore_mem>>) src(%dma_wait3A_457 : memref<640x64xf32, #tpu.memory_space<vmem_shared>>) dst(%dma_wait3A_455 : memref<640x64xf32, #tpu.memory_space<hbm>>)
      tpu.yield
    }) : () -> ()
    return
  }
}

#map = affine_map<(d0, d1) -> (0, 0)>
module attributes {stable_mosaic.version = 14 : i64} {
  func.func @deg_kernel(%arg0: i32, %arg1: i32, %arg2: memref<2560x128xi32, #tpu.memory_space<hbm>>, %arg3: memref<20480x16xf32, #tpu.memory_space<hbm>>, %arg4: memref<80x128xi32, #tpu.memory_space<vmem>>, %arg5: memref<128x16xf32, #tpu.memory_space<vmem>>, %arg6: memref<16x16xf32, #tpu.memory_space<vmem>>, %arg7: memref<10240x16xf32, #tpu.memory_space<vmem_shared>>) attributes {dimension_semantics = [#tpu.dimension_semantics<core_parallel>, #tpu.dimension_semantics<subcore_parallel>], iteration_bounds = array<i64: 2, 16>, scalar_prefetch = 0 : i64, scratch_operands = 4 : i64, tpu.core_type = #tpu.core_type<sc_vector_subcore>, window_params = [{transform_indices = #map}, {transform_indices = #map}]} {
    %mul3A = arith.constant 16 : i32
    %mul3A_0 = arith.muli %arg0, %mul3A : i32
    %add3A = arith.addi %mul3A_0, %arg1 : i32
    %broadcast_in_dim3A = arith.constant 0.000000e+00 : f32
    %broadcast_in_dim3A_1 = vector.broadcast %broadcast_in_dim3A : f32 to vector<16xf32>
    %swap3A = arith.constant 0 : i32
    %swap3A_2 = arith.index_cast %swap3A : i32 to index
    %swap3A_3 = arith.constant 0 : index
    %swap3A_4 = tpu.vector_load %arg6[%swap3A_2, %swap3A_3] {strides = array<i32>} : memref<16x16xf32, #tpu.memory_space<vmem>>, vector<1x16xf32>,
    %swap3A_5 = vector.shape_cast %swap3A_4 : vector<1x16xf32> to vector<16xf32>
    %swap3A_6 = vector.shape_cast %broadcast_in_dim3A_1 : vector<16xf32> to vector<1x16xf32>
    tpu.vector_store %arg6[%swap3A_2, %swap3A_3], %swap3A_6 {strides = array<i32>} : memref<16x16xf32, #tpu.memory_space<vmem>>, vector<1x16xf32>,
    %swap3A_7 = arith.constant 1 : i32
    %swap3A_8 = arith.index_cast %swap3A_7 : i32 to index
    %swap3A_9 = arith.constant 0 : index
    %swap3A_10 = tpu.vector_load %arg6[%swap3A_8, %swap3A_9] {strides = array<i32>} : memref<16x16xf32, #tpu.memory_space<vmem>>, vector<1x16xf32>,
    %swap3A_11 = vector.shape_cast %swap3A_10 : vector<1x16xf32> to vector<16xf32>
    %swap3A_12 = vector.shape_cast %broadcast_in_dim3A_1 : vector<16xf32> to vector<1x16xf32>
    tpu.vector_store %arg6[%swap3A_8, %swap3A_9], %swap3A_12 {strides = array<i32>} : memref<16x16xf32, #tpu.memory_space<vmem>>, vector<1x16xf32>,
    %swap3A_13 = arith.constant 2 : i32
    %swap3A_14 = arith.index_cast %swap3A_13 : i32 to index
    %swap3A_15 = arith.constant 0 : index
    %swap3A_16 = tpu.vector_load %arg6[%swap3A_14, %swap3A_15] {strides = array<i32>} : memref<16x16xf32, #tpu.memory_space<vmem>>, vector<1x16xf32>,
    %swap3A_17 = vector.shape_cast %swap3A_16 : vector<1x16xf32> to vector<16xf32>
    %swap3A_18 = vector.shape_cast %broadcast_in_dim3A_1 : vector<16xf32> to vector<1x16xf32>
    tpu.vector_store %arg6[%swap3A_14, %swap3A_15], %swap3A_18 {strides = array<i32>} : memref<16x16xf32, #tpu.memory_space<vmem>>, vector<1x16xf32>,
    %swap3A_19 = arith.constant 3 : i32
    %swap3A_20 = arith.index_cast %swap3A_19 : i32 to index
    %swap3A_21 = arith.constant 0 : index
    %swap3A_22 = tpu.vector_load %arg6[%swap3A_20, %swap3A_21] {strides = array<i32>} : memref<16x16xf32, #tpu.memory_space<vmem>>, vector<1x16xf32>,
    %swap3A_23 = vector.shape_cast %swap3A_22 : vector<1x16xf32> to vector<16xf32>
    %swap3A_24 = vector.shape_cast %broadcast_in_dim3A_1 : vector<16xf32> to vector<1x16xf32>
    tpu.vector_store %arg6[%swap3A_20, %swap3A_21], %swap3A_24 {strides = array<i32>} : memref<16x16xf32, #tpu.memory_space<vmem>>, vector<1x16xf32>,
    %swap3A_25 = arith.constant 4 : i32
    %swap3A_26 = arith.index_cast %swap3A_25 : i32 to index
    %swap3A_27 = arith.constant 0 : index
    %swap3A_28 = tpu.vector_load %arg6[%swap3A_26, %swap3A_27] {strides = array<i32>} : memref<16x16xf32, #tpu.memory_space<vmem>>, vector<1x16xf32>,
    %swap3A_29 = vector.shape_cast %swap3A_28 : vector<1x16xf32> to vector<16xf32>
    %swap3A_30 = vector.shape_cast %broadcast_in_dim3A_1 : vector<16xf32> to vector<1x16xf32>
    tpu.vector_store %arg6[%swap3A_26, %swap3A_27], %swap3A_30 {strides = array<i32>} : memref<16x16xf32, #tpu.memory_space<vmem>>, vector<1x16xf32>,
    %swap3A_31 = arith.constant 5 : i32
    %swap3A_32 = arith.index_cast %swap3A_31 : i32 to index
    %swap3A_33 = arith.constant 0 : index
    %swap3A_34 = tpu.vector_load %arg6[%swap3A_32, %swap3A_33] {strides = array<i32>} : memref<16x16xf32, #tpu.memory_space<vmem>>, vector<1x16xf32>,
    %swap3A_35 = vector.shape_cast %swap3A_34 : vector<1x16xf32> to vector<16xf32>
    %swap3A_36 = vector.shape_cast %broadcast_in_dim3A_1 : vector<16xf32> to vector<1x16xf32>
    tpu.vector_store %arg6[%swap3A_32, %swap3A_33], %swap3A_36 {strides = array<i32>} : memref<16x16xf32, #tpu.memory_space<vmem>>, vector<1x16xf32>,
    %swap3A_37 = arith.constant 6 : i32
    %swap3A_38 = arith.index_cast %swap3A_37 : i32 to index
    %swap3A_39 = arith.constant 0 : index
    %swap3A_40 = tpu.vector_load %arg6[%swap3A_38, %swap3A_39] {strides = array<i32>} : memref<16x16xf32, #tpu.memory_space<vmem>>, vector<1x16xf32>,
    %swap3A_41 = vector.shape_cast %swap3A_40 : vector<1x16xf32> to vector<16xf32>
    %swap3A_42 = vector.shape_cast %broadcast_in_dim3A_1 : vector<16xf32> to vector<1x16xf32>
    tpu.vector_store %arg6[%swap3A_38, %swap3A_39], %swap3A_42 {strides = array<i32>} : memref<16x16xf32, #tpu.memory_space<vmem>>, vector<1x16xf32>,
    %swap3A_43 = arith.constant 7 : i32
    %swap3A_44 = arith.index_cast %swap3A_43 : i32 to index
    %swap3A_45 = arith.constant 0 : index
    %swap3A_46 = tpu.vector_load %arg6[%swap3A_44, %swap3A_45] {strides = array<i32>} : memref<16x16xf32, #tpu.memory_space<vmem>>, vector<1x16xf32>,
    %swap3A_47 = vector.shape_cast %swap3A_46 : vector<1x16xf32> to vector<16xf32>
    %swap3A_48 = vector.shape_cast %broadcast_in_dim3A_1 : vector<16xf32> to vector<1x16xf32>
    tpu.vector_store %arg6[%swap3A_44, %swap3A_45], %swap3A_48 {strides = array<i32>} : memref<16x16xf32, #tpu.memory_space<vmem>>, vector<1x16xf32>,
    %swap3A_49 = arith.constant 8 : i32
    %swap3A_50 = arith.index_cast %swap3A_49 : i32 to index
    %swap3A_51 = arith.constant 0 : index
    %swap3A_52 = tpu.vector_load %arg6[%swap3A_50, %swap3A_51] {strides = array<i32>} : memref<16x16xf32, #tpu.memory_space<vmem>>, vector<1x16xf32>,
    %swap3A_53 = vector.shape_cast %swap3A_52 : vector<1x16xf32> to vector<16xf32>
    %swap3A_54 = vector.shape_cast %broadcast_in_dim3A_1 : vector<16xf32> to vector<1x16xf32>
    tpu.vector_store %arg6[%swap3A_50, %swap3A_51], %swap3A_54 {strides = array<i32>} : memref<16x16xf32, #tpu.memory_space<vmem>>, vector<1x16xf32>,
    %swap3A_55 = arith.constant 9 : i32
    %swap3A_56 = arith.index_cast %swap3A_55 : i32 to index
    %swap3A_57 = arith.constant 0 : index
    %swap3A_58 = tpu.vector_load %arg6[%swap3A_56, %swap3A_57] {strides = array<i32>} : memref<16x16xf32, #tpu.memory_space<vmem>>, vector<1x16xf32>,
    %swap3A_59 = vector.shape_cast %swap3A_58 : vector<1x16xf32> to vector<16xf32>
    %swap3A_60 = vector.shape_cast %broadcast_in_dim3A_1 : vector<16xf32> to vector<1x16xf32>
    tpu.vector_store %arg6[%swap3A_56, %swap3A_57], %swap3A_60 {strides = array<i32>} : memref<16x16xf32, #tpu.memory_space<vmem>>, vector<1x16xf32>,
    %swap3A_61 = arith.constant 10 : i32
    %swap3A_62 = arith.index_cast %swap3A_61 : i32 to index
    %swap3A_63 = arith.constant 0 : index
    %swap3A_64 = tpu.vector_load %arg6[%swap3A_62, %swap3A_63] {strides = array<i32>} : memref<16x16xf32, #tpu.memory_space<vmem>>, vector<1x16xf32>,
    %swap3A_65 = vector.shape_cast %swap3A_64 : vector<1x16xf32> to vector<16xf32>
    %swap3A_66 = vector.shape_cast %broadcast_in_dim3A_1 : vector<16xf32> to vector<1x16xf32>
    tpu.vector_store %arg6[%swap3A_62, %swap3A_63], %swap3A_66 {strides = array<i32>} : memref<16x16xf32, #tpu.memory_space<vmem>>, vector<1x16xf32>,
    %swap3A_67 = arith.constant 11 : i32
    %swap3A_68 = arith.index_cast %swap3A_67 : i32 to index
    %swap3A_69 = arith.constant 0 : index
    %swap3A_70 = tpu.vector_load %arg6[%swap3A_68, %swap3A_69] {strides = array<i32>} : memref<16x16xf32, #tpu.memory_space<vmem>>, vector<1x16xf32>,
    %swap3A_71 = vector.shape_cast %swap3A_70 : vector<1x16xf32> to vector<16xf32>
    %swap3A_72 = vector.shape_cast %broadcast_in_dim3A_1 : vector<16xf32> to vector<1x16xf32>
    tpu.vector_store %arg6[%swap3A_68, %swap3A_69], %swap3A_72 {strides = array<i32>} : memref<16x16xf32, #tpu.memory_space<vmem>>, vector<1x16xf32>,
    %swap3A_73 = arith.constant 12 : i32
    %swap3A_74 = arith.index_cast %swap3A_73 : i32 to index
    %swap3A_75 = arith.constant 0 : index
    %swap3A_76 = tpu.vector_load %arg6[%swap3A_74, %swap3A_75] {strides = array<i32>} : memref<16x16xf32, #tpu.memory_space<vmem>>, vector<1x16xf32>,
    %swap3A_77 = vector.shape_cast %swap3A_76 : vector<1x16xf32> to vector<16xf32>
    %swap3A_78 = vector.shape_cast %broadcast_in_dim3A_1 : vector<16xf32> to vector<1x16xf32>
    tpu.vector_store %arg6[%swap3A_74, %swap3A_75], %swap3A_78 {strides = array<i32>} : memref<16x16xf32, #tpu.memory_space<vmem>>, vector<1x16xf32>,
    %swap3A_79 = arith.constant 13 : i32
    %swap3A_80 = arith.index_cast %swap3A_79 : i32 to index
    %swap3A_81 = arith.constant 0 : index
    %swap3A_82 = tpu.vector_load %arg6[%swap3A_80, %swap3A_81] {strides = array<i32>} : memref<16x16xf32, #tpu.memory_space<vmem>>, vector<1x16xf32>,
    %swap3A_83 = vector.shape_cast %swap3A_82 : vector<1x16xf32> to vector<16xf32>
    %swap3A_84 = vector.shape_cast %broadcast_in_dim3A_1 : vector<16xf32> to vector<1x16xf32>
    tpu.vector_store %arg6[%swap3A_80, %swap3A_81], %swap3A_84 {strides = array<i32>} : memref<16x16xf32, #tpu.memory_space<vmem>>, vector<1x16xf32>,
    %swap3A_85 = arith.constant 14 : i32
    %swap3A_86 = arith.index_cast %swap3A_85 : i32 to index
    %swap3A_87 = arith.constant 0 : index
    %swap3A_88 = tpu.vector_load %arg6[%swap3A_86, %swap3A_87] {strides = array<i32>} : memref<16x16xf32, #tpu.memory_space<vmem>>, vector<1x16xf32>,
    %swap3A_89 = vector.shape_cast %swap3A_88 : vector<1x16xf32> to vector<16xf32>
    %swap3A_90 = vector.shape_cast %broadcast_in_dim3A_1 : vector<16xf32> to vector<1x16xf32>
    tpu.vector_store %arg6[%swap3A_86, %swap3A_87], %swap3A_90 {strides = array<i32>} : memref<16x16xf32, #tpu.memory_space<vmem>>, vector<1x16xf32>,
    %swap3A_91 = arith.constant 15 : i32
    %swap3A_92 = arith.index_cast %swap3A_91 : i32 to index
    %swap3A_93 = arith.constant 0 : index
    %swap3A_94 = tpu.vector_load %arg6[%swap3A_92, %swap3A_93] {strides = array<i32>} : memref<16x16xf32, #tpu.memory_space<vmem>>, vector<1x16xf32>,
    %swap3A_95 = vector.shape_cast %swap3A_94 : vector<1x16xf32> to vector<16xf32>
    %swap3A_96 = vector.shape_cast %broadcast_in_dim3A_1 : vector<16xf32> to vector<1x16xf32>
    tpu.vector_store %arg6[%swap3A_92, %swap3A_93], %swap3A_96 {strides = array<i32>} : memref<16x16xf32, #tpu.memory_space<vmem>>, vector<1x16xf32>,
    %broadcast_in_dim3A_97 = arith.constant 1.000000e+00 : f32
    %broadcast_in_dim3A_98 = vector.broadcast %broadcast_in_dim3A_97 : f32 to vector<16xf32>
    %swap3A_99 = arith.constant 0 : i32
    %swap3A_100 = arith.index_cast %swap3A_99 : i32 to index
    %swap3A_101 = arith.constant 0 : index
    %swap3A_102 = tpu.vector_load %arg5[%swap3A_100, %swap3A_101] {strides = array<i32>} : memref<128x16xf32, #tpu.memory_space<vmem>>, vector<1x16xf32>,
    %swap3A_103 = vector.shape_cast %swap3A_102 : vector<1x16xf32> to vector<16xf32>
    %swap3A_104 = vector.shape_cast %broadcast_in_dim3A_98 : vector<16xf32> to vector<1x16xf32>
    tpu.vector_store %arg5[%swap3A_100, %swap3A_101], %swap3A_104 {strides = array<i32>} : memref<128x16xf32, #tpu.memory_space<vmem>>, vector<1x16xf32>,
    %swap3A_105 = arith.constant 1 : i32
    %swap3A_106 = arith.index_cast %swap3A_105 : i32 to index
    %swap3A_107 = arith.constant 0 : index
    %swap3A_108 = tpu.vector_load %arg5[%swap3A_106, %swap3A_107] {strides = array<i32>} : memref<128x16xf32, #tpu.memory_space<vmem>>, vector<1x16xf32>,
    %swap3A_109 = vector.shape_cast %swap3A_108 : vector<1x16xf32> to vector<16xf32>
    %swap3A_110 = vector.shape_cast %broadcast_in_dim3A_98 : vector<16xf32> to vector<1x16xf32>
    tpu.vector_store %arg5[%swap3A_106, %swap3A_107], %swap3A_110 {strides = array<i32>} : memref<128x16xf32, #tpu.memory_space<vmem>>, vector<1x16xf32>,
    %swap3A_111 = arith.constant 2 : i32
    %swap3A_112 = arith.index_cast %swap3A_111 : i32 to index
    %swap3A_113 = arith.constant 0 : index
    %swap3A_114 = tpu.vector_load %arg5[%swap3A_112, %swap3A_113] {strides = array<i32>} : memref<128x16xf32, #tpu.memory_space<vmem>>, vector<1x16xf32>,
    %swap3A_115 = vector.shape_cast %swap3A_114 : vector<1x16xf32> to vector<16xf32>
    %swap3A_116 = vector.shape_cast %broadcast_in_dim3A_98 : vector<16xf32> to vector<1x16xf32>
    tpu.vector_store %arg5[%swap3A_112, %swap3A_113], %swap3A_116 {strides = array<i32>} : memref<128x16xf32, #tpu.memory_space<vmem>>, vector<1x16xf32>,
    %swap3A_117 = arith.constant 3 : i32
    %swap3A_118 = arith.index_cast %swap3A_117 : i32 to index
    %swap3A_119 = arith.constant 0 : index
    %swap3A_120 = tpu.vector_load %arg5[%swap3A_118, %swap3A_119] {strides = array<i32>} : memref<128x16xf32, #tpu.memory_space<vmem>>, vector<1x16xf32>,
    %swap3A_121 = vector.shape_cast %swap3A_120 : vector<1x16xf32> to vector<16xf32>
    %swap3A_122 = vector.shape_cast %broadcast_in_dim3A_98 : vector<16xf32> to vector<1x16xf32>
    tpu.vector_store %arg5[%swap3A_118, %swap3A_119], %swap3A_122 {strides = array<i32>} : memref<128x16xf32, #tpu.memory_space<vmem>>, vector<1x16xf32>,
    %swap3A_123 = arith.constant 4 : i32
    %swap3A_124 = arith.index_cast %swap3A_123 : i32 to index
    %swap3A_125 = arith.constant 0 : index
    %swap3A_126 = tpu.vector_load %arg5[%swap3A_124, %swap3A_125] {strides = array<i32>} : memref<128x16xf32, #tpu.memory_space<vmem>>, vector<1x16xf32>,
    %swap3A_127 = vector.shape_cast %swap3A_126 : vector<1x16xf32> to vector<16xf32>
    %swap3A_128 = vector.shape_cast %broadcast_in_dim3A_98 : vector<16xf32> to vector<1x16xf32>
    tpu.vector_store %arg5[%swap3A_124, %swap3A_125], %swap3A_128 {strides = array<i32>} : memref<128x16xf32, #tpu.memory_space<vmem>>, vector<1x16xf32>,
    %swap3A_129 = arith.constant 5 : i32
    %swap3A_130 = arith.index_cast %swap3A_129 : i32 to index
    %swap3A_131 = arith.constant 0 : index
    %swap3A_132 = tpu.vector_load %arg5[%swap3A_130, %swap3A_131] {strides = array<i32>} : memref<128x16xf32, #tpu.memory_space<vmem>>, vector<1x16xf32>,
    %swap3A_133 = vector.shape_cast %swap3A_132 : vector<1x16xf32> to vector<16xf32>
    %swap3A_134 = vector.shape_cast %broadcast_in_dim3A_98 : vector<16xf32> to vector<1x16xf32>
    tpu.vector_store %arg5[%swap3A_130, %swap3A_131], %swap3A_134 {strides = array<i32>} : memref<128x16xf32, #tpu.memory_space<vmem>>, vector<1x16xf32>,
    %swap3A_135 = arith.constant 6 : i32
    %swap3A_136 = arith.index_cast %swap3A_135 : i32 to index
    %swap3A_137 = arith.constant 0 : index
    %swap3A_138 = tpu.vector_load %arg5[%swap3A_136, %swap3A_137] {strides = array<i32>} : memref<128x16xf32, #tpu.memory_space<vmem>>, vector<1x16xf32>,
    %swap3A_139 = vector.shape_cast %swap3A_138 : vector<1x16xf32> to vector<16xf32>
    %swap3A_140 = vector.shape_cast %broadcast_in_dim3A_98 : vector<16xf32> to vector<1x16xf32>
    tpu.vector_store %arg5[%swap3A_136, %swap3A_137], %swap3A_140 {strides = array<i32>} : memref<128x16xf32, #tpu.memory_space<vmem>>, vector<1x16xf32>,
    %swap3A_141 = arith.constant 7 : i32
    %swap3A_142 = arith.index_cast %swap3A_141 : i32 to index
    %swap3A_143 = arith.constant 0 : index
    %swap3A_144 = tpu.vector_load %arg5[%swap3A_142, %swap3A_143] {strides = array<i32>} : memref<128x16xf32, #tpu.memory_space<vmem>>, vector<1x16xf32>,
    %swap3A_145 = vector.shape_cast %swap3A_144 : vector<1x16xf32> to vector<16xf32>
    %swap3A_146 = vector.shape_cast %broadcast_in_dim3A_98 : vector<16xf32> to vector<1x16xf32>
    tpu.vector_store %arg5[%swap3A_142, %swap3A_143], %swap3A_146 {strides = array<i32>} : memref<128x16xf32, #tpu.memory_space<vmem>>, vector<1x16xf32>,
    %swap3A_147 = arith.constant 8 : i32
    %swap3A_148 = arith.index_cast %swap3A_147 : i32 to index
    %swap3A_149 = arith.constant 0 : index
    %swap3A_150 = tpu.vector_load %arg5[%swap3A_148, %swap3A_149] {strides = array<i32>} : memref<128x16xf32, #tpu.memory_space<vmem>>, vector<1x16xf32>,
    %swap3A_151 = vector.shape_cast %swap3A_150 : vector<1x16xf32> to vector<16xf32>
    %swap3A_152 = vector.shape_cast %broadcast_in_dim3A_98 : vector<16xf32> to vector<1x16xf32>
    tpu.vector_store %arg5[%swap3A_148, %swap3A_149], %swap3A_152 {strides = array<i32>} : memref<128x16xf32, #tpu.memory_space<vmem>>, vector<1x16xf32>,
    %swap3A_153 = arith.constant 9 : i32
    %swap3A_154 = arith.index_cast %swap3A_153 : i32 to index
    %swap3A_155 = arith.constant 0 : index
    %swap3A_156 = tpu.vector_load %arg5[%swap3A_154, %swap3A_155] {strides = array<i32>} : memref<128x16xf32, #tpu.memory_space<vmem>>, vector<1x16xf32>,
    %swap3A_157 = vector.shape_cast %swap3A_156 : vector<1x16xf32> to vector<16xf32>
    %swap3A_158 = vector.shape_cast %broadcast_in_dim3A_98 : vector<16xf32> to vector<1x16xf32>
    tpu.vector_store %arg5[%swap3A_154, %swap3A_155], %swap3A_158 {strides = array<i32>} : memref<128x16xf32, #tpu.memory_space<vmem>>, vector<1x16xf32>,
    %swap3A_159 = arith.constant 10 : i32
    %swap3A_160 = arith.index_cast %swap3A_159 : i32 to index
    %swap3A_161 = arith.constant 0 : index
    %swap3A_162 = tpu.vector_load %arg5[%swap3A_160, %swap3A_161] {strides = array<i32>} : memref<128x16xf32, #tpu.memory_space<vmem>>, vector<1x16xf32>,
    %swap3A_163 = vector.shape_cast %swap3A_162 : vector<1x16xf32> to vector<16xf32>
    %swap3A_164 = vector.shape_cast %broadcast_in_dim3A_98 : vector<16xf32> to vector<1x16xf32>
    tpu.vector_store %arg5[%swap3A_160, %swap3A_161], %swap3A_164 {strides = array<i32>} : memref<128x16xf32, #tpu.memory_space<vmem>>, vector<1x16xf32>,
    %swap3A_165 = arith.constant 11 : i32
    %swap3A_166 = arith.index_cast %swap3A_165 : i32 to index
    %swap3A_167 = arith.constant 0 : index
    %swap3A_168 = tpu.vector_load %arg5[%swap3A_166, %swap3A_167] {strides = array<i32>} : memref<128x16xf32, #tpu.memory_space<vmem>>, vector<1x16xf32>,
    %swap3A_169 = vector.shape_cast %swap3A_168 : vector<1x16xf32> to vector<16xf32>
    %swap3A_170 = vector.shape_cast %broadcast_in_dim3A_98 : vector<16xf32> to vector<1x16xf32>
    tpu.vector_store %arg5[%swap3A_166, %swap3A_167], %swap3A_170 {strides = array<i32>} : memref<128x16xf32, #tpu.memory_space<vmem>>, vector<1x16xf32>,
    %swap3A_171 = arith.constant 12 : i32
    %swap3A_172 = arith.index_cast %swap3A_171 : i32 to index
    %swap3A_173 = arith.constant 0 : index
    %swap3A_174 = tpu.vector_load %arg5[%swap3A_172, %swap3A_173] {strides = array<i32>} : memref<128x16xf32, #tpu.memory_space<vmem>>, vector<1x16xf32>,
    %swap3A_175 = vector.shape_cast %swap3A_174 : vector<1x16xf32> to vector<16xf32>
    %swap3A_176 = vector.shape_cast %broadcast_in_dim3A_98 : vector<16xf32> to vector<1x16xf32>
    tpu.vector_store %arg5[%swap3A_172, %swap3A_173], %swap3A_176 {strides = array<i32>} : memref<128x16xf32, #tpu.memory_space<vmem>>, vector<1x16xf32>,
    %swap3A_177 = arith.constant 13 : i32
    %swap3A_178 = arith.index_cast %swap3A_177 : i32 to index
    %swap3A_179 = arith.constant 0 : index
    %swap3A_180 = tpu.vector_load %arg5[%swap3A_178, %swap3A_179] {strides = array<i32>} : memref<128x16xf32, #tpu.memory_space<vmem>>, vector<1x16xf32>,
    %swap3A_181 = vector.shape_cast %swap3A_180 : vector<1x16xf32> to vector<16xf32>
    %swap3A_182 = vector.shape_cast %broadcast_in_dim3A_98 : vector<16xf32> to vector<1x16xf32>
    tpu.vector_store %arg5[%swap3A_178, %swap3A_179], %swap3A_182 {strides = array<i32>} : memref<128x16xf32, #tpu.memory_space<vmem>>, vector<1x16xf32>,
    %swap3A_183 = arith.constant 14 : i32
    %swap3A_184 = arith.index_cast %swap3A_183 : i32 to index
    %swap3A_185 = arith.constant 0 : index
    %swap3A_186 = tpu.vector_load %arg5[%swap3A_184, %swap3A_185] {strides = array<i32>} : memref<128x16xf32, #tpu.memory_space<vmem>>, vector<1x16xf32>,
    %swap3A_187 = vector.shape_cast %swap3A_186 : vector<1x16xf32> to vector<16xf32>
    %swap3A_188 = vector.shape_cast %broadcast_in_dim3A_98 : vector<16xf32> to vector<1x16xf32>
    tpu.vector_store %arg5[%swap3A_184, %swap3A_185], %swap3A_188 {strides = array<i32>} : memref<128x16xf32, #tpu.memory_space<vmem>>, vector<1x16xf32>,
    %swap3A_189 = arith.constant 15 : i32
    %swap3A_190 = arith.index_cast %swap3A_189 : i32 to index
    %swap3A_191 = arith.constant 0 : index
    %swap3A_192 = tpu.vector_load %arg5[%swap3A_190, %swap3A_191] {strides = array<i32>} : memref<128x16xf32, #tpu.memory_space<vmem>>, vector<1x16xf32>,
    %swap3A_193 = vector.shape_cast %swap3A_192 : vector<1x16xf32> to vector<16xf32>
    %swap3A_194 = vector.shape_cast %broadcast_in_dim3A_98 : vector<16xf32> to vector<1x16xf32>
    tpu.vector_store %arg5[%swap3A_190, %swap3A_191], %swap3A_194 {strides = array<i32>} : memref<128x16xf32, #tpu.memory_space<vmem>>, vector<1x16xf32>,
    %swap3A_195 = arith.constant 16 : i32
    %swap3A_196 = arith.index_cast %swap3A_195 : i32 to index
    %swap3A_197 = arith.constant 0 : index
    %swap3A_198 = tpu.vector_load %arg5[%swap3A_196, %swap3A_197] {strides = array<i32>} : memref<128x16xf32, #tpu.memory_space<vmem>>, vector<1x16xf32>,
    %swap3A_199 = vector.shape_cast %swap3A_198 : vector<1x16xf32> to vector<16xf32>
    %swap3A_200 = vector.shape_cast %broadcast_in_dim3A_98 : vector<16xf32> to vector<1x16xf32>
    tpu.vector_store %arg5[%swap3A_196, %swap3A_197], %swap3A_200 {strides = array<i32>} : memref<128x16xf32, #tpu.memory_space<vmem>>, vector<1x16xf32>,
    %swap3A_201 = arith.constant 17 : i32
    %swap3A_202 = arith.index_cast %swap3A_201 : i32 to index
    %swap3A_203 = arith.constant 0 : index
    %swap3A_204 = tpu.vector_load %arg5[%swap3A_202, %swap3A_203] {strides = array<i32>} : memref<128x16xf32, #tpu.memory_space<vmem>>, vector<1x16xf32>,
    %swap3A_205 = vector.shape_cast %swap3A_204 : vector<1x16xf32> to vector<16xf32>
    %swap3A_206 = vector.shape_cast %broadcast_in_dim3A_98 : vector<16xf32> to vector<1x16xf32>
    tpu.vector_store %arg5[%swap3A_202, %swap3A_203], %swap3A_206 {strides = array<i32>} : memref<128x16xf32, #tpu.memory_space<vmem>>, vector<1x16xf32>,
    %swap3A_207 = arith.constant 18 : i32
    %swap3A_208 = arith.index_cast %swap3A_207 : i32 to index
    %swap3A_209 = arith.constant 0 : index
    %swap3A_210 = tpu.vector_load %arg5[%swap3A_208, %swap3A_209] {strides = array<i32>} : memref<128x16xf32, #tpu.memory_space<vmem>>, vector<1x16xf32>,
    %swap3A_211 = vector.shape_cast %swap3A_210 : vector<1x16xf32> to vector<16xf32>
    %swap3A_212 = vector.shape_cast %broadcast_in_dim3A_98 : vector<16xf32> to vector<1x16xf32>
    tpu.vector_store %arg5[%swap3A_208, %swap3A_209], %swap3A_212 {strides = array<i32>} : memref<128x16xf32, #tpu.memory_space<vmem>>, vector<1x16xf32>,
    %swap3A_213 = arith.constant 19 : i32
    %swap3A_214 = arith.index_cast %swap3A_213 : i32 to index
    %swap3A_215 = arith.constant 0 : index
    %swap3A_216 = tpu.vector_load %arg5[%swap3A_214, %swap3A_215] {strides = array<i32>} : memref<128x16xf32, #tpu.memory_space<vmem>>, vector<1x16xf32>,
    %swap3A_217 = vector.shape_cast %swap3A_216 : vector<1x16xf32> to vector<16xf32>
    %swap3A_218 = vector.shape_cast %broadcast_in_dim3A_98 : vector<16xf32> to vector<1x16xf32>
    tpu.vector_store %arg5[%swap3A_214, %swap3A_215], %swap3A_218 {strides = array<i32>} : memref<128x16xf32, #tpu.memory_space<vmem>>, vector<1x16xf32>,
    %swap3A_219 = arith.constant 20 : i32
    %swap3A_220 = arith.index_cast %swap3A_219 : i32 to index
    %swap3A_221 = arith.constant 0 : index
    %swap3A_222 = tpu.vector_load %arg5[%swap3A_220, %swap3A_221] {strides = array<i32>} : memref<128x16xf32, #tpu.memory_space<vmem>>, vector<1x16xf32>,
    %swap3A_223 = vector.shape_cast %swap3A_222 : vector<1x16xf32> to vector<16xf32>
    %swap3A_224 = vector.shape_cast %broadcast_in_dim3A_98 : vector<16xf32> to vector<1x16xf32>
    tpu.vector_store %arg5[%swap3A_220, %swap3A_221], %swap3A_224 {strides = array<i32>} : memref<128x16xf32, #tpu.memory_space<vmem>>, vector<1x16xf32>,
    %swap3A_225 = arith.constant 21 : i32
    %swap3A_226 = arith.index_cast %swap3A_225 : i32 to index
    %swap3A_227 = arith.constant 0 : index
    %swap3A_228 = tpu.vector_load %arg5[%swap3A_226, %swap3A_227] {strides = array<i32>} : memref<128x16xf32, #tpu.memory_space<vmem>>, vector<1x16xf32>,
    %swap3A_229 = vector.shape_cast %swap3A_228 : vector<1x16xf32> to vector<16xf32>
    %swap3A_230 = vector.shape_cast %broadcast_in_dim3A_98 : vector<16xf32> to vector<1x16xf32>
    tpu.vector_store %arg5[%swap3A_226, %swap3A_227], %swap3A_230 {strides = array<i32>} : memref<128x16xf32, #tpu.memory_space<vmem>>, vector<1x16xf32>,
    %swap3A_231 = arith.constant 22 : i32
    %swap3A_232 = arith.index_cast %swap3A_231 : i32 to index
    %swap3A_233 = arith.constant 0 : index
    %swap3A_234 = tpu.vector_load %arg5[%swap3A_232, %swap3A_233] {strides = array<i32>} : memref<128x16xf32, #tpu.memory_space<vmem>>, vector<1x16xf32>,
    %swap3A_235 = vector.shape_cast %swap3A_234 : vector<1x16xf32> to vector<16xf32>
    %swap3A_236 = vector.shape_cast %broadcast_in_dim3A_98 : vector<16xf32> to vector<1x16xf32>
    tpu.vector_store %arg5[%swap3A_232, %swap3A_233], %swap3A_236 {strides = array<i32>} : memref<128x16xf32, #tpu.memory_space<vmem>>, vector<1x16xf32>,
    %swap3A_237 = arith.constant 23 : i32
    %swap3A_238 = arith.index_cast %swap3A_237 : i32 to index
    %swap3A_239 = arith.constant 0 : index
    %swap3A_240 = tpu.vector_load %arg5[%swap3A_238, %swap3A_239] {strides = array<i32>} : memref<128x16xf32, #tpu.memory_space<vmem>>, vector<1x16xf32>,
    %swap3A_241 = vector.shape_cast %swap3A_240 : vector<1x16xf32> to vector<16xf32>
    %swap3A_242 = vector.shape_cast %broadcast_in_dim3A_98 : vector<16xf32> to vector<1x16xf32>
    tpu.vector_store %arg5[%swap3A_238, %swap3A_239], %swap3A_242 {strides = array<i32>} : memref<128x16xf32, #tpu.memory_space<vmem>>, vector<1x16xf32>,
    %swap3A_243 = arith.constant 24 : i32
    %swap3A_244 = arith.index_cast %swap3A_243 : i32 to index
    %swap3A_245 = arith.constant 0 : index
    %swap3A_246 = tpu.vector_load %arg5[%swap3A_244, %swap3A_245] {strides = array<i32>} : memref<128x16xf32, #tpu.memory_space<vmem>>, vector<1x16xf32>,
    %swap3A_247 = vector.shape_cast %swap3A_246 : vector<1x16xf32> to vector<16xf32>
    %swap3A_248 = vector.shape_cast %broadcast_in_dim3A_98 : vector<16xf32> to vector<1x16xf32>
    tpu.vector_store %arg5[%swap3A_244, %swap3A_245], %swap3A_248 {strides = array<i32>} : memref<128x16xf32, #tpu.memory_space<vmem>>, vector<1x16xf32>,
    %swap3A_249 = arith.constant 25 : i32
    %swap3A_250 = arith.index_cast %swap3A_249 : i32 to index
    %swap3A_251 = arith.constant 0 : index
    %swap3A_252 = tpu.vector_load %arg5[%swap3A_250, %swap3A_251] {strides = array<i32>} : memref<128x16xf32, #tpu.memory_space<vmem>>, vector<1x16xf32>,
    %swap3A_253 = vector.shape_cast %swap3A_252 : vector<1x16xf32> to vector<16xf32>
    %swap3A_254 = vector.shape_cast %broadcast_in_dim3A_98 : vector<16xf32> to vector<1x16xf32>
    tpu.vector_store %arg5[%swap3A_250, %swap3A_251], %swap3A_254 {strides = array<i32>} : memref<128x16xf32, #tpu.memory_space<vmem>>, vector<1x16xf32>,
    %swap3A_255 = arith.constant 26 : i32
    %swap3A_256 = arith.index_cast %swap3A_255 : i32 to index
    %swap3A_257 = arith.constant 0 : index
    %swap3A_258 = tpu.vector_load %arg5[%swap3A_256, %swap3A_257] {strides = array<i32>} : memref<128x16xf32, #tpu.memory_space<vmem>>, vector<1x16xf32>,
    %swap3A_259 = vector.shape_cast %swap3A_258 : vector<1x16xf32> to vector<16xf32>
    %swap3A_260 = vector.shape_cast %broadcast_in_dim3A_98 : vector<16xf32> to vector<1x16xf32>
    tpu.vector_store %arg5[%swap3A_256, %swap3A_257], %swap3A_260 {strides = array<i32>} : memref<128x16xf32, #tpu.memory_space<vmem>>, vector<1x16xf32>,
    %swap3A_261 = arith.constant 27 : i32
    %swap3A_262 = arith.index_cast %swap3A_261 : i32 to index
    %swap3A_263 = arith.constant 0 : index
    %swap3A_264 = tpu.vector_load %arg5[%swap3A_262, %swap3A_263] {strides = array<i32>} : memref<128x16xf32, #tpu.memory_space<vmem>>, vector<1x16xf32>,
    %swap3A_265 = vector.shape_cast %swap3A_264 : vector<1x16xf32> to vector<16xf32>
    %swap3A_266 = vector.shape_cast %broadcast_in_dim3A_98 : vector<16xf32> to vector<1x16xf32>
    tpu.vector_store %arg5[%swap3A_262, %swap3A_263], %swap3A_266 {strides = array<i32>} : memref<128x16xf32, #tpu.memory_space<vmem>>, vector<1x16xf32>,
    %swap3A_267 = arith.constant 28 : i32
    %swap3A_268 = arith.index_cast %swap3A_267 : i32 to index
    %swap3A_269 = arith.constant 0 : index
    %swap3A_270 = tpu.vector_load %arg5[%swap3A_268, %swap3A_269] {strides = array<i32>} : memref<128x16xf32, #tpu.memory_space<vmem>>, vector<1x16xf32>,
    %swap3A_271 = vector.shape_cast %swap3A_270 : vector<1x16xf32> to vector<16xf32>
    %swap3A_272 = vector.shape_cast %broadcast_in_dim3A_98 : vector<16xf32> to vector<1x16xf32>
    tpu.vector_store %arg5[%swap3A_268, %swap3A_269], %swap3A_272 {strides = array<i32>} : memref<128x16xf32, #tpu.memory_space<vmem>>, vector<1x16xf32>,
    %swap3A_273 = arith.constant 29 : i32
    %swap3A_274 = arith.index_cast %swap3A_273 : i32 to index
    %swap3A_275 = arith.constant 0 : index
    %swap3A_276 = tpu.vector_load %arg5[%swap3A_274, %swap3A_275] {strides = array<i32>} : memref<128x16xf32, #tpu.memory_space<vmem>>, vector<1x16xf32>,
    %swap3A_277 = vector.shape_cast %swap3A_276 : vector<1x16xf32> to vector<16xf32>
    %swap3A_278 = vector.shape_cast %broadcast_in_dim3A_98 : vector<16xf32> to vector<1x16xf32>
    tpu.vector_store %arg5[%swap3A_274, %swap3A_275], %swap3A_278 {strides = array<i32>} : memref<128x16xf32, #tpu.memory_space<vmem>>, vector<1x16xf32>,
    %swap3A_279 = arith.constant 30 : i32
    %swap3A_280 = arith.index_cast %swap3A_279 : i32 to index
    %swap3A_281 = arith.constant 0 : index
    %swap3A_282 = tpu.vector_load %arg5[%swap3A_280, %swap3A_281] {strides = array<i32>} : memref<128x16xf32, #tpu.memory_space<vmem>>, vector<1x16xf32>,
    %swap3A_283 = vector.shape_cast %swap3A_282 : vector<1x16xf32> to vector<16xf32>
    %swap3A_284 = vector.shape_cast %broadcast_in_dim3A_98 : vector<16xf32> to vector<1x16xf32>
    tpu.vector_store %arg5[%swap3A_280, %swap3A_281], %swap3A_284 {strides = array<i32>} : memref<128x16xf32, #tpu.memory_space<vmem>>, vector<1x16xf32>,
    %swap3A_285 = arith.constant 31 : i32
    %swap3A_286 = arith.index_cast %swap3A_285 : i32 to index
    %swap3A_287 = arith.constant 0 : index
    %swap3A_288 = tpu.vector_load %arg5[%swap3A_286, %swap3A_287] {strides = array<i32>} : memref<128x16xf32, #tpu.memory_space<vmem>>, vector<1x16xf32>,
    %swap3A_289 = vector.shape_cast %swap3A_288 : vector<1x16xf32> to vector<16xf32>
    %swap3A_290 = vector.shape_cast %broadcast_in_dim3A_98 : vector<16xf32> to vector<1x16xf32>
    tpu.vector_store %arg5[%swap3A_286, %swap3A_287], %swap3A_290 {strides = array<i32>} : memref<128x16xf32, #tpu.memory_space<vmem>>, vector<1x16xf32>,
    %swap3A_291 = arith.constant 32 : i32
    %swap3A_292 = arith.index_cast %swap3A_291 : i32 to index
    %swap3A_293 = arith.constant 0 : index
    %swap3A_294 = tpu.vector_load %arg5[%swap3A_292, %swap3A_293] {strides = array<i32>} : memref<128x16xf32, #tpu.memory_space<vmem>>, vector<1x16xf32>,
    %swap3A_295 = vector.shape_cast %swap3A_294 : vector<1x16xf32> to vector<16xf32>
    %swap3A_296 = vector.shape_cast %broadcast_in_dim3A_98 : vector<16xf32> to vector<1x16xf32>
    tpu.vector_store %arg5[%swap3A_292, %swap3A_293], %swap3A_296 {strides = array<i32>} : memref<128x16xf32, #tpu.memory_space<vmem>>, vector<1x16xf32>,
    %swap3A_297 = arith.constant 33 : i32
    %swap3A_298 = arith.index_cast %swap3A_297 : i32 to index
    %swap3A_299 = arith.constant 0 : index
    %swap3A_300 = tpu.vector_load %arg5[%swap3A_298, %swap3A_299] {strides = array<i32>} : memref<128x16xf32, #tpu.memory_space<vmem>>, vector<1x16xf32>,
    %swap3A_301 = vector.shape_cast %swap3A_300 : vector<1x16xf32> to vector<16xf32>
    %swap3A_302 = vector.shape_cast %broadcast_in_dim3A_98 : vector<16xf32> to vector<1x16xf32>
    tpu.vector_store %arg5[%swap3A_298, %swap3A_299], %swap3A_302 {strides = array<i32>} : memref<128x16xf32, #tpu.memory_space<vmem>>, vector<1x16xf32>,
    %swap3A_303 = arith.constant 34 : i32
    %swap3A_304 = arith.index_cast %swap3A_303 : i32 to index
    %swap3A_305 = arith.constant 0 : index
    %swap3A_306 = tpu.vector_load %arg5[%swap3A_304, %swap3A_305] {strides = array<i32>} : memref<128x16xf32, #tpu.memory_space<vmem>>, vector<1x16xf32>,
    %swap3A_307 = vector.shape_cast %swap3A_306 : vector<1x16xf32> to vector<16xf32>
    %swap3A_308 = vector.shape_cast %broadcast_in_dim3A_98 : vector<16xf32> to vector<1x16xf32>
    tpu.vector_store %arg5[%swap3A_304, %swap3A_305], %swap3A_308 {strides = array<i32>} : memref<128x16xf32, #tpu.memory_space<vmem>>, vector<1x16xf32>,
    %swap3A_309 = arith.constant 35 : i32
    %swap3A_310 = arith.index_cast %swap3A_309 : i32 to index
    %swap3A_311 = arith.constant 0 : index
    %swap3A_312 = tpu.vector_load %arg5[%swap3A_310, %swap3A_311] {strides = array<i32>} : memref<128x16xf32, #tpu.memory_space<vmem>>, vector<1x16xf32>,
    %swap3A_313 = vector.shape_cast %swap3A_312 : vector<1x16xf32> to vector<16xf32>
    %swap3A_314 = vector.shape_cast %broadcast_in_dim3A_98 : vector<16xf32> to vector<1x16xf32>
    tpu.vector_store %arg5[%swap3A_310, %swap3A_311], %swap3A_314 {strides = array<i32>} : memref<128x16xf32, #tpu.memory_space<vmem>>, vector<1x16xf32>,
    %swap3A_315 = arith.constant 36 : i32
    %swap3A_316 = arith.index_cast %swap3A_315 : i32 to index
    %swap3A_317 = arith.constant 0 : index
    %swap3A_318 = tpu.vector_load %arg5[%swap3A_316, %swap3A_317] {strides = array<i32>} : memref<128x16xf32, #tpu.memory_space<vmem>>, vector<1x16xf32>,
    %swap3A_319 = vector.shape_cast %swap3A_318 : vector<1x16xf32> to vector<16xf32>
    %swap3A_320 = vector.shape_cast %broadcast_in_dim3A_98 : vector<16xf32> to vector<1x16xf32>
    tpu.vector_store %arg5[%swap3A_316, %swap3A_317], %swap3A_320 {strides = array<i32>} : memref<128x16xf32, #tpu.memory_space<vmem>>, vector<1x16xf32>,
    %swap3A_321 = arith.constant 37 : i32
    %swap3A_322 = arith.index_cast %swap3A_321 : i32 to index
    %swap3A_323 = arith.constant 0 : index
    %swap3A_324 = tpu.vector_load %arg5[%swap3A_322, %swap3A_323] {strides = array<i32>} : memref<128x16xf32, #tpu.memory_space<vmem>>, vector<1x16xf32>,
    %swap3A_325 = vector.shape_cast %swap3A_324 : vector<1x16xf32> to vector<16xf32>
    %swap3A_326 = vector.shape_cast %broadcast_in_dim3A_98 : vector<16xf32> to vector<1x16xf32>
    tpu.vector_store %arg5[%swap3A_322, %swap3A_323], %swap3A_326 {strides = array<i32>} : memref<128x16xf32, #tpu.memory_space<vmem>>, vector<1x16xf32>,
    %swap3A_327 = arith.constant 38 : i32
    %swap3A_328 = arith.index_cast %swap3A_327 : i32 to index
    %swap3A_329 = arith.constant 0 : index
    %swap3A_330 = tpu.vector_load %arg5[%swap3A_328, %swap3A_329] {strides = array<i32>} : memref<128x16xf32, #tpu.memory_space<vmem>>, vector<1x16xf32>,
    %swap3A_331 = vector.shape_cast %swap3A_330 : vector<1x16xf32> to vector<16xf32>
    %swap3A_332 = vector.shape_cast %broadcast_in_dim3A_98 : vector<16xf32> to vector<1x16xf32>
    tpu.vector_store %arg5[%swap3A_328, %swap3A_329], %swap3A_332 {strides = array<i32>} : memref<128x16xf32, #tpu.memory_space<vmem>>, vector<1x16xf32>,
    %swap3A_333 = arith.constant 39 : i32
    %swap3A_334 = arith.index_cast %swap3A_333 : i32 to index
    %swap3A_335 = arith.constant 0 : index
    %swap3A_336 = tpu.vector_load %arg5[%swap3A_334, %swap3A_335] {strides = array<i32>} : memref<128x16xf32, #tpu.memory_space<vmem>>, vector<1x16xf32>,
    %swap3A_337 = vector.shape_cast %swap3A_336 : vector<1x16xf32> to vector<16xf32>
    %swap3A_338 = vector.shape_cast %broadcast_in_dim3A_98 : vector<16xf32> to vector<1x16xf32>
    tpu.vector_store %arg5[%swap3A_334, %swap3A_335], %swap3A_338 {strides = array<i32>} : memref<128x16xf32, #tpu.memory_space<vmem>>, vector<1x16xf32>,
    %swap3A_339 = arith.constant 40 : i32
    %swap3A_340 = arith.index_cast %swap3A_339 : i32 to index
    %swap3A_341 = arith.constant 0 : index
    %swap3A_342 = tpu.vector_load %arg5[%swap3A_340, %swap3A_341] {strides = array<i32>} : memref<128x16xf32, #tpu.memory_space<vmem>>, vector<1x16xf32>,
    %swap3A_343 = vector.shape_cast %swap3A_342 : vector<1x16xf32> to vector<16xf32>
    %swap3A_344 = vector.shape_cast %broadcast_in_dim3A_98 : vector<16xf32> to vector<1x16xf32>
    tpu.vector_store %arg5[%swap3A_340, %swap3A_341], %swap3A_344 {strides = array<i32>} : memref<128x16xf32, #tpu.memory_space<vmem>>, vector<1x16xf32>,
    %swap3A_345 = arith.constant 41 : i32
    %swap3A_346 = arith.index_cast %swap3A_345 : i32 to index
    %swap3A_347 = arith.constant 0 : index
    %swap3A_348 = tpu.vector_load %arg5[%swap3A_346, %swap3A_347] {strides = array<i32>} : memref<128x16xf32, #tpu.memory_space<vmem>>, vector<1x16xf32>,
    %swap3A_349 = vector.shape_cast %swap3A_348 : vector<1x16xf32> to vector<16xf32>
    %swap3A_350 = vector.shape_cast %broadcast_in_dim3A_98 : vector<16xf32> to vector<1x16xf32>
    tpu.vector_store %arg5[%swap3A_346, %swap3A_347], %swap3A_350 {strides = array<i32>} : memref<128x16xf32, #tpu.memory_space<vmem>>, vector<1x16xf32>,
    %swap3A_351 = arith.constant 42 : i32
    %swap3A_352 = arith.index_cast %swap3A_351 : i32 to index
    %swap3A_353 = arith.constant 0 : index
    %swap3A_354 = tpu.vector_load %arg5[%swap3A_352, %swap3A_353] {strides = array<i32>} : memref<128x16xf32, #tpu.memory_space<vmem>>, vector<1x16xf32>,
    %swap3A_355 = vector.shape_cast %swap3A_354 : vector<1x16xf32> to vector<16xf32>
    %swap3A_356 = vector.shape_cast %broadcast_in_dim3A_98 : vector<16xf32> to vector<1x16xf32>
    tpu.vector_store %arg5[%swap3A_352, %swap3A_353], %swap3A_356 {strides = array<i32>} : memref<128x16xf32, #tpu.memory_space<vmem>>, vector<1x16xf32>,
    %swap3A_357 = arith.constant 43 : i32
    %swap3A_358 = arith.index_cast %swap3A_357 : i32 to index
    %swap3A_359 = arith.constant 0 : index
    %swap3A_360 = tpu.vector_load %arg5[%swap3A_358, %swap3A_359] {strides = array<i32>} : memref<128x16xf32, #tpu.memory_space<vmem>>, vector<1x16xf32>,
    %swap3A_361 = vector.shape_cast %swap3A_360 : vector<1x16xf32> to vector<16xf32>
    %swap3A_362 = vector.shape_cast %broadcast_in_dim3A_98 : vector<16xf32> to vector<1x16xf32>
    tpu.vector_store %arg5[%swap3A_358, %swap3A_359], %swap3A_362 {strides = array<i32>} : memref<128x16xf32, #tpu.memory_space<vmem>>, vector<1x16xf32>,
    %swap3A_363 = arith.constant 44 : i32
    %swap3A_364 = arith.index_cast %swap3A_363 : i32 to index
    %swap3A_365 = arith.constant 0 : index
    %swap3A_366 = tpu.vector_load %arg5[%swap3A_364, %swap3A_365] {strides = array<i32>} : memref<128x16xf32, #tpu.memory_space<vmem>>, vector<1x16xf32>,
    %swap3A_367 = vector.shape_cast %swap3A_366 : vector<1x16xf32> to vector<16xf32>
    %swap3A_368 = vector.shape_cast %broadcast_in_dim3A_98 : vector<16xf32> to vector<1x16xf32>
    tpu.vector_store %arg5[%swap3A_364, %swap3A_365], %swap3A_368 {strides = array<i32>} : memref<128x16xf32, #tpu.memory_space<vmem>>, vector<1x16xf32>,
    %swap3A_369 = arith.constant 45 : i32
    %swap3A_370 = arith.index_cast %swap3A_369 : i32 to index
    %swap3A_371 = arith.constant 0 : index
    %swap3A_372 = tpu.vector_load %arg5[%swap3A_370, %swap3A_371] {strides = array<i32>} : memref<128x16xf32, #tpu.memory_space<vmem>>, vector<1x16xf32>,
    %swap3A_373 = vector.shape_cast %swap3A_372 : vector<1x16xf32> to vector<16xf32>
    %swap3A_374 = vector.shape_cast %broadcast_in_dim3A_98 : vector<16xf32> to vector<1x16xf32>
    tpu.vector_store %arg5[%swap3A_370, %swap3A_371], %swap3A_374 {strides = array<i32>} : memref<128x16xf32, #tpu.memory_space<vmem>>, vector<1x16xf32>,
    %swap3A_375 = arith.constant 46 : i32
    %swap3A_376 = arith.index_cast %swap3A_375 : i32 to index
    %swap3A_377 = arith.constant 0 : index
    %swap3A_378 = tpu.vector_load %arg5[%swap3A_376, %swap3A_377] {strides = array<i32>} : memref<128x16xf32, #tpu.memory_space<vmem>>, vector<1x16xf32>,
    %swap3A_379 = vector.shape_cast %swap3A_378 : vector<1x16xf32> to vector<16xf32>
    %swap3A_380 = vector.shape_cast %broadcast_in_dim3A_98 : vector<16xf32> to vector<1x16xf32>
    tpu.vector_store %arg5[%swap3A_376, %swap3A_377], %swap3A_380 {strides = array<i32>} : memref<128x16xf32, #tpu.memory_space<vmem>>, vector<1x16xf32>,
    %swap3A_381 = arith.constant 47 : i32
    %swap3A_382 = arith.index_cast %swap3A_381 : i32 to index
    %swap3A_383 = arith.constant 0 : index
    %swap3A_384 = tpu.vector_load %arg5[%swap3A_382, %swap3A_383] {strides = array<i32>} : memref<128x16xf32, #tpu.memory_space<vmem>>, vector<1x16xf32>,
    %swap3A_385 = vector.shape_cast %swap3A_384 : vector<1x16xf32> to vector<16xf32>
    %swap3A_386 = vector.shape_cast %broadcast_in_dim3A_98 : vector<16xf32> to vector<1x16xf32>
    tpu.vector_store %arg5[%swap3A_382, %swap3A_383], %swap3A_386 {strides = array<i32>} : memref<128x16xf32, #tpu.memory_space<vmem>>, vector<1x16xf32>,
    %swap3A_387 = arith.constant 48 : i32
    %swap3A_388 = arith.index_cast %swap3A_387 : i32 to index
    %swap3A_389 = arith.constant 0 : index
    %swap3A_390 = tpu.vector_load %arg5[%swap3A_388, %swap3A_389] {strides = array<i32>} : memref<128x16xf32, #tpu.memory_space<vmem>>, vector<1x16xf32>,
    %swap3A_391 = vector.shape_cast %swap3A_390 : vector<1x16xf32> to vector<16xf32>
    %swap3A_392 = vector.shape_cast %broadcast_in_dim3A_98 : vector<16xf32> to vector<1x16xf32>
    tpu.vector_store %arg5[%swap3A_388, %swap3A_389], %swap3A_392 {strides = array<i32>} : memref<128x16xf32, #tpu.memory_space<vmem>>, vector<1x16xf32>,
    %swap3A_393 = arith.constant 49 : i32
    %swap3A_394 = arith.index_cast %swap3A_393 : i32 to index
    %swap3A_395 = arith.constant 0 : index
    %swap3A_396 = tpu.vector_load %arg5[%swap3A_394, %swap3A_395] {strides = array<i32>} : memref<128x16xf32, #tpu.memory_space<vmem>>, vector<1x16xf32>,
    %swap3A_397 = vector.shape_cast %swap3A_396 : vector<1x16xf32> to vector<16xf32>
    %swap3A_398 = vector.shape_cast %broadcast_in_dim3A_98 : vector<16xf32> to vector<1x16xf32>
    tpu.vector_store %arg5[%swap3A_394, %swap3A_395], %swap3A_398 {strides = array<i32>} : memref<128x16xf32, #tpu.memory_space<vmem>>, vector<1x16xf32>,
    %swap3A_399 = arith.constant 50 : i32
    %swap3A_400 = arith.index_cast %swap3A_399 : i32 to index
    %swap3A_401 = arith.constant 0 : index
    %swap3A_402 = tpu.vector_load %arg5[%swap3A_400, %swap3A_401] {strides = array<i32>} : memref<128x16xf32, #tpu.memory_space<vmem>>, vector<1x16xf32>,
    %swap3A_403 = vector.shape_cast %swap3A_402 : vector<1x16xf32> to vector<16xf32>
    %swap3A_404 = vector.shape_cast %broadcast_in_dim3A_98 : vector<16xf32> to vector<1x16xf32>
    tpu.vector_store %arg5[%swap3A_400, %swap3A_401], %swap3A_404 {strides = array<i32>} : memref<128x16xf32, #tpu.memory_space<vmem>>, vector<1x16xf32>,
    %swap3A_405 = arith.constant 51 : i32
    %swap3A_406 = arith.index_cast %swap3A_405 : i32 to index
    %swap3A_407 = arith.constant 0 : index
    %swap3A_408 = tpu.vector_load %arg5[%swap3A_406, %swap3A_407] {strides = array<i32>} : memref<128x16xf32, #tpu.memory_space<vmem>>, vector<1x16xf32>,
    %swap3A_409 = vector.shape_cast %swap3A_408 : vector<1x16xf32> to vector<16xf32>
    %swap3A_410 = vector.shape_cast %broadcast_in_dim3A_98 : vector<16xf32> to vector<1x16xf32>
    tpu.vector_store %arg5[%swap3A_406, %swap3A_407], %swap3A_410 {strides = array<i32>} : memref<128x16xf32, #tpu.memory_space<vmem>>, vector<1x16xf32>,
    %swap3A_411 = arith.constant 52 : i32
    %swap3A_412 = arith.index_cast %swap3A_411 : i32 to index
    %swap3A_413 = arith.constant 0 : index
    %swap3A_414 = tpu.vector_load %arg5[%swap3A_412, %swap3A_413] {strides = array<i32>} : memref<128x16xf32, #tpu.memory_space<vmem>>, vector<1x16xf32>,
    %swap3A_415 = vector.shape_cast %swap3A_414 : vector<1x16xf32> to vector<16xf32>
    %swap3A_416 = vector.shape_cast %broadcast_in_dim3A_98 : vector<16xf32> to vector<1x16xf32>
    tpu.vector_store %arg5[%swap3A_412, %swap3A_413], %swap3A_416 {strides = array<i32>} : memref<128x16xf32, #tpu.memory_space<vmem>>, vector<1x16xf32>,
    %swap3A_417 = arith.constant 53 : i32
    %swap3A_418 = arith.index_cast %swap3A_417 : i32 to index
    %swap3A_419 = arith.constant 0 : index
    %swap3A_420 = tpu.vector_load %arg5[%swap3A_418, %swap3A_419] {strides = array<i32>} : memref<128x16xf32, #tpu.memory_space<vmem>>, vector<1x16xf32>,
    %swap3A_421 = vector.shape_cast %swap3A_420 : vector<1x16xf32> to vector<16xf32>
    %swap3A_422 = vector.shape_cast %broadcast_in_dim3A_98 : vector<16xf32> to vector<1x16xf32>
    tpu.vector_store %arg5[%swap3A_418, %swap3A_419], %swap3A_422 {strides = array<i32>} : memref<128x16xf32, #tpu.memory_space<vmem>>, vector<1x16xf32>,
    %swap3A_423 = arith.constant 54 : i32
    %swap3A_424 = arith.index_cast %swap3A_423 : i32 to index
    %swap3A_425 = arith.constant 0 : index
    %swap3A_426 = tpu.vector_load %arg5[%swap3A_424, %swap3A_425] {strides = array<i32>} : memref<128x16xf32, #tpu.memory_space<vmem>>, vector<1x16xf32>,
    %swap3A_427 = vector.shape_cast %swap3A_426 : vector<1x16xf32> to vector<16xf32>
    %swap3A_428 = vector.shape_cast %broadcast_in_dim3A_98 : vector<16xf32> to vector<1x16xf32>
    tpu.vector_store %arg5[%swap3A_424, %swap3A_425], %swap3A_428 {strides = array<i32>} : memref<128x16xf32, #tpu.memory_space<vmem>>, vector<1x16xf32>,
    %swap3A_429 = arith.constant 55 : i32
    %swap3A_430 = arith.index_cast %swap3A_429 : i32 to index
    %swap3A_431 = arith.constant 0 : index
    %swap3A_432 = tpu.vector_load %arg5[%swap3A_430, %swap3A_431] {strides = array<i32>} : memref<128x16xf32, #tpu.memory_space<vmem>>, vector<1x16xf32>,
    %swap3A_433 = vector.shape_cast %swap3A_432 : vector<1x16xf32> to vector<16xf32>
    %swap3A_434 = vector.shape_cast %broadcast_in_dim3A_98 : vector<16xf32> to vector<1x16xf32>
    tpu.vector_store %arg5[%swap3A_430, %swap3A_431], %swap3A_434 {strides = array<i32>} : memref<128x16xf32, #tpu.memory_space<vmem>>, vector<1x16xf32>,
    %swap3A_435 = arith.constant 56 : i32
    %swap3A_436 = arith.index_cast %swap3A_435 : i32 to index
    %swap3A_437 = arith.constant 0 : index
    %swap3A_438 = tpu.vector_load %arg5[%swap3A_436, %swap3A_437] {strides = array<i32>} : memref<128x16xf32, #tpu.memory_space<vmem>>, vector<1x16xf32>,
    %swap3A_439 = vector.shape_cast %swap3A_438 : vector<1x16xf32> to vector<16xf32>
    %swap3A_440 = vector.shape_cast %broadcast_in_dim3A_98 : vector<16xf32> to vector<1x16xf32>
    tpu.vector_store %arg5[%swap3A_436, %swap3A_437], %swap3A_440 {strides = array<i32>} : memref<128x16xf32, #tpu.memory_space<vmem>>, vector<1x16xf32>,
    %swap3A_441 = arith.constant 57 : i32
    %swap3A_442 = arith.index_cast %swap3A_441 : i32 to index
    %swap3A_443 = arith.constant 0 : index
    %swap3A_444 = tpu.vector_load %arg5[%swap3A_442, %swap3A_443] {strides = array<i32>} : memref<128x16xf32, #tpu.memory_space<vmem>>, vector<1x16xf32>,
    %swap3A_445 = vector.shape_cast %swap3A_444 : vector<1x16xf32> to vector<16xf32>
    %swap3A_446 = vector.shape_cast %broadcast_in_dim3A_98 : vector<16xf32> to vector<1x16xf32>
    tpu.vector_store %arg5[%swap3A_442, %swap3A_443], %swap3A_446 {strides = array<i32>} : memref<128x16xf32, #tpu.memory_space<vmem>>, vector<1x16xf32>,
    %swap3A_447 = arith.constant 58 : i32
    %swap3A_448 = arith.index_cast %swap3A_447 : i32 to index
    %swap3A_449 = arith.constant 0 : index
    %swap3A_450 = tpu.vector_load %arg5[%swap3A_448, %swap3A_449] {strides = array<i32>} : memref<128x16xf32, #tpu.memory_space<vmem>>, vector<1x16xf32>,
    %swap3A_451 = vector.shape_cast %swap3A_450 : vector<1x16xf32> to vector<16xf32>
    %swap3A_452 = vector.shape_cast %broadcast_in_dim3A_98 : vector<16xf32> to vector<1x16xf32>
    tpu.vector_store %arg5[%swap3A_448, %swap3A_449], %swap3A_452 {strides = array<i32>} : memref<128x16xf32, #tpu.memory_space<vmem>>, vector<1x16xf32>,
    %swap3A_453 = arith.constant 59 : i32
    %swap3A_454 = arith.index_cast %swap3A_453 : i32 to index
    %swap3A_455 = arith.constant 0 : index
    %swap3A_456 = tpu.vector_load %arg5[%swap3A_454, %swap3A_455] {strides = array<i32>} : memref<128x16xf32, #tpu.memory_space<vmem>>, vector<1x16xf32>,
    %swap3A_457 = vector.shape_cast %swap3A_456 : vector<1x16xf32> to vector<16xf32>
    %swap3A_458 = vector.shape_cast %broadcast_in_dim3A_98 : vector<16xf32> to vector<1x16xf32>
    tpu.vector_store %arg5[%swap3A_454, %swap3A_455], %swap3A_458 {strides = array<i32>} : memref<128x16xf32, #tpu.memory_space<vmem>>, vector<1x16xf32>,
    %swap3A_459 = arith.constant 60 : i32
    %swap3A_460 = arith.index_cast %swap3A_459 : i32 to index
    %swap3A_461 = arith.constant 0 : index
    %swap3A_462 = tpu.vector_load %arg5[%swap3A_460, %swap3A_461] {strides = array<i32>} : memref<128x16xf32, #tpu.memory_space<vmem>>, vector<1x16xf32>,
    %swap3A_463 = vector.shape_cast %swap3A_462 : vector<1x16xf32> to vector<16xf32>
    %swap3A_464 = vector.shape_cast %broadcast_in_dim3A_98 : vector<16xf32> to vector<1x16xf32>
    tpu.vector_store %arg5[%swap3A_460, %swap3A_461], %swap3A_464 {strides = array<i32>} : memref<128x16xf32, #tpu.memory_space<vmem>>, vector<1x16xf32>,
    %swap3A_465 = arith.constant 61 : i32
    %swap3A_466 = arith.index_cast %swap3A_465 : i32 to index
    %swap3A_467 = arith.constant 0 : index
    %swap3A_468 = tpu.vector_load %arg5[%swap3A_466, %swap3A_467] {strides = array<i32>} : memref<128x16xf32, #tpu.memory_space<vmem>>, vector<1x16xf32>,
    %swap3A_469 = vector.shape_cast %swap3A_468 : vector<1x16xf32> to vector<16xf32>
    %swap3A_470 = vector.shape_cast %broadcast_in_dim3A_98 : vector<16xf32> to vector<1x16xf32>
    tpu.vector_store %arg5[%swap3A_466, %swap3A_467], %swap3A_470 {strides = array<i32>} : memref<128x16xf32, #tpu.memory_space<vmem>>, vector<1x16xf32>,
    %swap3A_471 = arith.constant 62 : i32
    %swap3A_472 = arith.index_cast %swap3A_471 : i32 to index
    %swap3A_473 = arith.constant 0 : index
    %swap3A_474 = tpu.vector_load %arg5[%swap3A_472, %swap3A_473] {strides = array<i32>} : memref<128x16xf32, #tpu.memory_space<vmem>>, vector<1x16xf32>,
    %swap3A_475 = vector.shape_cast %swap3A_474 : vector<1x16xf32> to vector<16xf32>
    %swap3A_476 = vector.shape_cast %broadcast_in_dim3A_98 : vector<16xf32> to vector<1x16xf32>
    tpu.vector_store %arg5[%swap3A_472, %swap3A_473], %swap3A_476 {strides = array<i32>} : memref<128x16xf32, #tpu.memory_space<vmem>>, vector<1x16xf32>,
    %swap3A_477 = arith.constant 63 : i32
    %swap3A_478 = arith.index_cast %swap3A_477 : i32 to index
    %swap3A_479 = arith.constant 0 : index
    %swap3A_480 = tpu.vector_load %arg5[%swap3A_478, %swap3A_479] {strides = array<i32>} : memref<128x16xf32, #tpu.memory_space<vmem>>, vector<1x16xf32>,
    %swap3A_481 = vector.shape_cast %swap3A_480 : vector<1x16xf32> to vector<16xf32>
    %swap3A_482 = vector.shape_cast %broadcast_in_dim3A_98 : vector<16xf32> to vector<1x16xf32>
    tpu.vector_store %arg5[%swap3A_478, %swap3A_479], %swap3A_482 {strides = array<i32>} : memref<128x16xf32, #tpu.memory_space<vmem>>, vector<1x16xf32>,
    %swap3A_483 = arith.constant 64 : i32
    %swap3A_484 = arith.index_cast %swap3A_483 : i32 to index
    %swap3A_485 = arith.constant 0 : index
    %swap3A_486 = tpu.vector_load %arg5[%swap3A_484, %swap3A_485] {strides = array<i32>} : memref<128x16xf32, #tpu.memory_space<vmem>>, vector<1x16xf32>,
    %swap3A_487 = vector.shape_cast %swap3A_486 : vector<1x16xf32> to vector<16xf32>
    %swap3A_488 = vector.shape_cast %broadcast_in_dim3A_98 : vector<16xf32> to vector<1x16xf32>
    tpu.vector_store %arg5[%swap3A_484, %swap3A_485], %swap3A_488 {strides = array<i32>} : memref<128x16xf32, #tpu.memory_space<vmem>>, vector<1x16xf32>,
    %swap3A_489 = arith.constant 65 : i32
    %swap3A_490 = arith.index_cast %swap3A_489 : i32 to index
    %swap3A_491 = arith.constant 0 : index
    %swap3A_492 = tpu.vector_load %arg5[%swap3A_490, %swap3A_491] {strides = array<i32>} : memref<128x16xf32, #tpu.memory_space<vmem>>, vector<1x16xf32>,
    %swap3A_493 = vector.shape_cast %swap3A_492 : vector<1x16xf32> to vector<16xf32>
    %swap3A_494 = vector.shape_cast %broadcast_in_dim3A_98 : vector<16xf32> to vector<1x16xf32>
    tpu.vector_store %arg5[%swap3A_490, %swap3A_491], %swap3A_494 {strides = array<i32>} : memref<128x16xf32, #tpu.memory_space<vmem>>, vector<1x16xf32>,
    %swap3A_495 = arith.constant 66 : i32
    %swap3A_496 = arith.index_cast %swap3A_495 : i32 to index
    %swap3A_497 = arith.constant 0 : index
    %swap3A_498 = tpu.vector_load %arg5[%swap3A_496, %swap3A_497] {strides = array<i32>} : memref<128x16xf32, #tpu.memory_space<vmem>>, vector<1x16xf32>,
    %swap3A_499 = vector.shape_cast %swap3A_498 : vector<1x16xf32> to vector<16xf32>
    %swap3A_500 = vector.shape_cast %broadcast_in_dim3A_98 : vector<16xf32> to vector<1x16xf32>
    tpu.vector_store %arg5[%swap3A_496, %swap3A_497], %swap3A_500 {strides = array<i32>} : memref<128x16xf32, #tpu.memory_space<vmem>>, vector<1x16xf32>,
    %swap3A_501 = arith.constant 67 : i32
    %swap3A_502 = arith.index_cast %swap3A_501 : i32 to index
    %swap3A_503 = arith.constant 0 : index
    %swap3A_504 = tpu.vector_load %arg5[%swap3A_502, %swap3A_503] {strides = array<i32>} : memref<128x16xf32, #tpu.memory_space<vmem>>, vector<1x16xf32>,
    %swap3A_505 = vector.shape_cast %swap3A_504 : vector<1x16xf32> to vector<16xf32>
    %swap3A_506 = vector.shape_cast %broadcast_in_dim3A_98 : vector<16xf32> to vector<1x16xf32>
    tpu.vector_store %arg5[%swap3A_502, %swap3A_503], %swap3A_506 {strides = array<i32>} : memref<128x16xf32, #tpu.memory_space<vmem>>, vector<1x16xf32>,
    %swap3A_507 = arith.constant 68 : i32
    %swap3A_508 = arith.index_cast %swap3A_507 : i32 to index
    %swap3A_509 = arith.constant 0 : index
    %swap3A_510 = tpu.vector_load %arg5[%swap3A_508, %swap3A_509] {strides = array<i32>} : memref<128x16xf32, #tpu.memory_space<vmem>>, vector<1x16xf32>,
    %swap3A_511 = vector.shape_cast %swap3A_510 : vector<1x16xf32> to vector<16xf32>
    %swap3A_512 = vector.shape_cast %broadcast_in_dim3A_98 : vector<16xf32> to vector<1x16xf32>
    tpu.vector_store %arg5[%swap3A_508, %swap3A_509], %swap3A_512 {strides = array<i32>} : memref<128x16xf32, #tpu.memory_space<vmem>>, vector<1x16xf32>,
    %swap3A_513 = arith.constant 69 : i32
    %swap3A_514 = arith.index_cast %swap3A_513 : i32 to index
    %swap3A_515 = arith.constant 0 : index
    %swap3A_516 = tpu.vector_load %arg5[%swap3A_514, %swap3A_515] {strides = array<i32>} : memref<128x16xf32, #tpu.memory_space<vmem>>, vector<1x16xf32>,
    %swap3A_517 = vector.shape_cast %swap3A_516 : vector<1x16xf32> to vector<16xf32>
    %swap3A_518 = vector.shape_cast %broadcast_in_dim3A_98 : vector<16xf32> to vector<1x16xf32>
    tpu.vector_store %arg5[%swap3A_514, %swap3A_515], %swap3A_518 {strides = array<i32>} : memref<128x16xf32, #tpu.memory_space<vmem>>, vector<1x16xf32>,
    %swap3A_519 = arith.constant 70 : i32
    %swap3A_520 = arith.index_cast %swap3A_519 : i32 to index
    %swap3A_521 = arith.constant 0 : index
    %swap3A_522 = tpu.vector_load %arg5[%swap3A_520, %swap3A_521] {strides = array<i32>} : memref<128x16xf32, #tpu.memory_space<vmem>>, vector<1x16xf32>,
    %swap3A_523 = vector.shape_cast %swap3A_522 : vector<1x16xf32> to vector<16xf32>
    %swap3A_524 = vector.shape_cast %broadcast_in_dim3A_98 : vector<16xf32> to vector<1x16xf32>
    tpu.vector_store %arg5[%swap3A_520, %swap3A_521], %swap3A_524 {strides = array<i32>} : memref<128x16xf32, #tpu.memory_space<vmem>>, vector<1x16xf32>,
    %swap3A_525 = arith.constant 71 : i32
    %swap3A_526 = arith.index_cast %swap3A_525 : i32 to index
    %swap3A_527 = arith.constant 0 : index
    %swap3A_528 = tpu.vector_load %arg5[%swap3A_526, %swap3A_527] {strides = array<i32>} : memref<128x16xf32, #tpu.memory_space<vmem>>, vector<1x16xf32>,
    %swap3A_529 = vector.shape_cast %swap3A_528 : vector<1x16xf32> to vector<16xf32>
    %swap3A_530 = vector.shape_cast %broadcast_in_dim3A_98 : vector<16xf32> to vector<1x16xf32>
    tpu.vector_store %arg5[%swap3A_526, %swap3A_527], %swap3A_530 {strides = array<i32>} : memref<128x16xf32, #tpu.memory_space<vmem>>, vector<1x16xf32>,
    %swap3A_531 = arith.constant 72 : i32
    %swap3A_532 = arith.index_cast %swap3A_531 : i32 to index
    %swap3A_533 = arith.constant 0 : index
    %swap3A_534 = tpu.vector_load %arg5[%swap3A_532, %swap3A_533] {strides = array<i32>} : memref<128x16xf32, #tpu.memory_space<vmem>>, vector<1x16xf32>,
    %swap3A_535 = vector.shape_cast %swap3A_534 : vector<1x16xf32> to vector<16xf32>
    %swap3A_536 = vector.shape_cast %broadcast_in_dim3A_98 : vector<16xf32> to vector<1x16xf32>
    tpu.vector_store %arg5[%swap3A_532, %swap3A_533], %swap3A_536 {strides = array<i32>} : memref<128x16xf32, #tpu.memory_space<vmem>>, vector<1x16xf32>,
    %swap3A_537 = arith.constant 73 : i32
    %swap3A_538 = arith.index_cast %swap3A_537 : i32 to index
    %swap3A_539 = arith.constant 0 : index
    %swap3A_540 = tpu.vector_load %arg5[%swap3A_538, %swap3A_539] {strides = array<i32>} : memref<128x16xf32, #tpu.memory_space<vmem>>, vector<1x16xf32>,
    %swap3A_541 = vector.shape_cast %swap3A_540 : vector<1x16xf32> to vector<16xf32>
    %swap3A_542 = vector.shape_cast %broadcast_in_dim3A_98 : vector<16xf32> to vector<1x16xf32>
    tpu.vector_store %arg5[%swap3A_538, %swap3A_539], %swap3A_542 {strides = array<i32>} : memref<128x16xf32, #tpu.memory_space<vmem>>, vector<1x16xf32>,
    %swap3A_543 = arith.constant 74 : i32
    %swap3A_544 = arith.index_cast %swap3A_543 : i32 to index
    %swap3A_545 = arith.constant 0 : index
    %swap3A_546 = tpu.vector_load %arg5[%swap3A_544, %swap3A_545] {strides = array<i32>} : memref<128x16xf32, #tpu.memory_space<vmem>>, vector<1x16xf32>,
    %swap3A_547 = vector.shape_cast %swap3A_546 : vector<1x16xf32> to vector<16xf32>
    %swap3A_548 = vector.shape_cast %broadcast_in_dim3A_98 : vector<16xf32> to vector<1x16xf32>
    tpu.vector_store %arg5[%swap3A_544, %swap3A_545], %swap3A_548 {strides = array<i32>} : memref<128x16xf32, #tpu.memory_space<vmem>>, vector<1x16xf32>,
    %swap3A_549 = arith.constant 75 : i32
    %swap3A_550 = arith.index_cast %swap3A_549 : i32 to index
    %swap3A_551 = arith.constant 0 : index
    %swap3A_552 = tpu.vector_load %arg5[%swap3A_550, %swap3A_551] {strides = array<i32>} : memref<128x16xf32, #tpu.memory_space<vmem>>, vector<1x16xf32>,
    %swap3A_553 = vector.shape_cast %swap3A_552 : vector<1x16xf32> to vector<16xf32>
    %swap3A_554 = vector.shape_cast %broadcast_in_dim3A_98 : vector<16xf32> to vector<1x16xf32>
    tpu.vector_store %arg5[%swap3A_550, %swap3A_551], %swap3A_554 {strides = array<i32>} : memref<128x16xf32, #tpu.memory_space<vmem>>, vector<1x16xf32>,
    %swap3A_555 = arith.constant 76 : i32
    %swap3A_556 = arith.index_cast %swap3A_555 : i32 to index
    %swap3A_557 = arith.constant 0 : index
    %swap3A_558 = tpu.vector_load %arg5[%swap3A_556, %swap3A_557] {strides = array<i32>} : memref<128x16xf32, #tpu.memory_space<vmem>>, vector<1x16xf32>,
    %swap3A_559 = vector.shape_cast %swap3A_558 : vector<1x16xf32> to vector<16xf32>
    %swap3A_560 = vector.shape_cast %broadcast_in_dim3A_98 : vector<16xf32> to vector<1x16xf32>
    tpu.vector_store %arg5[%swap3A_556, %swap3A_557], %swap3A_560 {strides = array<i32>} : memref<128x16xf32, #tpu.memory_space<vmem>>, vector<1x16xf32>,
    %swap3A_561 = arith.constant 77 : i32
    %swap3A_562 = arith.index_cast %swap3A_561 : i32 to index
    %swap3A_563 = arith.constant 0 : index
    %swap3A_564 = tpu.vector_load %arg5[%swap3A_562, %swap3A_563] {strides = array<i32>} : memref<128x16xf32, #tpu.memory_space<vmem>>, vector<1x16xf32>,
    %swap3A_565 = vector.shape_cast %swap3A_564 : vector<1x16xf32> to vector<16xf32>
    %swap3A_566 = vector.shape_cast %broadcast_in_dim3A_98 : vector<16xf32> to vector<1x16xf32>
    tpu.vector_store %arg5[%swap3A_562, %swap3A_563], %swap3A_566 {strides = array<i32>} : memref<128x16xf32, #tpu.memory_space<vmem>>, vector<1x16xf32>,
    %swap3A_567 = arith.constant 78 : i32
    %swap3A_568 = arith.index_cast %swap3A_567 : i32 to index
    %swap3A_569 = arith.constant 0 : index
    %swap3A_570 = tpu.vector_load %arg5[%swap3A_568, %swap3A_569] {strides = array<i32>} : memref<128x16xf32, #tpu.memory_space<vmem>>, vector<1x16xf32>,
    %swap3A_571 = vector.shape_cast %swap3A_570 : vector<1x16xf32> to vector<16xf32>
    %swap3A_572 = vector.shape_cast %broadcast_in_dim3A_98 : vector<16xf32> to vector<1x16xf32>
    tpu.vector_store %arg5[%swap3A_568, %swap3A_569], %swap3A_572 {strides = array<i32>} : memref<128x16xf32, #tpu.memory_space<vmem>>, vector<1x16xf32>,
    %swap3A_573 = arith.constant 79 : i32
    %swap3A_574 = arith.index_cast %swap3A_573 : i32 to index
    %swap3A_575 = arith.constant 0 : index
    %swap3A_576 = tpu.vector_load %arg5[%swap3A_574, %swap3A_575] {strides = array<i32>} : memref<128x16xf32, #tpu.memory_space<vmem>>, vector<1x16xf32>,
    %swap3A_577 = vector.shape_cast %swap3A_576 : vector<1x16xf32> to vector<16xf32>
    %swap3A_578 = vector.shape_cast %broadcast_in_dim3A_98 : vector<16xf32> to vector<1x16xf32>
    tpu.vector_store %arg5[%swap3A_574, %swap3A_575], %swap3A_578 {strides = array<i32>} : memref<128x16xf32, #tpu.memory_space<vmem>>, vector<1x16xf32>,
    %swap3A_579 = arith.constant 80 : i32
    %swap3A_580 = arith.index_cast %swap3A_579 : i32 to index
    %swap3A_581 = arith.constant 0 : index
    %swap3A_582 = tpu.vector_load %arg5[%swap3A_580, %swap3A_581] {strides = array<i32>} : memref<128x16xf32, #tpu.memory_space<vmem>>, vector<1x16xf32>,
    %swap3A_583 = vector.shape_cast %swap3A_582 : vector<1x16xf32> to vector<16xf32>
    %swap3A_584 = vector.shape_cast %broadcast_in_dim3A_98 : vector<16xf32> to vector<1x16xf32>
    tpu.vector_store %arg5[%swap3A_580, %swap3A_581], %swap3A_584 {strides = array<i32>} : memref<128x16xf32, #tpu.memory_space<vmem>>, vector<1x16xf32>,
    %swap3A_585 = arith.constant 81 : i32
    %swap3A_586 = arith.index_cast %swap3A_585 : i32 to index
    %swap3A_587 = arith.constant 0 : index
    %swap3A_588 = tpu.vector_load %arg5[%swap3A_586, %swap3A_587] {strides = array<i32>} : memref<128x16xf32, #tpu.memory_space<vmem>>, vector<1x16xf32>,
    %swap3A_589 = vector.shape_cast %swap3A_588 : vector<1x16xf32> to vector<16xf32>
    %swap3A_590 = vector.shape_cast %broadcast_in_dim3A_98 : vector<16xf32> to vector<1x16xf32>
    tpu.vector_store %arg5[%swap3A_586, %swap3A_587], %swap3A_590 {strides = array<i32>} : memref<128x16xf32, #tpu.memory_space<vmem>>, vector<1x16xf32>,
    %swap3A_591 = arith.constant 82 : i32
    %swap3A_592 = arith.index_cast %swap3A_591 : i32 to index
    %swap3A_593 = arith.constant 0 : index
    %swap3A_594 = tpu.vector_load %arg5[%swap3A_592, %swap3A_593] {strides = array<i32>} : memref<128x16xf32, #tpu.memory_space<vmem>>, vector<1x16xf32>,
    %swap3A_595 = vector.shape_cast %swap3A_594 : vector<1x16xf32> to vector<16xf32>
    %swap3A_596 = vector.shape_cast %broadcast_in_dim3A_98 : vector<16xf32> to vector<1x16xf32>
    tpu.vector_store %arg5[%swap3A_592, %swap3A_593], %swap3A_596 {strides = array<i32>} : memref<128x16xf32, #tpu.memory_space<vmem>>, vector<1x16xf32>,
    %swap3A_597 = arith.constant 83 : i32
    %swap3A_598 = arith.index_cast %swap3A_597 : i32 to index
    %swap3A_599 = arith.constant 0 : index
    %swap3A_600 = tpu.vector_load %arg5[%swap3A_598, %swap3A_599] {strides = array<i32>} : memref<128x16xf32, #tpu.memory_space<vmem>>, vector<1x16xf32>,
    %swap3A_601 = vector.shape_cast %swap3A_600 : vector<1x16xf32> to vector<16xf32>
    %swap3A_602 = vector.shape_cast %broadcast_in_dim3A_98 : vector<16xf32> to vector<1x16xf32>
    tpu.vector_store %arg5[%swap3A_598, %swap3A_599], %swap3A_602 {strides = array<i32>} : memref<128x16xf32, #tpu.memory_space<vmem>>, vector<1x16xf32>,
    %swap3A_603 = arith.constant 84 : i32
    %swap3A_604 = arith.index_cast %swap3A_603 : i32 to index
    %swap3A_605 = arith.constant 0 : index
    %swap3A_606 = tpu.vector_load %arg5[%swap3A_604, %swap3A_605] {strides = array<i32>} : memref<128x16xf32, #tpu.memory_space<vmem>>, vector<1x16xf32>,
    %swap3A_607 = vector.shape_cast %swap3A_606 : vector<1x16xf32> to vector<16xf32>
    %swap3A_608 = vector.shape_cast %broadcast_in_dim3A_98 : vector<16xf32> to vector<1x16xf32>
    tpu.vector_store %arg5[%swap3A_604, %swap3A_605], %swap3A_608 {strides = array<i32>} : memref<128x16xf32, #tpu.memory_space<vmem>>, vector<1x16xf32>,
    %swap3A_609 = arith.constant 85 : i32
    %swap3A_610 = arith.index_cast %swap3A_609 : i32 to index
    %swap3A_611 = arith.constant 0 : index
    %swap3A_612 = tpu.vector_load %arg5[%swap3A_610, %swap3A_611] {strides = array<i32>} : memref<128x16xf32, #tpu.memory_space<vmem>>, vector<1x16xf32>,
    %swap3A_613 = vector.shape_cast %swap3A_612 : vector<1x16xf32> to vector<16xf32>
    %swap3A_614 = vector.shape_cast %broadcast_in_dim3A_98 : vector<16xf32> to vector<1x16xf32>
    tpu.vector_store %arg5[%swap3A_610, %swap3A_611], %swap3A_614 {strides = array<i32>} : memref<128x16xf32, #tpu.memory_space<vmem>>, vector<1x16xf32>,
    %swap3A_615 = arith.constant 86 : i32
    %swap3A_616 = arith.index_cast %swap3A_615 : i32 to index
    %swap3A_617 = arith.constant 0 : index
    %swap3A_618 = tpu.vector_load %arg5[%swap3A_616, %swap3A_617] {strides = array<i32>} : memref<128x16xf32, #tpu.memory_space<vmem>>, vector<1x16xf32>,
    %swap3A_619 = vector.shape_cast %swap3A_618 : vector<1x16xf32> to vector<16xf32>
    %swap3A_620 = vector.shape_cast %broadcast_in_dim3A_98 : vector<16xf32> to vector<1x16xf32>
    tpu.vector_store %arg5[%swap3A_616, %swap3A_617], %swap3A_620 {strides = array<i32>} : memref<128x16xf32, #tpu.memory_space<vmem>>, vector<1x16xf32>,
    %swap3A_621 = arith.constant 87 : i32
    %swap3A_622 = arith.index_cast %swap3A_621 : i32 to index
    %swap3A_623 = arith.constant 0 : index
    %swap3A_624 = tpu.vector_load %arg5[%swap3A_622, %swap3A_623] {strides = array<i32>} : memref<128x16xf32, #tpu.memory_space<vmem>>, vector<1x16xf32>,
    %swap3A_625 = vector.shape_cast %swap3A_624 : vector<1x16xf32> to vector<16xf32>
    %swap3A_626 = vector.shape_cast %broadcast_in_dim3A_98 : vector<16xf32> to vector<1x16xf32>
    tpu.vector_store %arg5[%swap3A_622, %swap3A_623], %swap3A_626 {strides = array<i32>} : memref<128x16xf32, #tpu.memory_space<vmem>>, vector<1x16xf32>,
    %swap3A_627 = arith.constant 88 : i32
    %swap3A_628 = arith.index_cast %swap3A_627 : i32 to index
    %swap3A_629 = arith.constant 0 : index
    %swap3A_630 = tpu.vector_load %arg5[%swap3A_628, %swap3A_629] {strides = array<i32>} : memref<128x16xf32, #tpu.memory_space<vmem>>, vector<1x16xf32>,
    %swap3A_631 = vector.shape_cast %swap3A_630 : vector<1x16xf32> to vector<16xf32>
    %swap3A_632 = vector.shape_cast %broadcast_in_dim3A_98 : vector<16xf32> to vector<1x16xf32>
    tpu.vector_store %arg5[%swap3A_628, %swap3A_629], %swap3A_632 {strides = array<i32>} : memref<128x16xf32, #tpu.memory_space<vmem>>, vector<1x16xf32>,
    %swap3A_633 = arith.constant 89 : i32
    %swap3A_634 = arith.index_cast %swap3A_633 : i32 to index
    %swap3A_635 = arith.constant 0 : index
    %swap3A_636 = tpu.vector_load %arg5[%swap3A_634, %swap3A_635] {strides = array<i32>} : memref<128x16xf32, #tpu.memory_space<vmem>>, vector<1x16xf32>,
    %swap3A_637 = vector.shape_cast %swap3A_636 : vector<1x16xf32> to vector<16xf32>
    %swap3A_638 = vector.shape_cast %broadcast_in_dim3A_98 : vector<16xf32> to vector<1x16xf32>
    tpu.vector_store %arg5[%swap3A_634, %swap3A_635], %swap3A_638 {strides = array<i32>} : memref<128x16xf32, #tpu.memory_space<vmem>>, vector<1x16xf32>,
    %swap3A_639 = arith.constant 90 : i32
    %swap3A_640 = arith.index_cast %swap3A_639 : i32 to index
    %swap3A_641 = arith.constant 0 : index
    %swap3A_642 = tpu.vector_load %arg5[%swap3A_640, %swap3A_641] {strides = array<i32>} : memref<128x16xf32, #tpu.memory_space<vmem>>, vector<1x16xf32>,
    %swap3A_643 = vector.shape_cast %swap3A_642 : vector<1x16xf32> to vector<16xf32>
    %swap3A_644 = vector.shape_cast %broadcast_in_dim3A_98 : vector<16xf32> to vector<1x16xf32>
    tpu.vector_store %arg5[%swap3A_640, %swap3A_641], %swap3A_644 {strides = array<i32>} : memref<128x16xf32, #tpu.memory_space<vmem>>, vector<1x16xf32>,
    %swap3A_645 = arith.constant 91 : i32
    %swap3A_646 = arith.index_cast %swap3A_645 : i32 to index
    %swap3A_647 = arith.constant 0 : index
    %swap3A_648 = tpu.vector_load %arg5[%swap3A_646, %swap3A_647] {strides = array<i32>} : memref<128x16xf32, #tpu.memory_space<vmem>>, vector<1x16xf32>,
    %swap3A_649 = vector.shape_cast %swap3A_648 : vector<1x16xf32> to vector<16xf32>
    %swap3A_650 = vector.shape_cast %broadcast_in_dim3A_98 : vector<16xf32> to vector<1x16xf32>
    tpu.vector_store %arg5[%swap3A_646, %swap3A_647], %swap3A_650 {strides = array<i32>} : memref<128x16xf32, #tpu.memory_space<vmem>>, vector<1x16xf32>,
    %swap3A_651 = arith.constant 92 : i32
    %swap3A_652 = arith.index_cast %swap3A_651 : i32 to index
    %swap3A_653 = arith.constant 0 : index
    %swap3A_654 = tpu.vector_load %arg5[%swap3A_652, %swap3A_653] {strides = array<i32>} : memref<128x16xf32, #tpu.memory_space<vmem>>, vector<1x16xf32>,
    %swap3A_655 = vector.shape_cast %swap3A_654 : vector<1x16xf32> to vector<16xf32>
    %swap3A_656 = vector.shape_cast %broadcast_in_dim3A_98 : vector<16xf32> to vector<1x16xf32>
    tpu.vector_store %arg5[%swap3A_652, %swap3A_653], %swap3A_656 {strides = array<i32>} : memref<128x16xf32, #tpu.memory_space<vmem>>, vector<1x16xf32>,
    %swap3A_657 = arith.constant 93 : i32
    %swap3A_658 = arith.index_cast %swap3A_657 : i32 to index
    %swap3A_659 = arith.constant 0 : index
    %swap3A_660 = tpu.vector_load %arg5[%swap3A_658, %swap3A_659] {strides = array<i32>} : memref<128x16xf32, #tpu.memory_space<vmem>>, vector<1x16xf32>,
    %swap3A_661 = vector.shape_cast %swap3A_660 : vector<1x16xf32> to vector<16xf32>
    %swap3A_662 = vector.shape_cast %broadcast_in_dim3A_98 : vector<16xf32> to vector<1x16xf32>
    tpu.vector_store %arg5[%swap3A_658, %swap3A_659], %swap3A_662 {strides = array<i32>} : memref<128x16xf32, #tpu.memory_space<vmem>>, vector<1x16xf32>,
    %swap3A_663 = arith.constant 94 : i32
    %swap3A_664 = arith.index_cast %swap3A_663 : i32 to index
    %swap3A_665 = arith.constant 0 : index
    %swap3A_666 = tpu.vector_load %arg5[%swap3A_664, %swap3A_665] {strides = array<i32>} : memref<128x16xf32, #tpu.memory_space<vmem>>, vector<1x16xf32>,
    %swap3A_667 = vector.shape_cast %swap3A_666 : vector<1x16xf32> to vector<16xf32>
    %swap3A_668 = vector.shape_cast %broadcast_in_dim3A_98 : vector<16xf32> to vector<1x16xf32>
    tpu.vector_store %arg5[%swap3A_664, %swap3A_665], %swap3A_668 {strides = array<i32>} : memref<128x16xf32, #tpu.memory_space<vmem>>, vector<1x16xf32>,
    %swap3A_669 = arith.constant 95 : i32
    %swap3A_670 = arith.index_cast %swap3A_669 : i32 to index
    %swap3A_671 = arith.constant 0 : index
    %swap3A_672 = tpu.vector_load %arg5[%swap3A_670, %swap3A_671] {strides = array<i32>} : memref<128x16xf32, #tpu.memory_space<vmem>>, vector<1x16xf32>,
    %swap3A_673 = vector.shape_cast %swap3A_672 : vector<1x16xf32> to vector<16xf32>
    %swap3A_674 = vector.shape_cast %broadcast_in_dim3A_98 : vector<16xf32> to vector<1x16xf32>
    tpu.vector_store %arg5[%swap3A_670, %swap3A_671], %swap3A_674 {strides = array<i32>} : memref<128x16xf32, #tpu.memory_space<vmem>>, vector<1x16xf32>,
    %swap3A_675 = arith.constant 96 : i32
    %swap3A_676 = arith.index_cast %swap3A_675 : i32 to index
    %swap3A_677 = arith.constant 0 : index
    %swap3A_678 = tpu.vector_load %arg5[%swap3A_676, %swap3A_677] {strides = array<i32>} : memref<128x16xf32, #tpu.memory_space<vmem>>, vector<1x16xf32>,
    %swap3A_679 = vector.shape_cast %swap3A_678 : vector<1x16xf32> to vector<16xf32>
    %swap3A_680 = vector.shape_cast %broadcast_in_dim3A_98 : vector<16xf32> to vector<1x16xf32>
    tpu.vector_store %arg5[%swap3A_676, %swap3A_677], %swap3A_680 {strides = array<i32>} : memref<128x16xf32, #tpu.memory_space<vmem>>, vector<1x16xf32>,
    %swap3A_681 = arith.constant 97 : i32
    %swap3A_682 = arith.index_cast %swap3A_681 : i32 to index
    %swap3A_683 = arith.constant 0 : index
    %swap3A_684 = tpu.vector_load %arg5[%swap3A_682, %swap3A_683] {strides = array<i32>} : memref<128x16xf32, #tpu.memory_space<vmem>>, vector<1x16xf32>,
    %swap3A_685 = vector.shape_cast %swap3A_684 : vector<1x16xf32> to vector<16xf32>
    %swap3A_686 = vector.shape_cast %broadcast_in_dim3A_98 : vector<16xf32> to vector<1x16xf32>
    tpu.vector_store %arg5[%swap3A_682, %swap3A_683], %swap3A_686 {strides = array<i32>} : memref<128x16xf32, #tpu.memory_space<vmem>>, vector<1x16xf32>,
    %swap3A_687 = arith.constant 98 : i32
    %swap3A_688 = arith.index_cast %swap3A_687 : i32 to index
    %swap3A_689 = arith.constant 0 : index
    %swap3A_690 = tpu.vector_load %arg5[%swap3A_688, %swap3A_689] {strides = array<i32>} : memref<128x16xf32, #tpu.memory_space<vmem>>, vector<1x16xf32>,
    %swap3A_691 = vector.shape_cast %swap3A_690 : vector<1x16xf32> to vector<16xf32>
    %swap3A_692 = vector.shape_cast %broadcast_in_dim3A_98 : vector<16xf32> to vector<1x16xf32>
    tpu.vector_store %arg5[%swap3A_688, %swap3A_689], %swap3A_692 {strides = array<i32>} : memref<128x16xf32, #tpu.memory_space<vmem>>, vector<1x16xf32>,
    %swap3A_693 = arith.constant 99 : i32
    %swap3A_694 = arith.index_cast %swap3A_693 : i32 to index
    %swap3A_695 = arith.constant 0 : index
    %swap3A_696 = tpu.vector_load %arg5[%swap3A_694, %swap3A_695] {strides = array<i32>} : memref<128x16xf32, #tpu.memory_space<vmem>>, vector<1x16xf32>,
    %swap3A_697 = vector.shape_cast %swap3A_696 : vector<1x16xf32> to vector<16xf32>
    %swap3A_698 = vector.shape_cast %broadcast_in_dim3A_98 : vector<16xf32> to vector<1x16xf32>
    tpu.vector_store %arg5[%swap3A_694, %swap3A_695], %swap3A_698 {strides = array<i32>} : memref<128x16xf32, #tpu.memory_space<vmem>>, vector<1x16xf32>,
    %swap3A_699 = arith.constant 100 : i32
    %swap3A_700 = arith.index_cast %swap3A_699 : i32 to index
    %swap3A_701 = arith.constant 0 : index
    %swap3A_702 = tpu.vector_load %arg5[%swap3A_700, %swap3A_701] {strides = array<i32>} : memref<128x16xf32, #tpu.memory_space<vmem>>, vector<1x16xf32>,
    %swap3A_703 = vector.shape_cast %swap3A_702 : vector<1x16xf32> to vector<16xf32>
    %swap3A_704 = vector.shape_cast %broadcast_in_dim3A_98 : vector<16xf32> to vector<1x16xf32>
    tpu.vector_store %arg5[%swap3A_700, %swap3A_701], %swap3A_704 {strides = array<i32>} : memref<128x16xf32, #tpu.memory_space<vmem>>, vector<1x16xf32>,
    %swap3A_705 = arith.constant 101 : i32
    %swap3A_706 = arith.index_cast %swap3A_705 : i32 to index
    %swap3A_707 = arith.constant 0 : index
    %swap3A_708 = tpu.vector_load %arg5[%swap3A_706, %swap3A_707] {strides = array<i32>} : memref<128x16xf32, #tpu.memory_space<vmem>>, vector<1x16xf32>,
    %swap3A_709 = vector.shape_cast %swap3A_708 : vector<1x16xf32> to vector<16xf32>
    %swap3A_710 = vector.shape_cast %broadcast_in_dim3A_98 : vector<16xf32> to vector<1x16xf32>
    tpu.vector_store %arg5[%swap3A_706, %swap3A_707], %swap3A_710 {strides = array<i32>} : memref<128x16xf32, #tpu.memory_space<vmem>>, vector<1x16xf32>,
    %swap3A_711 = arith.constant 102 : i32
    %swap3A_712 = arith.index_cast %swap3A_711 : i32 to index
    %swap3A_713 = arith.constant 0 : index
    %swap3A_714 = tpu.vector_load %arg5[%swap3A_712, %swap3A_713] {strides = array<i32>} : memref<128x16xf32, #tpu.memory_space<vmem>>, vector<1x16xf32>,
    %swap3A_715 = vector.shape_cast %swap3A_714 : vector<1x16xf32> to vector<16xf32>
    %swap3A_716 = vector.shape_cast %broadcast_in_dim3A_98 : vector<16xf32> to vector<1x16xf32>
    tpu.vector_store %arg5[%swap3A_712, %swap3A_713], %swap3A_716 {strides = array<i32>} : memref<128x16xf32, #tpu.memory_space<vmem>>, vector<1x16xf32>,
    %swap3A_717 = arith.constant 103 : i32
    %swap3A_718 = arith.index_cast %swap3A_717 : i32 to index
    %swap3A_719 = arith.constant 0 : index
    %swap3A_720 = tpu.vector_load %arg5[%swap3A_718, %swap3A_719] {strides = array<i32>} : memref<128x16xf32, #tpu.memory_space<vmem>>, vector<1x16xf32>,
    %swap3A_721 = vector.shape_cast %swap3A_720 : vector<1x16xf32> to vector<16xf32>
    %swap3A_722 = vector.shape_cast %broadcast_in_dim3A_98 : vector<16xf32> to vector<1x16xf32>
    tpu.vector_store %arg5[%swap3A_718, %swap3A_719], %swap3A_722 {strides = array<i32>} : memref<128x16xf32, #tpu.memory_space<vmem>>, vector<1x16xf32>,
    %swap3A_723 = arith.constant 104 : i32
    %swap3A_724 = arith.index_cast %swap3A_723 : i32 to index
    %swap3A_725 = arith.constant 0 : index
    %swap3A_726 = tpu.vector_load %arg5[%swap3A_724, %swap3A_725] {strides = array<i32>} : memref<128x16xf32, #tpu.memory_space<vmem>>, vector<1x16xf32>,
    %swap3A_727 = vector.shape_cast %swap3A_726 : vector<1x16xf32> to vector<16xf32>
    %swap3A_728 = vector.shape_cast %broadcast_in_dim3A_98 : vector<16xf32> to vector<1x16xf32>
    tpu.vector_store %arg5[%swap3A_724, %swap3A_725], %swap3A_728 {strides = array<i32>} : memref<128x16xf32, #tpu.memory_space<vmem>>, vector<1x16xf32>,
    %swap3A_729 = arith.constant 105 : i32
    %swap3A_730 = arith.index_cast %swap3A_729 : i32 to index
    %swap3A_731 = arith.constant 0 : index
    %swap3A_732 = tpu.vector_load %arg5[%swap3A_730, %swap3A_731] {strides = array<i32>} : memref<128x16xf32, #tpu.memory_space<vmem>>, vector<1x16xf32>,
    %swap3A_733 = vector.shape_cast %swap3A_732 : vector<1x16xf32> to vector<16xf32>
    %swap3A_734 = vector.shape_cast %broadcast_in_dim3A_98 : vector<16xf32> to vector<1x16xf32>
    tpu.vector_store %arg5[%swap3A_730, %swap3A_731], %swap3A_734 {strides = array<i32>} : memref<128x16xf32, #tpu.memory_space<vmem>>, vector<1x16xf32>,
    %swap3A_735 = arith.constant 106 : i32
    %swap3A_736 = arith.index_cast %swap3A_735 : i32 to index
    %swap3A_737 = arith.constant 0 : index
    %swap3A_738 = tpu.vector_load %arg5[%swap3A_736, %swap3A_737] {strides = array<i32>} : memref<128x16xf32, #tpu.memory_space<vmem>>, vector<1x16xf32>,
    %swap3A_739 = vector.shape_cast %swap3A_738 : vector<1x16xf32> to vector<16xf32>
    %swap3A_740 = vector.shape_cast %broadcast_in_dim3A_98 : vector<16xf32> to vector<1x16xf32>
    tpu.vector_store %arg5[%swap3A_736, %swap3A_737], %swap3A_740 {strides = array<i32>} : memref<128x16xf32, #tpu.memory_space<vmem>>, vector<1x16xf32>,
    %swap3A_741 = arith.constant 107 : i32
    %swap3A_742 = arith.index_cast %swap3A_741 : i32 to index
    %swap3A_743 = arith.constant 0 : index
    %swap3A_744 = tpu.vector_load %arg5[%swap3A_742, %swap3A_743] {strides = array<i32>} : memref<128x16xf32, #tpu.memory_space<vmem>>, vector<1x16xf32>,
    %swap3A_745 = vector.shape_cast %swap3A_744 : vector<1x16xf32> to vector<16xf32>
    %swap3A_746 = vector.shape_cast %broadcast_in_dim3A_98 : vector<16xf32> to vector<1x16xf32>
    tpu.vector_store %arg5[%swap3A_742, %swap3A_743], %swap3A_746 {strides = array<i32>} : memref<128x16xf32, #tpu.memory_space<vmem>>, vector<1x16xf32>,
    %swap3A_747 = arith.constant 108 : i32
    %swap3A_748 = arith.index_cast %swap3A_747 : i32 to index
    %swap3A_749 = arith.constant 0 : index
    %swap3A_750 = tpu.vector_load %arg5[%swap3A_748, %swap3A_749] {strides = array<i32>} : memref<128x16xf32, #tpu.memory_space<vmem>>, vector<1x16xf32>,
    %swap3A_751 = vector.shape_cast %swap3A_750 : vector<1x16xf32> to vector<16xf32>
    %swap3A_752 = vector.shape_cast %broadcast_in_dim3A_98 : vector<16xf32> to vector<1x16xf32>
    tpu.vector_store %arg5[%swap3A_748, %swap3A_749], %swap3A_752 {strides = array<i32>} : memref<128x16xf32, #tpu.memory_space<vmem>>, vector<1x16xf32>,
    %swap3A_753 = arith.constant 109 : i32
    %swap3A_754 = arith.index_cast %swap3A_753 : i32 to index
    %swap3A_755 = arith.constant 0 : index
    %swap3A_756 = tpu.vector_load %arg5[%swap3A_754, %swap3A_755] {strides = array<i32>} : memref<128x16xf32, #tpu.memory_space<vmem>>, vector<1x16xf32>,
    %swap3A_757 = vector.shape_cast %swap3A_756 : vector<1x16xf32> to vector<16xf32>
    %swap3A_758 = vector.shape_cast %broadcast_in_dim3A_98 : vector<16xf32> to vector<1x16xf32>
    tpu.vector_store %arg5[%swap3A_754, %swap3A_755], %swap3A_758 {strides = array<i32>} : memref<128x16xf32, #tpu.memory_space<vmem>>, vector<1x16xf32>,
    %swap3A_759 = arith.constant 110 : i32
    %swap3A_760 = arith.index_cast %swap3A_759 : i32 to index
    %swap3A_761 = arith.constant 0 : index
    %swap3A_762 = tpu.vector_load %arg5[%swap3A_760, %swap3A_761] {strides = array<i32>} : memref<128x16xf32, #tpu.memory_space<vmem>>, vector<1x16xf32>,
    %swap3A_763 = vector.shape_cast %swap3A_762 : vector<1x16xf32> to vector<16xf32>
    %swap3A_764 = vector.shape_cast %broadcast_in_dim3A_98 : vector<16xf32> to vector<1x16xf32>
    tpu.vector_store %arg5[%swap3A_760, %swap3A_761], %swap3A_764 {strides = array<i32>} : memref<128x16xf32, #tpu.memory_space<vmem>>, vector<1x16xf32>,
    %swap3A_765 = arith.constant 111 : i32
    %swap3A_766 = arith.index_cast %swap3A_765 : i32 to index
    %swap3A_767 = arith.constant 0 : index
    %swap3A_768 = tpu.vector_load %arg5[%swap3A_766, %swap3A_767] {strides = array<i32>} : memref<128x16xf32, #tpu.memory_space<vmem>>, vector<1x16xf32>,
    %swap3A_769 = vector.shape_cast %swap3A_768 : vector<1x16xf32> to vector<16xf32>
    %swap3A_770 = vector.shape_cast %broadcast_in_dim3A_98 : vector<16xf32> to vector<1x16xf32>
    tpu.vector_store %arg5[%swap3A_766, %swap3A_767], %swap3A_770 {strides = array<i32>} : memref<128x16xf32, #tpu.memory_space<vmem>>, vector<1x16xf32>,
    %swap3A_771 = arith.constant 112 : i32
    %swap3A_772 = arith.index_cast %swap3A_771 : i32 to index
    %swap3A_773 = arith.constant 0 : index
    %swap3A_774 = tpu.vector_load %arg5[%swap3A_772, %swap3A_773] {strides = array<i32>} : memref<128x16xf32, #tpu.memory_space<vmem>>, vector<1x16xf32>,
    %swap3A_775 = vector.shape_cast %swap3A_774 : vector<1x16xf32> to vector<16xf32>
    %swap3A_776 = vector.shape_cast %broadcast_in_dim3A_98 : vector<16xf32> to vector<1x16xf32>
    tpu.vector_store %arg5[%swap3A_772, %swap3A_773], %swap3A_776 {strides = array<i32>} : memref<128x16xf32, #tpu.memory_space<vmem>>, vector<1x16xf32>,
    %swap3A_777 = arith.constant 113 : i32
    %swap3A_778 = arith.index_cast %swap3A_777 : i32 to index
    %swap3A_779 = arith.constant 0 : index
    %swap3A_780 = tpu.vector_load %arg5[%swap3A_778, %swap3A_779] {strides = array<i32>} : memref<128x16xf32, #tpu.memory_space<vmem>>, vector<1x16xf32>,
    %swap3A_781 = vector.shape_cast %swap3A_780 : vector<1x16xf32> to vector<16xf32>
    %swap3A_782 = vector.shape_cast %broadcast_in_dim3A_98 : vector<16xf32> to vector<1x16xf32>
    tpu.vector_store %arg5[%swap3A_778, %swap3A_779], %swap3A_782 {strides = array<i32>} : memref<128x16xf32, #tpu.memory_space<vmem>>, vector<1x16xf32>,
    %swap3A_783 = arith.constant 114 : i32
    %swap3A_784 = arith.index_cast %swap3A_783 : i32 to index
    %swap3A_785 = arith.constant 0 : index
    %swap3A_786 = tpu.vector_load %arg5[%swap3A_784, %swap3A_785] {strides = array<i32>} : memref<128x16xf32, #tpu.memory_space<vmem>>, vector<1x16xf32>,
    %swap3A_787 = vector.shape_cast %swap3A_786 : vector<1x16xf32> to vector<16xf32>
    %swap3A_788 = vector.shape_cast %broadcast_in_dim3A_98 : vector<16xf32> to vector<1x16xf32>
    tpu.vector_store %arg5[%swap3A_784, %swap3A_785], %swap3A_788 {strides = array<i32>} : memref<128x16xf32, #tpu.memory_space<vmem>>, vector<1x16xf32>,
    %swap3A_789 = arith.constant 115 : i32
    %swap3A_790 = arith.index_cast %swap3A_789 : i32 to index
    %swap3A_791 = arith.constant 0 : index
    %swap3A_792 = tpu.vector_load %arg5[%swap3A_790, %swap3A_791] {strides = array<i32>} : memref<128x16xf32, #tpu.memory_space<vmem>>, vector<1x16xf32>,
    %swap3A_793 = vector.shape_cast %swap3A_792 : vector<1x16xf32> to vector<16xf32>
    %swap3A_794 = vector.shape_cast %broadcast_in_dim3A_98 : vector<16xf32> to vector<1x16xf32>
    tpu.vector_store %arg5[%swap3A_790, %swap3A_791], %swap3A_794 {strides = array<i32>} : memref<128x16xf32, #tpu.memory_space<vmem>>, vector<1x16xf32>,
    %swap3A_795 = arith.constant 116 : i32
    %swap3A_796 = arith.index_cast %swap3A_795 : i32 to index
    %swap3A_797 = arith.constant 0 : index
    %swap3A_798 = tpu.vector_load %arg5[%swap3A_796, %swap3A_797] {strides = array<i32>} : memref<128x16xf32, #tpu.memory_space<vmem>>, vector<1x16xf32>,
    %swap3A_799 = vector.shape_cast %swap3A_798 : vector<1x16xf32> to vector<16xf32>
    %swap3A_800 = vector.shape_cast %broadcast_in_dim3A_98 : vector<16xf32> to vector<1x16xf32>
    tpu.vector_store %arg5[%swap3A_796, %swap3A_797], %swap3A_800 {strides = array<i32>} : memref<128x16xf32, #tpu.memory_space<vmem>>, vector<1x16xf32>,
    %swap3A_801 = arith.constant 117 : i32
    %swap3A_802 = arith.index_cast %swap3A_801 : i32 to index
    %swap3A_803 = arith.constant 0 : index
    %swap3A_804 = tpu.vector_load %arg5[%swap3A_802, %swap3A_803] {strides = array<i32>} : memref<128x16xf32, #tpu.memory_space<vmem>>, vector<1x16xf32>,
    %swap3A_805 = vector.shape_cast %swap3A_804 : vector<1x16xf32> to vector<16xf32>
    %swap3A_806 = vector.shape_cast %broadcast_in_dim3A_98 : vector<16xf32> to vector<1x16xf32>
    tpu.vector_store %arg5[%swap3A_802, %swap3A_803], %swap3A_806 {strides = array<i32>} : memref<128x16xf32, #tpu.memory_space<vmem>>, vector<1x16xf32>,
    %swap3A_807 = arith.constant 118 : i32
    %swap3A_808 = arith.index_cast %swap3A_807 : i32 to index
    %swap3A_809 = arith.constant 0 : index
    %swap3A_810 = tpu.vector_load %arg5[%swap3A_808, %swap3A_809] {strides = array<i32>} : memref<128x16xf32, #tpu.memory_space<vmem>>, vector<1x16xf32>,
    %swap3A_811 = vector.shape_cast %swap3A_810 : vector<1x16xf32> to vector<16xf32>
    %swap3A_812 = vector.shape_cast %broadcast_in_dim3A_98 : vector<16xf32> to vector<1x16xf32>
    tpu.vector_store %arg5[%swap3A_808, %swap3A_809], %swap3A_812 {strides = array<i32>} : memref<128x16xf32, #tpu.memory_space<vmem>>, vector<1x16xf32>,
    %swap3A_813 = arith.constant 119 : i32
    %swap3A_814 = arith.index_cast %swap3A_813 : i32 to index
    %swap3A_815 = arith.constant 0 : index
    %swap3A_816 = tpu.vector_load %arg5[%swap3A_814, %swap3A_815] {strides = array<i32>} : memref<128x16xf32, #tpu.memory_space<vmem>>, vector<1x16xf32>,
    %swap3A_817 = vector.shape_cast %swap3A_816 : vector<1x16xf32> to vector<16xf32>
    %swap3A_818 = vector.shape_cast %broadcast_in_dim3A_98 : vector<16xf32> to vector<1x16xf32>
    tpu.vector_store %arg5[%swap3A_814, %swap3A_815], %swap3A_818 {strides = array<i32>} : memref<128x16xf32, #tpu.memory_space<vmem>>, vector<1x16xf32>,
    %swap3A_819 = arith.constant 120 : i32
    %swap3A_820 = arith.index_cast %swap3A_819 : i32 to index
    %swap3A_821 = arith.constant 0 : index
    %swap3A_822 = tpu.vector_load %arg5[%swap3A_820, %swap3A_821] {strides = array<i32>} : memref<128x16xf32, #tpu.memory_space<vmem>>, vector<1x16xf32>,
    %swap3A_823 = vector.shape_cast %swap3A_822 : vector<1x16xf32> to vector<16xf32>
    %swap3A_824 = vector.shape_cast %broadcast_in_dim3A_98 : vector<16xf32> to vector<1x16xf32>
    tpu.vector_store %arg5[%swap3A_820, %swap3A_821], %swap3A_824 {strides = array<i32>} : memref<128x16xf32, #tpu.memory_space<vmem>>, vector<1x16xf32>,
    %swap3A_825 = arith.constant 121 : i32
    %swap3A_826 = arith.index_cast %swap3A_825 : i32 to index
    %swap3A_827 = arith.constant 0 : index
    %swap3A_828 = tpu.vector_load %arg5[%swap3A_826, %swap3A_827] {strides = array<i32>} : memref<128x16xf32, #tpu.memory_space<vmem>>, vector<1x16xf32>,
    %swap3A_829 = vector.shape_cast %swap3A_828 : vector<1x16xf32> to vector<16xf32>
    %swap3A_830 = vector.shape_cast %broadcast_in_dim3A_98 : vector<16xf32> to vector<1x16xf32>
    tpu.vector_store %arg5[%swap3A_826, %swap3A_827], %swap3A_830 {strides = array<i32>} : memref<128x16xf32, #tpu.memory_space<vmem>>, vector<1x16xf32>,
    %swap3A_831 = arith.constant 122 : i32
    %swap3A_832 = arith.index_cast %swap3A_831 : i32 to index
    %swap3A_833 = arith.constant 0 : index
    %swap3A_834 = tpu.vector_load %arg5[%swap3A_832, %swap3A_833] {strides = array<i32>} : memref<128x16xf32, #tpu.memory_space<vmem>>, vector<1x16xf32>,
    %swap3A_835 = vector.shape_cast %swap3A_834 : vector<1x16xf32> to vector<16xf32>
    %swap3A_836 = vector.shape_cast %broadcast_in_dim3A_98 : vector<16xf32> to vector<1x16xf32>
    tpu.vector_store %arg5[%swap3A_832, %swap3A_833], %swap3A_836 {strides = array<i32>} : memref<128x16xf32, #tpu.memory_space<vmem>>, vector<1x16xf32>,
    %swap3A_837 = arith.constant 123 : i32
    %swap3A_838 = arith.index_cast %swap3A_837 : i32 to index
    %swap3A_839 = arith.constant 0 : index
    %swap3A_840 = tpu.vector_load %arg5[%swap3A_838, %swap3A_839] {strides = array<i32>} : memref<128x16xf32, #tpu.memory_space<vmem>>, vector<1x16xf32>,
    %swap3A_841 = vector.shape_cast %swap3A_840 : vector<1x16xf32> to vector<16xf32>
    %swap3A_842 = vector.shape_cast %broadcast_in_dim3A_98 : vector<16xf32> to vector<1x16xf32>
    tpu.vector_store %arg5[%swap3A_838, %swap3A_839], %swap3A_842 {strides = array<i32>} : memref<128x16xf32, #tpu.memory_space<vmem>>, vector<1x16xf32>,
    %swap3A_843 = arith.constant 124 : i32
    %swap3A_844 = arith.index_cast %swap3A_843 : i32 to index
    %swap3A_845 = arith.constant 0 : index
    %swap3A_846 = tpu.vector_load %arg5[%swap3A_844, %swap3A_845] {strides = array<i32>} : memref<128x16xf32, #tpu.memory_space<vmem>>, vector<1x16xf32>,
    %swap3A_847 = vector.shape_cast %swap3A_846 : vector<1x16xf32> to vector<16xf32>
    %swap3A_848 = vector.shape_cast %broadcast_in_dim3A_98 : vector<16xf32> to vector<1x16xf32>
    tpu.vector_store %arg5[%swap3A_844, %swap3A_845], %swap3A_848 {strides = array<i32>} : memref<128x16xf32, #tpu.memory_space<vmem>>, vector<1x16xf32>,
    %swap3A_849 = arith.constant 125 : i32
    %swap3A_850 = arith.index_cast %swap3A_849 : i32 to index
    %swap3A_851 = arith.constant 0 : index
    %swap3A_852 = tpu.vector_load %arg5[%swap3A_850, %swap3A_851] {strides = array<i32>} : memref<128x16xf32, #tpu.memory_space<vmem>>, vector<1x16xf32>,
    %swap3A_853 = vector.shape_cast %swap3A_852 : vector<1x16xf32> to vector<16xf32>
    %swap3A_854 = vector.shape_cast %broadcast_in_dim3A_98 : vector<16xf32> to vector<1x16xf32>
    tpu.vector_store %arg5[%swap3A_850, %swap3A_851], %swap3A_854 {strides = array<i32>} : memref<128x16xf32, #tpu.memory_space<vmem>>, vector<1x16xf32>,
    %swap3A_855 = arith.constant 126 : i32
    %swap3A_856 = arith.index_cast %swap3A_855 : i32 to index
    %swap3A_857 = arith.constant 0 : index
    %swap3A_858 = tpu.vector_load %arg5[%swap3A_856, %swap3A_857] {strides = array<i32>} : memref<128x16xf32, #tpu.memory_space<vmem>>, vector<1x16xf32>,
    %swap3A_859 = vector.shape_cast %swap3A_858 : vector<1x16xf32> to vector<16xf32>
    %swap3A_860 = vector.shape_cast %broadcast_in_dim3A_98 : vector<16xf32> to vector<1x16xf32>
    tpu.vector_store %arg5[%swap3A_856, %swap3A_857], %swap3A_860 {strides = array<i32>} : memref<128x16xf32, #tpu.memory_space<vmem>>, vector<1x16xf32>,
    %swap3A_861 = arith.constant 127 : i32
    %swap3A_862 = arith.index_cast %swap3A_861 : i32 to index
    %swap3A_863 = arith.constant 0 : index
    %swap3A_864 = tpu.vector_load %arg5[%swap3A_862, %swap3A_863] {strides = array<i32>} : memref<128x16xf32, #tpu.memory_space<vmem>>, vector<1x16xf32>,
    %swap3A_865 = vector.shape_cast %swap3A_864 : vector<1x16xf32> to vector<16xf32>
    %swap3A_866 = vector.shape_cast %broadcast_in_dim3A_98 : vector<16xf32> to vector<1x16xf32>
    tpu.vector_store %arg5[%swap3A_862, %swap3A_863], %swap3A_866 {strides = array<i32>} : memref<128x16xf32, #tpu.memory_space<vmem>>, vector<1x16xf32>,
    %mul3A_867 = arith.constant 80 : i32
    %mul3A_868 = arith.muli %add3A, %mul3A_867 : i32
    "tpu.region"() ({
      %run_scoped3A = tpu.sem_alloc : memref<!tpu.dma_semaphore, #tpu.memory_space<semaphore_mem>>
      %dma_start3A = arith.constant 0 : i32
      %dma_start3A_890 = tpu.memref_slice %arg2[%mul3A_868, %dma_start3A] : memref<2560x128xi32, #tpu.memory_space<hbm>> -> memref<80x128xi32, #tpu.memory_space<hbm>>
      %dma_start3A_891 = arith.constant 0 : i32
      %dma_start3A_892 = tpu.memref_slice %arg2[%mul3A_868, %dma_start3A_891] : memref<2560x128xi32, #tpu.memory_space<hbm>> -> memref<80x128xi32, #tpu.memory_space<hbm>>
      tpu.enqueue_dma source(%dma_start3A_892 : memref<80x128xi32, #tpu.memory_space<hbm>>) target(%arg4 : memref<80x128xi32, #tpu.memory_space<vmem>>) target_semaphore(%run_scoped3A : memref<!tpu.dma_semaphore, #tpu.memory_space<semaphore_mem>>)
      %dma_wait3A = arith.constant 0 : i32
      %dma_wait3A_893 = tpu.memref_slice %arg2[%mul3A_868, %dma_wait3A] : memref<2560x128xi32, #tpu.memory_space<hbm>> -> memref<80x128xi32, #tpu.memory_space<hbm>>
      %dma_wait3A_894 = arith.constant 0 : i32
      %dma_wait3A_895 = tpu.memref_slice %arg2[%mul3A_868, %dma_wait3A_894] : memref<2560x128xi32, #tpu.memory_space<hbm>> -> memref<80x128xi32, #tpu.memory_space<hbm>>
      tpu.wait_dma2 semaphore(%run_scoped3A : memref<!tpu.dma_semaphore, #tpu.memory_space<semaphore_mem>>) src(%dma_wait3A_895 : memref<80x128xi32, #tpu.memory_space<hbm>>) dst(%arg4 : memref<80x128xi32, #tpu.memory_space<vmem>>)
      tpu.yield
    }) : () -> ()
    %scan3A = arith.constant 0 : i32
    %scan3A_869 = arith.constant 0 : i32
    %scan3A_870 = arith.constant 40 : i32
    %scan3A_871 = arith.addi %scan3A_869, %scan3A_870 : i32
    %scan3A_872 = arith.constant 1 : i32
    %scan3A_873 = scf.for %scan3A_890 = %scan3A_869 to %scan3A_871 step %scan3A_872 iter_args(%scan3A_891 = %scan3A) -> (i32)  : i32 {
      %mul3A_892 = arith.constant 640 : i32
      %mul3A_893 = arith.muli %arg1, %mul3A_892 : i32
      %mul3A_894 = arith.constant 16 : i32
      %mul3A_895 = arith.muli %scan3A_890, %mul3A_894 : i32
      %add3A_896 = arith.addi %mul3A_893, %mul3A_895 : i32
      "tpu.region"() ({
        %run_scoped3A = tpu.sem_alloc : memref<!tpu.dma_semaphore, #tpu.memory_space<semaphore_mem>>
        %dma_start3A = arith.constant 0 : i32
        %dma_start3A_898 = tpu.memref_slice %arg7[%add3A_896, %dma_start3A] : memref<10240x16xf32, #tpu.memory_space<vmem_shared>> -> memref<16x16xf32, #tpu.memory_space<vmem_shared>>
        %dma_start3A_899 = arith.constant 0 : i32
        %dma_start3A_900 = tpu.memref_slice %arg7[%add3A_896, %dma_start3A_899] : memref<10240x16xf32, #tpu.memory_space<vmem_shared>> -> memref<16x16xf32, #tpu.memory_space<vmem_shared>>
        tpu.enqueue_dma source(%arg6 : memref<16x16xf32, #tpu.memory_space<vmem>>) target(%dma_start3A_900 : memref<16x16xf32, #tpu.memory_space<vmem_shared>>) target_semaphore(%run_scoped3A : memref<!tpu.dma_semaphore, #tpu.memory_space<semaphore_mem>>)
        %dma_wait3A = arith.constant 0 : i32
        %dma_wait3A_901 = tpu.memref_slice %arg7[%add3A_896, %dma_wait3A] : memref<10240x16xf32, #tpu.memory_space<vmem_shared>> -> memref<16x16xf32, #tpu.memory_space<vmem_shared>>
        %dma_wait3A_902 = arith.constant 0 : i32
        %dma_wait3A_903 = tpu.memref_slice %arg7[%add3A_896, %dma_wait3A_902] : memref<10240x16xf32, #tpu.memory_space<vmem_shared>> -> memref<16x16xf32, #tpu.memory_space<vmem_shared>>
        tpu.wait_dma2 semaphore(%run_scoped3A : memref<!tpu.dma_semaphore, #tpu.memory_space<semaphore_mem>>) src(%arg6 : memref<16x16xf32, #tpu.memory_space<vmem>>) dst(%dma_wait3A_903 : memref<16x16xf32, #tpu.memory_space<vmem_shared>>)
        tpu.yield
      }) : () -> ()
      %scan3A_897 = arith.constant 0 : i32
      scf.yield %scan3A_897 : i32
    }
    %scan3A_874 = arith.constant 40 : i32
    %barrier3A = arith.constant 0 : index
    tpu.barrier barrier_id(%barrier3A)
    %scan3A_875 = arith.constant 0 : i32
    %scan3A_876 = arith.constant 0 : i32
    %scan3A_877 = arith.constant 80 : i32
    %scan3A_878 = arith.addi %scan3A_876, %scan3A_877 : i32
    %scan3A_879 = arith.constant 1 : i32
    %scan3A_880 = scf.for %scan3A_890 = %scan3A_876 to %scan3A_878 step %scan3A_879 iter_args(%scan3A_891 = %scan3A_875) -> (i32)  : i32 {
      "tpu.region"() ({
        %run_scoped3A = tpu.sem_alloc : memref<!tpu.dma_semaphore, #tpu.memory_space<semaphore_mem>>
        %dma_start3A = arith.constant 0 : i32
        %dma_start3A_893 = tpu.memref_slice %arg4[%scan3A_890, %dma_start3A] : memref<80x128xi32, #tpu.memory_space<vmem>> -> memref<1x128xi32, #tpu.memory_space<vmem>>
        %dma_start3A_894 = tpu.memref_squeeze %dma_start3A_893 : memref<1x128xi32, #tpu.memory_space<vmem>> -> memref<128xi32, #tpu.memory_space<vmem>>
        %dma_start3A_895 = arith.constant 0 : i32
        %dma_start3A_896 = arith.constant 0 : i32
        %dma_start3A_897 = tpu.memref_slice %arg7[%dma_start3A_895, %dma_start3A_896] : memref<10240x16xf32, #tpu.memory_space<vmem_shared>> -> memref<10240x16xf32, #tpu.memory_space<vmem_shared>>
        tpu.enqueue_indirect_dma source(%arg5 : memref<128x16xf32, #tpu.memory_space<vmem>>) target(%dma_start3A_897 : memref<10240x16xf32, #tpu.memory_space<vmem_shared>>) offsets(%dma_start3A_894 : memref<128xi32, #tpu.memory_space<vmem>>) semaphore(%run_scoped3A : memref<!tpu.dma_semaphore, #tpu.memory_space<semaphore_mem>>) {add = true}
        %dma_wait3A = arith.constant 0 : i32
        %dma_wait3A_898 = tpu.memref_slice %arg4[%scan3A_890, %dma_wait3A] : memref<80x128xi32, #tpu.memory_space<vmem>> -> memref<1x128xi32, #tpu.memory_space<vmem>>
        %dma_wait3A_899 = tpu.memref_squeeze %dma_wait3A_898 : memref<1x128xi32, #tpu.memory_space<vmem>> -> memref<128xi32, #tpu.memory_space<vmem>>
        %dma_wait3A_900 = arith.constant 0 : i32
        %dma_wait3A_901 = arith.constant 0 : i32
        %dma_wait3A_902 = tpu.memref_slice %arg7[%dma_wait3A_900, %dma_wait3A_901] : memref<10240x16xf32, #tpu.memory_space<vmem_shared>> -> memref<10240x16xf32, #tpu.memory_space<vmem_shared>>
        tpu.wait_indirect_dma semaphore(%run_scoped3A : memref<!tpu.dma_semaphore, #tpu.memory_space<semaphore_mem>>) src(%arg5 : memref<128x16xf32, #tpu.memory_space<vmem>>) dst(%dma_wait3A_902 : memref<10240x16xf32, #tpu.memory_space<vmem_shared>>)
        tpu.yield
      }) : () -> ()
      %scan3A_892 = arith.constant 0 : i32
      scf.yield %scan3A_892 : i32
    }
    %scan3A_881 = arith.constant 80 : i32
    %barrier3A_882 = arith.constant 0 : index
    tpu.barrier barrier_id(%barrier3A_882)
    %mul3A_883 = arith.constant 640 : i32
    %mul3A_884 = arith.muli %arg1, %mul3A_883 : i32
    %mul3A_885 = arith.constant 10240 : i32
    %mul3A_886 = arith.muli %arg0, %mul3A_885 : i32
    %mul3A_887 = arith.constant 640 : i32
    %mul3A_888 = arith.muli %arg1, %mul3A_887 : i32
    %add3A_889 = arith.addi %mul3A_886, %mul3A_888 : i32
    "tpu.region"() ({
      %run_scoped3A = tpu.sem_alloc : memref<!tpu.dma_semaphore, #tpu.memory_space<semaphore_mem>>
      %dma_start3A = arith.constant 0 : i32
      %dma_start3A_890 = tpu.memref_slice %arg3[%add3A_889, %dma_start3A] : memref<20480x16xf32, #tpu.memory_space<hbm>> -> memref<640x16xf32, #tpu.memory_space<hbm>>
      %dma_start3A_891 = arith.constant 0 : i32
      %dma_start3A_892 = tpu.memref_slice %arg7[%mul3A_884, %dma_start3A_891] : memref<10240x16xf32, #tpu.memory_space<vmem_shared>> -> memref<640x16xf32, #tpu.memory_space<vmem_shared>>
      tpu.enqueue_dma source(%dma_start3A_892 : memref<640x16xf32, #tpu.memory_space<vmem_shared>>) target(%dma_start3A_890 : memref<640x16xf32, #tpu.memory_space<hbm>>) target_semaphore(%run_scoped3A : memref<!tpu.dma_semaphore, #tpu.memory_space<semaphore_mem>>)
      %dma_wait3A = arith.constant 0 : i32
      %dma_wait3A_893 = tpu.memref_slice %arg3[%add3A_889, %dma_wait3A] : memref<20480x16xf32, #tpu.memory_space<hbm>> -> memref<640x16xf32, #tpu.memory_space<hbm>>
      %dma_wait3A_894 = arith.constant 0 : i32
      %dma_wait3A_895 = tpu.memref_slice %arg7[%mul3A_884, %dma_wait3A_894] : memref<10240x16xf32, #tpu.memory_space<vmem_shared>> -> memref<640x16xf32, #tpu.memory_space<vmem_shared>>
      tpu.wait_dma2 semaphore(%run_scoped3A : memref<!tpu.dma_semaphore, #tpu.memory_space<semaphore_mem>>) src(%dma_wait3A_895 : memref<640x16xf32, #tpu.memory_space<vmem_shared>>) dst(%dma_wait3A_893 : memref<640x16xf32, #tpu.memory_space<hbm>>)
      tpu.yield
    }) : () -> ()
    return
  }
}

#map = affine_map<(d0, d1) -> (0, 0, 0)>
#map1 = affine_map<(d0, d1) -> (0, 0)>
module attributes {stable_mosaic.version = 14 : i64} {
  func.func @prop_kernel(%arg0: i32, %arg1: i32, %arg2: memref<2561x2x128xi32, #tpu.memory_space<hbm>>, %arg3: memref<10000x128xf32, #tpu.memory_space<hbm>>, %arg4: memref<20480x128xf32, #tpu.memory_space<hbm>>, %arg5: memref<2x128xi32, #tpu.memory_space<vmem>>, %arg6: memref<2x128xi32, #tpu.memory_space<vmem>>, %arg7: memref<128x128xf32, #tpu.memory_space<vmem>>, %arg8: memref<16x128xf32, #tpu.memory_space<vmem>>, %arg9: memref<10240x128xf32, #tpu.memory_space<vmem_shared>>, %arg10: memref<!tpu.dma_semaphore, #tpu.memory_space<semaphore_mem>>, %arg11: memref<!tpu.dma_semaphore, #tpu.memory_space<semaphore_mem>>, %arg12: memref<!tpu.dma_semaphore, #tpu.memory_space<semaphore_mem>>) attributes {dimension_semantics = [#tpu.dimension_semantics<core_parallel>, #tpu.dimension_semantics<subcore_parallel>], iteration_bounds = array<i64: 2, 16>, scalar_prefetch = 0 : i64, scratch_operands = 8 : i64, tpu.core_type = #tpu.core_type<sc_vector_subcore>, window_params = [{transform_indices = #map}, {transform_indices = #map1}, {transform_indices = #map1}]} {
    %broadcast_in_dim3A = arith.constant 0.000000e+00 : f32
    %broadcast_in_dim3A_0 = vector.broadcast %broadcast_in_dim3A : f32 to vector<16xf32>
    %swap3A = arith.constant 0 : i32
    %swap3A_1 = arith.index_cast %swap3A : i32 to index
    %swap3A_2 = arith.constant 0 : index
    %swap3A_3 = tpu.vector_load %arg8[%swap3A_1, %swap3A_2] {strides = array<i32>} : memref<16x128xf32, #tpu.memory_space<vmem>>, vector<1x16xf32>,
    %swap3A_4 = vector.shape_cast %swap3A_3 : vector<1x16xf32> to vector<16xf32>
    %swap3A_5 = vector.shape_cast %broadcast_in_dim3A_0 : vector<16xf32> to vector<1x16xf32>
    tpu.vector_store %arg8[%swap3A_1, %swap3A_2], %swap3A_5 {strides = array<i32>} : memref<16x128xf32, #tpu.memory_space<vmem>>, vector<1x16xf32>,
    %swap3A_6 = arith.constant 0 : i32
    %swap3A_7 = arith.index_cast %swap3A_6 : i32 to index
    %swap3A_8 = arith.constant 16 : index
    %swap3A_9 = tpu.vector_load %arg8[%swap3A_7, %swap3A_8] {strides = array<i32>} : memref<16x128xf32, #tpu.memory_space<vmem>>, vector<1x16xf32>,
    %swap3A_10 = vector.shape_cast %swap3A_9 : vector<1x16xf32> to vector<16xf32>
    %swap3A_11 = vector.shape_cast %broadcast_in_dim3A_0 : vector<16xf32> to vector<1x16xf32>
    tpu.vector_store %arg8[%swap3A_7, %swap3A_8], %swap3A_11 {strides = array<i32>} : memref<16x128xf32, #tpu.memory_space<vmem>>, vector<1x16xf32>,
    %swap3A_12 = arith.constant 0 : i32
    %swap3A_13 = arith.index_cast %swap3A_12 : i32 to index
    %swap3A_14 = arith.constant 32 : index
    %swap3A_15 = tpu.vector_load %arg8[%swap3A_13, %swap3A_14] {strides = array<i32>} : memref<16x128xf32, #tpu.memory_space<vmem>>, vector<1x16xf32>,
    %swap3A_16 = vector.shape_cast %swap3A_15 : vector<1x16xf32> to vector<16xf32>
    %swap3A_17 = vector.shape_cast %broadcast_in_dim3A_0 : vector<16xf32> to vector<1x16xf32>
    tpu.vector_store %arg8[%swap3A_13, %swap3A_14], %swap3A_17 {strides = array<i32>} : memref<16x128xf32, #tpu.memory_space<vmem>>, vector<1x16xf32>,
    %swap3A_18 = arith.constant 0 : i32
    %swap3A_19 = arith.index_cast %swap3A_18 : i32 to index
    %swap3A_20 = arith.constant 48 : index
    %swap3A_21 = tpu.vector_load %arg8[%swap3A_19, %swap3A_20] {strides = array<i32>} : memref<16x128xf32, #tpu.memory_space<vmem>>, vector<1x16xf32>,
    %swap3A_22 = vector.shape_cast %swap3A_21 : vector<1x16xf32> to vector<16xf32>
    %swap3A_23 = vector.shape_cast %broadcast_in_dim3A_0 : vector<16xf32> to vector<1x16xf32>
    tpu.vector_store %arg8[%swap3A_19, %swap3A_20], %swap3A_23 {strides = array<i32>} : memref<16x128xf32, #tpu.memory_space<vmem>>, vector<1x16xf32>,
    %swap3A_24 = arith.constant 0 : i32
    %swap3A_25 = arith.index_cast %swap3A_24 : i32 to index
    %swap3A_26 = arith.constant 64 : index
    %swap3A_27 = tpu.vector_load %arg8[%swap3A_25, %swap3A_26] {strides = array<i32>} : memref<16x128xf32, #tpu.memory_space<vmem>>, vector<1x16xf32>,
    %swap3A_28 = vector.shape_cast %swap3A_27 : vector<1x16xf32> to vector<16xf32>
    %swap3A_29 = vector.shape_cast %broadcast_in_dim3A_0 : vector<16xf32> to vector<1x16xf32>
    tpu.vector_store %arg8[%swap3A_25, %swap3A_26], %swap3A_29 {strides = array<i32>} : memref<16x128xf32, #tpu.memory_space<vmem>>, vector<1x16xf32>,
    %swap3A_30 = arith.constant 0 : i32
    %swap3A_31 = arith.index_cast %swap3A_30 : i32 to index
    %swap3A_32 = arith.constant 80 : index
    %swap3A_33 = tpu.vector_load %arg8[%swap3A_31, %swap3A_32] {strides = array<i32>} : memref<16x128xf32, #tpu.memory_space<vmem>>, vector<1x16xf32>,
    %swap3A_34 = vector.shape_cast %swap3A_33 : vector<1x16xf32> to vector<16xf32>
    %swap3A_35 = vector.shape_cast %broadcast_in_dim3A_0 : vector<16xf32> to vector<1x16xf32>
    tpu.vector_store %arg8[%swap3A_31, %swap3A_32], %swap3A_35 {strides = array<i32>} : memref<16x128xf32, #tpu.memory_space<vmem>>, vector<1x16xf32>,
    %swap3A_36 = arith.constant 0 : i32
    %swap3A_37 = arith.index_cast %swap3A_36 : i32 to index
    %swap3A_38 = arith.constant 96 : index
    %swap3A_39 = tpu.vector_load %arg8[%swap3A_37, %swap3A_38] {strides = array<i32>} : memref<16x128xf32, #tpu.memory_space<vmem>>, vector<1x16xf32>,
    %swap3A_40 = vector.shape_cast %swap3A_39 : vector<1x16xf32> to vector<16xf32>
    %swap3A_41 = vector.shape_cast %broadcast_in_dim3A_0 : vector<16xf32> to vector<1x16xf32>
    tpu.vector_store %arg8[%swap3A_37, %swap3A_38], %swap3A_41 {strides = array<i32>} : memref<16x128xf32, #tpu.memory_space<vmem>>, vector<1x16xf32>,
    %swap3A_42 = arith.constant 0 : i32
    %swap3A_43 = arith.index_cast %swap3A_42 : i32 to index
    %swap3A_44 = arith.constant 112 : index
    %swap3A_45 = tpu.vector_load %arg8[%swap3A_43, %swap3A_44] {strides = array<i32>} : memref<16x128xf32, #tpu.memory_space<vmem>>, vector<1x16xf32>,
    %swap3A_46 = vector.shape_cast %swap3A_45 : vector<1x16xf32> to vector<16xf32>
    %swap3A_47 = vector.shape_cast %broadcast_in_dim3A_0 : vector<16xf32> to vector<1x16xf32>
    tpu.vector_store %arg8[%swap3A_43, %swap3A_44], %swap3A_47 {strides = array<i32>} : memref<16x128xf32, #tpu.memory_space<vmem>>, vector<1x16xf32>,
    %swap3A_48 = arith.constant 1 : i32
    %swap3A_49 = arith.index_cast %swap3A_48 : i32 to index
    %swap3A_50 = arith.constant 0 : index
    %swap3A_51 = tpu.vector_load %arg8[%swap3A_49, %swap3A_50] {strides = array<i32>} : memref<16x128xf32, #tpu.memory_space<vmem>>, vector<1x16xf32>,
    %swap3A_52 = vector.shape_cast %swap3A_51 : vector<1x16xf32> to vector<16xf32>
    %swap3A_53 = vector.shape_cast %broadcast_in_dim3A_0 : vector<16xf32> to vector<1x16xf32>
    tpu.vector_store %arg8[%swap3A_49, %swap3A_50], %swap3A_53 {strides = array<i32>} : memref<16x128xf32, #tpu.memory_space<vmem>>, vector<1x16xf32>,
    %swap3A_54 = arith.constant 1 : i32
    %swap3A_55 = arith.index_cast %swap3A_54 : i32 to index
    %swap3A_56 = arith.constant 16 : index
    %swap3A_57 = tpu.vector_load %arg8[%swap3A_55, %swap3A_56] {strides = array<i32>} : memref<16x128xf32, #tpu.memory_space<vmem>>, vector<1x16xf32>,
    %swap3A_58 = vector.shape_cast %swap3A_57 : vector<1x16xf32> to vector<16xf32>
    %swap3A_59 = vector.shape_cast %broadcast_in_dim3A_0 : vector<16xf32> to vector<1x16xf32>
    tpu.vector_store %arg8[%swap3A_55, %swap3A_56], %swap3A_59 {strides = array<i32>} : memref<16x128xf32, #tpu.memory_space<vmem>>, vector<1x16xf32>,
    %swap3A_60 = arith.constant 1 : i32
    %swap3A_61 = arith.index_cast %swap3A_60 : i32 to index
    %swap3A_62 = arith.constant 32 : index
    %swap3A_63 = tpu.vector_load %arg8[%swap3A_61, %swap3A_62] {strides = array<i32>} : memref<16x128xf32, #tpu.memory_space<vmem>>, vector<1x16xf32>,
    %swap3A_64 = vector.shape_cast %swap3A_63 : vector<1x16xf32> to vector<16xf32>
    %swap3A_65 = vector.shape_cast %broadcast_in_dim3A_0 : vector<16xf32> to vector<1x16xf32>
    tpu.vector_store %arg8[%swap3A_61, %swap3A_62], %swap3A_65 {strides = array<i32>} : memref<16x128xf32, #tpu.memory_space<vmem>>, vector<1x16xf32>,
    %swap3A_66 = arith.constant 1 : i32
    %swap3A_67 = arith.index_cast %swap3A_66 : i32 to index
    %swap3A_68 = arith.constant 48 : index
    %swap3A_69 = tpu.vector_load %arg8[%swap3A_67, %swap3A_68] {strides = array<i32>} : memref<16x128xf32, #tpu.memory_space<vmem>>, vector<1x16xf32>,
    %swap3A_70 = vector.shape_cast %swap3A_69 : vector<1x16xf32> to vector<16xf32>
    %swap3A_71 = vector.shape_cast %broadcast_in_dim3A_0 : vector<16xf32> to vector<1x16xf32>
    tpu.vector_store %arg8[%swap3A_67, %swap3A_68], %swap3A_71 {strides = array<i32>} : memref<16x128xf32, #tpu.memory_space<vmem>>, vector<1x16xf32>,
    %swap3A_72 = arith.constant 1 : i32
    %swap3A_73 = arith.index_cast %swap3A_72 : i32 to index
    %swap3A_74 = arith.constant 64 : index
    %swap3A_75 = tpu.vector_load %arg8[%swap3A_73, %swap3A_74] {strides = array<i32>} : memref<16x128xf32, #tpu.memory_space<vmem>>, vector<1x16xf32>,
    %swap3A_76 = vector.shape_cast %swap3A_75 : vector<1x16xf32> to vector<16xf32>
    %swap3A_77 = vector.shape_cast %broadcast_in_dim3A_0 : vector<16xf32> to vector<1x16xf32>
    tpu.vector_store %arg8[%swap3A_73, %swap3A_74], %swap3A_77 {strides = array<i32>} : memref<16x128xf32, #tpu.memory_space<vmem>>, vector<1x16xf32>,
    %swap3A_78 = arith.constant 1 : i32
    %swap3A_79 = arith.index_cast %swap3A_78 : i32 to index
    %swap3A_80 = arith.constant 80 : index
    %swap3A_81 = tpu.vector_load %arg8[%swap3A_79, %swap3A_80] {strides = array<i32>} : memref<16x128xf32, #tpu.memory_space<vmem>>, vector<1x16xf32>,
    %swap3A_82 = vector.shape_cast %swap3A_81 : vector<1x16xf32> to vector<16xf32>
    %swap3A_83 = vector.shape_cast %broadcast_in_dim3A_0 : vector<16xf32> to vector<1x16xf32>
    tpu.vector_store %arg8[%swap3A_79, %swap3A_80], %swap3A_83 {strides = array<i32>} : memref<16x128xf32, #tpu.memory_space<vmem>>, vector<1x16xf32>,
    %swap3A_84 = arith.constant 1 : i32
    %swap3A_85 = arith.index_cast %swap3A_84 : i32 to index
    %swap3A_86 = arith.constant 96 : index
    %swap3A_87 = tpu.vector_load %arg8[%swap3A_85, %swap3A_86] {strides = array<i32>} : memref<16x128xf32, #tpu.memory_space<vmem>>, vector<1x16xf32>,
    %swap3A_88 = vector.shape_cast %swap3A_87 : vector<1x16xf32> to vector<16xf32>
    %swap3A_89 = vector.shape_cast %broadcast_in_dim3A_0 : vector<16xf32> to vector<1x16xf32>
    tpu.vector_store %arg8[%swap3A_85, %swap3A_86], %swap3A_89 {strides = array<i32>} : memref<16x128xf32, #tpu.memory_space<vmem>>, vector<1x16xf32>,
    %swap3A_90 = arith.constant 1 : i32
    %swap3A_91 = arith.index_cast %swap3A_90 : i32 to index
    %swap3A_92 = arith.constant 112 : index
    %swap3A_93 = tpu.vector_load %arg8[%swap3A_91, %swap3A_92] {strides = array<i32>} : memref<16x128xf32, #tpu.memory_space<vmem>>, vector<1x16xf32>,
    %swap3A_94 = vector.shape_cast %swap3A_93 : vector<1x16xf32> to vector<16xf32>
    %swap3A_95 = vector.shape_cast %broadcast_in_dim3A_0 : vector<16xf32> to vector<1x16xf32>
    tpu.vector_store %arg8[%swap3A_91, %swap3A_92], %swap3A_95 {strides = array<i32>} : memref<16x128xf32, #tpu.memory_space<vmem>>, vector<1x16xf32>,
    %swap3A_96 = arith.constant 2 : i32
    %swap3A_97 = arith.index_cast %swap3A_96 : i32 to index
    %swap3A_98 = arith.constant 0 : index
    %swap3A_99 = tpu.vector_load %arg8[%swap3A_97, %swap3A_98] {strides = array<i32>} : memref<16x128xf32, #tpu.memory_space<vmem>>, vector<1x16xf32>,
    %swap3A_100 = vector.shape_cast %swap3A_99 : vector<1x16xf32> to vector<16xf32>
    %swap3A_101 = vector.shape_cast %broadcast_in_dim3A_0 : vector<16xf32> to vector<1x16xf32>
    tpu.vector_store %arg8[%swap3A_97, %swap3A_98], %swap3A_101 {strides = array<i32>} : memref<16x128xf32, #tpu.memory_space<vmem>>, vector<1x16xf32>,
    %swap3A_102 = arith.constant 2 : i32
    %swap3A_103 = arith.index_cast %swap3A_102 : i32 to index
    %swap3A_104 = arith.constant 16 : index
    %swap3A_105 = tpu.vector_load %arg8[%swap3A_103, %swap3A_104] {strides = array<i32>} : memref<16x128xf32, #tpu.memory_space<vmem>>, vector<1x16xf32>,
    %swap3A_106 = vector.shape_cast %swap3A_105 : vector<1x16xf32> to vector<16xf32>
    %swap3A_107 = vector.shape_cast %broadcast_in_dim3A_0 : vector<16xf32> to vector<1x16xf32>
    tpu.vector_store %arg8[%swap3A_103, %swap3A_104], %swap3A_107 {strides = array<i32>} : memref<16x128xf32, #tpu.memory_space<vmem>>, vector<1x16xf32>,
    %swap3A_108 = arith.constant 2 : i32
    %swap3A_109 = arith.index_cast %swap3A_108 : i32 to index
    %swap3A_110 = arith.constant 32 : index
    %swap3A_111 = tpu.vector_load %arg8[%swap3A_109, %swap3A_110] {strides = array<i32>} : memref<16x128xf32, #tpu.memory_space<vmem>>, vector<1x16xf32>,
    %swap3A_112 = vector.shape_cast %swap3A_111 : vector<1x16xf32> to vector<16xf32>
    %swap3A_113 = vector.shape_cast %broadcast_in_dim3A_0 : vector<16xf32> to vector<1x16xf32>
    tpu.vector_store %arg8[%swap3A_109, %swap3A_110], %swap3A_113 {strides = array<i32>} : memref<16x128xf32, #tpu.memory_space<vmem>>, vector<1x16xf32>,
    %swap3A_114 = arith.constant 2 : i32
    %swap3A_115 = arith.index_cast %swap3A_114 : i32 to index
    %swap3A_116 = arith.constant 48 : index
    %swap3A_117 = tpu.vector_load %arg8[%swap3A_115, %swap3A_116] {strides = array<i32>} : memref<16x128xf32, #tpu.memory_space<vmem>>, vector<1x16xf32>,
    %swap3A_118 = vector.shape_cast %swap3A_117 : vector<1x16xf32> to vector<16xf32>
    %swap3A_119 = vector.shape_cast %broadcast_in_dim3A_0 : vector<16xf32> to vector<1x16xf32>
    tpu.vector_store %arg8[%swap3A_115, %swap3A_116], %swap3A_119 {strides = array<i32>} : memref<16x128xf32, #tpu.memory_space<vmem>>, vector<1x16xf32>,
    %swap3A_120 = arith.constant 2 : i32
    %swap3A_121 = arith.index_cast %swap3A_120 : i32 to index
    %swap3A_122 = arith.constant 64 : index
    %swap3A_123 = tpu.vector_load %arg8[%swap3A_121, %swap3A_122] {strides = array<i32>} : memref<16x128xf32, #tpu.memory_space<vmem>>, vector<1x16xf32>,
    %swap3A_124 = vector.shape_cast %swap3A_123 : vector<1x16xf32> to vector<16xf32>
    %swap3A_125 = vector.shape_cast %broadcast_in_dim3A_0 : vector<16xf32> to vector<1x16xf32>
    tpu.vector_store %arg8[%swap3A_121, %swap3A_122], %swap3A_125 {strides = array<i32>} : memref<16x128xf32, #tpu.memory_space<vmem>>, vector<1x16xf32>,
    %swap3A_126 = arith.constant 2 : i32
    %swap3A_127 = arith.index_cast %swap3A_126 : i32 to index
    %swap3A_128 = arith.constant 80 : index
    %swap3A_129 = tpu.vector_load %arg8[%swap3A_127, %swap3A_128] {strides = array<i32>} : memref<16x128xf32, #tpu.memory_space<vmem>>, vector<1x16xf32>,
    %swap3A_130 = vector.shape_cast %swap3A_129 : vector<1x16xf32> to vector<16xf32>
    %swap3A_131 = vector.shape_cast %broadcast_in_dim3A_0 : vector<16xf32> to vector<1x16xf32>
    tpu.vector_store %arg8[%swap3A_127, %swap3A_128], %swap3A_131 {strides = array<i32>} : memref<16x128xf32, #tpu.memory_space<vmem>>, vector<1x16xf32>,
    %swap3A_132 = arith.constant 2 : i32
    %swap3A_133 = arith.index_cast %swap3A_132 : i32 to index
    %swap3A_134 = arith.constant 96 : index
    %swap3A_135 = tpu.vector_load %arg8[%swap3A_133, %swap3A_134] {strides = array<i32>} : memref<16x128xf32, #tpu.memory_space<vmem>>, vector<1x16xf32>,
    %swap3A_136 = vector.shape_cast %swap3A_135 : vector<1x16xf32> to vector<16xf32>
    %swap3A_137 = vector.shape_cast %broadcast_in_dim3A_0 : vector<16xf32> to vector<1x16xf32>
    tpu.vector_store %arg8[%swap3A_133, %swap3A_134], %swap3A_137 {strides = array<i32>} : memref<16x128xf32, #tpu.memory_space<vmem>>, vector<1x16xf32>,
    %swap3A_138 = arith.constant 2 : i32
    %swap3A_139 = arith.index_cast %swap3A_138 : i32 to index
    %swap3A_140 = arith.constant 112 : index
    %swap3A_141 = tpu.vector_load %arg8[%swap3A_139, %swap3A_140] {strides = array<i32>} : memref<16x128xf32, #tpu.memory_space<vmem>>, vector<1x16xf32>,
    %swap3A_142 = vector.shape_cast %swap3A_141 : vector<1x16xf32> to vector<16xf32>
    %swap3A_143 = vector.shape_cast %broadcast_in_dim3A_0 : vector<16xf32> to vector<1x16xf32>
    tpu.vector_store %arg8[%swap3A_139, %swap3A_140], %swap3A_143 {strides = array<i32>} : memref<16x128xf32, #tpu.memory_space<vmem>>, vector<1x16xf32>,
    %swap3A_144 = arith.constant 3 : i32
    %swap3A_145 = arith.index_cast %swap3A_144 : i32 to index
    %swap3A_146 = arith.constant 0 : index
    %swap3A_147 = tpu.vector_load %arg8[%swap3A_145, %swap3A_146] {strides = array<i32>} : memref<16x128xf32, #tpu.memory_space<vmem>>, vector<1x16xf32>,
    %swap3A_148 = vector.shape_cast %swap3A_147 : vector<1x16xf32> to vector<16xf32>
    %swap3A_149 = vector.shape_cast %broadcast_in_dim3A_0 : vector<16xf32> to vector<1x16xf32>
    tpu.vector_store %arg8[%swap3A_145, %swap3A_146], %swap3A_149 {strides = array<i32>} : memref<16x128xf32, #tpu.memory_space<vmem>>, vector<1x16xf32>,
    %swap3A_150 = arith.constant 3 : i32
    %swap3A_151 = arith.index_cast %swap3A_150 : i32 to index
    %swap3A_152 = arith.constant 16 : index
    %swap3A_153 = tpu.vector_load %arg8[%swap3A_151, %swap3A_152] {strides = array<i32>} : memref<16x128xf32, #tpu.memory_space<vmem>>, vector<1x16xf32>,
    %swap3A_154 = vector.shape_cast %swap3A_153 : vector<1x16xf32> to vector<16xf32>
    %swap3A_155 = vector.shape_cast %broadcast_in_dim3A_0 : vector<16xf32> to vector<1x16xf32>
    tpu.vector_store %arg8[%swap3A_151, %swap3A_152], %swap3A_155 {strides = array<i32>} : memref<16x128xf32, #tpu.memory_space<vmem>>, vector<1x16xf32>,
    %swap3A_156 = arith.constant 3 : i32
    %swap3A_157 = arith.index_cast %swap3A_156 : i32 to index
    %swap3A_158 = arith.constant 32 : index
    %swap3A_159 = tpu.vector_load %arg8[%swap3A_157, %swap3A_158] {strides = array<i32>} : memref<16x128xf32, #tpu.memory_space<vmem>>, vector<1x16xf32>,
    %swap3A_160 = vector.shape_cast %swap3A_159 : vector<1x16xf32> to vector<16xf32>
    %swap3A_161 = vector.shape_cast %broadcast_in_dim3A_0 : vector<16xf32> to vector<1x16xf32>
    tpu.vector_store %arg8[%swap3A_157, %swap3A_158], %swap3A_161 {strides = array<i32>} : memref<16x128xf32, #tpu.memory_space<vmem>>, vector<1x16xf32>,
    %swap3A_162 = arith.constant 3 : i32
    %swap3A_163 = arith.index_cast %swap3A_162 : i32 to index
    %swap3A_164 = arith.constant 48 : index
    %swap3A_165 = tpu.vector_load %arg8[%swap3A_163, %swap3A_164] {strides = array<i32>} : memref<16x128xf32, #tpu.memory_space<vmem>>, vector<1x16xf32>,
    %swap3A_166 = vector.shape_cast %swap3A_165 : vector<1x16xf32> to vector<16xf32>
    %swap3A_167 = vector.shape_cast %broadcast_in_dim3A_0 : vector<16xf32> to vector<1x16xf32>
    tpu.vector_store %arg8[%swap3A_163, %swap3A_164], %swap3A_167 {strides = array<i32>} : memref<16x128xf32, #tpu.memory_space<vmem>>, vector<1x16xf32>,
    %swap3A_168 = arith.constant 3 : i32
    %swap3A_169 = arith.index_cast %swap3A_168 : i32 to index
    %swap3A_170 = arith.constant 64 : index
    %swap3A_171 = tpu.vector_load %arg8[%swap3A_169, %swap3A_170] {strides = array<i32>} : memref<16x128xf32, #tpu.memory_space<vmem>>, vector<1x16xf32>,
    %swap3A_172 = vector.shape_cast %swap3A_171 : vector<1x16xf32> to vector<16xf32>
    %swap3A_173 = vector.shape_cast %broadcast_in_dim3A_0 : vector<16xf32> to vector<1x16xf32>
    tpu.vector_store %arg8[%swap3A_169, %swap3A_170], %swap3A_173 {strides = array<i32>} : memref<16x128xf32, #tpu.memory_space<vmem>>, vector<1x16xf32>,
    %swap3A_174 = arith.constant 3 : i32
    %swap3A_175 = arith.index_cast %swap3A_174 : i32 to index
    %swap3A_176 = arith.constant 80 : index
    %swap3A_177 = tpu.vector_load %arg8[%swap3A_175, %swap3A_176] {strides = array<i32>} : memref<16x128xf32, #tpu.memory_space<vmem>>, vector<1x16xf32>,
    %swap3A_178 = vector.shape_cast %swap3A_177 : vector<1x16xf32> to vector<16xf32>
    %swap3A_179 = vector.shape_cast %broadcast_in_dim3A_0 : vector<16xf32> to vector<1x16xf32>
    tpu.vector_store %arg8[%swap3A_175, %swap3A_176], %swap3A_179 {strides = array<i32>} : memref<16x128xf32, #tpu.memory_space<vmem>>, vector<1x16xf32>,
    %swap3A_180 = arith.constant 3 : i32
    %swap3A_181 = arith.index_cast %swap3A_180 : i32 to index
    %swap3A_182 = arith.constant 96 : index
    %swap3A_183 = tpu.vector_load %arg8[%swap3A_181, %swap3A_182] {strides = array<i32>} : memref<16x128xf32, #tpu.memory_space<vmem>>, vector<1x16xf32>,
    %swap3A_184 = vector.shape_cast %swap3A_183 : vector<1x16xf32> to vector<16xf32>
    %swap3A_185 = vector.shape_cast %broadcast_in_dim3A_0 : vector<16xf32> to vector<1x16xf32>
    tpu.vector_store %arg8[%swap3A_181, %swap3A_182], %swap3A_185 {strides = array<i32>} : memref<16x128xf32, #tpu.memory_space<vmem>>, vector<1x16xf32>,
    %swap3A_186 = arith.constant 3 : i32
    %swap3A_187 = arith.index_cast %swap3A_186 : i32 to index
    %swap3A_188 = arith.constant 112 : index
    %swap3A_189 = tpu.vector_load %arg8[%swap3A_187, %swap3A_188] {strides = array<i32>} : memref<16x128xf32, #tpu.memory_space<vmem>>, vector<1x16xf32>,
    %swap3A_190 = vector.shape_cast %swap3A_189 : vector<1x16xf32> to vector<16xf32>
    %swap3A_191 = vector.shape_cast %broadcast_in_dim3A_0 : vector<16xf32> to vector<1x16xf32>
    tpu.vector_store %arg8[%swap3A_187, %swap3A_188], %swap3A_191 {strides = array<i32>} : memref<16x128xf32, #tpu.memory_space<vmem>>, vector<1x16xf32>,
    %swap3A_192 = arith.constant 4 : i32
    %swap3A_193 = arith.index_cast %swap3A_192 : i32 to index
    %swap3A_194 = arith.constant 0 : index
    %swap3A_195 = tpu.vector_load %arg8[%swap3A_193, %swap3A_194] {strides = array<i32>} : memref<16x128xf32, #tpu.memory_space<vmem>>, vector<1x16xf32>,
    %swap3A_196 = vector.shape_cast %swap3A_195 : vector<1x16xf32> to vector<16xf32>
    %swap3A_197 = vector.shape_cast %broadcast_in_dim3A_0 : vector<16xf32> to vector<1x16xf32>
    tpu.vector_store %arg8[%swap3A_193, %swap3A_194], %swap3A_197 {strides = array<i32>} : memref<16x128xf32, #tpu.memory_space<vmem>>, vector<1x16xf32>,
    %swap3A_198 = arith.constant 4 : i32
    %swap3A_199 = arith.index_cast %swap3A_198 : i32 to index
    %swap3A_200 = arith.constant 16 : index
    %swap3A_201 = tpu.vector_load %arg8[%swap3A_199, %swap3A_200] {strides = array<i32>} : memref<16x128xf32, #tpu.memory_space<vmem>>, vector<1x16xf32>,
    %swap3A_202 = vector.shape_cast %swap3A_201 : vector<1x16xf32> to vector<16xf32>
    %swap3A_203 = vector.shape_cast %broadcast_in_dim3A_0 : vector<16xf32> to vector<1x16xf32>
    tpu.vector_store %arg8[%swap3A_199, %swap3A_200], %swap3A_203 {strides = array<i32>} : memref<16x128xf32, #tpu.memory_space<vmem>>, vector<1x16xf32>,
    %swap3A_204 = arith.constant 4 : i32
    %swap3A_205 = arith.index_cast %swap3A_204 : i32 to index
    %swap3A_206 = arith.constant 32 : index
    %swap3A_207 = tpu.vector_load %arg8[%swap3A_205, %swap3A_206] {strides = array<i32>} : memref<16x128xf32, #tpu.memory_space<vmem>>, vector<1x16xf32>,
    %swap3A_208 = vector.shape_cast %swap3A_207 : vector<1x16xf32> to vector<16xf32>
    %swap3A_209 = vector.shape_cast %broadcast_in_dim3A_0 : vector<16xf32> to vector<1x16xf32>
    tpu.vector_store %arg8[%swap3A_205, %swap3A_206], %swap3A_209 {strides = array<i32>} : memref<16x128xf32, #tpu.memory_space<vmem>>, vector<1x16xf32>,
    %swap3A_210 = arith.constant 4 : i32
    %swap3A_211 = arith.index_cast %swap3A_210 : i32 to index
    %swap3A_212 = arith.constant 48 : index
    %swap3A_213 = tpu.vector_load %arg8[%swap3A_211, %swap3A_212] {strides = array<i32>} : memref<16x128xf32, #tpu.memory_space<vmem>>, vector<1x16xf32>,
    %swap3A_214 = vector.shape_cast %swap3A_213 : vector<1x16xf32> to vector<16xf32>
    %swap3A_215 = vector.shape_cast %broadcast_in_dim3A_0 : vector<16xf32> to vector<1x16xf32>
    tpu.vector_store %arg8[%swap3A_211, %swap3A_212], %swap3A_215 {strides = array<i32>} : memref<16x128xf32, #tpu.memory_space<vmem>>, vector<1x16xf32>,
    %swap3A_216 = arith.constant 4 : i32
    %swap3A_217 = arith.index_cast %swap3A_216 : i32 to index
    %swap3A_218 = arith.constant 64 : index
    %swap3A_219 = tpu.vector_load %arg8[%swap3A_217, %swap3A_218] {strides = array<i32>} : memref<16x128xf32, #tpu.memory_space<vmem>>, vector<1x16xf32>,
    %swap3A_220 = vector.shape_cast %swap3A_219 : vector<1x16xf32> to vector<16xf32>
    %swap3A_221 = vector.shape_cast %broadcast_in_dim3A_0 : vector<16xf32> to vector<1x16xf32>
    tpu.vector_store %arg8[%swap3A_217, %swap3A_218], %swap3A_221 {strides = array<i32>} : memref<16x128xf32, #tpu.memory_space<vmem>>, vector<1x16xf32>,
    %swap3A_222 = arith.constant 4 : i32
    %swap3A_223 = arith.index_cast %swap3A_222 : i32 to index
    %swap3A_224 = arith.constant 80 : index
    %swap3A_225 = tpu.vector_load %arg8[%swap3A_223, %swap3A_224] {strides = array<i32>} : memref<16x128xf32, #tpu.memory_space<vmem>>, vector<1x16xf32>,
    %swap3A_226 = vector.shape_cast %swap3A_225 : vector<1x16xf32> to vector<16xf32>
    %swap3A_227 = vector.shape_cast %broadcast_in_dim3A_0 : vector<16xf32> to vector<1x16xf32>
    tpu.vector_store %arg8[%swap3A_223, %swap3A_224], %swap3A_227 {strides = array<i32>} : memref<16x128xf32, #tpu.memory_space<vmem>>, vector<1x16xf32>,
    %swap3A_228 = arith.constant 4 : i32
    %swap3A_229 = arith.index_cast %swap3A_228 : i32 to index
    %swap3A_230 = arith.constant 96 : index
    %swap3A_231 = tpu.vector_load %arg8[%swap3A_229, %swap3A_230] {strides = array<i32>} : memref<16x128xf32, #tpu.memory_space<vmem>>, vector<1x16xf32>,
    %swap3A_232 = vector.shape_cast %swap3A_231 : vector<1x16xf32> to vector<16xf32>
    %swap3A_233 = vector.shape_cast %broadcast_in_dim3A_0 : vector<16xf32> to vector<1x16xf32>
    tpu.vector_store %arg8[%swap3A_229, %swap3A_230], %swap3A_233 {strides = array<i32>} : memref<16x128xf32, #tpu.memory_space<vmem>>, vector<1x16xf32>,
    %swap3A_234 = arith.constant 4 : i32
    %swap3A_235 = arith.index_cast %swap3A_234 : i32 to index
    %swap3A_236 = arith.constant 112 : index
    %swap3A_237 = tpu.vector_load %arg8[%swap3A_235, %swap3A_236] {strides = array<i32>} : memref<16x128xf32, #tpu.memory_space<vmem>>, vector<1x16xf32>,
    %swap3A_238 = vector.shape_cast %swap3A_237 : vector<1x16xf32> to vector<16xf32>
    %swap3A_239 = vector.shape_cast %broadcast_in_dim3A_0 : vector<16xf32> to vector<1x16xf32>
    tpu.vector_store %arg8[%swap3A_235, %swap3A_236], %swap3A_239 {strides = array<i32>} : memref<16x128xf32, #tpu.memory_space<vmem>>, vector<1x16xf32>,
    %swap3A_240 = arith.constant 5 : i32
    %swap3A_241 = arith.index_cast %swap3A_240 : i32 to index
    %swap3A_242 = arith.constant 0 : index
    %swap3A_243 = tpu.vector_load %arg8[%swap3A_241, %swap3A_242] {strides = array<i32>} : memref<16x128xf32, #tpu.memory_space<vmem>>, vector<1x16xf32>,
    %swap3A_244 = vector.shape_cast %swap3A_243 : vector<1x16xf32> to vector<16xf32>
    %swap3A_245 = vector.shape_cast %broadcast_in_dim3A_0 : vector<16xf32> to vector<1x16xf32>
    tpu.vector_store %arg8[%swap3A_241, %swap3A_242], %swap3A_245 {strides = array<i32>} : memref<16x128xf32, #tpu.memory_space<vmem>>, vector<1x16xf32>,
    %swap3A_246 = arith.constant 5 : i32
    %swap3A_247 = arith.index_cast %swap3A_246 : i32 to index
    %swap3A_248 = arith.constant 16 : index
    %swap3A_249 = tpu.vector_load %arg8[%swap3A_247, %swap3A_248] {strides = array<i32>} : memref<16x128xf32, #tpu.memory_space<vmem>>, vector<1x16xf32>,
    %swap3A_250 = vector.shape_cast %swap3A_249 : vector<1x16xf32> to vector<16xf32>
    %swap3A_251 = vector.shape_cast %broadcast_in_dim3A_0 : vector<16xf32> to vector<1x16xf32>
    tpu.vector_store %arg8[%swap3A_247, %swap3A_248], %swap3A_251 {strides = array<i32>} : memref<16x128xf32, #tpu.memory_space<vmem>>, vector<1x16xf32>,
    %swap3A_252 = arith.constant 5 : i32
    %swap3A_253 = arith.index_cast %swap3A_252 : i32 to index
    %swap3A_254 = arith.constant 32 : index
    %swap3A_255 = tpu.vector_load %arg8[%swap3A_253, %swap3A_254] {strides = array<i32>} : memref<16x128xf32, #tpu.memory_space<vmem>>, vector<1x16xf32>,
    %swap3A_256 = vector.shape_cast %swap3A_255 : vector<1x16xf32> to vector<16xf32>
    %swap3A_257 = vector.shape_cast %broadcast_in_dim3A_0 : vector<16xf32> to vector<1x16xf32>
    tpu.vector_store %arg8[%swap3A_253, %swap3A_254], %swap3A_257 {strides = array<i32>} : memref<16x128xf32, #tpu.memory_space<vmem>>, vector<1x16xf32>,
    %swap3A_258 = arith.constant 5 : i32
    %swap3A_259 = arith.index_cast %swap3A_258 : i32 to index
    %swap3A_260 = arith.constant 48 : index
    %swap3A_261 = tpu.vector_load %arg8[%swap3A_259, %swap3A_260] {strides = array<i32>} : memref<16x128xf32, #tpu.memory_space<vmem>>, vector<1x16xf32>,
    %swap3A_262 = vector.shape_cast %swap3A_261 : vector<1x16xf32> to vector<16xf32>
    %swap3A_263 = vector.shape_cast %broadcast_in_dim3A_0 : vector<16xf32> to vector<1x16xf32>
    tpu.vector_store %arg8[%swap3A_259, %swap3A_260], %swap3A_263 {strides = array<i32>} : memref<16x128xf32, #tpu.memory_space<vmem>>, vector<1x16xf32>,
    %swap3A_264 = arith.constant 5 : i32
    %swap3A_265 = arith.index_cast %swap3A_264 : i32 to index
    %swap3A_266 = arith.constant 64 : index
    %swap3A_267 = tpu.vector_load %arg8[%swap3A_265, %swap3A_266] {strides = array<i32>} : memref<16x128xf32, #tpu.memory_space<vmem>>, vector<1x16xf32>,
    %swap3A_268 = vector.shape_cast %swap3A_267 : vector<1x16xf32> to vector<16xf32>
    %swap3A_269 = vector.shape_cast %broadcast_in_dim3A_0 : vector<16xf32> to vector<1x16xf32>
    tpu.vector_store %arg8[%swap3A_265, %swap3A_266], %swap3A_269 {strides = array<i32>} : memref<16x128xf32, #tpu.memory_space<vmem>>, vector<1x16xf32>,
    %swap3A_270 = arith.constant 5 : i32
    %swap3A_271 = arith.index_cast %swap3A_270 : i32 to index
    %swap3A_272 = arith.constant 80 : index
    %swap3A_273 = tpu.vector_load %arg8[%swap3A_271, %swap3A_272] {strides = array<i32>} : memref<16x128xf32, #tpu.memory_space<vmem>>, vector<1x16xf32>,
    %swap3A_274 = vector.shape_cast %swap3A_273 : vector<1x16xf32> to vector<16xf32>
    %swap3A_275 = vector.shape_cast %broadcast_in_dim3A_0 : vector<16xf32> to vector<1x16xf32>
    tpu.vector_store %arg8[%swap3A_271, %swap3A_272], %swap3A_275 {strides = array<i32>} : memref<16x128xf32, #tpu.memory_space<vmem>>, vector<1x16xf32>,
    %swap3A_276 = arith.constant 5 : i32
    %swap3A_277 = arith.index_cast %swap3A_276 : i32 to index
    %swap3A_278 = arith.constant 96 : index
    %swap3A_279 = tpu.vector_load %arg8[%swap3A_277, %swap3A_278] {strides = array<i32>} : memref<16x128xf32, #tpu.memory_space<vmem>>, vector<1x16xf32>,
    %swap3A_280 = vector.shape_cast %swap3A_279 : vector<1x16xf32> to vector<16xf32>
    %swap3A_281 = vector.shape_cast %broadcast_in_dim3A_0 : vector<16xf32> to vector<1x16xf32>
    tpu.vector_store %arg8[%swap3A_277, %swap3A_278], %swap3A_281 {strides = array<i32>} : memref<16x128xf32, #tpu.memory_space<vmem>>, vector<1x16xf32>,
    %swap3A_282 = arith.constant 5 : i32
    %swap3A_283 = arith.index_cast %swap3A_282 : i32 to index
    %swap3A_284 = arith.constant 112 : index
    %swap3A_285 = tpu.vector_load %arg8[%swap3A_283, %swap3A_284] {strides = array<i32>} : memref<16x128xf32, #tpu.memory_space<vmem>>, vector<1x16xf32>,
    %swap3A_286 = vector.shape_cast %swap3A_285 : vector<1x16xf32> to vector<16xf32>
    %swap3A_287 = vector.shape_cast %broadcast_in_dim3A_0 : vector<16xf32> to vector<1x16xf32>
    tpu.vector_store %arg8[%swap3A_283, %swap3A_284], %swap3A_287 {strides = array<i32>} : memref<16x128xf32, #tpu.memory_space<vmem>>, vector<1x16xf32>,
    %swap3A_288 = arith.constant 6 : i32
    %swap3A_289 = arith.index_cast %swap3A_288 : i32 to index
    %swap3A_290 = arith.constant 0 : index
    %swap3A_291 = tpu.vector_load %arg8[%swap3A_289, %swap3A_290] {strides = array<i32>} : memref<16x128xf32, #tpu.memory_space<vmem>>, vector<1x16xf32>,
    %swap3A_292 = vector.shape_cast %swap3A_291 : vector<1x16xf32> to vector<16xf32>
    %swap3A_293 = vector.shape_cast %broadcast_in_dim3A_0 : vector<16xf32> to vector<1x16xf32>
    tpu.vector_store %arg8[%swap3A_289, %swap3A_290], %swap3A_293 {strides = array<i32>} : memref<16x128xf32, #tpu.memory_space<vmem>>, vector<1x16xf32>,
    %swap3A_294 = arith.constant 6 : i32
    %swap3A_295 = arith.index_cast %swap3A_294 : i32 to index
    %swap3A_296 = arith.constant 16 : index
    %swap3A_297 = tpu.vector_load %arg8[%swap3A_295, %swap3A_296] {strides = array<i32>} : memref<16x128xf32, #tpu.memory_space<vmem>>, vector<1x16xf32>,
    %swap3A_298 = vector.shape_cast %swap3A_297 : vector<1x16xf32> to vector<16xf32>
    %swap3A_299 = vector.shape_cast %broadcast_in_dim3A_0 : vector<16xf32> to vector<1x16xf32>
    tpu.vector_store %arg8[%swap3A_295, %swap3A_296], %swap3A_299 {strides = array<i32>} : memref<16x128xf32, #tpu.memory_space<vmem>>, vector<1x16xf32>,
    %swap3A_300 = arith.constant 6 : i32
    %swap3A_301 = arith.index_cast %swap3A_300 : i32 to index
    %swap3A_302 = arith.constant 32 : index
    %swap3A_303 = tpu.vector_load %arg8[%swap3A_301, %swap3A_302] {strides = array<i32>} : memref<16x128xf32, #tpu.memory_space<vmem>>, vector<1x16xf32>,
    %swap3A_304 = vector.shape_cast %swap3A_303 : vector<1x16xf32> to vector<16xf32>
    %swap3A_305 = vector.shape_cast %broadcast_in_dim3A_0 : vector<16xf32> to vector<1x16xf32>
    tpu.vector_store %arg8[%swap3A_301, %swap3A_302], %swap3A_305 {strides = array<i32>} : memref<16x128xf32, #tpu.memory_space<vmem>>, vector<1x16xf32>,
    %swap3A_306 = arith.constant 6 : i32
    %swap3A_307 = arith.index_cast %swap3A_306 : i32 to index
    %swap3A_308 = arith.constant 48 : index
    %swap3A_309 = tpu.vector_load %arg8[%swap3A_307, %swap3A_308] {strides = array<i32>} : memref<16x128xf32, #tpu.memory_space<vmem>>, vector<1x16xf32>,
    %swap3A_310 = vector.shape_cast %swap3A_309 : vector<1x16xf32> to vector<16xf32>
    %swap3A_311 = vector.shape_cast %broadcast_in_dim3A_0 : vector<16xf32> to vector<1x16xf32>
    tpu.vector_store %arg8[%swap3A_307, %swap3A_308], %swap3A_311 {strides = array<i32>} : memref<16x128xf32, #tpu.memory_space<vmem>>, vector<1x16xf32>,
    %swap3A_312 = arith.constant 6 : i32
    %swap3A_313 = arith.index_cast %swap3A_312 : i32 to index
    %swap3A_314 = arith.constant 64 : index
    %swap3A_315 = tpu.vector_load %arg8[%swap3A_313, %swap3A_314] {strides = array<i32>} : memref<16x128xf32, #tpu.memory_space<vmem>>, vector<1x16xf32>,
    %swap3A_316 = vector.shape_cast %swap3A_315 : vector<1x16xf32> to vector<16xf32>
    %swap3A_317 = vector.shape_cast %broadcast_in_dim3A_0 : vector<16xf32> to vector<1x16xf32>
    tpu.vector_store %arg8[%swap3A_313, %swap3A_314], %swap3A_317 {strides = array<i32>} : memref<16x128xf32, #tpu.memory_space<vmem>>, vector<1x16xf32>,
    %swap3A_318 = arith.constant 6 : i32
    %swap3A_319 = arith.index_cast %swap3A_318 : i32 to index
    %swap3A_320 = arith.constant 80 : index
    %swap3A_321 = tpu.vector_load %arg8[%swap3A_319, %swap3A_320] {strides = array<i32>} : memref<16x128xf32, #tpu.memory_space<vmem>>, vector<1x16xf32>,
    %swap3A_322 = vector.shape_cast %swap3A_321 : vector<1x16xf32> to vector<16xf32>
    %swap3A_323 = vector.shape_cast %broadcast_in_dim3A_0 : vector<16xf32> to vector<1x16xf32>
    tpu.vector_store %arg8[%swap3A_319, %swap3A_320], %swap3A_323 {strides = array<i32>} : memref<16x128xf32, #tpu.memory_space<vmem>>, vector<1x16xf32>,
    %swap3A_324 = arith.constant 6 : i32
    %swap3A_325 = arith.index_cast %swap3A_324 : i32 to index
    %swap3A_326 = arith.constant 96 : index
    %swap3A_327 = tpu.vector_load %arg8[%swap3A_325, %swap3A_326] {strides = array<i32>} : memref<16x128xf32, #tpu.memory_space<vmem>>, vector<1x16xf32>,
    %swap3A_328 = vector.shape_cast %swap3A_327 : vector<1x16xf32> to vector<16xf32>
    %swap3A_329 = vector.shape_cast %broadcast_in_dim3A_0 : vector<16xf32> to vector<1x16xf32>
    tpu.vector_store %arg8[%swap3A_325, %swap3A_326], %swap3A_329 {strides = array<i32>} : memref<16x128xf32, #tpu.memory_space<vmem>>, vector<1x16xf32>,
    %swap3A_330 = arith.constant 6 : i32
    %swap3A_331 = arith.index_cast %swap3A_330 : i32 to index
    %swap3A_332 = arith.constant 112 : index
    %swap3A_333 = tpu.vector_load %arg8[%swap3A_331, %swap3A_332] {strides = array<i32>} : memref<16x128xf32, #tpu.memory_space<vmem>>, vector<1x16xf32>,
    %swap3A_334 = vector.shape_cast %swap3A_333 : vector<1x16xf32> to vector<16xf32>
    %swap3A_335 = vector.shape_cast %broadcast_in_dim3A_0 : vector<16xf32> to vector<1x16xf32>
    tpu.vector_store %arg8[%swap3A_331, %swap3A_332], %swap3A_335 {strides = array<i32>} : memref<16x128xf32, #tpu.memory_space<vmem>>, vector<1x16xf32>,
    %swap3A_336 = arith.constant 7 : i32
    %swap3A_337 = arith.index_cast %swap3A_336 : i32 to index
    %swap3A_338 = arith.constant 0 : index
    %swap3A_339 = tpu.vector_load %arg8[%swap3A_337, %swap3A_338] {strides = array<i32>} : memref<16x128xf32, #tpu.memory_space<vmem>>, vector<1x16xf32>,
    %swap3A_340 = vector.shape_cast %swap3A_339 : vector<1x16xf32> to vector<16xf32>
    %swap3A_341 = vector.shape_cast %broadcast_in_dim3A_0 : vector<16xf32> to vector<1x16xf32>
    tpu.vector_store %arg8[%swap3A_337, %swap3A_338], %swap3A_341 {strides = array<i32>} : memref<16x128xf32, #tpu.memory_space<vmem>>, vector<1x16xf32>,
    %swap3A_342 = arith.constant 7 : i32
    %swap3A_343 = arith.index_cast %swap3A_342 : i32 to index
    %swap3A_344 = arith.constant 16 : index
    %swap3A_345 = tpu.vector_load %arg8[%swap3A_343, %swap3A_344] {strides = array<i32>} : memref<16x128xf32, #tpu.memory_space<vmem>>, vector<1x16xf32>,
    %swap3A_346 = vector.shape_cast %swap3A_345 : vector<1x16xf32> to vector<16xf32>
    %swap3A_347 = vector.shape_cast %broadcast_in_dim3A_0 : vector<16xf32> to vector<1x16xf32>
    tpu.vector_store %arg8[%swap3A_343, %swap3A_344], %swap3A_347 {strides = array<i32>} : memref<16x128xf32, #tpu.memory_space<vmem>>, vector<1x16xf32>,
    %swap3A_348 = arith.constant 7 : i32
    %swap3A_349 = arith.index_cast %swap3A_348 : i32 to index
    %swap3A_350 = arith.constant 32 : index
    %swap3A_351 = tpu.vector_load %arg8[%swap3A_349, %swap3A_350] {strides = array<i32>} : memref<16x128xf32, #tpu.memory_space<vmem>>, vector<1x16xf32>,
    %swap3A_352 = vector.shape_cast %swap3A_351 : vector<1x16xf32> to vector<16xf32>
    %swap3A_353 = vector.shape_cast %broadcast_in_dim3A_0 : vector<16xf32> to vector<1x16xf32>
    tpu.vector_store %arg8[%swap3A_349, %swap3A_350], %swap3A_353 {strides = array<i32>} : memref<16x128xf32, #tpu.memory_space<vmem>>, vector<1x16xf32>,
    %swap3A_354 = arith.constant 7 : i32
    %swap3A_355 = arith.index_cast %swap3A_354 : i32 to index
    %swap3A_356 = arith.constant 48 : index
    %swap3A_357 = tpu.vector_load %arg8[%swap3A_355, %swap3A_356] {strides = array<i32>} : memref<16x128xf32, #tpu.memory_space<vmem>>, vector<1x16xf32>,
    %swap3A_358 = vector.shape_cast %swap3A_357 : vector<1x16xf32> to vector<16xf32>
    %swap3A_359 = vector.shape_cast %broadcast_in_dim3A_0 : vector<16xf32> to vector<1x16xf32>
    tpu.vector_store %arg8[%swap3A_355, %swap3A_356], %swap3A_359 {strides = array<i32>} : memref<16x128xf32, #tpu.memory_space<vmem>>, vector<1x16xf32>,
    %swap3A_360 = arith.constant 7 : i32
    %swap3A_361 = arith.index_cast %swap3A_360 : i32 to index
    %swap3A_362 = arith.constant 64 : index
    %swap3A_363 = tpu.vector_load %arg8[%swap3A_361, %swap3A_362] {strides = array<i32>} : memref<16x128xf32, #tpu.memory_space<vmem>>, vector<1x16xf32>,
    %swap3A_364 = vector.shape_cast %swap3A_363 : vector<1x16xf32> to vector<16xf32>
    %swap3A_365 = vector.shape_cast %broadcast_in_dim3A_0 : vector<16xf32> to vector<1x16xf32>
    tpu.vector_store %arg8[%swap3A_361, %swap3A_362], %swap3A_365 {strides = array<i32>} : memref<16x128xf32, #tpu.memory_space<vmem>>, vector<1x16xf32>,
    %swap3A_366 = arith.constant 7 : i32
    %swap3A_367 = arith.index_cast %swap3A_366 : i32 to index
    %swap3A_368 = arith.constant 80 : index
    %swap3A_369 = tpu.vector_load %arg8[%swap3A_367, %swap3A_368] {strides = array<i32>} : memref<16x128xf32, #tpu.memory_space<vmem>>, vector<1x16xf32>,
    %swap3A_370 = vector.shape_cast %swap3A_369 : vector<1x16xf32> to vector<16xf32>
    %swap3A_371 = vector.shape_cast %broadcast_in_dim3A_0 : vector<16xf32> to vector<1x16xf32>
    tpu.vector_store %arg8[%swap3A_367, %swap3A_368], %swap3A_371 {strides = array<i32>} : memref<16x128xf32, #tpu.memory_space<vmem>>, vector<1x16xf32>,
    %swap3A_372 = arith.constant 7 : i32
    %swap3A_373 = arith.index_cast %swap3A_372 : i32 to index
    %swap3A_374 = arith.constant 96 : index
    %swap3A_375 = tpu.vector_load %arg8[%swap3A_373, %swap3A_374] {strides = array<i32>} : memref<16x128xf32, #tpu.memory_space<vmem>>, vector<1x16xf32>,
    %swap3A_376 = vector.shape_cast %swap3A_375 : vector<1x16xf32> to vector<16xf32>
    %swap3A_377 = vector.shape_cast %broadcast_in_dim3A_0 : vector<16xf32> to vector<1x16xf32>
    tpu.vector_store %arg8[%swap3A_373, %swap3A_374], %swap3A_377 {strides = array<i32>} : memref<16x128xf32, #tpu.memory_space<vmem>>, vector<1x16xf32>,
    %swap3A_378 = arith.constant 7 : i32
    %swap3A_379 = arith.index_cast %swap3A_378 : i32 to index
    %swap3A_380 = arith.constant 112 : index
    %swap3A_381 = tpu.vector_load %arg8[%swap3A_379, %swap3A_380] {strides = array<i32>} : memref<16x128xf32, #tpu.memory_space<vmem>>, vector<1x16xf32>,
    %swap3A_382 = vector.shape_cast %swap3A_381 : vector<1x16xf32> to vector<16xf32>
    %swap3A_383 = vector.shape_cast %broadcast_in_dim3A_0 : vector<16xf32> to vector<1x16xf32>
    tpu.vector_store %arg8[%swap3A_379, %swap3A_380], %swap3A_383 {strides = array<i32>} : memref<16x128xf32, #tpu.memory_space<vmem>>, vector<1x16xf32>,
    %swap3A_384 = arith.constant 8 : i32
    %swap3A_385 = arith.index_cast %swap3A_384 : i32 to index
    %swap3A_386 = arith.constant 0 : index
    %swap3A_387 = tpu.vector_load %arg8[%swap3A_385, %swap3A_386] {strides = array<i32>} : memref<16x128xf32, #tpu.memory_space<vmem>>, vector<1x16xf32>,
    %swap3A_388 = vector.shape_cast %swap3A_387 : vector<1x16xf32> to vector<16xf32>
    %swap3A_389 = vector.shape_cast %broadcast_in_dim3A_0 : vector<16xf32> to vector<1x16xf32>
    tpu.vector_store %arg8[%swap3A_385, %swap3A_386], %swap3A_389 {strides = array<i32>} : memref<16x128xf32, #tpu.memory_space<vmem>>, vector<1x16xf32>,
    %swap3A_390 = arith.constant 8 : i32
    %swap3A_391 = arith.index_cast %swap3A_390 : i32 to index
    %swap3A_392 = arith.constant 16 : index
    %swap3A_393 = tpu.vector_load %arg8[%swap3A_391, %swap3A_392] {strides = array<i32>} : memref<16x128xf32, #tpu.memory_space<vmem>>, vector<1x16xf32>,
    %swap3A_394 = vector.shape_cast %swap3A_393 : vector<1x16xf32> to vector<16xf32>
    %swap3A_395 = vector.shape_cast %broadcast_in_dim3A_0 : vector<16xf32> to vector<1x16xf32>
    tpu.vector_store %arg8[%swap3A_391, %swap3A_392], %swap3A_395 {strides = array<i32>} : memref<16x128xf32, #tpu.memory_space<vmem>>, vector<1x16xf32>,
    %swap3A_396 = arith.constant 8 : i32
    %swap3A_397 = arith.index_cast %swap3A_396 : i32 to index
    %swap3A_398 = arith.constant 32 : index
    %swap3A_399 = tpu.vector_load %arg8[%swap3A_397, %swap3A_398] {strides = array<i32>} : memref<16x128xf32, #tpu.memory_space<vmem>>, vector<1x16xf32>,
    %swap3A_400 = vector.shape_cast %swap3A_399 : vector<1x16xf32> to vector<16xf32>
    %swap3A_401 = vector.shape_cast %broadcast_in_dim3A_0 : vector<16xf32> to vector<1x16xf32>
    tpu.vector_store %arg8[%swap3A_397, %swap3A_398], %swap3A_401 {strides = array<i32>} : memref<16x128xf32, #tpu.memory_space<vmem>>, vector<1x16xf32>,
    %swap3A_402 = arith.constant 8 : i32
    %swap3A_403 = arith.index_cast %swap3A_402 : i32 to index
    %swap3A_404 = arith.constant 48 : index
    %swap3A_405 = tpu.vector_load %arg8[%swap3A_403, %swap3A_404] {strides = array<i32>} : memref<16x128xf32, #tpu.memory_space<vmem>>, vector<1x16xf32>,
    %swap3A_406 = vector.shape_cast %swap3A_405 : vector<1x16xf32> to vector<16xf32>
    %swap3A_407 = vector.shape_cast %broadcast_in_dim3A_0 : vector<16xf32> to vector<1x16xf32>
    tpu.vector_store %arg8[%swap3A_403, %swap3A_404], %swap3A_407 {strides = array<i32>} : memref<16x128xf32, #tpu.memory_space<vmem>>, vector<1x16xf32>,
    %swap3A_408 = arith.constant 8 : i32
    %swap3A_409 = arith.index_cast %swap3A_408 : i32 to index
    %swap3A_410 = arith.constant 64 : index
    %swap3A_411 = tpu.vector_load %arg8[%swap3A_409, %swap3A_410] {strides = array<i32>} : memref<16x128xf32, #tpu.memory_space<vmem>>, vector<1x16xf32>,
    %swap3A_412 = vector.shape_cast %swap3A_411 : vector<1x16xf32> to vector<16xf32>
    %swap3A_413 = vector.shape_cast %broadcast_in_dim3A_0 : vector<16xf32> to vector<1x16xf32>
    tpu.vector_store %arg8[%swap3A_409, %swap3A_410], %swap3A_413 {strides = array<i32>} : memref<16x128xf32, #tpu.memory_space<vmem>>, vector<1x16xf32>,
    %swap3A_414 = arith.constant 8 : i32
    %swap3A_415 = arith.index_cast %swap3A_414 : i32 to index
    %swap3A_416 = arith.constant 80 : index
    %swap3A_417 = tpu.vector_load %arg8[%swap3A_415, %swap3A_416] {strides = array<i32>} : memref<16x128xf32, #tpu.memory_space<vmem>>, vector<1x16xf32>,
    %swap3A_418 = vector.shape_cast %swap3A_417 : vector<1x16xf32> to vector<16xf32>
    %swap3A_419 = vector.shape_cast %broadcast_in_dim3A_0 : vector<16xf32> to vector<1x16xf32>
    tpu.vector_store %arg8[%swap3A_415, %swap3A_416], %swap3A_419 {strides = array<i32>} : memref<16x128xf32, #tpu.memory_space<vmem>>, vector<1x16xf32>,
    %swap3A_420 = arith.constant 8 : i32
    %swap3A_421 = arith.index_cast %swap3A_420 : i32 to index
    %swap3A_422 = arith.constant 96 : index
    %swap3A_423 = tpu.vector_load %arg8[%swap3A_421, %swap3A_422] {strides = array<i32>} : memref<16x128xf32, #tpu.memory_space<vmem>>, vector<1x16xf32>,
    %swap3A_424 = vector.shape_cast %swap3A_423 : vector<1x16xf32> to vector<16xf32>
    %swap3A_425 = vector.shape_cast %broadcast_in_dim3A_0 : vector<16xf32> to vector<1x16xf32>
    tpu.vector_store %arg8[%swap3A_421, %swap3A_422], %swap3A_425 {strides = array<i32>} : memref<16x128xf32, #tpu.memory_space<vmem>>, vector<1x16xf32>,
    %swap3A_426 = arith.constant 8 : i32
    %swap3A_427 = arith.index_cast %swap3A_426 : i32 to index
    %swap3A_428 = arith.constant 112 : index
    %swap3A_429 = tpu.vector_load %arg8[%swap3A_427, %swap3A_428] {strides = array<i32>} : memref<16x128xf32, #tpu.memory_space<vmem>>, vector<1x16xf32>,
    %swap3A_430 = vector.shape_cast %swap3A_429 : vector<1x16xf32> to vector<16xf32>
    %swap3A_431 = vector.shape_cast %broadcast_in_dim3A_0 : vector<16xf32> to vector<1x16xf32>
    tpu.vector_store %arg8[%swap3A_427, %swap3A_428], %swap3A_431 {strides = array<i32>} : memref<16x128xf32, #tpu.memory_space<vmem>>, vector<1x16xf32>,
    %swap3A_432 = arith.constant 9 : i32
    %swap3A_433 = arith.index_cast %swap3A_432 : i32 to index
    %swap3A_434 = arith.constant 0 : index
    %swap3A_435 = tpu.vector_load %arg8[%swap3A_433, %swap3A_434] {strides = array<i32>} : memref<16x128xf32, #tpu.memory_space<vmem>>, vector<1x16xf32>,
    %swap3A_436 = vector.shape_cast %swap3A_435 : vector<1x16xf32> to vector<16xf32>
    %swap3A_437 = vector.shape_cast %broadcast_in_dim3A_0 : vector<16xf32> to vector<1x16xf32>
    tpu.vector_store %arg8[%swap3A_433, %swap3A_434], %swap3A_437 {strides = array<i32>} : memref<16x128xf32, #tpu.memory_space<vmem>>, vector<1x16xf32>,
    %swap3A_438 = arith.constant 9 : i32
    %swap3A_439 = arith.index_cast %swap3A_438 : i32 to index
    %swap3A_440 = arith.constant 16 : index
    %swap3A_441 = tpu.vector_load %arg8[%swap3A_439, %swap3A_440] {strides = array<i32>} : memref<16x128xf32, #tpu.memory_space<vmem>>, vector<1x16xf32>,
    %swap3A_442 = vector.shape_cast %swap3A_441 : vector<1x16xf32> to vector<16xf32>
    %swap3A_443 = vector.shape_cast %broadcast_in_dim3A_0 : vector<16xf32> to vector<1x16xf32>
    tpu.vector_store %arg8[%swap3A_439, %swap3A_440], %swap3A_443 {strides = array<i32>} : memref<16x128xf32, #tpu.memory_space<vmem>>, vector<1x16xf32>,
    %swap3A_444 = arith.constant 9 : i32
    %swap3A_445 = arith.index_cast %swap3A_444 : i32 to index
    %swap3A_446 = arith.constant 32 : index
    %swap3A_447 = tpu.vector_load %arg8[%swap3A_445, %swap3A_446] {strides = array<i32>} : memref<16x128xf32, #tpu.memory_space<vmem>>, vector<1x16xf32>,
    %swap3A_448 = vector.shape_cast %swap3A_447 : vector<1x16xf32> to vector<16xf32>
    %swap3A_449 = vector.shape_cast %broadcast_in_dim3A_0 : vector<16xf32> to vector<1x16xf32>
    tpu.vector_store %arg8[%swap3A_445, %swap3A_446], %swap3A_449 {strides = array<i32>} : memref<16x128xf32, #tpu.memory_space<vmem>>, vector<1x16xf32>,
    %swap3A_450 = arith.constant 9 : i32
    %swap3A_451 = arith.index_cast %swap3A_450 : i32 to index
    %swap3A_452 = arith.constant 48 : index
    %swap3A_453 = tpu.vector_load %arg8[%swap3A_451, %swap3A_452] {strides = array<i32>} : memref<16x128xf32, #tpu.memory_space<vmem>>, vector<1x16xf32>,
    %swap3A_454 = vector.shape_cast %swap3A_453 : vector<1x16xf32> to vector<16xf32>
    %swap3A_455 = vector.shape_cast %broadcast_in_dim3A_0 : vector<16xf32> to vector<1x16xf32>
    tpu.vector_store %arg8[%swap3A_451, %swap3A_452], %swap3A_455 {strides = array<i32>} : memref<16x128xf32, #tpu.memory_space<vmem>>, vector<1x16xf32>,
    %swap3A_456 = arith.constant 9 : i32
    %swap3A_457 = arith.index_cast %swap3A_456 : i32 to index
    %swap3A_458 = arith.constant 64 : index
    %swap3A_459 = tpu.vector_load %arg8[%swap3A_457, %swap3A_458] {strides = array<i32>} : memref<16x128xf32, #tpu.memory_space<vmem>>, vector<1x16xf32>,
    %swap3A_460 = vector.shape_cast %swap3A_459 : vector<1x16xf32> to vector<16xf32>
    %swap3A_461 = vector.shape_cast %broadcast_in_dim3A_0 : vector<16xf32> to vector<1x16xf32>
    tpu.vector_store %arg8[%swap3A_457, %swap3A_458], %swap3A_461 {strides = array<i32>} : memref<16x128xf32, #tpu.memory_space<vmem>>, vector<1x16xf32>,
    %swap3A_462 = arith.constant 9 : i32
    %swap3A_463 = arith.index_cast %swap3A_462 : i32 to index
    %swap3A_464 = arith.constant 80 : index
    %swap3A_465 = tpu.vector_load %arg8[%swap3A_463, %swap3A_464] {strides = array<i32>} : memref<16x128xf32, #tpu.memory_space<vmem>>, vector<1x16xf32>,
    %swap3A_466 = vector.shape_cast %swap3A_465 : vector<1x16xf32> to vector<16xf32>
    %swap3A_467 = vector.shape_cast %broadcast_in_dim3A_0 : vector<16xf32> to vector<1x16xf32>
    tpu.vector_store %arg8[%swap3A_463, %swap3A_464], %swap3A_467 {strides = array<i32>} : memref<16x128xf32, #tpu.memory_space<vmem>>, vector<1x16xf32>,
    %swap3A_468 = arith.constant 9 : i32
    %swap3A_469 = arith.index_cast %swap3A_468 : i32 to index
    %swap3A_470 = arith.constant 96 : index
    %swap3A_471 = tpu.vector_load %arg8[%swap3A_469, %swap3A_470] {strides = array<i32>} : memref<16x128xf32, #tpu.memory_space<vmem>>, vector<1x16xf32>,
    %swap3A_472 = vector.shape_cast %swap3A_471 : vector<1x16xf32> to vector<16xf32>
    %swap3A_473 = vector.shape_cast %broadcast_in_dim3A_0 : vector<16xf32> to vector<1x16xf32>
    tpu.vector_store %arg8[%swap3A_469, %swap3A_470], %swap3A_473 {strides = array<i32>} : memref<16x128xf32, #tpu.memory_space<vmem>>, vector<1x16xf32>,
    %swap3A_474 = arith.constant 9 : i32
    %swap3A_475 = arith.index_cast %swap3A_474 : i32 to index
    %swap3A_476 = arith.constant 112 : index
    %swap3A_477 = tpu.vector_load %arg8[%swap3A_475, %swap3A_476] {strides = array<i32>} : memref<16x128xf32, #tpu.memory_space<vmem>>, vector<1x16xf32>,
    %swap3A_478 = vector.shape_cast %swap3A_477 : vector<1x16xf32> to vector<16xf32>
    %swap3A_479 = vector.shape_cast %broadcast_in_dim3A_0 : vector<16xf32> to vector<1x16xf32>
    tpu.vector_store %arg8[%swap3A_475, %swap3A_476], %swap3A_479 {strides = array<i32>} : memref<16x128xf32, #tpu.memory_space<vmem>>, vector<1x16xf32>,
    %swap3A_480 = arith.constant 10 : i32
    %swap3A_481 = arith.index_cast %swap3A_480 : i32 to index
    %swap3A_482 = arith.constant 0 : index
    %swap3A_483 = tpu.vector_load %arg8[%swap3A_481, %swap3A_482] {strides = array<i32>} : memref<16x128xf32, #tpu.memory_space<vmem>>, vector<1x16xf32>,
    %swap3A_484 = vector.shape_cast %swap3A_483 : vector<1x16xf32> to vector<16xf32>
    %swap3A_485 = vector.shape_cast %broadcast_in_dim3A_0 : vector<16xf32> to vector<1x16xf32>
    tpu.vector_store %arg8[%swap3A_481, %swap3A_482], %swap3A_485 {strides = array<i32>} : memref<16x128xf32, #tpu.memory_space<vmem>>, vector<1x16xf32>,
    %swap3A_486 = arith.constant 10 : i32
    %swap3A_487 = arith.index_cast %swap3A_486 : i32 to index
    %swap3A_488 = arith.constant 16 : index
    %swap3A_489 = tpu.vector_load %arg8[%swap3A_487, %swap3A_488] {strides = array<i32>} : memref<16x128xf32, #tpu.memory_space<vmem>>, vector<1x16xf32>,
    %swap3A_490 = vector.shape_cast %swap3A_489 : vector<1x16xf32> to vector<16xf32>
    %swap3A_491 = vector.shape_cast %broadcast_in_dim3A_0 : vector<16xf32> to vector<1x16xf32>
    tpu.vector_store %arg8[%swap3A_487, %swap3A_488], %swap3A_491 {strides = array<i32>} : memref<16x128xf32, #tpu.memory_space<vmem>>, vector<1x16xf32>,
    %swap3A_492 = arith.constant 10 : i32
    %swap3A_493 = arith.index_cast %swap3A_492 : i32 to index
    %swap3A_494 = arith.constant 32 : index
    %swap3A_495 = tpu.vector_load %arg8[%swap3A_493, %swap3A_494] {strides = array<i32>} : memref<16x128xf32, #tpu.memory_space<vmem>>, vector<1x16xf32>,
    %swap3A_496 = vector.shape_cast %swap3A_495 : vector<1x16xf32> to vector<16xf32>
    %swap3A_497 = vector.shape_cast %broadcast_in_dim3A_0 : vector<16xf32> to vector<1x16xf32>
    tpu.vector_store %arg8[%swap3A_493, %swap3A_494], %swap3A_497 {strides = array<i32>} : memref<16x128xf32, #tpu.memory_space<vmem>>, vector<1x16xf32>,
    %swap3A_498 = arith.constant 10 : i32
    %swap3A_499 = arith.index_cast %swap3A_498 : i32 to index
    %swap3A_500 = arith.constant 48 : index
    %swap3A_501 = tpu.vector_load %arg8[%swap3A_499, %swap3A_500] {strides = array<i32>} : memref<16x128xf32, #tpu.memory_space<vmem>>, vector<1x16xf32>,
    %swap3A_502 = vector.shape_cast %swap3A_501 : vector<1x16xf32> to vector<16xf32>
    %swap3A_503 = vector.shape_cast %broadcast_in_dim3A_0 : vector<16xf32> to vector<1x16xf32>
    tpu.vector_store %arg8[%swap3A_499, %swap3A_500], %swap3A_503 {strides = array<i32>} : memref<16x128xf32, #tpu.memory_space<vmem>>, vector<1x16xf32>,
    %swap3A_504 = arith.constant 10 : i32
    %swap3A_505 = arith.index_cast %swap3A_504 : i32 to index
    %swap3A_506 = arith.constant 64 : index
    %swap3A_507 = tpu.vector_load %arg8[%swap3A_505, %swap3A_506] {strides = array<i32>} : memref<16x128xf32, #tpu.memory_space<vmem>>, vector<1x16xf32>,
    %swap3A_508 = vector.shape_cast %swap3A_507 : vector<1x16xf32> to vector<16xf32>
    %swap3A_509 = vector.shape_cast %broadcast_in_dim3A_0 : vector<16xf32> to vector<1x16xf32>
    tpu.vector_store %arg8[%swap3A_505, %swap3A_506], %swap3A_509 {strides = array<i32>} : memref<16x128xf32, #tpu.memory_space<vmem>>, vector<1x16xf32>,
    %swap3A_510 = arith.constant 10 : i32
    %swap3A_511 = arith.index_cast %swap3A_510 : i32 to index
    %swap3A_512 = arith.constant 80 : index
    %swap3A_513 = tpu.vector_load %arg8[%swap3A_511, %swap3A_512] {strides = array<i32>} : memref<16x128xf32, #tpu.memory_space<vmem>>, vector<1x16xf32>,
    %swap3A_514 = vector.shape_cast %swap3A_513 : vector<1x16xf32> to vector<16xf32>
    %swap3A_515 = vector.shape_cast %broadcast_in_dim3A_0 : vector<16xf32> to vector<1x16xf32>
    tpu.vector_store %arg8[%swap3A_511, %swap3A_512], %swap3A_515 {strides = array<i32>} : memref<16x128xf32, #tpu.memory_space<vmem>>, vector<1x16xf32>,
    %swap3A_516 = arith.constant 10 : i32
    %swap3A_517 = arith.index_cast %swap3A_516 : i32 to index
    %swap3A_518 = arith.constant 96 : index
    %swap3A_519 = tpu.vector_load %arg8[%swap3A_517, %swap3A_518] {strides = array<i32>} : memref<16x128xf32, #tpu.memory_space<vmem>>, vector<1x16xf32>,
    %swap3A_520 = vector.shape_cast %swap3A_519 : vector<1x16xf32> to vector<16xf32>
    %swap3A_521 = vector.shape_cast %broadcast_in_dim3A_0 : vector<16xf32> to vector<1x16xf32>
    tpu.vector_store %arg8[%swap3A_517, %swap3A_518], %swap3A_521 {strides = array<i32>} : memref<16x128xf32, #tpu.memory_space<vmem>>, vector<1x16xf32>,
    %swap3A_522 = arith.constant 10 : i32
    %swap3A_523 = arith.index_cast %swap3A_522 : i32 to index
    %swap3A_524 = arith.constant 112 : index
    %swap3A_525 = tpu.vector_load %arg8[%swap3A_523, %swap3A_524] {strides = array<i32>} : memref<16x128xf32, #tpu.memory_space<vmem>>, vector<1x16xf32>,
    %swap3A_526 = vector.shape_cast %swap3A_525 : vector<1x16xf32> to vector<16xf32>
    %swap3A_527 = vector.shape_cast %broadcast_in_dim3A_0 : vector<16xf32> to vector<1x16xf32>
    tpu.vector_store %arg8[%swap3A_523, %swap3A_524], %swap3A_527 {strides = array<i32>} : memref<16x128xf32, #tpu.memory_space<vmem>>, vector<1x16xf32>,
    %swap3A_528 = arith.constant 11 : i32
    %swap3A_529 = arith.index_cast %swap3A_528 : i32 to index
    %swap3A_530 = arith.constant 0 : index
    %swap3A_531 = tpu.vector_load %arg8[%swap3A_529, %swap3A_530] {strides = array<i32>} : memref<16x128xf32, #tpu.memory_space<vmem>>, vector<1x16xf32>,
    %swap3A_532 = vector.shape_cast %swap3A_531 : vector<1x16xf32> to vector<16xf32>
    %swap3A_533 = vector.shape_cast %broadcast_in_dim3A_0 : vector<16xf32> to vector<1x16xf32>
    tpu.vector_store %arg8[%swap3A_529, %swap3A_530], %swap3A_533 {strides = array<i32>} : memref<16x128xf32, #tpu.memory_space<vmem>>, vector<1x16xf32>,
    %swap3A_534 = arith.constant 11 : i32
    %swap3A_535 = arith.index_cast %swap3A_534 : i32 to index
    %swap3A_536 = arith.constant 16 : index
    %swap3A_537 = tpu.vector_load %arg8[%swap3A_535, %swap3A_536] {strides = array<i32>} : memref<16x128xf32, #tpu.memory_space<vmem>>, vector<1x16xf32>,
    %swap3A_538 = vector.shape_cast %swap3A_537 : vector<1x16xf32> to vector<16xf32>
    %swap3A_539 = vector.shape_cast %broadcast_in_dim3A_0 : vector<16xf32> to vector<1x16xf32>
    tpu.vector_store %arg8[%swap3A_535, %swap3A_536], %swap3A_539 {strides = array<i32>} : memref<16x128xf32, #tpu.memory_space<vmem>>, vector<1x16xf32>,
    %swap3A_540 = arith.constant 11 : i32
    %swap3A_541 = arith.index_cast %swap3A_540 : i32 to index
    %swap3A_542 = arith.constant 32 : index
    %swap3A_543 = tpu.vector_load %arg8[%swap3A_541, %swap3A_542] {strides = array<i32>} : memref<16x128xf32, #tpu.memory_space<vmem>>, vector<1x16xf32>,
    %swap3A_544 = vector.shape_cast %swap3A_543 : vector<1x16xf32> to vector<16xf32>
    %swap3A_545 = vector.shape_cast %broadcast_in_dim3A_0 : vector<16xf32> to vector<1x16xf32>
    tpu.vector_store %arg8[%swap3A_541, %swap3A_542], %swap3A_545 {strides = array<i32>} : memref<16x128xf32, #tpu.memory_space<vmem>>, vector<1x16xf32>,
    %swap3A_546 = arith.constant 11 : i32
    %swap3A_547 = arith.index_cast %swap3A_546 : i32 to index
    %swap3A_548 = arith.constant 48 : index
    %swap3A_549 = tpu.vector_load %arg8[%swap3A_547, %swap3A_548] {strides = array<i32>} : memref<16x128xf32, #tpu.memory_space<vmem>>, vector<1x16xf32>,
    %swap3A_550 = vector.shape_cast %swap3A_549 : vector<1x16xf32> to vector<16xf32>
    %swap3A_551 = vector.shape_cast %broadcast_in_dim3A_0 : vector<16xf32> to vector<1x16xf32>
    tpu.vector_store %arg8[%swap3A_547, %swap3A_548], %swap3A_551 {strides = array<i32>} : memref<16x128xf32, #tpu.memory_space<vmem>>, vector<1x16xf32>,
    %swap3A_552 = arith.constant 11 : i32
    %swap3A_553 = arith.index_cast %swap3A_552 : i32 to index
    %swap3A_554 = arith.constant 64 : index
    %swap3A_555 = tpu.vector_load %arg8[%swap3A_553, %swap3A_554] {strides = array<i32>} : memref<16x128xf32, #tpu.memory_space<vmem>>, vector<1x16xf32>,
    %swap3A_556 = vector.shape_cast %swap3A_555 : vector<1x16xf32> to vector<16xf32>
    %swap3A_557 = vector.shape_cast %broadcast_in_dim3A_0 : vector<16xf32> to vector<1x16xf32>
    tpu.vector_store %arg8[%swap3A_553, %swap3A_554], %swap3A_557 {strides = array<i32>} : memref<16x128xf32, #tpu.memory_space<vmem>>, vector<1x16xf32>,
    %swap3A_558 = arith.constant 11 : i32
    %swap3A_559 = arith.index_cast %swap3A_558 : i32 to index
    %swap3A_560 = arith.constant 80 : index
    %swap3A_561 = tpu.vector_load %arg8[%swap3A_559, %swap3A_560] {strides = array<i32>} : memref<16x128xf32, #tpu.memory_space<vmem>>, vector<1x16xf32>,
    %swap3A_562 = vector.shape_cast %swap3A_561 : vector<1x16xf32> to vector<16xf32>
    %swap3A_563 = vector.shape_cast %broadcast_in_dim3A_0 : vector<16xf32> to vector<1x16xf32>
    tpu.vector_store %arg8[%swap3A_559, %swap3A_560], %swap3A_563 {strides = array<i32>} : memref<16x128xf32, #tpu.memory_space<vmem>>, vector<1x16xf32>,
    %swap3A_564 = arith.constant 11 : i32
    %swap3A_565 = arith.index_cast %swap3A_564 : i32 to index
    %swap3A_566 = arith.constant 96 : index
    %swap3A_567 = tpu.vector_load %arg8[%swap3A_565, %swap3A_566] {strides = array<i32>} : memref<16x128xf32, #tpu.memory_space<vmem>>, vector<1x16xf32>,
    %swap3A_568 = vector.shape_cast %swap3A_567 : vector<1x16xf32> to vector<16xf32>
    %swap3A_569 = vector.shape_cast %broadcast_in_dim3A_0 : vector<16xf32> to vector<1x16xf32>
    tpu.vector_store %arg8[%swap3A_565, %swap3A_566], %swap3A_569 {strides = array<i32>} : memref<16x128xf32, #tpu.memory_space<vmem>>, vector<1x16xf32>,
    %swap3A_570 = arith.constant 11 : i32
    %swap3A_571 = arith.index_cast %swap3A_570 : i32 to index
    %swap3A_572 = arith.constant 112 : index
    %swap3A_573 = tpu.vector_load %arg8[%swap3A_571, %swap3A_572] {strides = array<i32>} : memref<16x128xf32, #tpu.memory_space<vmem>>, vector<1x16xf32>,
    %swap3A_574 = vector.shape_cast %swap3A_573 : vector<1x16xf32> to vector<16xf32>
    %swap3A_575 = vector.shape_cast %broadcast_in_dim3A_0 : vector<16xf32> to vector<1x16xf32>
    tpu.vector_store %arg8[%swap3A_571, %swap3A_572], %swap3A_575 {strides = array<i32>} : memref<16x128xf32, #tpu.memory_space<vmem>>, vector<1x16xf32>,
    %swap3A_576 = arith.constant 12 : i32
    %swap3A_577 = arith.index_cast %swap3A_576 : i32 to index
    %swap3A_578 = arith.constant 0 : index
    %swap3A_579 = tpu.vector_load %arg8[%swap3A_577, %swap3A_578] {strides = array<i32>} : memref<16x128xf32, #tpu.memory_space<vmem>>, vector<1x16xf32>,
    %swap3A_580 = vector.shape_cast %swap3A_579 : vector<1x16xf32> to vector<16xf32>
    %swap3A_581 = vector.shape_cast %broadcast_in_dim3A_0 : vector<16xf32> to vector<1x16xf32>
    tpu.vector_store %arg8[%swap3A_577, %swap3A_578], %swap3A_581 {strides = array<i32>} : memref<16x128xf32, #tpu.memory_space<vmem>>, vector<1x16xf32>,
    %swap3A_582 = arith.constant 12 : i32
    %swap3A_583 = arith.index_cast %swap3A_582 : i32 to index
    %swap3A_584 = arith.constant 16 : index
    %swap3A_585 = tpu.vector_load %arg8[%swap3A_583, %swap3A_584] {strides = array<i32>} : memref<16x128xf32, #tpu.memory_space<vmem>>, vector<1x16xf32>,
    %swap3A_586 = vector.shape_cast %swap3A_585 : vector<1x16xf32> to vector<16xf32>
    %swap3A_587 = vector.shape_cast %broadcast_in_dim3A_0 : vector<16xf32> to vector<1x16xf32>
    tpu.vector_store %arg8[%swap3A_583, %swap3A_584], %swap3A_587 {strides = array<i32>} : memref<16x128xf32, #tpu.memory_space<vmem>>, vector<1x16xf32>,
    %swap3A_588 = arith.constant 12 : i32
    %swap3A_589 = arith.index_cast %swap3A_588 : i32 to index
    %swap3A_590 = arith.constant 32 : index
    %swap3A_591 = tpu.vector_load %arg8[%swap3A_589, %swap3A_590] {strides = array<i32>} : memref<16x128xf32, #tpu.memory_space<vmem>>, vector<1x16xf32>,
    %swap3A_592 = vector.shape_cast %swap3A_591 : vector<1x16xf32> to vector<16xf32>
    %swap3A_593 = vector.shape_cast %broadcast_in_dim3A_0 : vector<16xf32> to vector<1x16xf32>
    tpu.vector_store %arg8[%swap3A_589, %swap3A_590], %swap3A_593 {strides = array<i32>} : memref<16x128xf32, #tpu.memory_space<vmem>>, vector<1x16xf32>,
    %swap3A_594 = arith.constant 12 : i32
    %swap3A_595 = arith.index_cast %swap3A_594 : i32 to index
    %swap3A_596 = arith.constant 48 : index
    %swap3A_597 = tpu.vector_load %arg8[%swap3A_595, %swap3A_596] {strides = array<i32>} : memref<16x128xf32, #tpu.memory_space<vmem>>, vector<1x16xf32>,
    %swap3A_598 = vector.shape_cast %swap3A_597 : vector<1x16xf32> to vector<16xf32>
    %swap3A_599 = vector.shape_cast %broadcast_in_dim3A_0 : vector<16xf32> to vector<1x16xf32>
    tpu.vector_store %arg8[%swap3A_595, %swap3A_596], %swap3A_599 {strides = array<i32>} : memref<16x128xf32, #tpu.memory_space<vmem>>, vector<1x16xf32>,
    %swap3A_600 = arith.constant 12 : i32
    %swap3A_601 = arith.index_cast %swap3A_600 : i32 to index
    %swap3A_602 = arith.constant 64 : index
    %swap3A_603 = tpu.vector_load %arg8[%swap3A_601, %swap3A_602] {strides = array<i32>} : memref<16x128xf32, #tpu.memory_space<vmem>>, vector<1x16xf32>,
    %swap3A_604 = vector.shape_cast %swap3A_603 : vector<1x16xf32> to vector<16xf32>
    %swap3A_605 = vector.shape_cast %broadcast_in_dim3A_0 : vector<16xf32> to vector<1x16xf32>
    tpu.vector_store %arg8[%swap3A_601, %swap3A_602], %swap3A_605 {strides = array<i32>} : memref<16x128xf32, #tpu.memory_space<vmem>>, vector<1x16xf32>,
    %swap3A_606 = arith.constant 12 : i32
    %swap3A_607 = arith.index_cast %swap3A_606 : i32 to index
    %swap3A_608 = arith.constant 80 : index
    %swap3A_609 = tpu.vector_load %arg8[%swap3A_607, %swap3A_608] {strides = array<i32>} : memref<16x128xf32, #tpu.memory_space<vmem>>, vector<1x16xf32>,
    %swap3A_610 = vector.shape_cast %swap3A_609 : vector<1x16xf32> to vector<16xf32>
    %swap3A_611 = vector.shape_cast %broadcast_in_dim3A_0 : vector<16xf32> to vector<1x16xf32>
    tpu.vector_store %arg8[%swap3A_607, %swap3A_608], %swap3A_611 {strides = array<i32>} : memref<16x128xf32, #tpu.memory_space<vmem>>, vector<1x16xf32>,
    %swap3A_612 = arith.constant 12 : i32
    %swap3A_613 = arith.index_cast %swap3A_612 : i32 to index
    %swap3A_614 = arith.constant 96 : index
    %swap3A_615 = tpu.vector_load %arg8[%swap3A_613, %swap3A_614] {strides = array<i32>} : memref<16x128xf32, #tpu.memory_space<vmem>>, vector<1x16xf32>,
    %swap3A_616 = vector.shape_cast %swap3A_615 : vector<1x16xf32> to vector<16xf32>
    %swap3A_617 = vector.shape_cast %broadcast_in_dim3A_0 : vector<16xf32> to vector<1x16xf32>
    tpu.vector_store %arg8[%swap3A_613, %swap3A_614], %swap3A_617 {strides = array<i32>} : memref<16x128xf32, #tpu.memory_space<vmem>>, vector<1x16xf32>,
    %swap3A_618 = arith.constant 12 : i32
    %swap3A_619 = arith.index_cast %swap3A_618 : i32 to index
    %swap3A_620 = arith.constant 112 : index
    %swap3A_621 = tpu.vector_load %arg8[%swap3A_619, %swap3A_620] {strides = array<i32>} : memref<16x128xf32, #tpu.memory_space<vmem>>, vector<1x16xf32>,
    %swap3A_622 = vector.shape_cast %swap3A_621 : vector<1x16xf32> to vector<16xf32>
    %swap3A_623 = vector.shape_cast %broadcast_in_dim3A_0 : vector<16xf32> to vector<1x16xf32>
    tpu.vector_store %arg8[%swap3A_619, %swap3A_620], %swap3A_623 {strides = array<i32>} : memref<16x128xf32, #tpu.memory_space<vmem>>, vector<1x16xf32>,
    %swap3A_624 = arith.constant 13 : i32
    %swap3A_625 = arith.index_cast %swap3A_624 : i32 to index
    %swap3A_626 = arith.constant 0 : index
    %swap3A_627 = tpu.vector_load %arg8[%swap3A_625, %swap3A_626] {strides = array<i32>} : memref<16x128xf32, #tpu.memory_space<vmem>>, vector<1x16xf32>,
    %swap3A_628 = vector.shape_cast %swap3A_627 : vector<1x16xf32> to vector<16xf32>
    %swap3A_629 = vector.shape_cast %broadcast_in_dim3A_0 : vector<16xf32> to vector<1x16xf32>
    tpu.vector_store %arg8[%swap3A_625, %swap3A_626], %swap3A_629 {strides = array<i32>} : memref<16x128xf32, #tpu.memory_space<vmem>>, vector<1x16xf32>,
    %swap3A_630 = arith.constant 13 : i32
    %swap3A_631 = arith.index_cast %swap3A_630 : i32 to index
    %swap3A_632 = arith.constant 16 : index
    %swap3A_633 = tpu.vector_load %arg8[%swap3A_631, %swap3A_632] {strides = array<i32>} : memref<16x128xf32, #tpu.memory_space<vmem>>, vector<1x16xf32>,
    %swap3A_634 = vector.shape_cast %swap3A_633 : vector<1x16xf32> to vector<16xf32>
    %swap3A_635 = vector.shape_cast %broadcast_in_dim3A_0 : vector<16xf32> to vector<1x16xf32>
    tpu.vector_store %arg8[%swap3A_631, %swap3A_632], %swap3A_635 {strides = array<i32>} : memref<16x128xf32, #tpu.memory_space<vmem>>, vector<1x16xf32>,
    %swap3A_636 = arith.constant 13 : i32
    %swap3A_637 = arith.index_cast %swap3A_636 : i32 to index
    %swap3A_638 = arith.constant 32 : index
    %swap3A_639 = tpu.vector_load %arg8[%swap3A_637, %swap3A_638] {strides = array<i32>} : memref<16x128xf32, #tpu.memory_space<vmem>>, vector<1x16xf32>,
    %swap3A_640 = vector.shape_cast %swap3A_639 : vector<1x16xf32> to vector<16xf32>
    %swap3A_641 = vector.shape_cast %broadcast_in_dim3A_0 : vector<16xf32> to vector<1x16xf32>
    tpu.vector_store %arg8[%swap3A_637, %swap3A_638], %swap3A_641 {strides = array<i32>} : memref<16x128xf32, #tpu.memory_space<vmem>>, vector<1x16xf32>,
    %swap3A_642 = arith.constant 13 : i32
    %swap3A_643 = arith.index_cast %swap3A_642 : i32 to index
    %swap3A_644 = arith.constant 48 : index
    %swap3A_645 = tpu.vector_load %arg8[%swap3A_643, %swap3A_644] {strides = array<i32>} : memref<16x128xf32, #tpu.memory_space<vmem>>, vector<1x16xf32>,
    %swap3A_646 = vector.shape_cast %swap3A_645 : vector<1x16xf32> to vector<16xf32>
    %swap3A_647 = vector.shape_cast %broadcast_in_dim3A_0 : vector<16xf32> to vector<1x16xf32>
    tpu.vector_store %arg8[%swap3A_643, %swap3A_644], %swap3A_647 {strides = array<i32>} : memref<16x128xf32, #tpu.memory_space<vmem>>, vector<1x16xf32>,
    %swap3A_648 = arith.constant 13 : i32
    %swap3A_649 = arith.index_cast %swap3A_648 : i32 to index
    %swap3A_650 = arith.constant 64 : index
    %swap3A_651 = tpu.vector_load %arg8[%swap3A_649, %swap3A_650] {strides = array<i32>} : memref<16x128xf32, #tpu.memory_space<vmem>>, vector<1x16xf32>,
    %swap3A_652 = vector.shape_cast %swap3A_651 : vector<1x16xf32> to vector<16xf32>
    %swap3A_653 = vector.shape_cast %broadcast_in_dim3A_0 : vector<16xf32> to vector<1x16xf32>
    tpu.vector_store %arg8[%swap3A_649, %swap3A_650], %swap3A_653 {strides = array<i32>} : memref<16x128xf32, #tpu.memory_space<vmem>>, vector<1x16xf32>,
    %swap3A_654 = arith.constant 13 : i32
    %swap3A_655 = arith.index_cast %swap3A_654 : i32 to index
    %swap3A_656 = arith.constant 80 : index
    %swap3A_657 = tpu.vector_load %arg8[%swap3A_655, %swap3A_656] {strides = array<i32>} : memref<16x128xf32, #tpu.memory_space<vmem>>, vector<1x16xf32>,
    %swap3A_658 = vector.shape_cast %swap3A_657 : vector<1x16xf32> to vector<16xf32>
    %swap3A_659 = vector.shape_cast %broadcast_in_dim3A_0 : vector<16xf32> to vector<1x16xf32>
    tpu.vector_store %arg8[%swap3A_655, %swap3A_656], %swap3A_659 {strides = array<i32>} : memref<16x128xf32, #tpu.memory_space<vmem>>, vector<1x16xf32>,
    %swap3A_660 = arith.constant 13 : i32
    %swap3A_661 = arith.index_cast %swap3A_660 : i32 to index
    %swap3A_662 = arith.constant 96 : index
    %swap3A_663 = tpu.vector_load %arg8[%swap3A_661, %swap3A_662] {strides = array<i32>} : memref<16x128xf32, #tpu.memory_space<vmem>>, vector<1x16xf32>,
    %swap3A_664 = vector.shape_cast %swap3A_663 : vector<1x16xf32> to vector<16xf32>
    %swap3A_665 = vector.shape_cast %broadcast_in_dim3A_0 : vector<16xf32> to vector<1x16xf32>
    tpu.vector_store %arg8[%swap3A_661, %swap3A_662], %swap3A_665 {strides = array<i32>} : memref<16x128xf32, #tpu.memory_space<vmem>>, vector<1x16xf32>,
    %swap3A_666 = arith.constant 13 : i32
    %swap3A_667 = arith.index_cast %swap3A_666 : i32 to index
    %swap3A_668 = arith.constant 112 : index
    %swap3A_669 = tpu.vector_load %arg8[%swap3A_667, %swap3A_668] {strides = array<i32>} : memref<16x128xf32, #tpu.memory_space<vmem>>, vector<1x16xf32>,
    %swap3A_670 = vector.shape_cast %swap3A_669 : vector<1x16xf32> to vector<16xf32>
    %swap3A_671 = vector.shape_cast %broadcast_in_dim3A_0 : vector<16xf32> to vector<1x16xf32>
    tpu.vector_store %arg8[%swap3A_667, %swap3A_668], %swap3A_671 {strides = array<i32>} : memref<16x128xf32, #tpu.memory_space<vmem>>, vector<1x16xf32>,
    %swap3A_672 = arith.constant 14 : i32
    %swap3A_673 = arith.index_cast %swap3A_672 : i32 to index
    %swap3A_674 = arith.constant 0 : index
    %swap3A_675 = tpu.vector_load %arg8[%swap3A_673, %swap3A_674] {strides = array<i32>} : memref<16x128xf32, #tpu.memory_space<vmem>>, vector<1x16xf32>,
    %swap3A_676 = vector.shape_cast %swap3A_675 : vector<1x16xf32> to vector<16xf32>
    %swap3A_677 = vector.shape_cast %broadcast_in_dim3A_0 : vector<16xf32> to vector<1x16xf32>
    tpu.vector_store %arg8[%swap3A_673, %swap3A_674], %swap3A_677 {strides = array<i32>} : memref<16x128xf32, #tpu.memory_space<vmem>>, vector<1x16xf32>,
    %swap3A_678 = arith.constant 14 : i32
    %swap3A_679 = arith.index_cast %swap3A_678 : i32 to index
    %swap3A_680 = arith.constant 16 : index
    %swap3A_681 = tpu.vector_load %arg8[%swap3A_679, %swap3A_680] {strides = array<i32>} : memref<16x128xf32, #tpu.memory_space<vmem>>, vector<1x16xf32>,
    %swap3A_682 = vector.shape_cast %swap3A_681 : vector<1x16xf32> to vector<16xf32>
    %swap3A_683 = vector.shape_cast %broadcast_in_dim3A_0 : vector<16xf32> to vector<1x16xf32>
    tpu.vector_store %arg8[%swap3A_679, %swap3A_680], %swap3A_683 {strides = array<i32>} : memref<16x128xf32, #tpu.memory_space<vmem>>, vector<1x16xf32>,
    %swap3A_684 = arith.constant 14 : i32
    %swap3A_685 = arith.index_cast %swap3A_684 : i32 to index
    %swap3A_686 = arith.constant 32 : index
    %swap3A_687 = tpu.vector_load %arg8[%swap3A_685, %swap3A_686] {strides = array<i32>} : memref<16x128xf32, #tpu.memory_space<vmem>>, vector<1x16xf32>,
    %swap3A_688 = vector.shape_cast %swap3A_687 : vector<1x16xf32> to vector<16xf32>
    %swap3A_689 = vector.shape_cast %broadcast_in_dim3A_0 : vector<16xf32> to vector<1x16xf32>
    tpu.vector_store %arg8[%swap3A_685, %swap3A_686], %swap3A_689 {strides = array<i32>} : memref<16x128xf32, #tpu.memory_space<vmem>>, vector<1x16xf32>,
    %swap3A_690 = arith.constant 14 : i32
    %swap3A_691 = arith.index_cast %swap3A_690 : i32 to index
    %swap3A_692 = arith.constant 48 : index
    %swap3A_693 = tpu.vector_load %arg8[%swap3A_691, %swap3A_692] {strides = array<i32>} : memref<16x128xf32, #tpu.memory_space<vmem>>, vector<1x16xf32>,
    %swap3A_694 = vector.shape_cast %swap3A_693 : vector<1x16xf32> to vector<16xf32>
    %swap3A_695 = vector.shape_cast %broadcast_in_dim3A_0 : vector<16xf32> to vector<1x16xf32>
    tpu.vector_store %arg8[%swap3A_691, %swap3A_692], %swap3A_695 {strides = array<i32>} : memref<16x128xf32, #tpu.memory_space<vmem>>, vector<1x16xf32>,
    %swap3A_696 = arith.constant 14 : i32
    %swap3A_697 = arith.index_cast %swap3A_696 : i32 to index
    %swap3A_698 = arith.constant 64 : index
    %swap3A_699 = tpu.vector_load %arg8[%swap3A_697, %swap3A_698] {strides = array<i32>} : memref<16x128xf32, #tpu.memory_space<vmem>>, vector<1x16xf32>,
    %swap3A_700 = vector.shape_cast %swap3A_699 : vector<1x16xf32> to vector<16xf32>
    %swap3A_701 = vector.shape_cast %broadcast_in_dim3A_0 : vector<16xf32> to vector<1x16xf32>
    tpu.vector_store %arg8[%swap3A_697, %swap3A_698], %swap3A_701 {strides = array<i32>} : memref<16x128xf32, #tpu.memory_space<vmem>>, vector<1x16xf32>,
    %swap3A_702 = arith.constant 14 : i32
    %swap3A_703 = arith.index_cast %swap3A_702 : i32 to index
    %swap3A_704 = arith.constant 80 : index
    %swap3A_705 = tpu.vector_load %arg8[%swap3A_703, %swap3A_704] {strides = array<i32>} : memref<16x128xf32, #tpu.memory_space<vmem>>, vector<1x16xf32>,
    %swap3A_706 = vector.shape_cast %swap3A_705 : vector<1x16xf32> to vector<16xf32>
    %swap3A_707 = vector.shape_cast %broadcast_in_dim3A_0 : vector<16xf32> to vector<1x16xf32>
    tpu.vector_store %arg8[%swap3A_703, %swap3A_704], %swap3A_707 {strides = array<i32>} : memref<16x128xf32, #tpu.memory_space<vmem>>, vector<1x16xf32>,
    %swap3A_708 = arith.constant 14 : i32
    %swap3A_709 = arith.index_cast %swap3A_708 : i32 to index
    %swap3A_710 = arith.constant 96 : index
    %swap3A_711 = tpu.vector_load %arg8[%swap3A_709, %swap3A_710] {strides = array<i32>} : memref<16x128xf32, #tpu.memory_space<vmem>>, vector<1x16xf32>,
    %swap3A_712 = vector.shape_cast %swap3A_711 : vector<1x16xf32> to vector<16xf32>
    %swap3A_713 = vector.shape_cast %broadcast_in_dim3A_0 : vector<16xf32> to vector<1x16xf32>
    tpu.vector_store %arg8[%swap3A_709, %swap3A_710], %swap3A_713 {strides = array<i32>} : memref<16x128xf32, #tpu.memory_space<vmem>>, vector<1x16xf32>,
    %swap3A_714 = arith.constant 14 : i32
    %swap3A_715 = arith.index_cast %swap3A_714 : i32 to index
    %swap3A_716 = arith.constant 112 : index
    %swap3A_717 = tpu.vector_load %arg8[%swap3A_715, %swap3A_716] {strides = array<i32>} : memref<16x128xf32, #tpu.memory_space<vmem>>, vector<1x16xf32>,
    %swap3A_718 = vector.shape_cast %swap3A_717 : vector<1x16xf32> to vector<16xf32>
    %swap3A_719 = vector.shape_cast %broadcast_in_dim3A_0 : vector<16xf32> to vector<1x16xf32>
    tpu.vector_store %arg8[%swap3A_715, %swap3A_716], %swap3A_719 {strides = array<i32>} : memref<16x128xf32, #tpu.memory_space<vmem>>, vector<1x16xf32>,
    %swap3A_720 = arith.constant 15 : i32
    %swap3A_721 = arith.index_cast %swap3A_720 : i32 to index
    %swap3A_722 = arith.constant 0 : index
    %swap3A_723 = tpu.vector_load %arg8[%swap3A_721, %swap3A_722] {strides = array<i32>} : memref<16x128xf32, #tpu.memory_space<vmem>>, vector<1x16xf32>,
    %swap3A_724 = vector.shape_cast %swap3A_723 : vector<1x16xf32> to vector<16xf32>
    %swap3A_725 = vector.shape_cast %broadcast_in_dim3A_0 : vector<16xf32> to vector<1x16xf32>
    tpu.vector_store %arg8[%swap3A_721, %swap3A_722], %swap3A_725 {strides = array<i32>} : memref<16x128xf32, #tpu.memory_space<vmem>>, vector<1x16xf32>,
    %swap3A_726 = arith.constant 15 : i32
    %swap3A_727 = arith.index_cast %swap3A_726 : i32 to index
    %swap3A_728 = arith.constant 16 : index
    %swap3A_729 = tpu.vector_load %arg8[%swap3A_727, %swap3A_728] {strides = array<i32>} : memref<16x128xf32, #tpu.memory_space<vmem>>, vector<1x16xf32>,
    %swap3A_730 = vector.shape_cast %swap3A_729 : vector<1x16xf32> to vector<16xf32>
    %swap3A_731 = vector.shape_cast %broadcast_in_dim3A_0 : vector<16xf32> to vector<1x16xf32>
    tpu.vector_store %arg8[%swap3A_727, %swap3A_728], %swap3A_731 {strides = array<i32>} : memref<16x128xf32, #tpu.memory_space<vmem>>, vector<1x16xf32>,
    %swap3A_732 = arith.constant 15 : i32
    %swap3A_733 = arith.index_cast %swap3A_732 : i32 to index
    %swap3A_734 = arith.constant 32 : index
    %swap3A_735 = tpu.vector_load %arg8[%swap3A_733, %swap3A_734] {strides = array<i32>} : memref<16x128xf32, #tpu.memory_space<vmem>>, vector<1x16xf32>,
    %swap3A_736 = vector.shape_cast %swap3A_735 : vector<1x16xf32> to vector<16xf32>
    %swap3A_737 = vector.shape_cast %broadcast_in_dim3A_0 : vector<16xf32> to vector<1x16xf32>
    tpu.vector_store %arg8[%swap3A_733, %swap3A_734], %swap3A_737 {strides = array<i32>} : memref<16x128xf32, #tpu.memory_space<vmem>>, vector<1x16xf32>,
    %swap3A_738 = arith.constant 15 : i32
    %swap3A_739 = arith.index_cast %swap3A_738 : i32 to index
    %swap3A_740 = arith.constant 48 : index
    %swap3A_741 = tpu.vector_load %arg8[%swap3A_739, %swap3A_740] {strides = array<i32>} : memref<16x128xf32, #tpu.memory_space<vmem>>, vector<1x16xf32>,
    %swap3A_742 = vector.shape_cast %swap3A_741 : vector<1x16xf32> to vector<16xf32>
    %swap3A_743 = vector.shape_cast %broadcast_in_dim3A_0 : vector<16xf32> to vector<1x16xf32>
    tpu.vector_store %arg8[%swap3A_739, %swap3A_740], %swap3A_743 {strides = array<i32>} : memref<16x128xf32, #tpu.memory_space<vmem>>, vector<1x16xf32>,
    %swap3A_744 = arith.constant 15 : i32
    %swap3A_745 = arith.index_cast %swap3A_744 : i32 to index
    %swap3A_746 = arith.constant 64 : index
    %swap3A_747 = tpu.vector_load %arg8[%swap3A_745, %swap3A_746] {strides = array<i32>} : memref<16x128xf32, #tpu.memory_space<vmem>>, vector<1x16xf32>,
    %swap3A_748 = vector.shape_cast %swap3A_747 : vector<1x16xf32> to vector<16xf32>
    %swap3A_749 = vector.shape_cast %broadcast_in_dim3A_0 : vector<16xf32> to vector<1x16xf32>
    tpu.vector_store %arg8[%swap3A_745, %swap3A_746], %swap3A_749 {strides = array<i32>} : memref<16x128xf32, #tpu.memory_space<vmem>>, vector<1x16xf32>,
    %swap3A_750 = arith.constant 15 : i32
    %swap3A_751 = arith.index_cast %swap3A_750 : i32 to index
    %swap3A_752 = arith.constant 80 : index
    %swap3A_753 = tpu.vector_load %arg8[%swap3A_751, %swap3A_752] {strides = array<i32>} : memref<16x128xf32, #tpu.memory_space<vmem>>, vector<1x16xf32>,
    %swap3A_754 = vector.shape_cast %swap3A_753 : vector<1x16xf32> to vector<16xf32>
    %swap3A_755 = vector.shape_cast %broadcast_in_dim3A_0 : vector<16xf32> to vector<1x16xf32>
    tpu.vector_store %arg8[%swap3A_751, %swap3A_752], %swap3A_755 {strides = array<i32>} : memref<16x128xf32, #tpu.memory_space<vmem>>, vector<1x16xf32>,
    %swap3A_756 = arith.constant 15 : i32
    %swap3A_757 = arith.index_cast %swap3A_756 : i32 to index
    %swap3A_758 = arith.constant 96 : index
    %swap3A_759 = tpu.vector_load %arg8[%swap3A_757, %swap3A_758] {strides = array<i32>} : memref<16x128xf32, #tpu.memory_space<vmem>>, vector<1x16xf32>,
    %swap3A_760 = vector.shape_cast %swap3A_759 : vector<1x16xf32> to vector<16xf32>
    %swap3A_761 = vector.shape_cast %broadcast_in_dim3A_0 : vector<16xf32> to vector<1x16xf32>
    tpu.vector_store %arg8[%swap3A_757, %swap3A_758], %swap3A_761 {strides = array<i32>} : memref<16x128xf32, #tpu.memory_space<vmem>>, vector<1x16xf32>,
    %swap3A_762 = arith.constant 15 : i32
    %swap3A_763 = arith.index_cast %swap3A_762 : i32 to index
    %swap3A_764 = arith.constant 112 : index
    %swap3A_765 = tpu.vector_load %arg8[%swap3A_763, %swap3A_764] {strides = array<i32>} : memref<16x128xf32, #tpu.memory_space<vmem>>, vector<1x16xf32>,
    %swap3A_766 = vector.shape_cast %swap3A_765 : vector<1x16xf32> to vector<16xf32>
    %swap3A_767 = vector.shape_cast %broadcast_in_dim3A_0 : vector<16xf32> to vector<1x16xf32>
    tpu.vector_store %arg8[%swap3A_763, %swap3A_764], %swap3A_767 {strides = array<i32>} : memref<16x128xf32, #tpu.memory_space<vmem>>, vector<1x16xf32>,
    %scan3A = arith.constant 0 : i32
    %scan3A_768 = arith.constant 0 : i32
    %scan3A_769 = arith.constant 40 : i32
    %scan3A_770 = arith.addi %scan3A_768, %scan3A_769 : i32
    %scan3A_771 = arith.constant 1 : i32
    %scan3A_772 = scf.for %scan3A_834 = %scan3A_768 to %scan3A_770 step %scan3A_771 iter_args(%scan3A_835 = %scan3A) -> (i32)  : i32 {
      %mul3A_836 = arith.constant 640 : i32
      %mul3A_837 = arith.muli %arg1, %mul3A_836 : i32
      %mul3A_838 = arith.constant 16 : i32
      %mul3A_839 = arith.muli %scan3A_834, %mul3A_838 : i32
      %add3A_840 = arith.addi %mul3A_837, %mul3A_839 : i32
      "tpu.region"() ({
        %run_scoped3A = tpu.sem_alloc : memref<!tpu.dma_semaphore, #tpu.memory_space<semaphore_mem>>
        %dma_start3A_842 = arith.constant 0 : i32
        %dma_start3A_843 = tpu.memref_slice %arg9[%add3A_840, %dma_start3A_842] : memref<10240x128xf32, #tpu.memory_space<vmem_shared>> -> memref<16x128xf32, #tpu.memory_space<vmem_shared>>
        %dma_start3A_844 = arith.constant 0 : i32
        %dma_start3A_845 = tpu.memref_slice %arg9[%add3A_840, %dma_start3A_844] : memref<10240x128xf32, #tpu.memory_space<vmem_shared>> -> memref<16x128xf32, #tpu.memory_space<vmem_shared>>
        tpu.enqueue_dma source(%arg8 : memref<16x128xf32, #tpu.memory_space<vmem>>) target(%dma_start3A_845 : memref<16x128xf32, #tpu.memory_space<vmem_shared>>) target_semaphore(%run_scoped3A : memref<!tpu.dma_semaphore, #tpu.memory_space<semaphore_mem>>)
        %dma_wait3A_846 = arith.constant 0 : i32
        %dma_wait3A_847 = tpu.memref_slice %arg9[%add3A_840, %dma_wait3A_846] : memref<10240x128xf32, #tpu.memory_space<vmem_shared>> -> memref<16x128xf32, #tpu.memory_space<vmem_shared>>
        %dma_wait3A_848 = arith.constant 0 : i32
        %dma_wait3A_849 = tpu.memref_slice %arg9[%add3A_840, %dma_wait3A_848] : memref<10240x128xf32, #tpu.memory_space<vmem_shared>> -> memref<16x128xf32, #tpu.memory_space<vmem_shared>>
        tpu.wait_dma2 semaphore(%run_scoped3A : memref<!tpu.dma_semaphore, #tpu.memory_space<semaphore_mem>>) src(%arg8 : memref<16x128xf32, #tpu.memory_space<vmem>>) dst(%dma_wait3A_849 : memref<16x128xf32, #tpu.memory_space<vmem_shared>>)
        tpu.yield
      }) : () -> ()
      %scan3A_841 = arith.constant 0 : i32
      scf.yield %scan3A_841 : i32
    }
    %scan3A_773 = arith.constant 40 : i32
    %barrier3A = arith.constant 0 : index
    tpu.barrier barrier_id(%barrier3A)
    %eq3A = arith.constant 0 : i32
    %eq3A_774 = arith.cmpi eq, %arg0, %eq3A : i32
    %mul3A = arith.constant 134 : i32
    %mul3A_775 = arith.muli %arg1, %mul3A : i32
    %mul3A_776 = arith.constant 26 : i32
    %mul3A_777 = arith.muli %arg1, %mul3A_776 : i32
    %add3A = arith.constant 2144 : i32
    %add3A_778 = arith.addi %add3A, %mul3A_777 : i32
    %select_n3A = arith.select %eq3A_774, %mul3A_775, %add3A_778 : i32
    %eq3A_779 = arith.constant 0 : i32
    %eq3A_780 = arith.cmpi eq, %arg0, %eq3A_779 : i32
    %jit3A = arith.constant 134 : i32
    %jit3A_781 = arith.constant 26 : i32
    %select_n3A_782 = arith.select %eq3A_780, %jit3A, %jit3A_781 : i32
    %dma_start3A = arith.constant 0 : i32
    %dma_start3A_783 = arith.constant 0 : i32
    %dma_start3A_784 = tpu.memref_slice %arg2[%select_n3A, %dma_start3A, %dma_start3A_783] : memref<2561x2x128xi32, #tpu.memory_space<hbm>> -> memref<1x2x128xi32, #tpu.memory_space<hbm>>
    %dma_start3A_785 = tpu.memref_squeeze %dma_start3A_784 : memref<1x2x128xi32, #tpu.memory_space<hbm>> -> memref<2x128xi32, #tpu.memory_space<hbm>>
    %dma_start3A_786 = arith.constant 0 : i32
    %dma_start3A_787 = arith.constant 0 : i32
    %dma_start3A_788 = tpu.memref_slice %arg2[%select_n3A, %dma_start3A_786, %dma_start3A_787] : memref<2561x2x128xi32, #tpu.memory_space<hbm>> -> memref<1x2x128xi32, #tpu.memory_space<hbm>>
    %dma_start3A_789 = tpu.memref_squeeze %dma_start3A_788 : memref<1x2x128xi32, #tpu.memory_space<hbm>> -> memref<2x128xi32, #tpu.memory_space<hbm>>
    tpu.enqueue_dma source(%dma_start3A_789 : memref<2x128xi32, #tpu.memory_space<hbm>>) target(%arg5 : memref<2x128xi32, #tpu.memory_space<vmem>>) target_semaphore(%arg11 : memref<!tpu.dma_semaphore, #tpu.memory_space<semaphore_mem>>)
    %jit3A_790 = arith.constant 2 : i32
    %div3A = arith.divsi %select_n3A_782, %jit3A_790 : i32
    %sign3A = arith.constant 0 : i32
    %sign3A_791 = arith.cmpi sgt, %select_n3A_782, %sign3A : i32
    %sign3A_792 = arith.extui %sign3A_791 : i1 to i32
    %sign3A_793 = arith.constant 0 : i32
    %sign3A_794 = arith.cmpi slt, %select_n3A_782, %sign3A_793 : i32
    %sign3A_795 = arith.extui %sign3A_794 : i1 to i32
    %sign3A_796 = arith.subi %sign3A_792, %sign3A_795 : i32
    %sign3A_797 = arith.constant 0 : i32
    %sign3A_798 = arith.cmpi sgt, %jit3A_790, %sign3A_797 : i32
    %sign3A_799 = arith.extui %sign3A_798 : i1 to i32
    %sign3A_800 = arith.constant 0 : i32
    %sign3A_801 = arith.cmpi slt, %jit3A_790, %sign3A_800 : i32
    %sign3A_802 = arith.extui %sign3A_801 : i1 to i32
    %sign3A_803 = arith.subi %sign3A_799, %sign3A_802 : i32
    %ne3A = arith.cmpi ne, %sign3A_796, %sign3A_803 : i32
    %rem3A = arith.remsi %select_n3A_782, %jit3A_790 : i32
    %ne3A_804 = arith.constant 0 : i32
    %ne3A_805 = arith.cmpi ne, %rem3A, %ne3A_804 : i32
    %and3A = arith.andi %ne3A, %ne3A_805 : i1
    %sub3A = arith.constant 1 : i32
    %sub3A_806 = arith.subi %div3A, %sub3A : i32
    %select_n3A_807 = arith.select %and3A, %sub3A_806, %div3A : i32
    %while3A = arith.constant 0 : i32
    %while3A_808 = arith.constant 0 : i32
    %while3A_809 = arith.subi %select_n3A_807, %while3A : i32
    %while3A_810 = arith.addi %while3A, %while3A_809 : i32
    %while3A_811 = arith.constant 1 : i32
    %while3A_812 = arith.divsi %while3A_809, %while3A_811 : i32
    %while3A_813 = arith.muli %while3A_812, %while3A_811 : i32
    %while3A_814 = arith.addi %while3A, %while3A_813 : i32
    %while3A_815 = arith.constant 1 : i32
    %while3A_816 = scf.for %while3A_834 = %while3A to %while3A_814 step %while3A_815 iter_args(%while3A_835 = %while3A_808) -> (i32)  : i32 {
      %mul3A_836 = arith.constant 2 : i32
      %mul3A_837 = arith.muli %mul3A_836, %while3A_834 : i32
      %add3A_838 = arith.addi %select_n3A, %mul3A_837 : i32
      %dma_wait3A_839 = arith.constant 0 : i32
      %dma_wait3A_840 = arith.constant 0 : i32
      %dma_wait3A_841 = tpu.memref_slice %arg2[%add3A_838, %dma_wait3A_839, %dma_wait3A_840] : memref<2561x2x128xi32, #tpu.memory_space<hbm>> -> memref<1x2x128xi32, #tpu.memory_space<hbm>>
      %dma_wait3A_842 = tpu.memref_squeeze %dma_wait3A_841 : memref<1x2x128xi32, #tpu.memory_space<hbm>> -> memref<2x128xi32, #tpu.memory_space<hbm>>
      %dma_wait3A_843 = arith.constant 0 : i32
      %dma_wait3A_844 = arith.constant 0 : i32
      %dma_wait3A_845 = tpu.memref_slice %arg2[%add3A_838, %dma_wait3A_843, %dma_wait3A_844] : memref<2561x2x128xi32, #tpu.memory_space<hbm>> -> memref<1x2x128xi32, #tpu.memory_space<hbm>>
      %dma_wait3A_846 = tpu.memref_squeeze %dma_wait3A_845 : memref<1x2x128xi32, #tpu.memory_space<hbm>> -> memref<2x128xi32, #tpu.memory_space<hbm>>
      tpu.wait_dma2 semaphore(%arg11 : memref<!tpu.dma_semaphore, #tpu.memory_space<semaphore_mem>>) src(%dma_wait3A_846 : memref<2x128xi32, #tpu.memory_space<hbm>>) dst(%arg5 : memref<2x128xi32, #tpu.memory_space<vmem>>)
      %add3A_847 = arith.constant 1 : i32
      %add3A_848 = arith.addi %add3A_838, %add3A_847 : i32
      %dma_start3A_849 = arith.constant 0 : i32
      %dma_start3A_850 = arith.constant 0 : i32
      %dma_start3A_851 = tpu.memref_slice %arg2[%add3A_848, %dma_start3A_849, %dma_start3A_850] : memref<2561x2x128xi32, #tpu.memory_space<hbm>> -> memref<1x2x128xi32, #tpu.memory_space<hbm>>
      %dma_start3A_852 = tpu.memref_squeeze %dma_start3A_851 : memref<1x2x128xi32, #tpu.memory_space<hbm>> -> memref<2x128xi32, #tpu.memory_space<hbm>>
      %dma_start3A_853 = arith.constant 0 : i32
      %dma_start3A_854 = arith.constant 0 : i32
      %dma_start3A_855 = tpu.memref_slice %arg2[%add3A_848, %dma_start3A_853, %dma_start3A_854] : memref<2561x2x128xi32, #tpu.memory_space<hbm>> -> memref<1x2x128xi32, #tpu.memory_space<hbm>>
      %dma_start3A_856 = tpu.memref_squeeze %dma_start3A_855 : memref<1x2x128xi32, #tpu.memory_space<hbm>> -> memref<2x128xi32, #tpu.memory_space<hbm>>
      tpu.enqueue_dma source(%dma_start3A_856 : memref<2x128xi32, #tpu.memory_space<hbm>>) target(%arg6 : memref<2x128xi32, #tpu.memory_space<vmem>>) target_semaphore(%arg12 : memref<!tpu.dma_semaphore, #tpu.memory_space<semaphore_mem>>)
      %dma_start3A_857 = arith.constant 0 : i32
      %dma_start3A_858 = arith.constant 0 : i32
      %dma_start3A_859 = tpu.memref_slice %arg5[%dma_start3A_857, %dma_start3A_858] : memref<2x128xi32, #tpu.memory_space<vmem>> -> memref<1x128xi32, #tpu.memory_space<vmem>>
      %dma_start3A_860 = tpu.memref_squeeze %dma_start3A_859 : memref<1x128xi32, #tpu.memory_space<vmem>> -> memref<128xi32, #tpu.memory_space<vmem>>
      %dma_start3A_861 = arith.constant 0 : i32
      %dma_start3A_862 = arith.constant 0 : i32
      %dma_start3A_863 = tpu.memref_slice %arg3[%dma_start3A_861, %dma_start3A_862] : memref<10000x128xf32, #tpu.memory_space<hbm>> -> memref<10000x128xf32, #tpu.memory_space<hbm>>
      tpu.enqueue_indirect_dma source(%dma_start3A_863 : memref<10000x128xf32, #tpu.memory_space<hbm>>) target(%arg7 : memref<128x128xf32, #tpu.memory_space<vmem>>) offsets(%dma_start3A_860 : memref<128xi32, #tpu.memory_space<vmem>>) semaphore(%arg10 : memref<!tpu.dma_semaphore, #tpu.memory_space<semaphore_mem>>)
      %dma_wait3A_864 = arith.constant 0 : i32
      %dma_wait3A_865 = arith.constant 0 : i32
      %dma_wait3A_866 = tpu.memref_slice %arg5[%dma_wait3A_864, %dma_wait3A_865] : memref<2x128xi32, #tpu.memory_space<vmem>> -> memref<1x128xi32, #tpu.memory_space<vmem>>
      %dma_wait3A_867 = tpu.memref_squeeze %dma_wait3A_866 : memref<1x128xi32, #tpu.memory_space<vmem>> -> memref<128xi32, #tpu.memory_space<vmem>>
      %dma_wait3A_868 = arith.constant 0 : i32
      %dma_wait3A_869 = arith.constant 0 : i32
      %dma_wait3A_870 = tpu.memref_slice %arg3[%dma_wait3A_868, %dma_wait3A_869] : memref<10000x128xf32, #tpu.memory_space<hbm>> -> memref<10000x128xf32, #tpu.memory_space<hbm>>
      tpu.wait_indirect_dma semaphore(%arg10 : memref<!tpu.dma_semaphore, #tpu.memory_space<semaphore_mem>>) src(%dma_wait3A_870 : memref<10000x128xf32, #tpu.memory_space<hbm>>) dst(%arg7 : memref<128x128xf32, #tpu.memory_space<vmem>>)
      %run_scoped3A = arith.constant 1 : i32
      "tpu.region"() ({
        %run_scoped3A_907 = tpu.sem_alloc : memref<!tpu.dma_semaphore, #tpu.memory_space<semaphore_mem>>
        %dma_start3A_908 = arith.constant 0 : i32
        %dma_start3A_909 = tpu.memref_slice %arg5[%run_scoped3A, %dma_start3A_908] : memref<2x128xi32, #tpu.memory_space<vmem>> -> memref<1x128xi32, #tpu.memory_space<vmem>>
        %dma_start3A_910 = tpu.memref_squeeze %dma_start3A_909 : memref<1x128xi32, #tpu.memory_space<vmem>> -> memref<128xi32, #tpu.memory_space<vmem>>
        %dma_start3A_911 = arith.constant 0 : i32
        %dma_start3A_912 = arith.constant 0 : i32
        %dma_start3A_913 = tpu.memref_slice %arg9[%dma_start3A_911, %dma_start3A_912] : memref<10240x128xf32, #tpu.memory_space<vmem_shared>> -> memref<10240x128xf32, #tpu.memory_space<vmem_shared>>
        tpu.enqueue_indirect_dma source(%arg7 : memref<128x128xf32, #tpu.memory_space<vmem>>) target(%dma_start3A_913 : memref<10240x128xf32, #tpu.memory_space<vmem_shared>>) offsets(%dma_start3A_910 : memref<128xi32, #tpu.memory_space<vmem>>) semaphore(%run_scoped3A_907 : memref<!tpu.dma_semaphore, #tpu.memory_space<semaphore_mem>>) {add = true}
        %dma_wait3A_914 = arith.constant 0 : i32
        %dma_wait3A_915 = tpu.memref_slice %arg5[%run_scoped3A, %dma_wait3A_914] : memref<2x128xi32, #tpu.memory_space<vmem>> -> memref<1x128xi32, #tpu.memory_space<vmem>>
        %dma_wait3A_916 = tpu.memref_squeeze %dma_wait3A_915 : memref<1x128xi32, #tpu.memory_space<vmem>> -> memref<128xi32, #tpu.memory_space<vmem>>
        %dma_wait3A_917 = arith.constant 0 : i32
        %dma_wait3A_918 = arith.constant 0 : i32
        %dma_wait3A_919 = tpu.memref_slice %arg9[%dma_wait3A_917, %dma_wait3A_918] : memref<10240x128xf32, #tpu.memory_space<vmem_shared>> -> memref<10240x128xf32, #tpu.memory_space<vmem_shared>>
        tpu.wait_indirect_dma semaphore(%run_scoped3A_907 : memref<!tpu.dma_semaphore, #tpu.memory_space<semaphore_mem>>) src(%arg7 : memref<128x128xf32, #tpu.memory_space<vmem>>) dst(%dma_wait3A_919 : memref<10240x128xf32, #tpu.memory_space<vmem_shared>>)
        tpu.yield
      }) : () -> ()
      %add3A_871 = arith.constant 1 : i32
      %add3A_872 = arith.addi %add3A_838, %add3A_871 : i32
      %dma_wait3A_873 = arith.constant 0 : i32
      %dma_wait3A_874 = arith.constant 0 : i32
      %dma_wait3A_875 = tpu.memref_slice %arg2[%add3A_872, %dma_wait3A_873, %dma_wait3A_874] : memref<2561x2x128xi32, #tpu.memory_space<hbm>> -> memref<1x2x128xi32, #tpu.memory_space<hbm>>
      %dma_wait3A_876 = tpu.memref_squeeze %dma_wait3A_875 : memref<1x2x128xi32, #tpu.memory_space<hbm>> -> memref<2x128xi32, #tpu.memory_space<hbm>>
      %dma_wait3A_877 = arith.constant 0 : i32
      %dma_wait3A_878 = arith.constant 0 : i32
      %dma_wait3A_879 = tpu.memref_slice %arg2[%add3A_872, %dma_wait3A_877, %dma_wait3A_878] : memref<2561x2x128xi32, #tpu.memory_space<hbm>> -> memref<1x2x128xi32, #tpu.memory_space<hbm>>
      %dma_wait3A_880 = tpu.memref_squeeze %dma_wait3A_879 : memref<1x2x128xi32, #tpu.memory_space<hbm>> -> memref<2x128xi32, #tpu.memory_space<hbm>>
      tpu.wait_dma2 semaphore(%arg12 : memref<!tpu.dma_semaphore, #tpu.memory_space<semaphore_mem>>) src(%dma_wait3A_880 : memref<2x128xi32, #tpu.memory_space<hbm>>) dst(%arg6 : memref<2x128xi32, #tpu.memory_space<vmem>>)
      %add3A_881 = arith.constant 1 : i32
      %add3A_882 = arith.addi %add3A_872, %add3A_881 : i32
      %dma_start3A_883 = arith.constant 0 : i32
      %dma_start3A_884 = arith.constant 0 : i32
      %dma_start3A_885 = tpu.memref_slice %arg2[%add3A_882, %dma_start3A_883, %dma_start3A_884] : memref<2561x2x128xi32, #tpu.memory_space<hbm>> -> memref<1x2x128xi32, #tpu.memory_space<hbm>>
      %dma_start3A_886 = tpu.memref_squeeze %dma_start3A_885 : memref<1x2x128xi32, #tpu.memory_space<hbm>> -> memref<2x128xi32, #tpu.memory_space<hbm>>
      %dma_start3A_887 = arith.constant 0 : i32
      %dma_start3A_888 = arith.constant 0 : i32
      %dma_start3A_889 = tpu.memref_slice %arg2[%add3A_882, %dma_start3A_887, %dma_start3A_888] : memref<2561x2x128xi32, #tpu.memory_space<hbm>> -> memref<1x2x128xi32, #tpu.memory_space<hbm>>
      %dma_start3A_890 = tpu.memref_squeeze %dma_start3A_889 : memref<1x2x128xi32, #tpu.memory_space<hbm>> -> memref<2x128xi32, #tpu.memory_space<hbm>>
      tpu.enqueue_dma source(%dma_start3A_890 : memref<2x128xi32, #tpu.memory_space<hbm>>) target(%arg5 : memref<2x128xi32, #tpu.memory_space<vmem>>) target_semaphore(%arg11 : memref<!tpu.dma_semaphore, #tpu.memory_space<semaphore_mem>>)
      %dma_start3A_891 = arith.constant 0 : i32
      %dma_start3A_892 = arith.constant 0 : i32
      %dma_start3A_893 = tpu.memref_slice %arg6[%dma_start3A_891, %dma_start3A_892] : memref<2x128xi32, #tpu.memory_space<vmem>> -> memref<1x128xi32, #tpu.memory_space<vmem>>
      %dma_start3A_894 = tpu.memref_squeeze %dma_start3A_893 : memref<1x128xi32, #tpu.memory_space<vmem>> -> memref<128xi32, #tpu.memory_space<vmem>>
      %dma_start3A_895 = arith.constant 0 : i32
      %dma_start3A_896 = arith.constant 0 : i32
      %dma_start3A_897 = tpu.memref_slice %arg3[%dma_start3A_895, %dma_start3A_896] : memref<10000x128xf32, #tpu.memory_space<hbm>> -> memref<10000x128xf32, #tpu.memory_space<hbm>>
      tpu.enqueue_indirect_dma source(%dma_start3A_897 : memref<10000x128xf32, #tpu.memory_space<hbm>>) target(%arg7 : memref<128x128xf32, #tpu.memory_space<vmem>>) offsets(%dma_start3A_894 : memref<128xi32, #tpu.memory_space<vmem>>) semaphore(%arg10 : memref<!tpu.dma_semaphore, #tpu.memory_space<semaphore_mem>>)
      %dma_wait3A_898 = arith.constant 0 : i32
      %dma_wait3A_899 = arith.constant 0 : i32
      %dma_wait3A_900 = tpu.memref_slice %arg6[%dma_wait3A_898, %dma_wait3A_899] : memref<2x128xi32, #tpu.memory_space<vmem>> -> memref<1x128xi32, #tpu.memory_space<vmem>>
      %dma_wait3A_901 = tpu.memref_squeeze %dma_wait3A_900 : memref<1x128xi32, #tpu.memory_space<vmem>> -> memref<128xi32, #tpu.memory_space<vmem>>
      %dma_wait3A_902 = arith.constant 0 : i32
      %dma_wait3A_903 = arith.constant 0 : i32
      %dma_wait3A_904 = tpu.memref_slice %arg3[%dma_wait3A_902, %dma_wait3A_903] : memref<10000x128xf32, #tpu.memory_space<hbm>> -> memref<10000x128xf32, #tpu.memory_space<hbm>>
      tpu.wait_indirect_dma semaphore(%arg10 : memref<!tpu.dma_semaphore, #tpu.memory_space<semaphore_mem>>) src(%dma_wait3A_904 : memref<10000x128xf32, #tpu.memory_space<hbm>>) dst(%arg7 : memref<128x128xf32, #tpu.memory_space<vmem>>)
      %run_scoped3A_905 = arith.constant 1 : i32
      "tpu.region"() ({
        %run_scoped3A_907 = tpu.sem_alloc : memref<!tpu.dma_semaphore, #tpu.memory_space<semaphore_mem>>
        %dma_start3A_908 = arith.constant 0 : i32
        %dma_start3A_909 = tpu.memref_slice %arg6[%run_scoped3A_905, %dma_start3A_908] : memref<2x128xi32, #tpu.memory_space<vmem>> -> memref<1x128xi32, #tpu.memory_space<vmem>>
        %dma_start3A_910 = tpu.memref_squeeze %dma_start3A_909 : memref<1x128xi32, #tpu.memory_space<vmem>> -> memref<128xi32, #tpu.memory_space<vmem>>
        %dma_start3A_911 = arith.constant 0 : i32
        %dma_start3A_912 = arith.constant 0 : i32
        %dma_start3A_913 = tpu.memref_slice %arg9[%dma_start3A_911, %dma_start3A_912] : memref<10240x128xf32, #tpu.memory_space<vmem_shared>> -> memref<10240x128xf32, #tpu.memory_space<vmem_shared>>
        tpu.enqueue_indirect_dma source(%arg7 : memref<128x128xf32, #tpu.memory_space<vmem>>) target(%dma_start3A_913 : memref<10240x128xf32, #tpu.memory_space<vmem_shared>>) offsets(%dma_start3A_910 : memref<128xi32, #tpu.memory_space<vmem>>) semaphore(%run_scoped3A_907 : memref<!tpu.dma_semaphore, #tpu.memory_space<semaphore_mem>>) {add = true}
        %dma_wait3A_914 = arith.constant 0 : i32
        %dma_wait3A_915 = tpu.memref_slice %arg6[%run_scoped3A_905, %dma_wait3A_914] : memref<2x128xi32, #tpu.memory_space<vmem>> -> memref<1x128xi32, #tpu.memory_space<vmem>>
        %dma_wait3A_916 = tpu.memref_squeeze %dma_wait3A_915 : memref<1x128xi32, #tpu.memory_space<vmem>> -> memref<128xi32, #tpu.memory_space<vmem>>
        %dma_wait3A_917 = arith.constant 0 : i32
        %dma_wait3A_918 = arith.constant 0 : i32
        %dma_wait3A_919 = tpu.memref_slice %arg9[%dma_wait3A_917, %dma_wait3A_918] : memref<10240x128xf32, #tpu.memory_space<vmem_shared>> -> memref<10240x128xf32, #tpu.memory_space<vmem_shared>>
        tpu.wait_indirect_dma semaphore(%run_scoped3A_907 : memref<!tpu.dma_semaphore, #tpu.memory_space<semaphore_mem>>) src(%arg7 : memref<128x128xf32, #tpu.memory_space<vmem>>) dst(%dma_wait3A_919 : memref<10240x128xf32, #tpu.memory_space<vmem_shared>>)
        tpu.yield
      }) : () -> ()
      %while3A_906 = arith.constant 0 : i32
      scf.yield %while3A_906 : i32
    }
    %while3A_817 = arith.constant 1 : i32
    %while3A_818 = scf.for %while3A_834 = %while3A_814 to %while3A_810 step %while3A_817 iter_args(%while3A_835 = %while3A_816) -> (i32)  : i32 {
      %mul3A_836 = arith.constant 2 : i32
      %mul3A_837 = arith.muli %mul3A_836, %while3A_834 : i32
      %add3A_838 = arith.addi %select_n3A, %mul3A_837 : i32
      %dma_wait3A_839 = arith.constant 0 : i32
      %dma_wait3A_840 = arith.constant 0 : i32
      %dma_wait3A_841 = tpu.memref_slice %arg2[%add3A_838, %dma_wait3A_839, %dma_wait3A_840] : memref<2561x2x128xi32, #tpu.memory_space<hbm>> -> memref<1x2x128xi32, #tpu.memory_space<hbm>>
      %dma_wait3A_842 = tpu.memref_squeeze %dma_wait3A_841 : memref<1x2x128xi32, #tpu.memory_space<hbm>> -> memref<2x128xi32, #tpu.memory_space<hbm>>
      %dma_wait3A_843 = arith.constant 0 : i32
      %dma_wait3A_844 = arith.constant 0 : i32
      %dma_wait3A_845 = tpu.memref_slice %arg2[%add3A_838, %dma_wait3A_843, %dma_wait3A_844] : memref<2561x2x128xi32, #tpu.memory_space<hbm>> -> memref<1x2x128xi32, #tpu.memory_space<hbm>>
      %dma_wait3A_846 = tpu.memref_squeeze %dma_wait3A_845 : memref<1x2x128xi32, #tpu.memory_space<hbm>> -> memref<2x128xi32, #tpu.memory_space<hbm>>
      tpu.wait_dma2 semaphore(%arg11 : memref<!tpu.dma_semaphore, #tpu.memory_space<semaphore_mem>>) src(%dma_wait3A_846 : memref<2x128xi32, #tpu.memory_space<hbm>>) dst(%arg5 : memref<2x128xi32, #tpu.memory_space<vmem>>)
      %add3A_847 = arith.constant 1 : i32
      %add3A_848 = arith.addi %add3A_838, %add3A_847 : i32
      %dma_start3A_849 = arith.constant 0 : i32
      %dma_start3A_850 = arith.constant 0 : i32
      %dma_start3A_851 = tpu.memref_slice %arg2[%add3A_848, %dma_start3A_849, %dma_start3A_850] : memref<2561x2x128xi32, #tpu.memory_space<hbm>> -> memref<1x2x128xi32, #tpu.memory_space<hbm>>
      %dma_start3A_852 = tpu.memref_squeeze %dma_start3A_851 : memref<1x2x128xi32, #tpu.memory_space<hbm>> -> memref<2x128xi32, #tpu.memory_space<hbm>>
      %dma_start3A_853 = arith.constant 0 : i32
      %dma_start3A_854 = arith.constant 0 : i32
      %dma_start3A_855 = tpu.memref_slice %arg2[%add3A_848, %dma_start3A_853, %dma_start3A_854] : memref<2561x2x128xi32, #tpu.memory_space<hbm>> -> memref<1x2x128xi32, #tpu.memory_space<hbm>>
      %dma_start3A_856 = tpu.memref_squeeze %dma_start3A_855 : memref<1x2x128xi32, #tpu.memory_space<hbm>> -> memref<2x128xi32, #tpu.memory_space<hbm>>
      tpu.enqueue_dma source(%dma_start3A_856 : memref<2x128xi32, #tpu.memory_space<hbm>>) target(%arg6 : memref<2x128xi32, #tpu.memory_space<vmem>>) target_semaphore(%arg12 : memref<!tpu.dma_semaphore, #tpu.memory_space<semaphore_mem>>)
      %dma_start3A_857 = arith.constant 0 : i32
      %dma_start3A_858 = arith.constant 0 : i32
      %dma_start3A_859 = tpu.memref_slice %arg5[%dma_start3A_857, %dma_start3A_858] : memref<2x128xi32, #tpu.memory_space<vmem>> -> memref<1x128xi32, #tpu.memory_space<vmem>>
      %dma_start3A_860 = tpu.memref_squeeze %dma_start3A_859 : memref<1x128xi32, #tpu.memory_space<vmem>> -> memref<128xi32, #tpu.memory_space<vmem>>
      %dma_start3A_861 = arith.constant 0 : i32
      %dma_start3A_862 = arith.constant 0 : i32
      %dma_start3A_863 = tpu.memref_slice %arg3[%dma_start3A_861, %dma_start3A_862] : memref<10000x128xf32, #tpu.memory_space<hbm>> -> memref<10000x128xf32, #tpu.memory_space<hbm>>
      tpu.enqueue_indirect_dma source(%dma_start3A_863 : memref<10000x128xf32, #tpu.memory_space<hbm>>) target(%arg7 : memref<128x128xf32, #tpu.memory_space<vmem>>) offsets(%dma_start3A_860 : memref<128xi32, #tpu.memory_space<vmem>>) semaphore(%arg10 : memref<!tpu.dma_semaphore, #tpu.memory_space<semaphore_mem>>)
      %dma_wait3A_864 = arith.constant 0 : i32
      %dma_wait3A_865 = arith.constant 0 : i32
      %dma_wait3A_866 = tpu.memref_slice %arg5[%dma_wait3A_864, %dma_wait3A_865] : memref<2x128xi32, #tpu.memory_space<vmem>> -> memref<1x128xi32, #tpu.memory_space<vmem>>
      %dma_wait3A_867 = tpu.memref_squeeze %dma_wait3A_866 : memref<1x128xi32, #tpu.memory_space<vmem>> -> memref<128xi32, #tpu.memory_space<vmem>>
      %dma_wait3A_868 = arith.constant 0 : i32
      %dma_wait3A_869 = arith.constant 0 : i32
      %dma_wait3A_870 = tpu.memref_slice %arg3[%dma_wait3A_868, %dma_wait3A_869] : memref<10000x128xf32, #tpu.memory_space<hbm>> -> memref<10000x128xf32, #tpu.memory_space<hbm>>
      tpu.wait_indirect_dma semaphore(%arg10 : memref<!tpu.dma_semaphore, #tpu.memory_space<semaphore_mem>>) src(%dma_wait3A_870 : memref<10000x128xf32, #tpu.memory_space<hbm>>) dst(%arg7 : memref<128x128xf32, #tpu.memory_space<vmem>>)
      %run_scoped3A = arith.constant 1 : i32
      "tpu.region"() ({
        %run_scoped3A_907 = tpu.sem_alloc : memref<!tpu.dma_semaphore, #tpu.memory_space<semaphore_mem>>
        %dma_start3A_908 = arith.constant 0 : i32
        %dma_start3A_909 = tpu.memref_slice %arg5[%run_scoped3A, %dma_start3A_908] : memref<2x128xi32, #tpu.memory_space<vmem>> -> memref<1x128xi32, #tpu.memory_space<vmem>>
        %dma_start3A_910 = tpu.memref_squeeze %dma_start3A_909 : memref<1x128xi32, #tpu.memory_space<vmem>> -> memref<128xi32, #tpu.memory_space<vmem>>
        %dma_start3A_911 = arith.constant 0 : i32
        %dma_start3A_912 = arith.constant 0 : i32
        %dma_start3A_913 = tpu.memref_slice %arg9[%dma_start3A_911, %dma_start3A_912] : memref<10240x128xf32, #tpu.memory_space<vmem_shared>> -> memref<10240x128xf32, #tpu.memory_space<vmem_shared>>
        tpu.enqueue_indirect_dma source(%arg7 : memref<128x128xf32, #tpu.memory_space<vmem>>) target(%dma_start3A_913 : memref<10240x128xf32, #tpu.memory_space<vmem_shared>>) offsets(%dma_start3A_910 : memref<128xi32, #tpu.memory_space<vmem>>) semaphore(%run_scoped3A_907 : memref<!tpu.dma_semaphore, #tpu.memory_space<semaphore_mem>>) {add = true}
        %dma_wait3A_914 = arith.constant 0 : i32
        %dma_wait3A_915 = tpu.memref_slice %arg5[%run_scoped3A, %dma_wait3A_914] : memref<2x128xi32, #tpu.memory_space<vmem>> -> memref<1x128xi32, #tpu.memory_space<vmem>>
        %dma_wait3A_916 = tpu.memref_squeeze %dma_wait3A_915 : memref<1x128xi32, #tpu.memory_space<vmem>> -> memref<128xi32, #tpu.memory_space<vmem>>
        %dma_wait3A_917 = arith.constant 0 : i32
        %dma_wait3A_918 = arith.constant 0 : i32
        %dma_wait3A_919 = tpu.memref_slice %arg9[%dma_wait3A_917, %dma_wait3A_918] : memref<10240x128xf32, #tpu.memory_space<vmem_shared>> -> memref<10240x128xf32, #tpu.memory_space<vmem_shared>>
        tpu.wait_indirect_dma semaphore(%run_scoped3A_907 : memref<!tpu.dma_semaphore, #tpu.memory_space<semaphore_mem>>) src(%arg7 : memref<128x128xf32, #tpu.memory_space<vmem>>) dst(%dma_wait3A_919 : memref<10240x128xf32, #tpu.memory_space<vmem_shared>>)
        tpu.yield
      }) : () -> ()
      %add3A_871 = arith.constant 1 : i32
      %add3A_872 = arith.addi %add3A_838, %add3A_871 : i32
      %dma_wait3A_873 = arith.constant 0 : i32
      %dma_wait3A_874 = arith.constant 0 : i32
      %dma_wait3A_875 = tpu.memref_slice %arg2[%add3A_872, %dma_wait3A_873, %dma_wait3A_874] : memref<2561x2x128xi32, #tpu.memory_space<hbm>> -> memref<1x2x128xi32, #tpu.memory_space<hbm>>
      %dma_wait3A_876 = tpu.memref_squeeze %dma_wait3A_875 : memref<1x2x128xi32, #tpu.memory_space<hbm>> -> memref<2x128xi32, #tpu.memory_space<hbm>>
      %dma_wait3A_877 = arith.constant 0 : i32
      %dma_wait3A_878 = arith.constant 0 : i32
      %dma_wait3A_879 = tpu.memref_slice %arg2[%add3A_872, %dma_wait3A_877, %dma_wait3A_878] : memref<2561x2x128xi32, #tpu.memory_space<hbm>> -> memref<1x2x128xi32, #tpu.memory_space<hbm>>
      %dma_wait3A_880 = tpu.memref_squeeze %dma_wait3A_879 : memref<1x2x128xi32, #tpu.memory_space<hbm>> -> memref<2x128xi32, #tpu.memory_space<hbm>>
      tpu.wait_dma2 semaphore(%arg12 : memref<!tpu.dma_semaphore, #tpu.memory_space<semaphore_mem>>) src(%dma_wait3A_880 : memref<2x128xi32, #tpu.memory_space<hbm>>) dst(%arg6 : memref<2x128xi32, #tpu.memory_space<vmem>>)
      %add3A_881 = arith.constant 1 : i32
      %add3A_882 = arith.addi %add3A_872, %add3A_881 : i32
      %dma_start3A_883 = arith.constant 0 : i32
      %dma_start3A_884 = arith.constant 0 : i32
      %dma_start3A_885 = tpu.memref_slice %arg2[%add3A_882, %dma_start3A_883, %dma_start3A_884] : memref<2561x2x128xi32, #tpu.memory_space<hbm>> -> memref<1x2x128xi32, #tpu.memory_space<hbm>>
      %dma_start3A_886 = tpu.memref_squeeze %dma_start3A_885 : memref<1x2x128xi32, #tpu.memory_space<hbm>> -> memref<2x128xi32, #tpu.memory_space<hbm>>
      %dma_start3A_887 = arith.constant 0 : i32
      %dma_start3A_888 = arith.constant 0 : i32
      %dma_start3A_889 = tpu.memref_slice %arg2[%add3A_882, %dma_start3A_887, %dma_start3A_888] : memref<2561x2x128xi32, #tpu.memory_space<hbm>> -> memref<1x2x128xi32, #tpu.memory_space<hbm>>
      %dma_start3A_890 = tpu.memref_squeeze %dma_start3A_889 : memref<1x2x128xi32, #tpu.memory_space<hbm>> -> memref<2x128xi32, #tpu.memory_space<hbm>>
      tpu.enqueue_dma source(%dma_start3A_890 : memref<2x128xi32, #tpu.memory_space<hbm>>) target(%arg5 : memref<2x128xi32, #tpu.memory_space<vmem>>) target_semaphore(%arg11 : memref<!tpu.dma_semaphore, #tpu.memory_space<semaphore_mem>>)
      %dma_start3A_891 = arith.constant 0 : i32
      %dma_start3A_892 = arith.constant 0 : i32
      %dma_start3A_893 = tpu.memref_slice %arg6[%dma_start3A_891, %dma_start3A_892] : memref<2x128xi32, #tpu.memory_space<vmem>> -> memref<1x128xi32, #tpu.memory_space<vmem>>
      %dma_start3A_894 = tpu.memref_squeeze %dma_start3A_893 : memref<1x128xi32, #tpu.memory_space<vmem>> -> memref<128xi32, #tpu.memory_space<vmem>>
      %dma_start3A_895 = arith.constant 0 : i32
      %dma_start3A_896 = arith.constant 0 : i32
      %dma_start3A_897 = tpu.memref_slice %arg3[%dma_start3A_895, %dma_start3A_896] : memref<10000x128xf32, #tpu.memory_space<hbm>> -> memref<10000x128xf32, #tpu.memory_space<hbm>>
      tpu.enqueue_indirect_dma source(%dma_start3A_897 : memref<10000x128xf32, #tpu.memory_space<hbm>>) target(%arg7 : memref<128x128xf32, #tpu.memory_space<vmem>>) offsets(%dma_start3A_894 : memref<128xi32, #tpu.memory_space<vmem>>) semaphore(%arg10 : memref<!tpu.dma_semaphore, #tpu.memory_space<semaphore_mem>>)
      %dma_wait3A_898 = arith.constant 0 : i32
      %dma_wait3A_899 = arith.constant 0 : i32
      %dma_wait3A_900 = tpu.memref_slice %arg6[%dma_wait3A_898, %dma_wait3A_899] : memref<2x128xi32, #tpu.memory_space<vmem>> -> memref<1x128xi32, #tpu.memory_space<vmem>>
      %dma_wait3A_901 = tpu.memref_squeeze %dma_wait3A_900 : memref<1x128xi32, #tpu.memory_space<vmem>> -> memref<128xi32, #tpu.memory_space<vmem>>
      %dma_wait3A_902 = arith.constant 0 : i32
      %dma_wait3A_903 = arith.constant 0 : i32
      %dma_wait3A_904 = tpu.memref_slice %arg3[%dma_wait3A_902, %dma_wait3A_903] : memref<10000x128xf32, #tpu.memory_space<hbm>> -> memref<10000x128xf32, #tpu.memory_space<hbm>>
      tpu.wait_indirect_dma semaphore(%arg10 : memref<!tpu.dma_semaphore, #tpu.memory_space<semaphore_mem>>) src(%dma_wait3A_904 : memref<10000x128xf32, #tpu.memory_space<hbm>>) dst(%arg7 : memref<128x128xf32, #tpu.memory_space<vmem>>)
      %run_scoped3A_905 = arith.constant 1 : i32
      "tpu.region"() ({
        %run_scoped3A_907 = tpu.sem_alloc : memref<!tpu.dma_semaphore, #tpu.memory_space<semaphore_mem>>
        %dma_start3A_908 = arith.constant 0 : i32
        %dma_start3A_909 = tpu.memref_slice %arg6[%run_scoped3A_905, %dma_start3A_908] : memref<2x128xi32, #tpu.memory_space<vmem>> -> memref<1x128xi32, #tpu.memory_space<vmem>>
        %dma_start3A_910 = tpu.memref_squeeze %dma_start3A_909 : memref<1x128xi32, #tpu.memory_space<vmem>> -> memref<128xi32, #tpu.memory_space<vmem>>
        %dma_start3A_911 = arith.constant 0 : i32
        %dma_start3A_912 = arith.constant 0 : i32
        %dma_start3A_913 = tpu.memref_slice %arg9[%dma_start3A_911, %dma_start3A_912] : memref<10240x128xf32, #tpu.memory_space<vmem_shared>> -> memref<10240x128xf32, #tpu.memory_space<vmem_shared>>
        tpu.enqueue_indirect_dma source(%arg7 : memref<128x128xf32, #tpu.memory_space<vmem>>) target(%dma_start3A_913 : memref<10240x128xf32, #tpu.memory_space<vmem_shared>>) offsets(%dma_start3A_910 : memref<128xi32, #tpu.memory_space<vmem>>) semaphore(%run_scoped3A_907 : memref<!tpu.dma_semaphore, #tpu.memory_space<semaphore_mem>>) {add = true}
        %dma_wait3A_914 = arith.constant 0 : i32
        %dma_wait3A_915 = tpu.memref_slice %arg6[%run_scoped3A_905, %dma_wait3A_914] : memref<2x128xi32, #tpu.memory_space<vmem>> -> memref<1x128xi32, #tpu.memory_space<vmem>>
        %dma_wait3A_916 = tpu.memref_squeeze %dma_wait3A_915 : memref<1x128xi32, #tpu.memory_space<vmem>> -> memref<128xi32, #tpu.memory_space<vmem>>
        %dma_wait3A_917 = arith.constant 0 : i32
        %dma_wait3A_918 = arith.constant 0 : i32
        %dma_wait3A_919 = tpu.memref_slice %arg9[%dma_wait3A_917, %dma_wait3A_918] : memref<10240x128xf32, #tpu.memory_space<vmem_shared>> -> memref<10240x128xf32, #tpu.memory_space<vmem_shared>>
        tpu.wait_indirect_dma semaphore(%run_scoped3A_907 : memref<!tpu.dma_semaphore, #tpu.memory_space<semaphore_mem>>) src(%arg7 : memref<128x128xf32, #tpu.memory_space<vmem>>) dst(%dma_wait3A_919 : memref<10240x128xf32, #tpu.memory_space<vmem_shared>>)
        tpu.yield
      }) : () -> ()
      %while3A_906 = arith.constant 0 : i32
      scf.yield %while3A_906 : i32
    }
    %dma_wait3A = arith.constant 0 : i32
    %dma_wait3A_819 = arith.constant 0 : i32
    %dma_wait3A_820 = tpu.memref_slice %arg2[%select_n3A, %dma_wait3A, %dma_wait3A_819] : memref<2561x2x128xi32, #tpu.memory_space<hbm>> -> memref<1x2x128xi32, #tpu.memory_space<hbm>>
    %dma_wait3A_821 = tpu.memref_squeeze %dma_wait3A_820 : memref<1x2x128xi32, #tpu.memory_space<hbm>> -> memref<2x128xi32, #tpu.memory_space<hbm>>
    %dma_wait3A_822 = arith.constant 0 : i32
    %dma_wait3A_823 = arith.constant 0 : i32
    %dma_wait3A_824 = tpu.memref_slice %arg2[%select_n3A, %dma_wait3A_822, %dma_wait3A_823] : memref<2561x2x128xi32, #tpu.memory_space<hbm>> -> memref<1x2x128xi32, #tpu.memory_space<hbm>>
    %dma_wait3A_825 = tpu.memref_squeeze %dma_wait3A_824 : memref<1x2x128xi32, #tpu.memory_space<hbm>> -> memref<2x128xi32, #tpu.memory_space<hbm>>
    tpu.wait_dma2 semaphore(%arg11 : memref<!tpu.dma_semaphore, #tpu.memory_space<semaphore_mem>>) src(%dma_wait3A_825 : memref<2x128xi32, #tpu.memory_space<hbm>>) dst(%arg5 : memref<2x128xi32, #tpu.memory_space<vmem>>)
    %barrier3A_826 = arith.constant 0 : index
    tpu.barrier barrier_id(%barrier3A_826)
    %mul3A_827 = arith.constant 640 : i32
    %mul3A_828 = arith.muli %arg1, %mul3A_827 : i32
    %mul3A_829 = arith.constant 10240 : i32
    %mul3A_830 = arith.muli %arg0, %mul3A_829 : i32
    %mul3A_831 = arith.constant 640 : i32
    %mul3A_832 = arith.muli %arg1, %mul3A_831 : i32
    %add3A_833 = arith.addi %mul3A_830, %mul3A_832 : i32
    "tpu.region"() ({
      %run_scoped3A = tpu.sem_alloc : memref<!tpu.dma_semaphore, #tpu.memory_space<semaphore_mem>>
      %dma_start3A_834 = arith.constant 0 : i32
      %dma_start3A_835 = tpu.memref_slice %arg4[%add3A_833, %dma_start3A_834] : memref<20480x128xf32, #tpu.memory_space<hbm>> -> memref<640x128xf32, #tpu.memory_space<hbm>>
      %dma_start3A_836 = arith.constant 0 : i32
      %dma_start3A_837 = tpu.memref_slice %arg9[%mul3A_828, %dma_start3A_836] : memref<10240x128xf32, #tpu.memory_space<vmem_shared>> -> memref<640x128xf32, #tpu.memory_space<vmem_shared>>
      tpu.enqueue_dma source(%dma_start3A_837 : memref<640x128xf32, #tpu.memory_space<vmem_shared>>) target(%dma_start3A_835 : memref<640x128xf32, #tpu.memory_space<hbm>>) target_semaphore(%run_scoped3A : memref<!tpu.dma_semaphore, #tpu.memory_space<semaphore_mem>>)
      %dma_wait3A_838 = arith.constant 0 : i32
      %dma_wait3A_839 = tpu.memref_slice %arg4[%add3A_833, %dma_wait3A_838] : memref<20480x128xf32, #tpu.memory_space<hbm>> -> memref<640x128xf32, #tpu.memory_space<hbm>>
      %dma_wait3A_840 = arith.constant 0 : i32
      %dma_wait3A_841 = tpu.memref_slice %arg9[%mul3A_828, %dma_wait3A_840] : memref<10240x128xf32, #tpu.memory_space<vmem_shared>> -> memref<640x128xf32, #tpu.memory_space<vmem_shared>>
      tpu.wait_dma2 semaphore(%run_scoped3A : memref<!tpu.dma_semaphore, #tpu.memory_space<semaphore_mem>>) src(%dma_wait3A_841 : memref<640x128xf32, #tpu.memory_space<vmem_shared>>) dst(%dma_wait3A_839 : memref<640x128xf32, #tpu.memory_space<hbm>>)
      tpu.yield
    }) : () -> ()
    return
  }
}

#map = affine_map<(d0, d1) -> (0, 0, 0)>
#map1 = affine_map<(d0, d1) -> (0, 0)>
module attributes {stable_mosaic.version = 14 : i64} {
  func.func @prop_kernel(%arg0: i32, %arg1: i32, %arg2: memref<2561x2x128xi32, #tpu.memory_space<hbm>>, %arg3: memref<10000x128xf32, #tpu.memory_space<hbm>>, %arg4: memref<20480x128xf32, #tpu.memory_space<hbm>>, %arg5: memref<2x128xi32, #tpu.memory_space<vmem>>, %arg6: memref<2x128xi32, #tpu.memory_space<vmem>>, %arg7: memref<128x128xf32, #tpu.memory_space<vmem>>, %arg8: memref<16x128xf32, #tpu.memory_space<vmem>>, %arg9: memref<10240x128xf32, #tpu.memory_space<vmem_shared>>, %arg10: memref<!tpu.dma_semaphore, #tpu.memory_space<semaphore_mem>>, %arg11: memref<!tpu.dma_semaphore, #tpu.memory_space<semaphore_mem>>, %arg12: memref<!tpu.dma_semaphore, #tpu.memory_space<semaphore_mem>>) attributes {dimension_semantics = [#tpu.dimension_semantics<core_parallel>, #tpu.dimension_semantics<subcore_parallel>], iteration_bounds = array<i64: 2, 16>, scalar_prefetch = 0 : i64, scratch_operands = 8 : i64, tpu.core_type = #tpu.core_type<sc_vector_subcore>, window_params = [{transform_indices = #map}, {transform_indices = #map1}, {transform_indices = #map1}]} {
    %broadcast_in_dim3A = arith.constant 0.000000e+00 : f32
    %broadcast_in_dim3A_0 = vector.broadcast %broadcast_in_dim3A : f32 to vector<16xf32>
    %swap3A = arith.constant 0 : i32
    %swap3A_1 = arith.index_cast %swap3A : i32 to index
    %swap3A_2 = arith.constant 0 : index
    %swap3A_3 = tpu.vector_load %arg8[%swap3A_1, %swap3A_2] {strides = array<i32>} : memref<16x128xf32, #tpu.memory_space<vmem>>, vector<1x16xf32>,
    %swap3A_4 = vector.shape_cast %swap3A_3 : vector<1x16xf32> to vector<16xf32>
    %swap3A_5 = vector.shape_cast %broadcast_in_dim3A_0 : vector<16xf32> to vector<1x16xf32>
    tpu.vector_store %arg8[%swap3A_1, %swap3A_2], %swap3A_5 {strides = array<i32>} : memref<16x128xf32, #tpu.memory_space<vmem>>, vector<1x16xf32>,
    %swap3A_6 = arith.constant 0 : i32
    %swap3A_7 = arith.index_cast %swap3A_6 : i32 to index
    %swap3A_8 = arith.constant 16 : index
    %swap3A_9 = tpu.vector_load %arg8[%swap3A_7, %swap3A_8] {strides = array<i32>} : memref<16x128xf32, #tpu.memory_space<vmem>>, vector<1x16xf32>,
    %swap3A_10 = vector.shape_cast %swap3A_9 : vector<1x16xf32> to vector<16xf32>
    %swap3A_11 = vector.shape_cast %broadcast_in_dim3A_0 : vector<16xf32> to vector<1x16xf32>
    tpu.vector_store %arg8[%swap3A_7, %swap3A_8], %swap3A_11 {strides = array<i32>} : memref<16x128xf32, #tpu.memory_space<vmem>>, vector<1x16xf32>,
    %swap3A_12 = arith.constant 0 : i32
    %swap3A_13 = arith.index_cast %swap3A_12 : i32 to index
    %swap3A_14 = arith.constant 32 : index
    %swap3A_15 = tpu.vector_load %arg8[%swap3A_13, %swap3A_14] {strides = array<i32>} : memref<16x128xf32, #tpu.memory_space<vmem>>, vector<1x16xf32>,
    %swap3A_16 = vector.shape_cast %swap3A_15 : vector<1x16xf32> to vector<16xf32>
    %swap3A_17 = vector.shape_cast %broadcast_in_dim3A_0 : vector<16xf32> to vector<1x16xf32>
    tpu.vector_store %arg8[%swap3A_13, %swap3A_14], %swap3A_17 {strides = array<i32>} : memref<16x128xf32, #tpu.memory_space<vmem>>, vector<1x16xf32>,
    %swap3A_18 = arith.constant 0 : i32
    %swap3A_19 = arith.index_cast %swap3A_18 : i32 to index
    %swap3A_20 = arith.constant 48 : index
    %swap3A_21 = tpu.vector_load %arg8[%swap3A_19, %swap3A_20] {strides = array<i32>} : memref<16x128xf32, #tpu.memory_space<vmem>>, vector<1x16xf32>,
    %swap3A_22 = vector.shape_cast %swap3A_21 : vector<1x16xf32> to vector<16xf32>
    %swap3A_23 = vector.shape_cast %broadcast_in_dim3A_0 : vector<16xf32> to vector<1x16xf32>
    tpu.vector_store %arg8[%swap3A_19, %swap3A_20], %swap3A_23 {strides = array<i32>} : memref<16x128xf32, #tpu.memory_space<vmem>>, vector<1x16xf32>,
    %swap3A_24 = arith.constant 0 : i32
    %swap3A_25 = arith.index_cast %swap3A_24 : i32 to index
    %swap3A_26 = arith.constant 64 : index
    %swap3A_27 = tpu.vector_load %arg8[%swap3A_25, %swap3A_26] {strides = array<i32>} : memref<16x128xf32, #tpu.memory_space<vmem>>, vector<1x16xf32>,
    %swap3A_28 = vector.shape_cast %swap3A_27 : vector<1x16xf32> to vector<16xf32>
    %swap3A_29 = vector.shape_cast %broadcast_in_dim3A_0 : vector<16xf32> to vector<1x16xf32>
    tpu.vector_store %arg8[%swap3A_25, %swap3A_26], %swap3A_29 {strides = array<i32>} : memref<16x128xf32, #tpu.memory_space<vmem>>, vector<1x16xf32>,
    %swap3A_30 = arith.constant 0 : i32
    %swap3A_31 = arith.index_cast %swap3A_30 : i32 to index
    %swap3A_32 = arith.constant 80 : index
    %swap3A_33 = tpu.vector_load %arg8[%swap3A_31, %swap3A_32] {strides = array<i32>} : memref<16x128xf32, #tpu.memory_space<vmem>>, vector<1x16xf32>,
    %swap3A_34 = vector.shape_cast %swap3A_33 : vector<1x16xf32> to vector<16xf32>
    %swap3A_35 = vector.shape_cast %broadcast_in_dim3A_0 : vector<16xf32> to vector<1x16xf32>
    tpu.vector_store %arg8[%swap3A_31, %swap3A_32], %swap3A_35 {strides = array<i32>} : memref<16x128xf32, #tpu.memory_space<vmem>>, vector<1x16xf32>,
    %swap3A_36 = arith.constant 0 : i32
    %swap3A_37 = arith.index_cast %swap3A_36 : i32 to index
    %swap3A_38 = arith.constant 96 : index
    %swap3A_39 = tpu.vector_load %arg8[%swap3A_37, %swap3A_38] {strides = array<i32>} : memref<16x128xf32, #tpu.memory_space<vmem>>, vector<1x16xf32>,
    %swap3A_40 = vector.shape_cast %swap3A_39 : vector<1x16xf32> to vector<16xf32>
    %swap3A_41 = vector.shape_cast %broadcast_in_dim3A_0 : vector<16xf32> to vector<1x16xf32>
    tpu.vector_store %arg8[%swap3A_37, %swap3A_38], %swap3A_41 {strides = array<i32>} : memref<16x128xf32, #tpu.memory_space<vmem>>, vector<1x16xf32>,
    %swap3A_42 = arith.constant 0 : i32
    %swap3A_43 = arith.index_cast %swap3A_42 : i32 to index
    %swap3A_44 = arith.constant 112 : index
    %swap3A_45 = tpu.vector_load %arg8[%swap3A_43, %swap3A_44] {strides = array<i32>} : memref<16x128xf32, #tpu.memory_space<vmem>>, vector<1x16xf32>,
    %swap3A_46 = vector.shape_cast %swap3A_45 : vector<1x16xf32> to vector<16xf32>
    %swap3A_47 = vector.shape_cast %broadcast_in_dim3A_0 : vector<16xf32> to vector<1x16xf32>
    tpu.vector_store %arg8[%swap3A_43, %swap3A_44], %swap3A_47 {strides = array<i32>} : memref<16x128xf32, #tpu.memory_space<vmem>>, vector<1x16xf32>,
    %swap3A_48 = arith.constant 1 : i32
    %swap3A_49 = arith.index_cast %swap3A_48 : i32 to index
    %swap3A_50 = arith.constant 0 : index
    %swap3A_51 = tpu.vector_load %arg8[%swap3A_49, %swap3A_50] {strides = array<i32>} : memref<16x128xf32, #tpu.memory_space<vmem>>, vector<1x16xf32>,
    %swap3A_52 = vector.shape_cast %swap3A_51 : vector<1x16xf32> to vector<16xf32>
    %swap3A_53 = vector.shape_cast %broadcast_in_dim3A_0 : vector<16xf32> to vector<1x16xf32>
    tpu.vector_store %arg8[%swap3A_49, %swap3A_50], %swap3A_53 {strides = array<i32>} : memref<16x128xf32, #tpu.memory_space<vmem>>, vector<1x16xf32>,
    %swap3A_54 = arith.constant 1 : i32
    %swap3A_55 = arith.index_cast %swap3A_54 : i32 to index
    %swap3A_56 = arith.constant 16 : index
    %swap3A_57 = tpu.vector_load %arg8[%swap3A_55, %swap3A_56] {strides = array<i32>} : memref<16x128xf32, #tpu.memory_space<vmem>>, vector<1x16xf32>,
    %swap3A_58 = vector.shape_cast %swap3A_57 : vector<1x16xf32> to vector<16xf32>
    %swap3A_59 = vector.shape_cast %broadcast_in_dim3A_0 : vector<16xf32> to vector<1x16xf32>
    tpu.vector_store %arg8[%swap3A_55, %swap3A_56], %swap3A_59 {strides = array<i32>} : memref<16x128xf32, #tpu.memory_space<vmem>>, vector<1x16xf32>,
    %swap3A_60 = arith.constant 1 : i32
    %swap3A_61 = arith.index_cast %swap3A_60 : i32 to index
    %swap3A_62 = arith.constant 32 : index
    %swap3A_63 = tpu.vector_load %arg8[%swap3A_61, %swap3A_62] {strides = array<i32>} : memref<16x128xf32, #tpu.memory_space<vmem>>, vector<1x16xf32>,
    %swap3A_64 = vector.shape_cast %swap3A_63 : vector<1x16xf32> to vector<16xf32>
    %swap3A_65 = vector.shape_cast %broadcast_in_dim3A_0 : vector<16xf32> to vector<1x16xf32>
    tpu.vector_store %arg8[%swap3A_61, %swap3A_62], %swap3A_65 {strides = array<i32>} : memref<16x128xf32, #tpu.memory_space<vmem>>, vector<1x16xf32>,
    %swap3A_66 = arith.constant 1 : i32
    %swap3A_67 = arith.index_cast %swap3A_66 : i32 to index
    %swap3A_68 = arith.constant 48 : index
    %swap3A_69 = tpu.vector_load %arg8[%swap3A_67, %swap3A_68] {strides = array<i32>} : memref<16x128xf32, #tpu.memory_space<vmem>>, vector<1x16xf32>,
    %swap3A_70 = vector.shape_cast %swap3A_69 : vector<1x16xf32> to vector<16xf32>
    %swap3A_71 = vector.shape_cast %broadcast_in_dim3A_0 : vector<16xf32> to vector<1x16xf32>
    tpu.vector_store %arg8[%swap3A_67, %swap3A_68], %swap3A_71 {strides = array<i32>} : memref<16x128xf32, #tpu.memory_space<vmem>>, vector<1x16xf32>,
    %swap3A_72 = arith.constant 1 : i32
    %swap3A_73 = arith.index_cast %swap3A_72 : i32 to index
    %swap3A_74 = arith.constant 64 : index
    %swap3A_75 = tpu.vector_load %arg8[%swap3A_73, %swap3A_74] {strides = array<i32>} : memref<16x128xf32, #tpu.memory_space<vmem>>, vector<1x16xf32>,
    %swap3A_76 = vector.shape_cast %swap3A_75 : vector<1x16xf32> to vector<16xf32>
    %swap3A_77 = vector.shape_cast %broadcast_in_dim3A_0 : vector<16xf32> to vector<1x16xf32>
    tpu.vector_store %arg8[%swap3A_73, %swap3A_74], %swap3A_77 {strides = array<i32>} : memref<16x128xf32, #tpu.memory_space<vmem>>, vector<1x16xf32>,
    %swap3A_78 = arith.constant 1 : i32
    %swap3A_79 = arith.index_cast %swap3A_78 : i32 to index
    %swap3A_80 = arith.constant 80 : index
    %swap3A_81 = tpu.vector_load %arg8[%swap3A_79, %swap3A_80] {strides = array<i32>} : memref<16x128xf32, #tpu.memory_space<vmem>>, vector<1x16xf32>,
    %swap3A_82 = vector.shape_cast %swap3A_81 : vector<1x16xf32> to vector<16xf32>
    %swap3A_83 = vector.shape_cast %broadcast_in_dim3A_0 : vector<16xf32> to vector<1x16xf32>
    tpu.vector_store %arg8[%swap3A_79, %swap3A_80], %swap3A_83 {strides = array<i32>} : memref<16x128xf32, #tpu.memory_space<vmem>>, vector<1x16xf32>,
    %swap3A_84 = arith.constant 1 : i32
    %swap3A_85 = arith.index_cast %swap3A_84 : i32 to index
    %swap3A_86 = arith.constant 96 : index
    %swap3A_87 = tpu.vector_load %arg8[%swap3A_85, %swap3A_86] {strides = array<i32>} : memref<16x128xf32, #tpu.memory_space<vmem>>, vector<1x16xf32>,
    %swap3A_88 = vector.shape_cast %swap3A_87 : vector<1x16xf32> to vector<16xf32>
    %swap3A_89 = vector.shape_cast %broadcast_in_dim3A_0 : vector<16xf32> to vector<1x16xf32>
    tpu.vector_store %arg8[%swap3A_85, %swap3A_86], %swap3A_89 {strides = array<i32>} : memref<16x128xf32, #tpu.memory_space<vmem>>, vector<1x16xf32>,
    %swap3A_90 = arith.constant 1 : i32
    %swap3A_91 = arith.index_cast %swap3A_90 : i32 to index
    %swap3A_92 = arith.constant 112 : index
    %swap3A_93 = tpu.vector_load %arg8[%swap3A_91, %swap3A_92] {strides = array<i32>} : memref<16x128xf32, #tpu.memory_space<vmem>>, vector<1x16xf32>,
    %swap3A_94 = vector.shape_cast %swap3A_93 : vector<1x16xf32> to vector<16xf32>
    %swap3A_95 = vector.shape_cast %broadcast_in_dim3A_0 : vector<16xf32> to vector<1x16xf32>
    tpu.vector_store %arg8[%swap3A_91, %swap3A_92], %swap3A_95 {strides = array<i32>} : memref<16x128xf32, #tpu.memory_space<vmem>>, vector<1x16xf32>,
    %swap3A_96 = arith.constant 2 : i32
    %swap3A_97 = arith.index_cast %swap3A_96 : i32 to index
    %swap3A_98 = arith.constant 0 : index
    %swap3A_99 = tpu.vector_load %arg8[%swap3A_97, %swap3A_98] {strides = array<i32>} : memref<16x128xf32, #tpu.memory_space<vmem>>, vector<1x16xf32>,
    %swap3A_100 = vector.shape_cast %swap3A_99 : vector<1x16xf32> to vector<16xf32>
    %swap3A_101 = vector.shape_cast %broadcast_in_dim3A_0 : vector<16xf32> to vector<1x16xf32>
    tpu.vector_store %arg8[%swap3A_97, %swap3A_98], %swap3A_101 {strides = array<i32>} : memref<16x128xf32, #tpu.memory_space<vmem>>, vector<1x16xf32>,
    %swap3A_102 = arith.constant 2 : i32
    %swap3A_103 = arith.index_cast %swap3A_102 : i32 to index
    %swap3A_104 = arith.constant 16 : index
    %swap3A_105 = tpu.vector_load %arg8[%swap3A_103, %swap3A_104] {strides = array<i32>} : memref<16x128xf32, #tpu.memory_space<vmem>>, vector<1x16xf32>,
    %swap3A_106 = vector.shape_cast %swap3A_105 : vector<1x16xf32> to vector<16xf32>
    %swap3A_107 = vector.shape_cast %broadcast_in_dim3A_0 : vector<16xf32> to vector<1x16xf32>
    tpu.vector_store %arg8[%swap3A_103, %swap3A_104], %swap3A_107 {strides = array<i32>} : memref<16x128xf32, #tpu.memory_space<vmem>>, vector<1x16xf32>,
    %swap3A_108 = arith.constant 2 : i32
    %swap3A_109 = arith.index_cast %swap3A_108 : i32 to index
    %swap3A_110 = arith.constant 32 : index
    %swap3A_111 = tpu.vector_load %arg8[%swap3A_109, %swap3A_110] {strides = array<i32>} : memref<16x128xf32, #tpu.memory_space<vmem>>, vector<1x16xf32>,
    %swap3A_112 = vector.shape_cast %swap3A_111 : vector<1x16xf32> to vector<16xf32>
    %swap3A_113 = vector.shape_cast %broadcast_in_dim3A_0 : vector<16xf32> to vector<1x16xf32>
    tpu.vector_store %arg8[%swap3A_109, %swap3A_110], %swap3A_113 {strides = array<i32>} : memref<16x128xf32, #tpu.memory_space<vmem>>, vector<1x16xf32>,
    %swap3A_114 = arith.constant 2 : i32
    %swap3A_115 = arith.index_cast %swap3A_114 : i32 to index
    %swap3A_116 = arith.constant 48 : index
    %swap3A_117 = tpu.vector_load %arg8[%swap3A_115, %swap3A_116] {strides = array<i32>} : memref<16x128xf32, #tpu.memory_space<vmem>>, vector<1x16xf32>,
    %swap3A_118 = vector.shape_cast %swap3A_117 : vector<1x16xf32> to vector<16xf32>
    %swap3A_119 = vector.shape_cast %broadcast_in_dim3A_0 : vector<16xf32> to vector<1x16xf32>
    tpu.vector_store %arg8[%swap3A_115, %swap3A_116], %swap3A_119 {strides = array<i32>} : memref<16x128xf32, #tpu.memory_space<vmem>>, vector<1x16xf32>,
    %swap3A_120 = arith.constant 2 : i32
    %swap3A_121 = arith.index_cast %swap3A_120 : i32 to index
    %swap3A_122 = arith.constant 64 : index
    %swap3A_123 = tpu.vector_load %arg8[%swap3A_121, %swap3A_122] {strides = array<i32>} : memref<16x128xf32, #tpu.memory_space<vmem>>, vector<1x16xf32>,
    %swap3A_124 = vector.shape_cast %swap3A_123 : vector<1x16xf32> to vector<16xf32>
    %swap3A_125 = vector.shape_cast %broadcast_in_dim3A_0 : vector<16xf32> to vector<1x16xf32>
    tpu.vector_store %arg8[%swap3A_121, %swap3A_122], %swap3A_125 {strides = array<i32>} : memref<16x128xf32, #tpu.memory_space<vmem>>, vector<1x16xf32>,
    %swap3A_126 = arith.constant 2 : i32
    %swap3A_127 = arith.index_cast %swap3A_126 : i32 to index
    %swap3A_128 = arith.constant 80 : index
    %swap3A_129 = tpu.vector_load %arg8[%swap3A_127, %swap3A_128] {strides = array<i32>} : memref<16x128xf32, #tpu.memory_space<vmem>>, vector<1x16xf32>,
    %swap3A_130 = vector.shape_cast %swap3A_129 : vector<1x16xf32> to vector<16xf32>
    %swap3A_131 = vector.shape_cast %broadcast_in_dim3A_0 : vector<16xf32> to vector<1x16xf32>
    tpu.vector_store %arg8[%swap3A_127, %swap3A_128], %swap3A_131 {strides = array<i32>} : memref<16x128xf32, #tpu.memory_space<vmem>>, vector<1x16xf32>,
    %swap3A_132 = arith.constant 2 : i32
    %swap3A_133 = arith.index_cast %swap3A_132 : i32 to index
    %swap3A_134 = arith.constant 96 : index
    %swap3A_135 = tpu.vector_load %arg8[%swap3A_133, %swap3A_134] {strides = array<i32>} : memref<16x128xf32, #tpu.memory_space<vmem>>, vector<1x16xf32>,
    %swap3A_136 = vector.shape_cast %swap3A_135 : vector<1x16xf32> to vector<16xf32>
    %swap3A_137 = vector.shape_cast %broadcast_in_dim3A_0 : vector<16xf32> to vector<1x16xf32>
    tpu.vector_store %arg8[%swap3A_133, %swap3A_134], %swap3A_137 {strides = array<i32>} : memref<16x128xf32, #tpu.memory_space<vmem>>, vector<1x16xf32>,
    %swap3A_138 = arith.constant 2 : i32
    %swap3A_139 = arith.index_cast %swap3A_138 : i32 to index
    %swap3A_140 = arith.constant 112 : index
    %swap3A_141 = tpu.vector_load %arg8[%swap3A_139, %swap3A_140] {strides = array<i32>} : memref<16x128xf32, #tpu.memory_space<vmem>>, vector<1x16xf32>,
    %swap3A_142 = vector.shape_cast %swap3A_141 : vector<1x16xf32> to vector<16xf32>
    %swap3A_143 = vector.shape_cast %broadcast_in_dim3A_0 : vector<16xf32> to vector<1x16xf32>
    tpu.vector_store %arg8[%swap3A_139, %swap3A_140], %swap3A_143 {strides = array<i32>} : memref<16x128xf32, #tpu.memory_space<vmem>>, vector<1x16xf32>,
    %swap3A_144 = arith.constant 3 : i32
    %swap3A_145 = arith.index_cast %swap3A_144 : i32 to index
    %swap3A_146 = arith.constant 0 : index
    %swap3A_147 = tpu.vector_load %arg8[%swap3A_145, %swap3A_146] {strides = array<i32>} : memref<16x128xf32, #tpu.memory_space<vmem>>, vector<1x16xf32>,
    %swap3A_148 = vector.shape_cast %swap3A_147 : vector<1x16xf32> to vector<16xf32>
    %swap3A_149 = vector.shape_cast %broadcast_in_dim3A_0 : vector<16xf32> to vector<1x16xf32>
    tpu.vector_store %arg8[%swap3A_145, %swap3A_146], %swap3A_149 {strides = array<i32>} : memref<16x128xf32, #tpu.memory_space<vmem>>, vector<1x16xf32>,
    %swap3A_150 = arith.constant 3 : i32
    %swap3A_151 = arith.index_cast %swap3A_150 : i32 to index
    %swap3A_152 = arith.constant 16 : index
    %swap3A_153 = tpu.vector_load %arg8[%swap3A_151, %swap3A_152] {strides = array<i32>} : memref<16x128xf32, #tpu.memory_space<vmem>>, vector<1x16xf32>,
    %swap3A_154 = vector.shape_cast %swap3A_153 : vector<1x16xf32> to vector<16xf32>
    %swap3A_155 = vector.shape_cast %broadcast_in_dim3A_0 : vector<16xf32> to vector<1x16xf32>
    tpu.vector_store %arg8[%swap3A_151, %swap3A_152], %swap3A_155 {strides = array<i32>} : memref<16x128xf32, #tpu.memory_space<vmem>>, vector<1x16xf32>,
    %swap3A_156 = arith.constant 3 : i32
    %swap3A_157 = arith.index_cast %swap3A_156 : i32 to index
    %swap3A_158 = arith.constant 32 : index
    %swap3A_159 = tpu.vector_load %arg8[%swap3A_157, %swap3A_158] {strides = array<i32>} : memref<16x128xf32, #tpu.memory_space<vmem>>, vector<1x16xf32>,
    %swap3A_160 = vector.shape_cast %swap3A_159 : vector<1x16xf32> to vector<16xf32>
    %swap3A_161 = vector.shape_cast %broadcast_in_dim3A_0 : vector<16xf32> to vector<1x16xf32>
    tpu.vector_store %arg8[%swap3A_157, %swap3A_158], %swap3A_161 {strides = array<i32>} : memref<16x128xf32, #tpu.memory_space<vmem>>, vector<1x16xf32>,
    %swap3A_162 = arith.constant 3 : i32
    %swap3A_163 = arith.index_cast %swap3A_162 : i32 to index
    %swap3A_164 = arith.constant 48 : index
    %swap3A_165 = tpu.vector_load %arg8[%swap3A_163, %swap3A_164] {strides = array<i32>} : memref<16x128xf32, #tpu.memory_space<vmem>>, vector<1x16xf32>,
    %swap3A_166 = vector.shape_cast %swap3A_165 : vector<1x16xf32> to vector<16xf32>
    %swap3A_167 = vector.shape_cast %broadcast_in_dim3A_0 : vector<16xf32> to vector<1x16xf32>
    tpu.vector_store %arg8[%swap3A_163, %swap3A_164], %swap3A_167 {strides = array<i32>} : memref<16x128xf32, #tpu.memory_space<vmem>>, vector<1x16xf32>,
    %swap3A_168 = arith.constant 3 : i32
    %swap3A_169 = arith.index_cast %swap3A_168 : i32 to index
    %swap3A_170 = arith.constant 64 : index
    %swap3A_171 = tpu.vector_load %arg8[%swap3A_169, %swap3A_170] {strides = array<i32>} : memref<16x128xf32, #tpu.memory_space<vmem>>, vector<1x16xf32>,
    %swap3A_172 = vector.shape_cast %swap3A_171 : vector<1x16xf32> to vector<16xf32>
    %swap3A_173 = vector.shape_cast %broadcast_in_dim3A_0 : vector<16xf32> to vector<1x16xf32>
    tpu.vector_store %arg8[%swap3A_169, %swap3A_170], %swap3A_173 {strides = array<i32>} : memref<16x128xf32, #tpu.memory_space<vmem>>, vector<1x16xf32>,
    %swap3A_174 = arith.constant 3 : i32
    %swap3A_175 = arith.index_cast %swap3A_174 : i32 to index
    %swap3A_176 = arith.constant 80 : index
    %swap3A_177 = tpu.vector_load %arg8[%swap3A_175, %swap3A_176] {strides = array<i32>} : memref<16x128xf32, #tpu.memory_space<vmem>>, vector<1x16xf32>,
    %swap3A_178 = vector.shape_cast %swap3A_177 : vector<1x16xf32> to vector<16xf32>
    %swap3A_179 = vector.shape_cast %broadcast_in_dim3A_0 : vector<16xf32> to vector<1x16xf32>
    tpu.vector_store %arg8[%swap3A_175, %swap3A_176], %swap3A_179 {strides = array<i32>} : memref<16x128xf32, #tpu.memory_space<vmem>>, vector<1x16xf32>,
    %swap3A_180 = arith.constant 3 : i32
    %swap3A_181 = arith.index_cast %swap3A_180 : i32 to index
    %swap3A_182 = arith.constant 96 : index
    %swap3A_183 = tpu.vector_load %arg8[%swap3A_181, %swap3A_182] {strides = array<i32>} : memref<16x128xf32, #tpu.memory_space<vmem>>, vector<1x16xf32>,
    %swap3A_184 = vector.shape_cast %swap3A_183 : vector<1x16xf32> to vector<16xf32>
    %swap3A_185 = vector.shape_cast %broadcast_in_dim3A_0 : vector<16xf32> to vector<1x16xf32>
    tpu.vector_store %arg8[%swap3A_181, %swap3A_182], %swap3A_185 {strides = array<i32>} : memref<16x128xf32, #tpu.memory_space<vmem>>, vector<1x16xf32>,
    %swap3A_186 = arith.constant 3 : i32
    %swap3A_187 = arith.index_cast %swap3A_186 : i32 to index
    %swap3A_188 = arith.constant 112 : index
    %swap3A_189 = tpu.vector_load %arg8[%swap3A_187, %swap3A_188] {strides = array<i32>} : memref<16x128xf32, #tpu.memory_space<vmem>>, vector<1x16xf32>,
    %swap3A_190 = vector.shape_cast %swap3A_189 : vector<1x16xf32> to vector<16xf32>
    %swap3A_191 = vector.shape_cast %broadcast_in_dim3A_0 : vector<16xf32> to vector<1x16xf32>
    tpu.vector_store %arg8[%swap3A_187, %swap3A_188], %swap3A_191 {strides = array<i32>} : memref<16x128xf32, #tpu.memory_space<vmem>>, vector<1x16xf32>,
    %swap3A_192 = arith.constant 4 : i32
    %swap3A_193 = arith.index_cast %swap3A_192 : i32 to index
    %swap3A_194 = arith.constant 0 : index
    %swap3A_195 = tpu.vector_load %arg8[%swap3A_193, %swap3A_194] {strides = array<i32>} : memref<16x128xf32, #tpu.memory_space<vmem>>, vector<1x16xf32>,
    %swap3A_196 = vector.shape_cast %swap3A_195 : vector<1x16xf32> to vector<16xf32>
    %swap3A_197 = vector.shape_cast %broadcast_in_dim3A_0 : vector<16xf32> to vector<1x16xf32>
    tpu.vector_store %arg8[%swap3A_193, %swap3A_194], %swap3A_197 {strides = array<i32>} : memref<16x128xf32, #tpu.memory_space<vmem>>, vector<1x16xf32>,
    %swap3A_198 = arith.constant 4 : i32
    %swap3A_199 = arith.index_cast %swap3A_198 : i32 to index
    %swap3A_200 = arith.constant 16 : index
    %swap3A_201 = tpu.vector_load %arg8[%swap3A_199, %swap3A_200] {strides = array<i32>} : memref<16x128xf32, #tpu.memory_space<vmem>>, vector<1x16xf32>,
    %swap3A_202 = vector.shape_cast %swap3A_201 : vector<1x16xf32> to vector<16xf32>
    %swap3A_203 = vector.shape_cast %broadcast_in_dim3A_0 : vector<16xf32> to vector<1x16xf32>
    tpu.vector_store %arg8[%swap3A_199, %swap3A_200], %swap3A_203 {strides = array<i32>} : memref<16x128xf32, #tpu.memory_space<vmem>>, vector<1x16xf32>,
    %swap3A_204 = arith.constant 4 : i32
    %swap3A_205 = arith.index_cast %swap3A_204 : i32 to index
    %swap3A_206 = arith.constant 32 : index
    %swap3A_207 = tpu.vector_load %arg8[%swap3A_205, %swap3A_206] {strides = array<i32>} : memref<16x128xf32, #tpu.memory_space<vmem>>, vector<1x16xf32>,
    %swap3A_208 = vector.shape_cast %swap3A_207 : vector<1x16xf32> to vector<16xf32>
    %swap3A_209 = vector.shape_cast %broadcast_in_dim3A_0 : vector<16xf32> to vector<1x16xf32>
    tpu.vector_store %arg8[%swap3A_205, %swap3A_206], %swap3A_209 {strides = array<i32>} : memref<16x128xf32, #tpu.memory_space<vmem>>, vector<1x16xf32>,
    %swap3A_210 = arith.constant 4 : i32
    %swap3A_211 = arith.index_cast %swap3A_210 : i32 to index
    %swap3A_212 = arith.constant 48 : index
    %swap3A_213 = tpu.vector_load %arg8[%swap3A_211, %swap3A_212] {strides = array<i32>} : memref<16x128xf32, #tpu.memory_space<vmem>>, vector<1x16xf32>,
    %swap3A_214 = vector.shape_cast %swap3A_213 : vector<1x16xf32> to vector<16xf32>
    %swap3A_215 = vector.shape_cast %broadcast_in_dim3A_0 : vector<16xf32> to vector<1x16xf32>
    tpu.vector_store %arg8[%swap3A_211, %swap3A_212], %swap3A_215 {strides = array<i32>} : memref<16x128xf32, #tpu.memory_space<vmem>>, vector<1x16xf32>,
    %swap3A_216 = arith.constant 4 : i32
    %swap3A_217 = arith.index_cast %swap3A_216 : i32 to index
    %swap3A_218 = arith.constant 64 : index
    %swap3A_219 = tpu.vector_load %arg8[%swap3A_217, %swap3A_218] {strides = array<i32>} : memref<16x128xf32, #tpu.memory_space<vmem>>, vector<1x16xf32>,
    %swap3A_220 = vector.shape_cast %swap3A_219 : vector<1x16xf32> to vector<16xf32>
    %swap3A_221 = vector.shape_cast %broadcast_in_dim3A_0 : vector<16xf32> to vector<1x16xf32>
    tpu.vector_store %arg8[%swap3A_217, %swap3A_218], %swap3A_221 {strides = array<i32>} : memref<16x128xf32, #tpu.memory_space<vmem>>, vector<1x16xf32>,
    %swap3A_222 = arith.constant 4 : i32
    %swap3A_223 = arith.index_cast %swap3A_222 : i32 to index
    %swap3A_224 = arith.constant 80 : index
    %swap3A_225 = tpu.vector_load %arg8[%swap3A_223, %swap3A_224] {strides = array<i32>} : memref<16x128xf32, #tpu.memory_space<vmem>>, vector<1x16xf32>,
    %swap3A_226 = vector.shape_cast %swap3A_225 : vector<1x16xf32> to vector<16xf32>
    %swap3A_227 = vector.shape_cast %broadcast_in_dim3A_0 : vector<16xf32> to vector<1x16xf32>
    tpu.vector_store %arg8[%swap3A_223, %swap3A_224], %swap3A_227 {strides = array<i32>} : memref<16x128xf32, #tpu.memory_space<vmem>>, vector<1x16xf32>,
    %swap3A_228 = arith.constant 4 : i32
    %swap3A_229 = arith.index_cast %swap3A_228 : i32 to index
    %swap3A_230 = arith.constant 96 : index
    %swap3A_231 = tpu.vector_load %arg8[%swap3A_229, %swap3A_230] {strides = array<i32>} : memref<16x128xf32, #tpu.memory_space<vmem>>, vector<1x16xf32>,
    %swap3A_232 = vector.shape_cast %swap3A_231 : vector<1x16xf32> to vector<16xf32>
    %swap3A_233 = vector.shape_cast %broadcast_in_dim3A_0 : vector<16xf32> to vector<1x16xf32>
    tpu.vector_store %arg8[%swap3A_229, %swap3A_230], %swap3A_233 {strides = array<i32>} : memref<16x128xf32, #tpu.memory_space<vmem>>, vector<1x16xf32>,
    %swap3A_234 = arith.constant 4 : i32
    %swap3A_235 = arith.index_cast %swap3A_234 : i32 to index
    %swap3A_236 = arith.constant 112 : index
    %swap3A_237 = tpu.vector_load %arg8[%swap3A_235, %swap3A_236] {strides = array<i32>} : memref<16x128xf32, #tpu.memory_space<vmem>>, vector<1x16xf32>,
    %swap3A_238 = vector.shape_cast %swap3A_237 : vector<1x16xf32> to vector<16xf32>
    %swap3A_239 = vector.shape_cast %broadcast_in_dim3A_0 : vector<16xf32> to vector<1x16xf32>
    tpu.vector_store %arg8[%swap3A_235, %swap3A_236], %swap3A_239 {strides = array<i32>} : memref<16x128xf32, #tpu.memory_space<vmem>>, vector<1x16xf32>,
    %swap3A_240 = arith.constant 5 : i32
    %swap3A_241 = arith.index_cast %swap3A_240 : i32 to index
    %swap3A_242 = arith.constant 0 : index
    %swap3A_243 = tpu.vector_load %arg8[%swap3A_241, %swap3A_242] {strides = array<i32>} : memref<16x128xf32, #tpu.memory_space<vmem>>, vector<1x16xf32>,
    %swap3A_244 = vector.shape_cast %swap3A_243 : vector<1x16xf32> to vector<16xf32>
    %swap3A_245 = vector.shape_cast %broadcast_in_dim3A_0 : vector<16xf32> to vector<1x16xf32>
    tpu.vector_store %arg8[%swap3A_241, %swap3A_242], %swap3A_245 {strides = array<i32>} : memref<16x128xf32, #tpu.memory_space<vmem>>, vector<1x16xf32>,
    %swap3A_246 = arith.constant 5 : i32
    %swap3A_247 = arith.index_cast %swap3A_246 : i32 to index
    %swap3A_248 = arith.constant 16 : index
    %swap3A_249 = tpu.vector_load %arg8[%swap3A_247, %swap3A_248] {strides = array<i32>} : memref<16x128xf32, #tpu.memory_space<vmem>>, vector<1x16xf32>,
    %swap3A_250 = vector.shape_cast %swap3A_249 : vector<1x16xf32> to vector<16xf32>
    %swap3A_251 = vector.shape_cast %broadcast_in_dim3A_0 : vector<16xf32> to vector<1x16xf32>
    tpu.vector_store %arg8[%swap3A_247, %swap3A_248], %swap3A_251 {strides = array<i32>} : memref<16x128xf32, #tpu.memory_space<vmem>>, vector<1x16xf32>,
    %swap3A_252 = arith.constant 5 : i32
    %swap3A_253 = arith.index_cast %swap3A_252 : i32 to index
    %swap3A_254 = arith.constant 32 : index
    %swap3A_255 = tpu.vector_load %arg8[%swap3A_253, %swap3A_254] {strides = array<i32>} : memref<16x128xf32, #tpu.memory_space<vmem>>, vector<1x16xf32>,
    %swap3A_256 = vector.shape_cast %swap3A_255 : vector<1x16xf32> to vector<16xf32>
    %swap3A_257 = vector.shape_cast %broadcast_in_dim3A_0 : vector<16xf32> to vector<1x16xf32>
    tpu.vector_store %arg8[%swap3A_253, %swap3A_254], %swap3A_257 {strides = array<i32>} : memref<16x128xf32, #tpu.memory_space<vmem>>, vector<1x16xf32>,
    %swap3A_258 = arith.constant 5 : i32
    %swap3A_259 = arith.index_cast %swap3A_258 : i32 to index
    %swap3A_260 = arith.constant 48 : index
    %swap3A_261 = tpu.vector_load %arg8[%swap3A_259, %swap3A_260] {strides = array<i32>} : memref<16x128xf32, #tpu.memory_space<vmem>>, vector<1x16xf32>,
    %swap3A_262 = vector.shape_cast %swap3A_261 : vector<1x16xf32> to vector<16xf32>
    %swap3A_263 = vector.shape_cast %broadcast_in_dim3A_0 : vector<16xf32> to vector<1x16xf32>
    tpu.vector_store %arg8[%swap3A_259, %swap3A_260], %swap3A_263 {strides = array<i32>} : memref<16x128xf32, #tpu.memory_space<vmem>>, vector<1x16xf32>,
    %swap3A_264 = arith.constant 5 : i32
    %swap3A_265 = arith.index_cast %swap3A_264 : i32 to index
    %swap3A_266 = arith.constant 64 : index
    %swap3A_267 = tpu.vector_load %arg8[%swap3A_265, %swap3A_266] {strides = array<i32>} : memref<16x128xf32, #tpu.memory_space<vmem>>, vector<1x16xf32>,
    %swap3A_268 = vector.shape_cast %swap3A_267 : vector<1x16xf32> to vector<16xf32>
    %swap3A_269 = vector.shape_cast %broadcast_in_dim3A_0 : vector<16xf32> to vector<1x16xf32>
    tpu.vector_store %arg8[%swap3A_265, %swap3A_266], %swap3A_269 {strides = array<i32>} : memref<16x128xf32, #tpu.memory_space<vmem>>, vector<1x16xf32>,
    %swap3A_270 = arith.constant 5 : i32
    %swap3A_271 = arith.index_cast %swap3A_270 : i32 to index
    %swap3A_272 = arith.constant 80 : index
    %swap3A_273 = tpu.vector_load %arg8[%swap3A_271, %swap3A_272] {strides = array<i32>} : memref<16x128xf32, #tpu.memory_space<vmem>>, vector<1x16xf32>,
    %swap3A_274 = vector.shape_cast %swap3A_273 : vector<1x16xf32> to vector<16xf32>
    %swap3A_275 = vector.shape_cast %broadcast_in_dim3A_0 : vector<16xf32> to vector<1x16xf32>
    tpu.vector_store %arg8[%swap3A_271, %swap3A_272], %swap3A_275 {strides = array<i32>} : memref<16x128xf32, #tpu.memory_space<vmem>>, vector<1x16xf32>,
    %swap3A_276 = arith.constant 5 : i32
    %swap3A_277 = arith.index_cast %swap3A_276 : i32 to index
    %swap3A_278 = arith.constant 96 : index
    %swap3A_279 = tpu.vector_load %arg8[%swap3A_277, %swap3A_278] {strides = array<i32>} : memref<16x128xf32, #tpu.memory_space<vmem>>, vector<1x16xf32>,
    %swap3A_280 = vector.shape_cast %swap3A_279 : vector<1x16xf32> to vector<16xf32>
    %swap3A_281 = vector.shape_cast %broadcast_in_dim3A_0 : vector<16xf32> to vector<1x16xf32>
    tpu.vector_store %arg8[%swap3A_277, %swap3A_278], %swap3A_281 {strides = array<i32>} : memref<16x128xf32, #tpu.memory_space<vmem>>, vector<1x16xf32>,
    %swap3A_282 = arith.constant 5 : i32
    %swap3A_283 = arith.index_cast %swap3A_282 : i32 to index
    %swap3A_284 = arith.constant 112 : index
    %swap3A_285 = tpu.vector_load %arg8[%swap3A_283, %swap3A_284] {strides = array<i32>} : memref<16x128xf32, #tpu.memory_space<vmem>>, vector<1x16xf32>,
    %swap3A_286 = vector.shape_cast %swap3A_285 : vector<1x16xf32> to vector<16xf32>
    %swap3A_287 = vector.shape_cast %broadcast_in_dim3A_0 : vector<16xf32> to vector<1x16xf32>
    tpu.vector_store %arg8[%swap3A_283, %swap3A_284], %swap3A_287 {strides = array<i32>} : memref<16x128xf32, #tpu.memory_space<vmem>>, vector<1x16xf32>,
    %swap3A_288 = arith.constant 6 : i32
    %swap3A_289 = arith.index_cast %swap3A_288 : i32 to index
    %swap3A_290 = arith.constant 0 : index
    %swap3A_291 = tpu.vector_load %arg8[%swap3A_289, %swap3A_290] {strides = array<i32>} : memref<16x128xf32, #tpu.memory_space<vmem>>, vector<1x16xf32>,
    %swap3A_292 = vector.shape_cast %swap3A_291 : vector<1x16xf32> to vector<16xf32>
    %swap3A_293 = vector.shape_cast %broadcast_in_dim3A_0 : vector<16xf32> to vector<1x16xf32>
    tpu.vector_store %arg8[%swap3A_289, %swap3A_290], %swap3A_293 {strides = array<i32>} : memref<16x128xf32, #tpu.memory_space<vmem>>, vector<1x16xf32>,
    %swap3A_294 = arith.constant 6 : i32
    %swap3A_295 = arith.index_cast %swap3A_294 : i32 to index
    %swap3A_296 = arith.constant 16 : index
    %swap3A_297 = tpu.vector_load %arg8[%swap3A_295, %swap3A_296] {strides = array<i32>} : memref<16x128xf32, #tpu.memory_space<vmem>>, vector<1x16xf32>,
    %swap3A_298 = vector.shape_cast %swap3A_297 : vector<1x16xf32> to vector<16xf32>
    %swap3A_299 = vector.shape_cast %broadcast_in_dim3A_0 : vector<16xf32> to vector<1x16xf32>
    tpu.vector_store %arg8[%swap3A_295, %swap3A_296], %swap3A_299 {strides = array<i32>} : memref<16x128xf32, #tpu.memory_space<vmem>>, vector<1x16xf32>,
    %swap3A_300 = arith.constant 6 : i32
    %swap3A_301 = arith.index_cast %swap3A_300 : i32 to index
    %swap3A_302 = arith.constant 32 : index
    %swap3A_303 = tpu.vector_load %arg8[%swap3A_301, %swap3A_302] {strides = array<i32>} : memref<16x128xf32, #tpu.memory_space<vmem>>, vector<1x16xf32>,
    %swap3A_304 = vector.shape_cast %swap3A_303 : vector<1x16xf32> to vector<16xf32>
    %swap3A_305 = vector.shape_cast %broadcast_in_dim3A_0 : vector<16xf32> to vector<1x16xf32>
    tpu.vector_store %arg8[%swap3A_301, %swap3A_302], %swap3A_305 {strides = array<i32>} : memref<16x128xf32, #tpu.memory_space<vmem>>, vector<1x16xf32>,
    %swap3A_306 = arith.constant 6 : i32
    %swap3A_307 = arith.index_cast %swap3A_306 : i32 to index
    %swap3A_308 = arith.constant 48 : index
    %swap3A_309 = tpu.vector_load %arg8[%swap3A_307, %swap3A_308] {strides = array<i32>} : memref<16x128xf32, #tpu.memory_space<vmem>>, vector<1x16xf32>,
    %swap3A_310 = vector.shape_cast %swap3A_309 : vector<1x16xf32> to vector<16xf32>
    %swap3A_311 = vector.shape_cast %broadcast_in_dim3A_0 : vector<16xf32> to vector<1x16xf32>
    tpu.vector_store %arg8[%swap3A_307, %swap3A_308], %swap3A_311 {strides = array<i32>} : memref<16x128xf32, #tpu.memory_space<vmem>>, vector<1x16xf32>,
    %swap3A_312 = arith.constant 6 : i32
    %swap3A_313 = arith.index_cast %swap3A_312 : i32 to index
    %swap3A_314 = arith.constant 64 : index
    %swap3A_315 = tpu.vector_load %arg8[%swap3A_313, %swap3A_314] {strides = array<i32>} : memref<16x128xf32, #tpu.memory_space<vmem>>, vector<1x16xf32>,
    %swap3A_316 = vector.shape_cast %swap3A_315 : vector<1x16xf32> to vector<16xf32>
    %swap3A_317 = vector.shape_cast %broadcast_in_dim3A_0 : vector<16xf32> to vector<1x16xf32>
    tpu.vector_store %arg8[%swap3A_313, %swap3A_314], %swap3A_317 {strides = array<i32>} : memref<16x128xf32, #tpu.memory_space<vmem>>, vector<1x16xf32>,
    %swap3A_318 = arith.constant 6 : i32
    %swap3A_319 = arith.index_cast %swap3A_318 : i32 to index
    %swap3A_320 = arith.constant 80 : index
    %swap3A_321 = tpu.vector_load %arg8[%swap3A_319, %swap3A_320] {strides = array<i32>} : memref<16x128xf32, #tpu.memory_space<vmem>>, vector<1x16xf32>,
    %swap3A_322 = vector.shape_cast %swap3A_321 : vector<1x16xf32> to vector<16xf32>
    %swap3A_323 = vector.shape_cast %broadcast_in_dim3A_0 : vector<16xf32> to vector<1x16xf32>
    tpu.vector_store %arg8[%swap3A_319, %swap3A_320], %swap3A_323 {strides = array<i32>} : memref<16x128xf32, #tpu.memory_space<vmem>>, vector<1x16xf32>,
    %swap3A_324 = arith.constant 6 : i32
    %swap3A_325 = arith.index_cast %swap3A_324 : i32 to index
    %swap3A_326 = arith.constant 96 : index
    %swap3A_327 = tpu.vector_load %arg8[%swap3A_325, %swap3A_326] {strides = array<i32>} : memref<16x128xf32, #tpu.memory_space<vmem>>, vector<1x16xf32>,
    %swap3A_328 = vector.shape_cast %swap3A_327 : vector<1x16xf32> to vector<16xf32>
    %swap3A_329 = vector.shape_cast %broadcast_in_dim3A_0 : vector<16xf32> to vector<1x16xf32>
    tpu.vector_store %arg8[%swap3A_325, %swap3A_326], %swap3A_329 {strides = array<i32>} : memref<16x128xf32, #tpu.memory_space<vmem>>, vector<1x16xf32>,
    %swap3A_330 = arith.constant 6 : i32
    %swap3A_331 = arith.index_cast %swap3A_330 : i32 to index
    %swap3A_332 = arith.constant 112 : index
    %swap3A_333 = tpu.vector_load %arg8[%swap3A_331, %swap3A_332] {strides = array<i32>} : memref<16x128xf32, #tpu.memory_space<vmem>>, vector<1x16xf32>,
    %swap3A_334 = vector.shape_cast %swap3A_333 : vector<1x16xf32> to vector<16xf32>
    %swap3A_335 = vector.shape_cast %broadcast_in_dim3A_0 : vector<16xf32> to vector<1x16xf32>
    tpu.vector_store %arg8[%swap3A_331, %swap3A_332], %swap3A_335 {strides = array<i32>} : memref<16x128xf32, #tpu.memory_space<vmem>>, vector<1x16xf32>,
    %swap3A_336 = arith.constant 7 : i32
    %swap3A_337 = arith.index_cast %swap3A_336 : i32 to index
    %swap3A_338 = arith.constant 0 : index
    %swap3A_339 = tpu.vector_load %arg8[%swap3A_337, %swap3A_338] {strides = array<i32>} : memref<16x128xf32, #tpu.memory_space<vmem>>, vector<1x16xf32>,
    %swap3A_340 = vector.shape_cast %swap3A_339 : vector<1x16xf32> to vector<16xf32>
    %swap3A_341 = vector.shape_cast %broadcast_in_dim3A_0 : vector<16xf32> to vector<1x16xf32>
    tpu.vector_store %arg8[%swap3A_337, %swap3A_338], %swap3A_341 {strides = array<i32>} : memref<16x128xf32, #tpu.memory_space<vmem>>, vector<1x16xf32>,
    %swap3A_342 = arith.constant 7 : i32
    %swap3A_343 = arith.index_cast %swap3A_342 : i32 to index
    %swap3A_344 = arith.constant 16 : index
    %swap3A_345 = tpu.vector_load %arg8[%swap3A_343, %swap3A_344] {strides = array<i32>} : memref<16x128xf32, #tpu.memory_space<vmem>>, vector<1x16xf32>,
    %swap3A_346 = vector.shape_cast %swap3A_345 : vector<1x16xf32> to vector<16xf32>
    %swap3A_347 = vector.shape_cast %broadcast_in_dim3A_0 : vector<16xf32> to vector<1x16xf32>
    tpu.vector_store %arg8[%swap3A_343, %swap3A_344], %swap3A_347 {strides = array<i32>} : memref<16x128xf32, #tpu.memory_space<vmem>>, vector<1x16xf32>,
    %swap3A_348 = arith.constant 7 : i32
    %swap3A_349 = arith.index_cast %swap3A_348 : i32 to index
    %swap3A_350 = arith.constant 32 : index
    %swap3A_351 = tpu.vector_load %arg8[%swap3A_349, %swap3A_350] {strides = array<i32>} : memref<16x128xf32, #tpu.memory_space<vmem>>, vector<1x16xf32>,
    %swap3A_352 = vector.shape_cast %swap3A_351 : vector<1x16xf32> to vector<16xf32>
    %swap3A_353 = vector.shape_cast %broadcast_in_dim3A_0 : vector<16xf32> to vector<1x16xf32>
    tpu.vector_store %arg8[%swap3A_349, %swap3A_350], %swap3A_353 {strides = array<i32>} : memref<16x128xf32, #tpu.memory_space<vmem>>, vector<1x16xf32>,
    %swap3A_354 = arith.constant 7 : i32
    %swap3A_355 = arith.index_cast %swap3A_354 : i32 to index
    %swap3A_356 = arith.constant 48 : index
    %swap3A_357 = tpu.vector_load %arg8[%swap3A_355, %swap3A_356] {strides = array<i32>} : memref<16x128xf32, #tpu.memory_space<vmem>>, vector<1x16xf32>,
    %swap3A_358 = vector.shape_cast %swap3A_357 : vector<1x16xf32> to vector<16xf32>
    %swap3A_359 = vector.shape_cast %broadcast_in_dim3A_0 : vector<16xf32> to vector<1x16xf32>
    tpu.vector_store %arg8[%swap3A_355, %swap3A_356], %swap3A_359 {strides = array<i32>} : memref<16x128xf32, #tpu.memory_space<vmem>>, vector<1x16xf32>,
    %swap3A_360 = arith.constant 7 : i32
    %swap3A_361 = arith.index_cast %swap3A_360 : i32 to index
    %swap3A_362 = arith.constant 64 : index
    %swap3A_363 = tpu.vector_load %arg8[%swap3A_361, %swap3A_362] {strides = array<i32>} : memref<16x128xf32, #tpu.memory_space<vmem>>, vector<1x16xf32>,
    %swap3A_364 = vector.shape_cast %swap3A_363 : vector<1x16xf32> to vector<16xf32>
    %swap3A_365 = vector.shape_cast %broadcast_in_dim3A_0 : vector<16xf32> to vector<1x16xf32>
    tpu.vector_store %arg8[%swap3A_361, %swap3A_362], %swap3A_365 {strides = array<i32>} : memref<16x128xf32, #tpu.memory_space<vmem>>, vector<1x16xf32>,
    %swap3A_366 = arith.constant 7 : i32
    %swap3A_367 = arith.index_cast %swap3A_366 : i32 to index
    %swap3A_368 = arith.constant 80 : index
    %swap3A_369 = tpu.vector_load %arg8[%swap3A_367, %swap3A_368] {strides = array<i32>} : memref<16x128xf32, #tpu.memory_space<vmem>>, vector<1x16xf32>,
    %swap3A_370 = vector.shape_cast %swap3A_369 : vector<1x16xf32> to vector<16xf32>
    %swap3A_371 = vector.shape_cast %broadcast_in_dim3A_0 : vector<16xf32> to vector<1x16xf32>
    tpu.vector_store %arg8[%swap3A_367, %swap3A_368], %swap3A_371 {strides = array<i32>} : memref<16x128xf32, #tpu.memory_space<vmem>>, vector<1x16xf32>,
    %swap3A_372 = arith.constant 7 : i32
    %swap3A_373 = arith.index_cast %swap3A_372 : i32 to index
    %swap3A_374 = arith.constant 96 : index
    %swap3A_375 = tpu.vector_load %arg8[%swap3A_373, %swap3A_374] {strides = array<i32>} : memref<16x128xf32, #tpu.memory_space<vmem>>, vector<1x16xf32>,
    %swap3A_376 = vector.shape_cast %swap3A_375 : vector<1x16xf32> to vector<16xf32>
    %swap3A_377 = vector.shape_cast %broadcast_in_dim3A_0 : vector<16xf32> to vector<1x16xf32>
    tpu.vector_store %arg8[%swap3A_373, %swap3A_374], %swap3A_377 {strides = array<i32>} : memref<16x128xf32, #tpu.memory_space<vmem>>, vector<1x16xf32>,
    %swap3A_378 = arith.constant 7 : i32
    %swap3A_379 = arith.index_cast %swap3A_378 : i32 to index
    %swap3A_380 = arith.constant 112 : index
    %swap3A_381 = tpu.vector_load %arg8[%swap3A_379, %swap3A_380] {strides = array<i32>} : memref<16x128xf32, #tpu.memory_space<vmem>>, vector<1x16xf32>,
    %swap3A_382 = vector.shape_cast %swap3A_381 : vector<1x16xf32> to vector<16xf32>
    %swap3A_383 = vector.shape_cast %broadcast_in_dim3A_0 : vector<16xf32> to vector<1x16xf32>
    tpu.vector_store %arg8[%swap3A_379, %swap3A_380], %swap3A_383 {strides = array<i32>} : memref<16x128xf32, #tpu.memory_space<vmem>>, vector<1x16xf32>,
    %swap3A_384 = arith.constant 8 : i32
    %swap3A_385 = arith.index_cast %swap3A_384 : i32 to index
    %swap3A_386 = arith.constant 0 : index
    %swap3A_387 = tpu.vector_load %arg8[%swap3A_385, %swap3A_386] {strides = array<i32>} : memref<16x128xf32, #tpu.memory_space<vmem>>, vector<1x16xf32>,
    %swap3A_388 = vector.shape_cast %swap3A_387 : vector<1x16xf32> to vector<16xf32>
    %swap3A_389 = vector.shape_cast %broadcast_in_dim3A_0 : vector<16xf32> to vector<1x16xf32>
    tpu.vector_store %arg8[%swap3A_385, %swap3A_386], %swap3A_389 {strides = array<i32>} : memref<16x128xf32, #tpu.memory_space<vmem>>, vector<1x16xf32>,
    %swap3A_390 = arith.constant 8 : i32
    %swap3A_391 = arith.index_cast %swap3A_390 : i32 to index
    %swap3A_392 = arith.constant 16 : index
    %swap3A_393 = tpu.vector_load %arg8[%swap3A_391, %swap3A_392] {strides = array<i32>} : memref<16x128xf32, #tpu.memory_space<vmem>>, vector<1x16xf32>,
    %swap3A_394 = vector.shape_cast %swap3A_393 : vector<1x16xf32> to vector<16xf32>
    %swap3A_395 = vector.shape_cast %broadcast_in_dim3A_0 : vector<16xf32> to vector<1x16xf32>
    tpu.vector_store %arg8[%swap3A_391, %swap3A_392], %swap3A_395 {strides = array<i32>} : memref<16x128xf32, #tpu.memory_space<vmem>>, vector<1x16xf32>,
    %swap3A_396 = arith.constant 8 : i32
    %swap3A_397 = arith.index_cast %swap3A_396 : i32 to index
    %swap3A_398 = arith.constant 32 : index
    %swap3A_399 = tpu.vector_load %arg8[%swap3A_397, %swap3A_398] {strides = array<i32>} : memref<16x128xf32, #tpu.memory_space<vmem>>, vector<1x16xf32>,
    %swap3A_400 = vector.shape_cast %swap3A_399 : vector<1x16xf32> to vector<16xf32>
    %swap3A_401 = vector.shape_cast %broadcast_in_dim3A_0 : vector<16xf32> to vector<1x16xf32>
    tpu.vector_store %arg8[%swap3A_397, %swap3A_398], %swap3A_401 {strides = array<i32>} : memref<16x128xf32, #tpu.memory_space<vmem>>, vector<1x16xf32>,
    %swap3A_402 = arith.constant 8 : i32
    %swap3A_403 = arith.index_cast %swap3A_402 : i32 to index
    %swap3A_404 = arith.constant 48 : index
    %swap3A_405 = tpu.vector_load %arg8[%swap3A_403, %swap3A_404] {strides = array<i32>} : memref<16x128xf32, #tpu.memory_space<vmem>>, vector<1x16xf32>,
    %swap3A_406 = vector.shape_cast %swap3A_405 : vector<1x16xf32> to vector<16xf32>
    %swap3A_407 = vector.shape_cast %broadcast_in_dim3A_0 : vector<16xf32> to vector<1x16xf32>
    tpu.vector_store %arg8[%swap3A_403, %swap3A_404], %swap3A_407 {strides = array<i32>} : memref<16x128xf32, #tpu.memory_space<vmem>>, vector<1x16xf32>,
    %swap3A_408 = arith.constant 8 : i32
    %swap3A_409 = arith.index_cast %swap3A_408 : i32 to index
    %swap3A_410 = arith.constant 64 : index
    %swap3A_411 = tpu.vector_load %arg8[%swap3A_409, %swap3A_410] {strides = array<i32>} : memref<16x128xf32, #tpu.memory_space<vmem>>, vector<1x16xf32>,
    %swap3A_412 = vector.shape_cast %swap3A_411 : vector<1x16xf32> to vector<16xf32>
    %swap3A_413 = vector.shape_cast %broadcast_in_dim3A_0 : vector<16xf32> to vector<1x16xf32>
    tpu.vector_store %arg8[%swap3A_409, %swap3A_410], %swap3A_413 {strides = array<i32>} : memref<16x128xf32, #tpu.memory_space<vmem>>, vector<1x16xf32>,
    %swap3A_414 = arith.constant 8 : i32
    %swap3A_415 = arith.index_cast %swap3A_414 : i32 to index
    %swap3A_416 = arith.constant 80 : index
    %swap3A_417 = tpu.vector_load %arg8[%swap3A_415, %swap3A_416] {strides = array<i32>} : memref<16x128xf32, #tpu.memory_space<vmem>>, vector<1x16xf32>,
    %swap3A_418 = vector.shape_cast %swap3A_417 : vector<1x16xf32> to vector<16xf32>
    %swap3A_419 = vector.shape_cast %broadcast_in_dim3A_0 : vector<16xf32> to vector<1x16xf32>
    tpu.vector_store %arg8[%swap3A_415, %swap3A_416], %swap3A_419 {strides = array<i32>} : memref<16x128xf32, #tpu.memory_space<vmem>>, vector<1x16xf32>,
    %swap3A_420 = arith.constant 8 : i32
    %swap3A_421 = arith.index_cast %swap3A_420 : i32 to index
    %swap3A_422 = arith.constant 96 : index
    %swap3A_423 = tpu.vector_load %arg8[%swap3A_421, %swap3A_422] {strides = array<i32>} : memref<16x128xf32, #tpu.memory_space<vmem>>, vector<1x16xf32>,
    %swap3A_424 = vector.shape_cast %swap3A_423 : vector<1x16xf32> to vector<16xf32>
    %swap3A_425 = vector.shape_cast %broadcast_in_dim3A_0 : vector<16xf32> to vector<1x16xf32>
    tpu.vector_store %arg8[%swap3A_421, %swap3A_422], %swap3A_425 {strides = array<i32>} : memref<16x128xf32, #tpu.memory_space<vmem>>, vector<1x16xf32>,
    %swap3A_426 = arith.constant 8 : i32
    %swap3A_427 = arith.index_cast %swap3A_426 : i32 to index
    %swap3A_428 = arith.constant 112 : index
    %swap3A_429 = tpu.vector_load %arg8[%swap3A_427, %swap3A_428] {strides = array<i32>} : memref<16x128xf32, #tpu.memory_space<vmem>>, vector<1x16xf32>,
    %swap3A_430 = vector.shape_cast %swap3A_429 : vector<1x16xf32> to vector<16xf32>
    %swap3A_431 = vector.shape_cast %broadcast_in_dim3A_0 : vector<16xf32> to vector<1x16xf32>
    tpu.vector_store %arg8[%swap3A_427, %swap3A_428], %swap3A_431 {strides = array<i32>} : memref<16x128xf32, #tpu.memory_space<vmem>>, vector<1x16xf32>,
    %swap3A_432 = arith.constant 9 : i32
    %swap3A_433 = arith.index_cast %swap3A_432 : i32 to index
    %swap3A_434 = arith.constant 0 : index
    %swap3A_435 = tpu.vector_load %arg8[%swap3A_433, %swap3A_434] {strides = array<i32>} : memref<16x128xf32, #tpu.memory_space<vmem>>, vector<1x16xf32>,
    %swap3A_436 = vector.shape_cast %swap3A_435 : vector<1x16xf32> to vector<16xf32>
    %swap3A_437 = vector.shape_cast %broadcast_in_dim3A_0 : vector<16xf32> to vector<1x16xf32>
    tpu.vector_store %arg8[%swap3A_433, %swap3A_434], %swap3A_437 {strides = array<i32>} : memref<16x128xf32, #tpu.memory_space<vmem>>, vector<1x16xf32>,
    %swap3A_438 = arith.constant 9 : i32
    %swap3A_439 = arith.index_cast %swap3A_438 : i32 to index
    %swap3A_440 = arith.constant 16 : index
    %swap3A_441 = tpu.vector_load %arg8[%swap3A_439, %swap3A_440] {strides = array<i32>} : memref<16x128xf32, #tpu.memory_space<vmem>>, vector<1x16xf32>,
    %swap3A_442 = vector.shape_cast %swap3A_441 : vector<1x16xf32> to vector<16xf32>
    %swap3A_443 = vector.shape_cast %broadcast_in_dim3A_0 : vector<16xf32> to vector<1x16xf32>
    tpu.vector_store %arg8[%swap3A_439, %swap3A_440], %swap3A_443 {strides = array<i32>} : memref<16x128xf32, #tpu.memory_space<vmem>>, vector<1x16xf32>,
    %swap3A_444 = arith.constant 9 : i32
    %swap3A_445 = arith.index_cast %swap3A_444 : i32 to index
    %swap3A_446 = arith.constant 32 : index
    %swap3A_447 = tpu.vector_load %arg8[%swap3A_445, %swap3A_446] {strides = array<i32>} : memref<16x128xf32, #tpu.memory_space<vmem>>, vector<1x16xf32>,
    %swap3A_448 = vector.shape_cast %swap3A_447 : vector<1x16xf32> to vector<16xf32>
    %swap3A_449 = vector.shape_cast %broadcast_in_dim3A_0 : vector<16xf32> to vector<1x16xf32>
    tpu.vector_store %arg8[%swap3A_445, %swap3A_446], %swap3A_449 {strides = array<i32>} : memref<16x128xf32, #tpu.memory_space<vmem>>, vector<1x16xf32>,
    %swap3A_450 = arith.constant 9 : i32
    %swap3A_451 = arith.index_cast %swap3A_450 : i32 to index
    %swap3A_452 = arith.constant 48 : index
    %swap3A_453 = tpu.vector_load %arg8[%swap3A_451, %swap3A_452] {strides = array<i32>} : memref<16x128xf32, #tpu.memory_space<vmem>>, vector<1x16xf32>,
    %swap3A_454 = vector.shape_cast %swap3A_453 : vector<1x16xf32> to vector<16xf32>
    %swap3A_455 = vector.shape_cast %broadcast_in_dim3A_0 : vector<16xf32> to vector<1x16xf32>
    tpu.vector_store %arg8[%swap3A_451, %swap3A_452], %swap3A_455 {strides = array<i32>} : memref<16x128xf32, #tpu.memory_space<vmem>>, vector<1x16xf32>,
    %swap3A_456 = arith.constant 9 : i32
    %swap3A_457 = arith.index_cast %swap3A_456 : i32 to index
    %swap3A_458 = arith.constant 64 : index
    %swap3A_459 = tpu.vector_load %arg8[%swap3A_457, %swap3A_458] {strides = array<i32>} : memref<16x128xf32, #tpu.memory_space<vmem>>, vector<1x16xf32>,
    %swap3A_460 = vector.shape_cast %swap3A_459 : vector<1x16xf32> to vector<16xf32>
    %swap3A_461 = vector.shape_cast %broadcast_in_dim3A_0 : vector<16xf32> to vector<1x16xf32>
    tpu.vector_store %arg8[%swap3A_457, %swap3A_458], %swap3A_461 {strides = array<i32>} : memref<16x128xf32, #tpu.memory_space<vmem>>, vector<1x16xf32>,
    %swap3A_462 = arith.constant 9 : i32
    %swap3A_463 = arith.index_cast %swap3A_462 : i32 to index
    %swap3A_464 = arith.constant 80 : index
    %swap3A_465 = tpu.vector_load %arg8[%swap3A_463, %swap3A_464] {strides = array<i32>} : memref<16x128xf32, #tpu.memory_space<vmem>>, vector<1x16xf32>,
    %swap3A_466 = vector.shape_cast %swap3A_465 : vector<1x16xf32> to vector<16xf32>
    %swap3A_467 = vector.shape_cast %broadcast_in_dim3A_0 : vector<16xf32> to vector<1x16xf32>
    tpu.vector_store %arg8[%swap3A_463, %swap3A_464], %swap3A_467 {strides = array<i32>} : memref<16x128xf32, #tpu.memory_space<vmem>>, vector<1x16xf32>,
    %swap3A_468 = arith.constant 9 : i32
    %swap3A_469 = arith.index_cast %swap3A_468 : i32 to index
    %swap3A_470 = arith.constant 96 : index
    %swap3A_471 = tpu.vector_load %arg8[%swap3A_469, %swap3A_470] {strides = array<i32>} : memref<16x128xf32, #tpu.memory_space<vmem>>, vector<1x16xf32>,
    %swap3A_472 = vector.shape_cast %swap3A_471 : vector<1x16xf32> to vector<16xf32>
    %swap3A_473 = vector.shape_cast %broadcast_in_dim3A_0 : vector<16xf32> to vector<1x16xf32>
    tpu.vector_store %arg8[%swap3A_469, %swap3A_470], %swap3A_473 {strides = array<i32>} : memref<16x128xf32, #tpu.memory_space<vmem>>, vector<1x16xf32>,
    %swap3A_474 = arith.constant 9 : i32
    %swap3A_475 = arith.index_cast %swap3A_474 : i32 to index
    %swap3A_476 = arith.constant 112 : index
    %swap3A_477 = tpu.vector_load %arg8[%swap3A_475, %swap3A_476] {strides = array<i32>} : memref<16x128xf32, #tpu.memory_space<vmem>>, vector<1x16xf32>,
    %swap3A_478 = vector.shape_cast %swap3A_477 : vector<1x16xf32> to vector<16xf32>
    %swap3A_479 = vector.shape_cast %broadcast_in_dim3A_0 : vector<16xf32> to vector<1x16xf32>
    tpu.vector_store %arg8[%swap3A_475, %swap3A_476], %swap3A_479 {strides = array<i32>} : memref<16x128xf32, #tpu.memory_space<vmem>>, vector<1x16xf32>,
    %swap3A_480 = arith.constant 10 : i32
    %swap3A_481 = arith.index_cast %swap3A_480 : i32 to index
    %swap3A_482 = arith.constant 0 : index
    %swap3A_483 = tpu.vector_load %arg8[%swap3A_481, %swap3A_482] {strides = array<i32>} : memref<16x128xf32, #tpu.memory_space<vmem>>, vector<1x16xf32>,
    %swap3A_484 = vector.shape_cast %swap3A_483 : vector<1x16xf32> to vector<16xf32>
    %swap3A_485 = vector.shape_cast %broadcast_in_dim3A_0 : vector<16xf32> to vector<1x16xf32>
    tpu.vector_store %arg8[%swap3A_481, %swap3A_482], %swap3A_485 {strides = array<i32>} : memref<16x128xf32, #tpu.memory_space<vmem>>, vector<1x16xf32>,
    %swap3A_486 = arith.constant 10 : i32
    %swap3A_487 = arith.index_cast %swap3A_486 : i32 to index
    %swap3A_488 = arith.constant 16 : index
    %swap3A_489 = tpu.vector_load %arg8[%swap3A_487, %swap3A_488] {strides = array<i32>} : memref<16x128xf32, #tpu.memory_space<vmem>>, vector<1x16xf32>,
    %swap3A_490 = vector.shape_cast %swap3A_489 : vector<1x16xf32> to vector<16xf32>
    %swap3A_491 = vector.shape_cast %broadcast_in_dim3A_0 : vector<16xf32> to vector<1x16xf32>
    tpu.vector_store %arg8[%swap3A_487, %swap3A_488], %swap3A_491 {strides = array<i32>} : memref<16x128xf32, #tpu.memory_space<vmem>>, vector<1x16xf32>,
    %swap3A_492 = arith.constant 10 : i32
    %swap3A_493 = arith.index_cast %swap3A_492 : i32 to index
    %swap3A_494 = arith.constant 32 : index
    %swap3A_495 = tpu.vector_load %arg8[%swap3A_493, %swap3A_494] {strides = array<i32>} : memref<16x128xf32, #tpu.memory_space<vmem>>, vector<1x16xf32>,
    %swap3A_496 = vector.shape_cast %swap3A_495 : vector<1x16xf32> to vector<16xf32>
    %swap3A_497 = vector.shape_cast %broadcast_in_dim3A_0 : vector<16xf32> to vector<1x16xf32>
    tpu.vector_store %arg8[%swap3A_493, %swap3A_494], %swap3A_497 {strides = array<i32>} : memref<16x128xf32, #tpu.memory_space<vmem>>, vector<1x16xf32>,
    %swap3A_498 = arith.constant 10 : i32
    %swap3A_499 = arith.index_cast %swap3A_498 : i32 to index
    %swap3A_500 = arith.constant 48 : index
    %swap3A_501 = tpu.vector_load %arg8[%swap3A_499, %swap3A_500] {strides = array<i32>} : memref<16x128xf32, #tpu.memory_space<vmem>>, vector<1x16xf32>,
    %swap3A_502 = vector.shape_cast %swap3A_501 : vector<1x16xf32> to vector<16xf32>
    %swap3A_503 = vector.shape_cast %broadcast_in_dim3A_0 : vector<16xf32> to vector<1x16xf32>
    tpu.vector_store %arg8[%swap3A_499, %swap3A_500], %swap3A_503 {strides = array<i32>} : memref<16x128xf32, #tpu.memory_space<vmem>>, vector<1x16xf32>,
    %swap3A_504 = arith.constant 10 : i32
    %swap3A_505 = arith.index_cast %swap3A_504 : i32 to index
    %swap3A_506 = arith.constant 64 : index
    %swap3A_507 = tpu.vector_load %arg8[%swap3A_505, %swap3A_506] {strides = array<i32>} : memref<16x128xf32, #tpu.memory_space<vmem>>, vector<1x16xf32>,
    %swap3A_508 = vector.shape_cast %swap3A_507 : vector<1x16xf32> to vector<16xf32>
    %swap3A_509 = vector.shape_cast %broadcast_in_dim3A_0 : vector<16xf32> to vector<1x16xf32>
    tpu.vector_store %arg8[%swap3A_505, %swap3A_506], %swap3A_509 {strides = array<i32>} : memref<16x128xf32, #tpu.memory_space<vmem>>, vector<1x16xf32>,
    %swap3A_510 = arith.constant 10 : i32
    %swap3A_511 = arith.index_cast %swap3A_510 : i32 to index
    %swap3A_512 = arith.constant 80 : index
    %swap3A_513 = tpu.vector_load %arg8[%swap3A_511, %swap3A_512] {strides = array<i32>} : memref<16x128xf32, #tpu.memory_space<vmem>>, vector<1x16xf32>,
    %swap3A_514 = vector.shape_cast %swap3A_513 : vector<1x16xf32> to vector<16xf32>
    %swap3A_515 = vector.shape_cast %broadcast_in_dim3A_0 : vector<16xf32> to vector<1x16xf32>
    tpu.vector_store %arg8[%swap3A_511, %swap3A_512], %swap3A_515 {strides = array<i32>} : memref<16x128xf32, #tpu.memory_space<vmem>>, vector<1x16xf32>,
    %swap3A_516 = arith.constant 10 : i32
    %swap3A_517 = arith.index_cast %swap3A_516 : i32 to index
    %swap3A_518 = arith.constant 96 : index
    %swap3A_519 = tpu.vector_load %arg8[%swap3A_517, %swap3A_518] {strides = array<i32>} : memref<16x128xf32, #tpu.memory_space<vmem>>, vector<1x16xf32>,
    %swap3A_520 = vector.shape_cast %swap3A_519 : vector<1x16xf32> to vector<16xf32>
    %swap3A_521 = vector.shape_cast %broadcast_in_dim3A_0 : vector<16xf32> to vector<1x16xf32>
    tpu.vector_store %arg8[%swap3A_517, %swap3A_518], %swap3A_521 {strides = array<i32>} : memref<16x128xf32, #tpu.memory_space<vmem>>, vector<1x16xf32>,
    %swap3A_522 = arith.constant 10 : i32
    %swap3A_523 = arith.index_cast %swap3A_522 : i32 to index
    %swap3A_524 = arith.constant 112 : index
    %swap3A_525 = tpu.vector_load %arg8[%swap3A_523, %swap3A_524] {strides = array<i32>} : memref<16x128xf32, #tpu.memory_space<vmem>>, vector<1x16xf32>,
    %swap3A_526 = vector.shape_cast %swap3A_525 : vector<1x16xf32> to vector<16xf32>
    %swap3A_527 = vector.shape_cast %broadcast_in_dim3A_0 : vector<16xf32> to vector<1x16xf32>
    tpu.vector_store %arg8[%swap3A_523, %swap3A_524], %swap3A_527 {strides = array<i32>} : memref<16x128xf32, #tpu.memory_space<vmem>>, vector<1x16xf32>,
    %swap3A_528 = arith.constant 11 : i32
    %swap3A_529 = arith.index_cast %swap3A_528 : i32 to index
    %swap3A_530 = arith.constant 0 : index
    %swap3A_531 = tpu.vector_load %arg8[%swap3A_529, %swap3A_530] {strides = array<i32>} : memref<16x128xf32, #tpu.memory_space<vmem>>, vector<1x16xf32>,
    %swap3A_532 = vector.shape_cast %swap3A_531 : vector<1x16xf32> to vector<16xf32>
    %swap3A_533 = vector.shape_cast %broadcast_in_dim3A_0 : vector<16xf32> to vector<1x16xf32>
    tpu.vector_store %arg8[%swap3A_529, %swap3A_530], %swap3A_533 {strides = array<i32>} : memref<16x128xf32, #tpu.memory_space<vmem>>, vector<1x16xf32>,
    %swap3A_534 = arith.constant 11 : i32
    %swap3A_535 = arith.index_cast %swap3A_534 : i32 to index
    %swap3A_536 = arith.constant 16 : index
    %swap3A_537 = tpu.vector_load %arg8[%swap3A_535, %swap3A_536] {strides = array<i32>} : memref<16x128xf32, #tpu.memory_space<vmem>>, vector<1x16xf32>,
    %swap3A_538 = vector.shape_cast %swap3A_537 : vector<1x16xf32> to vector<16xf32>
    %swap3A_539 = vector.shape_cast %broadcast_in_dim3A_0 : vector<16xf32> to vector<1x16xf32>
    tpu.vector_store %arg8[%swap3A_535, %swap3A_536], %swap3A_539 {strides = array<i32>} : memref<16x128xf32, #tpu.memory_space<vmem>>, vector<1x16xf32>,
    %swap3A_540 = arith.constant 11 : i32
    %swap3A_541 = arith.index_cast %swap3A_540 : i32 to index
    %swap3A_542 = arith.constant 32 : index
    %swap3A_543 = tpu.vector_load %arg8[%swap3A_541, %swap3A_542] {strides = array<i32>} : memref<16x128xf32, #tpu.memory_space<vmem>>, vector<1x16xf32>,
    %swap3A_544 = vector.shape_cast %swap3A_543 : vector<1x16xf32> to vector<16xf32>
    %swap3A_545 = vector.shape_cast %broadcast_in_dim3A_0 : vector<16xf32> to vector<1x16xf32>
    tpu.vector_store %arg8[%swap3A_541, %swap3A_542], %swap3A_545 {strides = array<i32>} : memref<16x128xf32, #tpu.memory_space<vmem>>, vector<1x16xf32>,
    %swap3A_546 = arith.constant 11 : i32
    %swap3A_547 = arith.index_cast %swap3A_546 : i32 to index
    %swap3A_548 = arith.constant 48 : index
    %swap3A_549 = tpu.vector_load %arg8[%swap3A_547, %swap3A_548] {strides = array<i32>} : memref<16x128xf32, #tpu.memory_space<vmem>>, vector<1x16xf32>,
    %swap3A_550 = vector.shape_cast %swap3A_549 : vector<1x16xf32> to vector<16xf32>
    %swap3A_551 = vector.shape_cast %broadcast_in_dim3A_0 : vector<16xf32> to vector<1x16xf32>
    tpu.vector_store %arg8[%swap3A_547, %swap3A_548], %swap3A_551 {strides = array<i32>} : memref<16x128xf32, #tpu.memory_space<vmem>>, vector<1x16xf32>,
    %swap3A_552 = arith.constant 11 : i32
    %swap3A_553 = arith.index_cast %swap3A_552 : i32 to index
    %swap3A_554 = arith.constant 64 : index
    %swap3A_555 = tpu.vector_load %arg8[%swap3A_553, %swap3A_554] {strides = array<i32>} : memref<16x128xf32, #tpu.memory_space<vmem>>, vector<1x16xf32>,
    %swap3A_556 = vector.shape_cast %swap3A_555 : vector<1x16xf32> to vector<16xf32>
    %swap3A_557 = vector.shape_cast %broadcast_in_dim3A_0 : vector<16xf32> to vector<1x16xf32>
    tpu.vector_store %arg8[%swap3A_553, %swap3A_554], %swap3A_557 {strides = array<i32>} : memref<16x128xf32, #tpu.memory_space<vmem>>, vector<1x16xf32>,
    %swap3A_558 = arith.constant 11 : i32
    %swap3A_559 = arith.index_cast %swap3A_558 : i32 to index
    %swap3A_560 = arith.constant 80 : index
    %swap3A_561 = tpu.vector_load %arg8[%swap3A_559, %swap3A_560] {strides = array<i32>} : memref<16x128xf32, #tpu.memory_space<vmem>>, vector<1x16xf32>,
    %swap3A_562 = vector.shape_cast %swap3A_561 : vector<1x16xf32> to vector<16xf32>
    %swap3A_563 = vector.shape_cast %broadcast_in_dim3A_0 : vector<16xf32> to vector<1x16xf32>
    tpu.vector_store %arg8[%swap3A_559, %swap3A_560], %swap3A_563 {strides = array<i32>} : memref<16x128xf32, #tpu.memory_space<vmem>>, vector<1x16xf32>,
    %swap3A_564 = arith.constant 11 : i32
    %swap3A_565 = arith.index_cast %swap3A_564 : i32 to index
    %swap3A_566 = arith.constant 96 : index
    %swap3A_567 = tpu.vector_load %arg8[%swap3A_565, %swap3A_566] {strides = array<i32>} : memref<16x128xf32, #tpu.memory_space<vmem>>, vector<1x16xf32>,
    %swap3A_568 = vector.shape_cast %swap3A_567 : vector<1x16xf32> to vector<16xf32>
    %swap3A_569 = vector.shape_cast %broadcast_in_dim3A_0 : vector<16xf32> to vector<1x16xf32>
    tpu.vector_store %arg8[%swap3A_565, %swap3A_566], %swap3A_569 {strides = array<i32>} : memref<16x128xf32, #tpu.memory_space<vmem>>, vector<1x16xf32>,
    %swap3A_570 = arith.constant 11 : i32
    %swap3A_571 = arith.index_cast %swap3A_570 : i32 to index
    %swap3A_572 = arith.constant 112 : index
    %swap3A_573 = tpu.vector_load %arg8[%swap3A_571, %swap3A_572] {strides = array<i32>} : memref<16x128xf32, #tpu.memory_space<vmem>>, vector<1x16xf32>,
    %swap3A_574 = vector.shape_cast %swap3A_573 : vector<1x16xf32> to vector<16xf32>
    %swap3A_575 = vector.shape_cast %broadcast_in_dim3A_0 : vector<16xf32> to vector<1x16xf32>
    tpu.vector_store %arg8[%swap3A_571, %swap3A_572], %swap3A_575 {strides = array<i32>} : memref<16x128xf32, #tpu.memory_space<vmem>>, vector<1x16xf32>,
    %swap3A_576 = arith.constant 12 : i32
    %swap3A_577 = arith.index_cast %swap3A_576 : i32 to index
    %swap3A_578 = arith.constant 0 : index
    %swap3A_579 = tpu.vector_load %arg8[%swap3A_577, %swap3A_578] {strides = array<i32>} : memref<16x128xf32, #tpu.memory_space<vmem>>, vector<1x16xf32>,
    %swap3A_580 = vector.shape_cast %swap3A_579 : vector<1x16xf32> to vector<16xf32>
    %swap3A_581 = vector.shape_cast %broadcast_in_dim3A_0 : vector<16xf32> to vector<1x16xf32>
    tpu.vector_store %arg8[%swap3A_577, %swap3A_578], %swap3A_581 {strides = array<i32>} : memref<16x128xf32, #tpu.memory_space<vmem>>, vector<1x16xf32>,
    %swap3A_582 = arith.constant 12 : i32
    %swap3A_583 = arith.index_cast %swap3A_582 : i32 to index
    %swap3A_584 = arith.constant 16 : index
    %swap3A_585 = tpu.vector_load %arg8[%swap3A_583, %swap3A_584] {strides = array<i32>} : memref<16x128xf32, #tpu.memory_space<vmem>>, vector<1x16xf32>,
    %swap3A_586 = vector.shape_cast %swap3A_585 : vector<1x16xf32> to vector<16xf32>
    %swap3A_587 = vector.shape_cast %broadcast_in_dim3A_0 : vector<16xf32> to vector<1x16xf32>
    tpu.vector_store %arg8[%swap3A_583, %swap3A_584], %swap3A_587 {strides = array<i32>} : memref<16x128xf32, #tpu.memory_space<vmem>>, vector<1x16xf32>,
    %swap3A_588 = arith.constant 12 : i32
    %swap3A_589 = arith.index_cast %swap3A_588 : i32 to index
    %swap3A_590 = arith.constant 32 : index
    %swap3A_591 = tpu.vector_load %arg8[%swap3A_589, %swap3A_590] {strides = array<i32>} : memref<16x128xf32, #tpu.memory_space<vmem>>, vector<1x16xf32>,
    %swap3A_592 = vector.shape_cast %swap3A_591 : vector<1x16xf32> to vector<16xf32>
    %swap3A_593 = vector.shape_cast %broadcast_in_dim3A_0 : vector<16xf32> to vector<1x16xf32>
    tpu.vector_store %arg8[%swap3A_589, %swap3A_590], %swap3A_593 {strides = array<i32>} : memref<16x128xf32, #tpu.memory_space<vmem>>, vector<1x16xf32>,
    %swap3A_594 = arith.constant 12 : i32
    %swap3A_595 = arith.index_cast %swap3A_594 : i32 to index
    %swap3A_596 = arith.constant 48 : index
    %swap3A_597 = tpu.vector_load %arg8[%swap3A_595, %swap3A_596] {strides = array<i32>} : memref<16x128xf32, #tpu.memory_space<vmem>>, vector<1x16xf32>,
    %swap3A_598 = vector.shape_cast %swap3A_597 : vector<1x16xf32> to vector<16xf32>
    %swap3A_599 = vector.shape_cast %broadcast_in_dim3A_0 : vector<16xf32> to vector<1x16xf32>
    tpu.vector_store %arg8[%swap3A_595, %swap3A_596], %swap3A_599 {strides = array<i32>} : memref<16x128xf32, #tpu.memory_space<vmem>>, vector<1x16xf32>,
    %swap3A_600 = arith.constant 12 : i32
    %swap3A_601 = arith.index_cast %swap3A_600 : i32 to index
    %swap3A_602 = arith.constant 64 : index
    %swap3A_603 = tpu.vector_load %arg8[%swap3A_601, %swap3A_602] {strides = array<i32>} : memref<16x128xf32, #tpu.memory_space<vmem>>, vector<1x16xf32>,
    %swap3A_604 = vector.shape_cast %swap3A_603 : vector<1x16xf32> to vector<16xf32>
    %swap3A_605 = vector.shape_cast %broadcast_in_dim3A_0 : vector<16xf32> to vector<1x16xf32>
    tpu.vector_store %arg8[%swap3A_601, %swap3A_602], %swap3A_605 {strides = array<i32>} : memref<16x128xf32, #tpu.memory_space<vmem>>, vector<1x16xf32>,
    %swap3A_606 = arith.constant 12 : i32
    %swap3A_607 = arith.index_cast %swap3A_606 : i32 to index
    %swap3A_608 = arith.constant 80 : index
    %swap3A_609 = tpu.vector_load %arg8[%swap3A_607, %swap3A_608] {strides = array<i32>} : memref<16x128xf32, #tpu.memory_space<vmem>>, vector<1x16xf32>,
    %swap3A_610 = vector.shape_cast %swap3A_609 : vector<1x16xf32> to vector<16xf32>
    %swap3A_611 = vector.shape_cast %broadcast_in_dim3A_0 : vector<16xf32> to vector<1x16xf32>
    tpu.vector_store %arg8[%swap3A_607, %swap3A_608], %swap3A_611 {strides = array<i32>} : memref<16x128xf32, #tpu.memory_space<vmem>>, vector<1x16xf32>,
    %swap3A_612 = arith.constant 12 : i32
    %swap3A_613 = arith.index_cast %swap3A_612 : i32 to index
    %swap3A_614 = arith.constant 96 : index
    %swap3A_615 = tpu.vector_load %arg8[%swap3A_613, %swap3A_614] {strides = array<i32>} : memref<16x128xf32, #tpu.memory_space<vmem>>, vector<1x16xf32>,
    %swap3A_616 = vector.shape_cast %swap3A_615 : vector<1x16xf32> to vector<16xf32>
    %swap3A_617 = vector.shape_cast %broadcast_in_dim3A_0 : vector<16xf32> to vector<1x16xf32>
    tpu.vector_store %arg8[%swap3A_613, %swap3A_614], %swap3A_617 {strides = array<i32>} : memref<16x128xf32, #tpu.memory_space<vmem>>, vector<1x16xf32>,
    %swap3A_618 = arith.constant 12 : i32
    %swap3A_619 = arith.index_cast %swap3A_618 : i32 to index
    %swap3A_620 = arith.constant 112 : index
    %swap3A_621 = tpu.vector_load %arg8[%swap3A_619, %swap3A_620] {strides = array<i32>} : memref<16x128xf32, #tpu.memory_space<vmem>>, vector<1x16xf32>,
    %swap3A_622 = vector.shape_cast %swap3A_621 : vector<1x16xf32> to vector<16xf32>
    %swap3A_623 = vector.shape_cast %broadcast_in_dim3A_0 : vector<16xf32> to vector<1x16xf32>
    tpu.vector_store %arg8[%swap3A_619, %swap3A_620], %swap3A_623 {strides = array<i32>} : memref<16x128xf32, #tpu.memory_space<vmem>>, vector<1x16xf32>,
    %swap3A_624 = arith.constant 13 : i32
    %swap3A_625 = arith.index_cast %swap3A_624 : i32 to index
    %swap3A_626 = arith.constant 0 : index
    %swap3A_627 = tpu.vector_load %arg8[%swap3A_625, %swap3A_626] {strides = array<i32>} : memref<16x128xf32, #tpu.memory_space<vmem>>, vector<1x16xf32>,
    %swap3A_628 = vector.shape_cast %swap3A_627 : vector<1x16xf32> to vector<16xf32>
    %swap3A_629 = vector.shape_cast %broadcast_in_dim3A_0 : vector<16xf32> to vector<1x16xf32>
    tpu.vector_store %arg8[%swap3A_625, %swap3A_626], %swap3A_629 {strides = array<i32>} : memref<16x128xf32, #tpu.memory_space<vmem>>, vector<1x16xf32>,
    %swap3A_630 = arith.constant 13 : i32
    %swap3A_631 = arith.index_cast %swap3A_630 : i32 to index
    %swap3A_632 = arith.constant 16 : index
    %swap3A_633 = tpu.vector_load %arg8[%swap3A_631, %swap3A_632] {strides = array<i32>} : memref<16x128xf32, #tpu.memory_space<vmem>>, vector<1x16xf32>,
    %swap3A_634 = vector.shape_cast %swap3A_633 : vector<1x16xf32> to vector<16xf32>
    %swap3A_635 = vector.shape_cast %broadcast_in_dim3A_0 : vector<16xf32> to vector<1x16xf32>
    tpu.vector_store %arg8[%swap3A_631, %swap3A_632], %swap3A_635 {strides = array<i32>} : memref<16x128xf32, #tpu.memory_space<vmem>>, vector<1x16xf32>,
    %swap3A_636 = arith.constant 13 : i32
    %swap3A_637 = arith.index_cast %swap3A_636 : i32 to index
    %swap3A_638 = arith.constant 32 : index
    %swap3A_639 = tpu.vector_load %arg8[%swap3A_637, %swap3A_638] {strides = array<i32>} : memref<16x128xf32, #tpu.memory_space<vmem>>, vector<1x16xf32>,
    %swap3A_640 = vector.shape_cast %swap3A_639 : vector<1x16xf32> to vector<16xf32>
    %swap3A_641 = vector.shape_cast %broadcast_in_dim3A_0 : vector<16xf32> to vector<1x16xf32>
    tpu.vector_store %arg8[%swap3A_637, %swap3A_638], %swap3A_641 {strides = array<i32>} : memref<16x128xf32, #tpu.memory_space<vmem>>, vector<1x16xf32>,
    %swap3A_642 = arith.constant 13 : i32
    %swap3A_643 = arith.index_cast %swap3A_642 : i32 to index
    %swap3A_644 = arith.constant 48 : index
    %swap3A_645 = tpu.vector_load %arg8[%swap3A_643, %swap3A_644] {strides = array<i32>} : memref<16x128xf32, #tpu.memory_space<vmem>>, vector<1x16xf32>,
    %swap3A_646 = vector.shape_cast %swap3A_645 : vector<1x16xf32> to vector<16xf32>
    %swap3A_647 = vector.shape_cast %broadcast_in_dim3A_0 : vector<16xf32> to vector<1x16xf32>
    tpu.vector_store %arg8[%swap3A_643, %swap3A_644], %swap3A_647 {strides = array<i32>} : memref<16x128xf32, #tpu.memory_space<vmem>>, vector<1x16xf32>,
    %swap3A_648 = arith.constant 13 : i32
    %swap3A_649 = arith.index_cast %swap3A_648 : i32 to index
    %swap3A_650 = arith.constant 64 : index
    %swap3A_651 = tpu.vector_load %arg8[%swap3A_649, %swap3A_650] {strides = array<i32>} : memref<16x128xf32, #tpu.memory_space<vmem>>, vector<1x16xf32>,
    %swap3A_652 = vector.shape_cast %swap3A_651 : vector<1x16xf32> to vector<16xf32>
    %swap3A_653 = vector.shape_cast %broadcast_in_dim3A_0 : vector<16xf32> to vector<1x16xf32>
    tpu.vector_store %arg8[%swap3A_649, %swap3A_650], %swap3A_653 {strides = array<i32>} : memref<16x128xf32, #tpu.memory_space<vmem>>, vector<1x16xf32>,
    %swap3A_654 = arith.constant 13 : i32
    %swap3A_655 = arith.index_cast %swap3A_654 : i32 to index
    %swap3A_656 = arith.constant 80 : index
    %swap3A_657 = tpu.vector_load %arg8[%swap3A_655, %swap3A_656] {strides = array<i32>} : memref<16x128xf32, #tpu.memory_space<vmem>>, vector<1x16xf32>,
    %swap3A_658 = vector.shape_cast %swap3A_657 : vector<1x16xf32> to vector<16xf32>
    %swap3A_659 = vector.shape_cast %broadcast_in_dim3A_0 : vector<16xf32> to vector<1x16xf32>
    tpu.vector_store %arg8[%swap3A_655, %swap3A_656], %swap3A_659 {strides = array<i32>} : memref<16x128xf32, #tpu.memory_space<vmem>>, vector<1x16xf32>,
    %swap3A_660 = arith.constant 13 : i32
    %swap3A_661 = arith.index_cast %swap3A_660 : i32 to index
    %swap3A_662 = arith.constant 96 : index
    %swap3A_663 = tpu.vector_load %arg8[%swap3A_661, %swap3A_662] {strides = array<i32>} : memref<16x128xf32, #tpu.memory_space<vmem>>, vector<1x16xf32>,
    %swap3A_664 = vector.shape_cast %swap3A_663 : vector<1x16xf32> to vector<16xf32>
    %swap3A_665 = vector.shape_cast %broadcast_in_dim3A_0 : vector<16xf32> to vector<1x16xf32>
    tpu.vector_store %arg8[%swap3A_661, %swap3A_662], %swap3A_665 {strides = array<i32>} : memref<16x128xf32, #tpu.memory_space<vmem>>, vector<1x16xf32>,
    %swap3A_666 = arith.constant 13 : i32
    %swap3A_667 = arith.index_cast %swap3A_666 : i32 to index
    %swap3A_668 = arith.constant 112 : index
    %swap3A_669 = tpu.vector_load %arg8[%swap3A_667, %swap3A_668] {strides = array<i32>} : memref<16x128xf32, #tpu.memory_space<vmem>>, vector<1x16xf32>,
    %swap3A_670 = vector.shape_cast %swap3A_669 : vector<1x16xf32> to vector<16xf32>
    %swap3A_671 = vector.shape_cast %broadcast_in_dim3A_0 : vector<16xf32> to vector<1x16xf32>
    tpu.vector_store %arg8[%swap3A_667, %swap3A_668], %swap3A_671 {strides = array<i32>} : memref<16x128xf32, #tpu.memory_space<vmem>>, vector<1x16xf32>,
    %swap3A_672 = arith.constant 14 : i32
    %swap3A_673 = arith.index_cast %swap3A_672 : i32 to index
    %swap3A_674 = arith.constant 0 : index
    %swap3A_675 = tpu.vector_load %arg8[%swap3A_673, %swap3A_674] {strides = array<i32>} : memref<16x128xf32, #tpu.memory_space<vmem>>, vector<1x16xf32>,
    %swap3A_676 = vector.shape_cast %swap3A_675 : vector<1x16xf32> to vector<16xf32>
    %swap3A_677 = vector.shape_cast %broadcast_in_dim3A_0 : vector<16xf32> to vector<1x16xf32>
    tpu.vector_store %arg8[%swap3A_673, %swap3A_674], %swap3A_677 {strides = array<i32>} : memref<16x128xf32, #tpu.memory_space<vmem>>, vector<1x16xf32>,
    %swap3A_678 = arith.constant 14 : i32
    %swap3A_679 = arith.index_cast %swap3A_678 : i32 to index
    %swap3A_680 = arith.constant 16 : index
    %swap3A_681 = tpu.vector_load %arg8[%swap3A_679, %swap3A_680] {strides = array<i32>} : memref<16x128xf32, #tpu.memory_space<vmem>>, vector<1x16xf32>,
    %swap3A_682 = vector.shape_cast %swap3A_681 : vector<1x16xf32> to vector<16xf32>
    %swap3A_683 = vector.shape_cast %broadcast_in_dim3A_0 : vector<16xf32> to vector<1x16xf32>
    tpu.vector_store %arg8[%swap3A_679, %swap3A_680], %swap3A_683 {strides = array<i32>} : memref<16x128xf32, #tpu.memory_space<vmem>>, vector<1x16xf32>,
    %swap3A_684 = arith.constant 14 : i32
    %swap3A_685 = arith.index_cast %swap3A_684 : i32 to index
    %swap3A_686 = arith.constant 32 : index
    %swap3A_687 = tpu.vector_load %arg8[%swap3A_685, %swap3A_686] {strides = array<i32>} : memref<16x128xf32, #tpu.memory_space<vmem>>, vector<1x16xf32>,
    %swap3A_688 = vector.shape_cast %swap3A_687 : vector<1x16xf32> to vector<16xf32>
    %swap3A_689 = vector.shape_cast %broadcast_in_dim3A_0 : vector<16xf32> to vector<1x16xf32>
    tpu.vector_store %arg8[%swap3A_685, %swap3A_686], %swap3A_689 {strides = array<i32>} : memref<16x128xf32, #tpu.memory_space<vmem>>, vector<1x16xf32>,
    %swap3A_690 = arith.constant 14 : i32
    %swap3A_691 = arith.index_cast %swap3A_690 : i32 to index
    %swap3A_692 = arith.constant 48 : index
    %swap3A_693 = tpu.vector_load %arg8[%swap3A_691, %swap3A_692] {strides = array<i32>} : memref<16x128xf32, #tpu.memory_space<vmem>>, vector<1x16xf32>,
    %swap3A_694 = vector.shape_cast %swap3A_693 : vector<1x16xf32> to vector<16xf32>
    %swap3A_695 = vector.shape_cast %broadcast_in_dim3A_0 : vector<16xf32> to vector<1x16xf32>
    tpu.vector_store %arg8[%swap3A_691, %swap3A_692], %swap3A_695 {strides = array<i32>} : memref<16x128xf32, #tpu.memory_space<vmem>>, vector<1x16xf32>,
    %swap3A_696 = arith.constant 14 : i32
    %swap3A_697 = arith.index_cast %swap3A_696 : i32 to index
    %swap3A_698 = arith.constant 64 : index
    %swap3A_699 = tpu.vector_load %arg8[%swap3A_697, %swap3A_698] {strides = array<i32>} : memref<16x128xf32, #tpu.memory_space<vmem>>, vector<1x16xf32>,
    %swap3A_700 = vector.shape_cast %swap3A_699 : vector<1x16xf32> to vector<16xf32>
    %swap3A_701 = vector.shape_cast %broadcast_in_dim3A_0 : vector<16xf32> to vector<1x16xf32>
    tpu.vector_store %arg8[%swap3A_697, %swap3A_698], %swap3A_701 {strides = array<i32>} : memref<16x128xf32, #tpu.memory_space<vmem>>, vector<1x16xf32>,
    %swap3A_702 = arith.constant 14 : i32
    %swap3A_703 = arith.index_cast %swap3A_702 : i32 to index
    %swap3A_704 = arith.constant 80 : index
    %swap3A_705 = tpu.vector_load %arg8[%swap3A_703, %swap3A_704] {strides = array<i32>} : memref<16x128xf32, #tpu.memory_space<vmem>>, vector<1x16xf32>,
    %swap3A_706 = vector.shape_cast %swap3A_705 : vector<1x16xf32> to vector<16xf32>
    %swap3A_707 = vector.shape_cast %broadcast_in_dim3A_0 : vector<16xf32> to vector<1x16xf32>
    tpu.vector_store %arg8[%swap3A_703, %swap3A_704], %swap3A_707 {strides = array<i32>} : memref<16x128xf32, #tpu.memory_space<vmem>>, vector<1x16xf32>,
    %swap3A_708 = arith.constant 14 : i32
    %swap3A_709 = arith.index_cast %swap3A_708 : i32 to index
    %swap3A_710 = arith.constant 96 : index
    %swap3A_711 = tpu.vector_load %arg8[%swap3A_709, %swap3A_710] {strides = array<i32>} : memref<16x128xf32, #tpu.memory_space<vmem>>, vector<1x16xf32>,
    %swap3A_712 = vector.shape_cast %swap3A_711 : vector<1x16xf32> to vector<16xf32>
    %swap3A_713 = vector.shape_cast %broadcast_in_dim3A_0 : vector<16xf32> to vector<1x16xf32>
    tpu.vector_store %arg8[%swap3A_709, %swap3A_710], %swap3A_713 {strides = array<i32>} : memref<16x128xf32, #tpu.memory_space<vmem>>, vector<1x16xf32>,
    %swap3A_714 = arith.constant 14 : i32
    %swap3A_715 = arith.index_cast %swap3A_714 : i32 to index
    %swap3A_716 = arith.constant 112 : index
    %swap3A_717 = tpu.vector_load %arg8[%swap3A_715, %swap3A_716] {strides = array<i32>} : memref<16x128xf32, #tpu.memory_space<vmem>>, vector<1x16xf32>,
    %swap3A_718 = vector.shape_cast %swap3A_717 : vector<1x16xf32> to vector<16xf32>
    %swap3A_719 = vector.shape_cast %broadcast_in_dim3A_0 : vector<16xf32> to vector<1x16xf32>
    tpu.vector_store %arg8[%swap3A_715, %swap3A_716], %swap3A_719 {strides = array<i32>} : memref<16x128xf32, #tpu.memory_space<vmem>>, vector<1x16xf32>,
    %swap3A_720 = arith.constant 15 : i32
    %swap3A_721 = arith.index_cast %swap3A_720 : i32 to index
    %swap3A_722 = arith.constant 0 : index
    %swap3A_723 = tpu.vector_load %arg8[%swap3A_721, %swap3A_722] {strides = array<i32>} : memref<16x128xf32, #tpu.memory_space<vmem>>, vector<1x16xf32>,
    %swap3A_724 = vector.shape_cast %swap3A_723 : vector<1x16xf32> to vector<16xf32>
    %swap3A_725 = vector.shape_cast %broadcast_in_dim3A_0 : vector<16xf32> to vector<1x16xf32>
    tpu.vector_store %arg8[%swap3A_721, %swap3A_722], %swap3A_725 {strides = array<i32>} : memref<16x128xf32, #tpu.memory_space<vmem>>, vector<1x16xf32>,
    %swap3A_726 = arith.constant 15 : i32
    %swap3A_727 = arith.index_cast %swap3A_726 : i32 to index
    %swap3A_728 = arith.constant 16 : index
    %swap3A_729 = tpu.vector_load %arg8[%swap3A_727, %swap3A_728] {strides = array<i32>} : memref<16x128xf32, #tpu.memory_space<vmem>>, vector<1x16xf32>,
    %swap3A_730 = vector.shape_cast %swap3A_729 : vector<1x16xf32> to vector<16xf32>
    %swap3A_731 = vector.shape_cast %broadcast_in_dim3A_0 : vector<16xf32> to vector<1x16xf32>
    tpu.vector_store %arg8[%swap3A_727, %swap3A_728], %swap3A_731 {strides = array<i32>} : memref<16x128xf32, #tpu.memory_space<vmem>>, vector<1x16xf32>,
    %swap3A_732 = arith.constant 15 : i32
    %swap3A_733 = arith.index_cast %swap3A_732 : i32 to index
    %swap3A_734 = arith.constant 32 : index
    %swap3A_735 = tpu.vector_load %arg8[%swap3A_733, %swap3A_734] {strides = array<i32>} : memref<16x128xf32, #tpu.memory_space<vmem>>, vector<1x16xf32>,
    %swap3A_736 = vector.shape_cast %swap3A_735 : vector<1x16xf32> to vector<16xf32>
    %swap3A_737 = vector.shape_cast %broadcast_in_dim3A_0 : vector<16xf32> to vector<1x16xf32>
    tpu.vector_store %arg8[%swap3A_733, %swap3A_734], %swap3A_737 {strides = array<i32>} : memref<16x128xf32, #tpu.memory_space<vmem>>, vector<1x16xf32>,
    %swap3A_738 = arith.constant 15 : i32
    %swap3A_739 = arith.index_cast %swap3A_738 : i32 to index
    %swap3A_740 = arith.constant 48 : index
    %swap3A_741 = tpu.vector_load %arg8[%swap3A_739, %swap3A_740] {strides = array<i32>} : memref<16x128xf32, #tpu.memory_space<vmem>>, vector<1x16xf32>,
    %swap3A_742 = vector.shape_cast %swap3A_741 : vector<1x16xf32> to vector<16xf32>
    %swap3A_743 = vector.shape_cast %broadcast_in_dim3A_0 : vector<16xf32> to vector<1x16xf32>
    tpu.vector_store %arg8[%swap3A_739, %swap3A_740], %swap3A_743 {strides = array<i32>} : memref<16x128xf32, #tpu.memory_space<vmem>>, vector<1x16xf32>,
    %swap3A_744 = arith.constant 15 : i32
    %swap3A_745 = arith.index_cast %swap3A_744 : i32 to index
    %swap3A_746 = arith.constant 64 : index
    %swap3A_747 = tpu.vector_load %arg8[%swap3A_745, %swap3A_746] {strides = array<i32>} : memref<16x128xf32, #tpu.memory_space<vmem>>, vector<1x16xf32>,
    %swap3A_748 = vector.shape_cast %swap3A_747 : vector<1x16xf32> to vector<16xf32>
    %swap3A_749 = vector.shape_cast %broadcast_in_dim3A_0 : vector<16xf32> to vector<1x16xf32>
    tpu.vector_store %arg8[%swap3A_745, %swap3A_746], %swap3A_749 {strides = array<i32>} : memref<16x128xf32, #tpu.memory_space<vmem>>, vector<1x16xf32>,
    %swap3A_750 = arith.constant 15 : i32
    %swap3A_751 = arith.index_cast %swap3A_750 : i32 to index
    %swap3A_752 = arith.constant 80 : index
    %swap3A_753 = tpu.vector_load %arg8[%swap3A_751, %swap3A_752] {strides = array<i32>} : memref<16x128xf32, #tpu.memory_space<vmem>>, vector<1x16xf32>,
    %swap3A_754 = vector.shape_cast %swap3A_753 : vector<1x16xf32> to vector<16xf32>
    %swap3A_755 = vector.shape_cast %broadcast_in_dim3A_0 : vector<16xf32> to vector<1x16xf32>
    tpu.vector_store %arg8[%swap3A_751, %swap3A_752], %swap3A_755 {strides = array<i32>} : memref<16x128xf32, #tpu.memory_space<vmem>>, vector<1x16xf32>,
    %swap3A_756 = arith.constant 15 : i32
    %swap3A_757 = arith.index_cast %swap3A_756 : i32 to index
    %swap3A_758 = arith.constant 96 : index
    %swap3A_759 = tpu.vector_load %arg8[%swap3A_757, %swap3A_758] {strides = array<i32>} : memref<16x128xf32, #tpu.memory_space<vmem>>, vector<1x16xf32>,
    %swap3A_760 = vector.shape_cast %swap3A_759 : vector<1x16xf32> to vector<16xf32>
    %swap3A_761 = vector.shape_cast %broadcast_in_dim3A_0 : vector<16xf32> to vector<1x16xf32>
    tpu.vector_store %arg8[%swap3A_757, %swap3A_758], %swap3A_761 {strides = array<i32>} : memref<16x128xf32, #tpu.memory_space<vmem>>, vector<1x16xf32>,
    %swap3A_762 = arith.constant 15 : i32
    %swap3A_763 = arith.index_cast %swap3A_762 : i32 to index
    %swap3A_764 = arith.constant 112 : index
    %swap3A_765 = tpu.vector_load %arg8[%swap3A_763, %swap3A_764] {strides = array<i32>} : memref<16x128xf32, #tpu.memory_space<vmem>>, vector<1x16xf32>,
    %swap3A_766 = vector.shape_cast %swap3A_765 : vector<1x16xf32> to vector<16xf32>
    %swap3A_767 = vector.shape_cast %broadcast_in_dim3A_0 : vector<16xf32> to vector<1x16xf32>
    tpu.vector_store %arg8[%swap3A_763, %swap3A_764], %swap3A_767 {strides = array<i32>} : memref<16x128xf32, #tpu.memory_space<vmem>>, vector<1x16xf32>,
    %scan3A = arith.constant 0 : i32
    %scan3A_768 = arith.constant 0 : i32
    %scan3A_769 = arith.constant 40 : i32
    %scan3A_770 = arith.addi %scan3A_768, %scan3A_769 : i32
    %scan3A_771 = arith.constant 1 : i32
    %scan3A_772 = scf.for %scan3A_834 = %scan3A_768 to %scan3A_770 step %scan3A_771 iter_args(%scan3A_835 = %scan3A) -> (i32)  : i32 {
      %mul3A_836 = arith.constant 640 : i32
      %mul3A_837 = arith.muli %arg1, %mul3A_836 : i32
      %mul3A_838 = arith.constant 16 : i32
      %mul3A_839 = arith.muli %scan3A_834, %mul3A_838 : i32
      %add3A_840 = arith.addi %mul3A_837, %mul3A_839 : i32
      "tpu.region"() ({
        %run_scoped3A = tpu.sem_alloc : memref<!tpu.dma_semaphore, #tpu.memory_space<semaphore_mem>>
        %dma_start3A_842 = arith.constant 0 : i32
        %dma_start3A_843 = tpu.memref_slice %arg9[%add3A_840, %dma_start3A_842] : memref<10240x128xf32, #tpu.memory_space<vmem_shared>> -> memref<16x128xf32, #tpu.memory_space<vmem_shared>>
        %dma_start3A_844 = arith.constant 0 : i32
        %dma_start3A_845 = tpu.memref_slice %arg9[%add3A_840, %dma_start3A_844] : memref<10240x128xf32, #tpu.memory_space<vmem_shared>> -> memref<16x128xf32, #tpu.memory_space<vmem_shared>>
        tpu.enqueue_dma source(%arg8 : memref<16x128xf32, #tpu.memory_space<vmem>>) target(%dma_start3A_845 : memref<16x128xf32, #tpu.memory_space<vmem_shared>>) target_semaphore(%run_scoped3A : memref<!tpu.dma_semaphore, #tpu.memory_space<semaphore_mem>>)
        %dma_wait3A_846 = arith.constant 0 : i32
        %dma_wait3A_847 = tpu.memref_slice %arg9[%add3A_840, %dma_wait3A_846] : memref<10240x128xf32, #tpu.memory_space<vmem_shared>> -> memref<16x128xf32, #tpu.memory_space<vmem_shared>>
        %dma_wait3A_848 = arith.constant 0 : i32
        %dma_wait3A_849 = tpu.memref_slice %arg9[%add3A_840, %dma_wait3A_848] : memref<10240x128xf32, #tpu.memory_space<vmem_shared>> -> memref<16x128xf32, #tpu.memory_space<vmem_shared>>
        tpu.wait_dma2 semaphore(%run_scoped3A : memref<!tpu.dma_semaphore, #tpu.memory_space<semaphore_mem>>) src(%arg8 : memref<16x128xf32, #tpu.memory_space<vmem>>) dst(%dma_wait3A_849 : memref<16x128xf32, #tpu.memory_space<vmem_shared>>)
        tpu.yield
      }) : () -> ()
      %scan3A_841 = arith.constant 0 : i32
      scf.yield %scan3A_841 : i32
    }
    %scan3A_773 = arith.constant 40 : i32
    %barrier3A = arith.constant 0 : index
    tpu.barrier barrier_id(%barrier3A)
    %eq3A = arith.constant 0 : i32
    %eq3A_774 = arith.cmpi eq, %arg0, %eq3A : i32
    %mul3A = arith.constant 134 : i32
    %mul3A_775 = arith.muli %arg1, %mul3A : i32
    %mul3A_776 = arith.constant 26 : i32
    %mul3A_777 = arith.muli %arg1, %mul3A_776 : i32
    %add3A = arith.constant 2144 : i32
    %add3A_778 = arith.addi %add3A, %mul3A_777 : i32
    %select_n3A = arith.select %eq3A_774, %mul3A_775, %add3A_778 : i32
    %eq3A_779 = arith.constant 0 : i32
    %eq3A_780 = arith.cmpi eq, %arg0, %eq3A_779 : i32
    %jit3A = arith.constant 134 : i32
    %jit3A_781 = arith.constant 26 : i32
    %select_n3A_782 = arith.select %eq3A_780, %jit3A, %jit3A_781 : i32
    %dma_start3A = arith.constant 0 : i32
    %dma_start3A_783 = arith.constant 0 : i32
    %dma_start3A_784 = tpu.memref_slice %arg2[%select_n3A, %dma_start3A, %dma_start3A_783] : memref<2561x2x128xi32, #tpu.memory_space<hbm>> -> memref<1x2x128xi32, #tpu.memory_space<hbm>>
    %dma_start3A_785 = tpu.memref_squeeze %dma_start3A_784 : memref<1x2x128xi32, #tpu.memory_space<hbm>> -> memref<2x128xi32, #tpu.memory_space<hbm>>
    %dma_start3A_786 = arith.constant 0 : i32
    %dma_start3A_787 = arith.constant 0 : i32
    %dma_start3A_788 = tpu.memref_slice %arg2[%select_n3A, %dma_start3A_786, %dma_start3A_787] : memref<2561x2x128xi32, #tpu.memory_space<hbm>> -> memref<1x2x128xi32, #tpu.memory_space<hbm>>
    %dma_start3A_789 = tpu.memref_squeeze %dma_start3A_788 : memref<1x2x128xi32, #tpu.memory_space<hbm>> -> memref<2x128xi32, #tpu.memory_space<hbm>>
    tpu.enqueue_dma source(%dma_start3A_789 : memref<2x128xi32, #tpu.memory_space<hbm>>) target(%arg5 : memref<2x128xi32, #tpu.memory_space<vmem>>) target_semaphore(%arg11 : memref<!tpu.dma_semaphore, #tpu.memory_space<semaphore_mem>>)
    %jit3A_790 = arith.constant 2 : i32
    %div3A = arith.divsi %select_n3A_782, %jit3A_790 : i32
    %sign3A = arith.constant 0 : i32
    %sign3A_791 = arith.cmpi sgt, %select_n3A_782, %sign3A : i32
    %sign3A_792 = arith.extui %sign3A_791 : i1 to i32
    %sign3A_793 = arith.constant 0 : i32
    %sign3A_794 = arith.cmpi slt, %select_n3A_782, %sign3A_793 : i32
    %sign3A_795 = arith.extui %sign3A_794 : i1 to i32
    %sign3A_796 = arith.subi %sign3A_792, %sign3A_795 : i32
    %sign3A_797 = arith.constant 0 : i32
    %sign3A_798 = arith.cmpi sgt, %jit3A_790, %sign3A_797 : i32
    %sign3A_799 = arith.extui %sign3A_798 : i1 to i32
    %sign3A_800 = arith.constant 0 : i32
    %sign3A_801 = arith.cmpi slt, %jit3A_790, %sign3A_800 : i32
    %sign3A_802 = arith.extui %sign3A_801 : i1 to i32
    %sign3A_803 = arith.subi %sign3A_799, %sign3A_802 : i32
    %ne3A = arith.cmpi ne, %sign3A_796, %sign3A_803 : i32
    %rem3A = arith.remsi %select_n3A_782, %jit3A_790 : i32
    %ne3A_804 = arith.constant 0 : i32
    %ne3A_805 = arith.cmpi ne, %rem3A, %ne3A_804 : i32
    %and3A = arith.andi %ne3A, %ne3A_805 : i1
    %sub3A = arith.constant 1 : i32
    %sub3A_806 = arith.subi %div3A, %sub3A : i32
    %select_n3A_807 = arith.select %and3A, %sub3A_806, %div3A : i32
    %while3A = arith.constant 0 : i32
    %while3A_808 = arith.constant 0 : i32
    %while3A_809 = arith.subi %select_n3A_807, %while3A : i32
    %while3A_810 = arith.addi %while3A, %while3A_809 : i32
    %while3A_811 = arith.constant 1 : i32
    %while3A_812 = arith.divsi %while3A_809, %while3A_811 : i32
    %while3A_813 = arith.muli %while3A_812, %while3A_811 : i32
    %while3A_814 = arith.addi %while3A, %while3A_813 : i32
    %while3A_815 = arith.constant 1 : i32
    %while3A_816 = scf.for %while3A_834 = %while3A to %while3A_814 step %while3A_815 iter_args(%while3A_835 = %while3A_808) -> (i32)  : i32 {
      %mul3A_836 = arith.constant 2 : i32
      %mul3A_837 = arith.muli %mul3A_836, %while3A_834 : i32
      %add3A_838 = arith.addi %select_n3A, %mul3A_837 : i32
      %dma_wait3A_839 = arith.constant 0 : i32
      %dma_wait3A_840 = arith.constant 0 : i32
      %dma_wait3A_841 = tpu.memref_slice %arg2[%add3A_838, %dma_wait3A_839, %dma_wait3A_840] : memref<2561x2x128xi32, #tpu.memory_space<hbm>> -> memref<1x2x128xi32, #tpu.memory_space<hbm>>
      %dma_wait3A_842 = tpu.memref_squeeze %dma_wait3A_841 : memref<1x2x128xi32, #tpu.memory_space<hbm>> -> memref<2x128xi32, #tpu.memory_space<hbm>>
      %dma_wait3A_843 = arith.constant 0 : i32
      %dma_wait3A_844 = arith.constant 0 : i32
      %dma_wait3A_845 = tpu.memref_slice %arg2[%add3A_838, %dma_wait3A_843, %dma_wait3A_844] : memref<2561x2x128xi32, #tpu.memory_space<hbm>> -> memref<1x2x128xi32, #tpu.memory_space<hbm>>
      %dma_wait3A_846 = tpu.memref_squeeze %dma_wait3A_845 : memref<1x2x128xi32, #tpu.memory_space<hbm>> -> memref<2x128xi32, #tpu.memory_space<hbm>>
      tpu.wait_dma2 semaphore(%arg11 : memref<!tpu.dma_semaphore, #tpu.memory_space<semaphore_mem>>) src(%dma_wait3A_846 : memref<2x128xi32, #tpu.memory_space<hbm>>) dst(%arg5 : memref<2x128xi32, #tpu.memory_space<vmem>>)
      %add3A_847 = arith.constant 1 : i32
      %add3A_848 = arith.addi %add3A_838, %add3A_847 : i32
      %dma_start3A_849 = arith.constant 0 : i32
      %dma_start3A_850 = arith.constant 0 : i32
      %dma_start3A_851 = tpu.memref_slice %arg2[%add3A_848, %dma_start3A_849, %dma_start3A_850] : memref<2561x2x128xi32, #tpu.memory_space<hbm>> -> memref<1x2x128xi32, #tpu.memory_space<hbm>>
      %dma_start3A_852 = tpu.memref_squeeze %dma_start3A_851 : memref<1x2x128xi32, #tpu.memory_space<hbm>> -> memref<2x128xi32, #tpu.memory_space<hbm>>
      %dma_start3A_853 = arith.constant 0 : i32
      %dma_start3A_854 = arith.constant 0 : i32
      %dma_start3A_855 = tpu.memref_slice %arg2[%add3A_848, %dma_start3A_853, %dma_start3A_854] : memref<2561x2x128xi32, #tpu.memory_space<hbm>> -> memref<1x2x128xi32, #tpu.memory_space<hbm>>
      %dma_start3A_856 = tpu.memref_squeeze %dma_start3A_855 : memref<1x2x128xi32, #tpu.memory_space<hbm>> -> memref<2x128xi32, #tpu.memory_space<hbm>>
      tpu.enqueue_dma source(%dma_start3A_856 : memref<2x128xi32, #tpu.memory_space<hbm>>) target(%arg6 : memref<2x128xi32, #tpu.memory_space<vmem>>) target_semaphore(%arg12 : memref<!tpu.dma_semaphore, #tpu.memory_space<semaphore_mem>>)
      %dma_start3A_857 = arith.constant 0 : i32
      %dma_start3A_858 = arith.constant 0 : i32
      %dma_start3A_859 = tpu.memref_slice %arg5[%dma_start3A_857, %dma_start3A_858] : memref<2x128xi32, #tpu.memory_space<vmem>> -> memref<1x128xi32, #tpu.memory_space<vmem>>
      %dma_start3A_860 = tpu.memref_squeeze %dma_start3A_859 : memref<1x128xi32, #tpu.memory_space<vmem>> -> memref<128xi32, #tpu.memory_space<vmem>>
      %dma_start3A_861 = arith.constant 0 : i32
      %dma_start3A_862 = arith.constant 0 : i32
      %dma_start3A_863 = tpu.memref_slice %arg3[%dma_start3A_861, %dma_start3A_862] : memref<10000x128xf32, #tpu.memory_space<hbm>> -> memref<10000x128xf32, #tpu.memory_space<hbm>>
      tpu.enqueue_indirect_dma source(%dma_start3A_863 : memref<10000x128xf32, #tpu.memory_space<hbm>>) target(%arg7 : memref<128x128xf32, #tpu.memory_space<vmem>>) offsets(%dma_start3A_860 : memref<128xi32, #tpu.memory_space<vmem>>) semaphore(%arg10 : memref<!tpu.dma_semaphore, #tpu.memory_space<semaphore_mem>>)
      %dma_wait3A_864 = arith.constant 0 : i32
      %dma_wait3A_865 = arith.constant 0 : i32
      %dma_wait3A_866 = tpu.memref_slice %arg5[%dma_wait3A_864, %dma_wait3A_865] : memref<2x128xi32, #tpu.memory_space<vmem>> -> memref<1x128xi32, #tpu.memory_space<vmem>>
      %dma_wait3A_867 = tpu.memref_squeeze %dma_wait3A_866 : memref<1x128xi32, #tpu.memory_space<vmem>> -> memref<128xi32, #tpu.memory_space<vmem>>
      %dma_wait3A_868 = arith.constant 0 : i32
      %dma_wait3A_869 = arith.constant 0 : i32
      %dma_wait3A_870 = tpu.memref_slice %arg3[%dma_wait3A_868, %dma_wait3A_869] : memref<10000x128xf32, #tpu.memory_space<hbm>> -> memref<10000x128xf32, #tpu.memory_space<hbm>>
      tpu.wait_indirect_dma semaphore(%arg10 : memref<!tpu.dma_semaphore, #tpu.memory_space<semaphore_mem>>) src(%dma_wait3A_870 : memref<10000x128xf32, #tpu.memory_space<hbm>>) dst(%arg7 : memref<128x128xf32, #tpu.memory_space<vmem>>)
      %run_scoped3A = arith.constant 1 : i32
      "tpu.region"() ({
        %run_scoped3A_907 = tpu.sem_alloc : memref<!tpu.dma_semaphore, #tpu.memory_space<semaphore_mem>>
        %dma_start3A_908 = arith.constant 0 : i32
        %dma_start3A_909 = tpu.memref_slice %arg5[%run_scoped3A, %dma_start3A_908] : memref<2x128xi32, #tpu.memory_space<vmem>> -> memref<1x128xi32, #tpu.memory_space<vmem>>
        %dma_start3A_910 = tpu.memref_squeeze %dma_start3A_909 : memref<1x128xi32, #tpu.memory_space<vmem>> -> memref<128xi32, #tpu.memory_space<vmem>>
        %dma_start3A_911 = arith.constant 0 : i32
        %dma_start3A_912 = arith.constant 0 : i32
        %dma_start3A_913 = tpu.memref_slice %arg9[%dma_start3A_911, %dma_start3A_912] : memref<10240x128xf32, #tpu.memory_space<vmem_shared>> -> memref<10240x128xf32, #tpu.memory_space<vmem_shared>>
        tpu.enqueue_indirect_dma source(%arg7 : memref<128x128xf32, #tpu.memory_space<vmem>>) target(%dma_start3A_913 : memref<10240x128xf32, #tpu.memory_space<vmem_shared>>) offsets(%dma_start3A_910 : memref<128xi32, #tpu.memory_space<vmem>>) semaphore(%run_scoped3A_907 : memref<!tpu.dma_semaphore, #tpu.memory_space<semaphore_mem>>) {add = true}
        %dma_wait3A_914 = arith.constant 0 : i32
        %dma_wait3A_915 = tpu.memref_slice %arg5[%run_scoped3A, %dma_wait3A_914] : memref<2x128xi32, #tpu.memory_space<vmem>> -> memref<1x128xi32, #tpu.memory_space<vmem>>
        %dma_wait3A_916 = tpu.memref_squeeze %dma_wait3A_915 : memref<1x128xi32, #tpu.memory_space<vmem>> -> memref<128xi32, #tpu.memory_space<vmem>>
        %dma_wait3A_917 = arith.constant 0 : i32
        %dma_wait3A_918 = arith.constant 0 : i32
        %dma_wait3A_919 = tpu.memref_slice %arg9[%dma_wait3A_917, %dma_wait3A_918] : memref<10240x128xf32, #tpu.memory_space<vmem_shared>> -> memref<10240x128xf32, #tpu.memory_space<vmem_shared>>
        tpu.wait_indirect_dma semaphore(%run_scoped3A_907 : memref<!tpu.dma_semaphore, #tpu.memory_space<semaphore_mem>>) src(%arg7 : memref<128x128xf32, #tpu.memory_space<vmem>>) dst(%dma_wait3A_919 : memref<10240x128xf32, #tpu.memory_space<vmem_shared>>)
        tpu.yield
      }) : () -> ()
      %add3A_871 = arith.constant 1 : i32
      %add3A_872 = arith.addi %add3A_838, %add3A_871 : i32
      %dma_wait3A_873 = arith.constant 0 : i32
      %dma_wait3A_874 = arith.constant 0 : i32
      %dma_wait3A_875 = tpu.memref_slice %arg2[%add3A_872, %dma_wait3A_873, %dma_wait3A_874] : memref<2561x2x128xi32, #tpu.memory_space<hbm>> -> memref<1x2x128xi32, #tpu.memory_space<hbm>>
      %dma_wait3A_876 = tpu.memref_squeeze %dma_wait3A_875 : memref<1x2x128xi32, #tpu.memory_space<hbm>> -> memref<2x128xi32, #tpu.memory_space<hbm>>
      %dma_wait3A_877 = arith.constant 0 : i32
      %dma_wait3A_878 = arith.constant 0 : i32
      %dma_wait3A_879 = tpu.memref_slice %arg2[%add3A_872, %dma_wait3A_877, %dma_wait3A_878] : memref<2561x2x128xi32, #tpu.memory_space<hbm>> -> memref<1x2x128xi32, #tpu.memory_space<hbm>>
      %dma_wait3A_880 = tpu.memref_squeeze %dma_wait3A_879 : memref<1x2x128xi32, #tpu.memory_space<hbm>> -> memref<2x128xi32, #tpu.memory_space<hbm>>
      tpu.wait_dma2 semaphore(%arg12 : memref<!tpu.dma_semaphore, #tpu.memory_space<semaphore_mem>>) src(%dma_wait3A_880 : memref<2x128xi32, #tpu.memory_space<hbm>>) dst(%arg6 : memref<2x128xi32, #tpu.memory_space<vmem>>)
      %add3A_881 = arith.constant 1 : i32
      %add3A_882 = arith.addi %add3A_872, %add3A_881 : i32
      %dma_start3A_883 = arith.constant 0 : i32
      %dma_start3A_884 = arith.constant 0 : i32
      %dma_start3A_885 = tpu.memref_slice %arg2[%add3A_882, %dma_start3A_883, %dma_start3A_884] : memref<2561x2x128xi32, #tpu.memory_space<hbm>> -> memref<1x2x128xi32, #tpu.memory_space<hbm>>
      %dma_start3A_886 = tpu.memref_squeeze %dma_start3A_885 : memref<1x2x128xi32, #tpu.memory_space<hbm>> -> memref<2x128xi32, #tpu.memory_space<hbm>>
      %dma_start3A_887 = arith.constant 0 : i32
      %dma_start3A_888 = arith.constant 0 : i32
      %dma_start3A_889 = tpu.memref_slice %arg2[%add3A_882, %dma_start3A_887, %dma_start3A_888] : memref<2561x2x128xi32, #tpu.memory_space<hbm>> -> memref<1x2x128xi32, #tpu.memory_space<hbm>>
      %dma_start3A_890 = tpu.memref_squeeze %dma_start3A_889 : memref<1x2x128xi32, #tpu.memory_space<hbm>> -> memref<2x128xi32, #tpu.memory_space<hbm>>
      tpu.enqueue_dma source(%dma_start3A_890 : memref<2x128xi32, #tpu.memory_space<hbm>>) target(%arg5 : memref<2x128xi32, #tpu.memory_space<vmem>>) target_semaphore(%arg11 : memref<!tpu.dma_semaphore, #tpu.memory_space<semaphore_mem>>)
      %dma_start3A_891 = arith.constant 0 : i32
      %dma_start3A_892 = arith.constant 0 : i32
      %dma_start3A_893 = tpu.memref_slice %arg6[%dma_start3A_891, %dma_start3A_892] : memref<2x128xi32, #tpu.memory_space<vmem>> -> memref<1x128xi32, #tpu.memory_space<vmem>>
      %dma_start3A_894 = tpu.memref_squeeze %dma_start3A_893 : memref<1x128xi32, #tpu.memory_space<vmem>> -> memref<128xi32, #tpu.memory_space<vmem>>
      %dma_start3A_895 = arith.constant 0 : i32
      %dma_start3A_896 = arith.constant 0 : i32
      %dma_start3A_897 = tpu.memref_slice %arg3[%dma_start3A_895, %dma_start3A_896] : memref<10000x128xf32, #tpu.memory_space<hbm>> -> memref<10000x128xf32, #tpu.memory_space<hbm>>
      tpu.enqueue_indirect_dma source(%dma_start3A_897 : memref<10000x128xf32, #tpu.memory_space<hbm>>) target(%arg7 : memref<128x128xf32, #tpu.memory_space<vmem>>) offsets(%dma_start3A_894 : memref<128xi32, #tpu.memory_space<vmem>>) semaphore(%arg10 : memref<!tpu.dma_semaphore, #tpu.memory_space<semaphore_mem>>)
      %dma_wait3A_898 = arith.constant 0 : i32
      %dma_wait3A_899 = arith.constant 0 : i32
      %dma_wait3A_900 = tpu.memref_slice %arg6[%dma_wait3A_898, %dma_wait3A_899] : memref<2x128xi32, #tpu.memory_space<vmem>> -> memref<1x128xi32, #tpu.memory_space<vmem>>
      %dma_wait3A_901 = tpu.memref_squeeze %dma_wait3A_900 : memref<1x128xi32, #tpu.memory_space<vmem>> -> memref<128xi32, #tpu.memory_space<vmem>>
      %dma_wait3A_902 = arith.constant 0 : i32
      %dma_wait3A_903 = arith.constant 0 : i32
      %dma_wait3A_904 = tpu.memref_slice %arg3[%dma_wait3A_902, %dma_wait3A_903] : memref<10000x128xf32, #tpu.memory_space<hbm>> -> memref<10000x128xf32, #tpu.memory_space<hbm>>
      tpu.wait_indirect_dma semaphore(%arg10 : memref<!tpu.dma_semaphore, #tpu.memory_space<semaphore_mem>>) src(%dma_wait3A_904 : memref<10000x128xf32, #tpu.memory_space<hbm>>) dst(%arg7 : memref<128x128xf32, #tpu.memory_space<vmem>>)
      %run_scoped3A_905 = arith.constant 1 : i32
      "tpu.region"() ({
        %run_scoped3A_907 = tpu.sem_alloc : memref<!tpu.dma_semaphore, #tpu.memory_space<semaphore_mem>>
        %dma_start3A_908 = arith.constant 0 : i32
        %dma_start3A_909 = tpu.memref_slice %arg6[%run_scoped3A_905, %dma_start3A_908] : memref<2x128xi32, #tpu.memory_space<vmem>> -> memref<1x128xi32, #tpu.memory_space<vmem>>
        %dma_start3A_910 = tpu.memref_squeeze %dma_start3A_909 : memref<1x128xi32, #tpu.memory_space<vmem>> -> memref<128xi32, #tpu.memory_space<vmem>>
        %dma_start3A_911 = arith.constant 0 : i32
        %dma_start3A_912 = arith.constant 0 : i32
        %dma_start3A_913 = tpu.memref_slice %arg9[%dma_start3A_911, %dma_start3A_912] : memref<10240x128xf32, #tpu.memory_space<vmem_shared>> -> memref<10240x128xf32, #tpu.memory_space<vmem_shared>>
        tpu.enqueue_indirect_dma source(%arg7 : memref<128x128xf32, #tpu.memory_space<vmem>>) target(%dma_start3A_913 : memref<10240x128xf32, #tpu.memory_space<vmem_shared>>) offsets(%dma_start3A_910 : memref<128xi32, #tpu.memory_space<vmem>>) semaphore(%run_scoped3A_907 : memref<!tpu.dma_semaphore, #tpu.memory_space<semaphore_mem>>) {add = true}
        %dma_wait3A_914 = arith.constant 0 : i32
        %dma_wait3A_915 = tpu.memref_slice %arg6[%run_scoped3A_905, %dma_wait3A_914] : memref<2x128xi32, #tpu.memory_space<vmem>> -> memref<1x128xi32, #tpu.memory_space<vmem>>
        %dma_wait3A_916 = tpu.memref_squeeze %dma_wait3A_915 : memref<1x128xi32, #tpu.memory_space<vmem>> -> memref<128xi32, #tpu.memory_space<vmem>>
        %dma_wait3A_917 = arith.constant 0 : i32
        %dma_wait3A_918 = arith.constant 0 : i32
        %dma_wait3A_919 = tpu.memref_slice %arg9[%dma_wait3A_917, %dma_wait3A_918] : memref<10240x128xf32, #tpu.memory_space<vmem_shared>> -> memref<10240x128xf32, #tpu.memory_space<vmem_shared>>
        tpu.wait_indirect_dma semaphore(%run_scoped3A_907 : memref<!tpu.dma_semaphore, #tpu.memory_space<semaphore_mem>>) src(%arg7 : memref<128x128xf32, #tpu.memory_space<vmem>>) dst(%dma_wait3A_919 : memref<10240x128xf32, #tpu.memory_space<vmem_shared>>)
        tpu.yield
      }) : () -> ()
      %while3A_906 = arith.constant 0 : i32
      scf.yield %while3A_906 : i32
    }
    %while3A_817 = arith.constant 1 : i32
    %while3A_818 = scf.for %while3A_834 = %while3A_814 to %while3A_810 step %while3A_817 iter_args(%while3A_835 = %while3A_816) -> (i32)  : i32 {
      %mul3A_836 = arith.constant 2 : i32
      %mul3A_837 = arith.muli %mul3A_836, %while3A_834 : i32
      %add3A_838 = arith.addi %select_n3A, %mul3A_837 : i32
      %dma_wait3A_839 = arith.constant 0 : i32
      %dma_wait3A_840 = arith.constant 0 : i32
      %dma_wait3A_841 = tpu.memref_slice %arg2[%add3A_838, %dma_wait3A_839, %dma_wait3A_840] : memref<2561x2x128xi32, #tpu.memory_space<hbm>> -> memref<1x2x128xi32, #tpu.memory_space<hbm>>
      %dma_wait3A_842 = tpu.memref_squeeze %dma_wait3A_841 : memref<1x2x128xi32, #tpu.memory_space<hbm>> -> memref<2x128xi32, #tpu.memory_space<hbm>>
      %dma_wait3A_843 = arith.constant 0 : i32
      %dma_wait3A_844 = arith.constant 0 : i32
      %dma_wait3A_845 = tpu.memref_slice %arg2[%add3A_838, %dma_wait3A_843, %dma_wait3A_844] : memref<2561x2x128xi32, #tpu.memory_space<hbm>> -> memref<1x2x128xi32, #tpu.memory_space<hbm>>
      %dma_wait3A_846 = tpu.memref_squeeze %dma_wait3A_845 : memref<1x2x128xi32, #tpu.memory_space<hbm>> -> memref<2x128xi32, #tpu.memory_space<hbm>>
      tpu.wait_dma2 semaphore(%arg11 : memref<!tpu.dma_semaphore, #tpu.memory_space<semaphore_mem>>) src(%dma_wait3A_846 : memref<2x128xi32, #tpu.memory_space<hbm>>) dst(%arg5 : memref<2x128xi32, #tpu.memory_space<vmem>>)
      %add3A_847 = arith.constant 1 : i32
      %add3A_848 = arith.addi %add3A_838, %add3A_847 : i32
      %dma_start3A_849 = arith.constant 0 : i32
      %dma_start3A_850 = arith.constant 0 : i32
      %dma_start3A_851 = tpu.memref_slice %arg2[%add3A_848, %dma_start3A_849, %dma_start3A_850] : memref<2561x2x128xi32, #tpu.memory_space<hbm>> -> memref<1x2x128xi32, #tpu.memory_space<hbm>>
      %dma_start3A_852 = tpu.memref_squeeze %dma_start3A_851 : memref<1x2x128xi32, #tpu.memory_space<hbm>> -> memref<2x128xi32, #tpu.memory_space<hbm>>
      %dma_start3A_853 = arith.constant 0 : i32
      %dma_start3A_854 = arith.constant 0 : i32
      %dma_start3A_855 = tpu.memref_slice %arg2[%add3A_848, %dma_start3A_853, %dma_start3A_854] : memref<2561x2x128xi32, #tpu.memory_space<hbm>> -> memref<1x2x128xi32, #tpu.memory_space<hbm>>
      %dma_start3A_856 = tpu.memref_squeeze %dma_start3A_855 : memref<1x2x128xi32, #tpu.memory_space<hbm>> -> memref<2x128xi32, #tpu.memory_space<hbm>>
      tpu.enqueue_dma source(%dma_start3A_856 : memref<2x128xi32, #tpu.memory_space<hbm>>) target(%arg6 : memref<2x128xi32, #tpu.memory_space<vmem>>) target_semaphore(%arg12 : memref<!tpu.dma_semaphore, #tpu.memory_space<semaphore_mem>>)
      %dma_start3A_857 = arith.constant 0 : i32
      %dma_start3A_858 = arith.constant 0 : i32
      %dma_start3A_859 = tpu.memref_slice %arg5[%dma_start3A_857, %dma_start3A_858] : memref<2x128xi32, #tpu.memory_space<vmem>> -> memref<1x128xi32, #tpu.memory_space<vmem>>
      %dma_start3A_860 = tpu.memref_squeeze %dma_start3A_859 : memref<1x128xi32, #tpu.memory_space<vmem>> -> memref<128xi32, #tpu.memory_space<vmem>>
      %dma_start3A_861 = arith.constant 0 : i32
      %dma_start3A_862 = arith.constant 0 : i32
      %dma_start3A_863 = tpu.memref_slice %arg3[%dma_start3A_861, %dma_start3A_862] : memref<10000x128xf32, #tpu.memory_space<hbm>> -> memref<10000x128xf32, #tpu.memory_space<hbm>>
      tpu.enqueue_indirect_dma source(%dma_start3A_863 : memref<10000x128xf32, #tpu.memory_space<hbm>>) target(%arg7 : memref<128x128xf32, #tpu.memory_space<vmem>>) offsets(%dma_start3A_860 : memref<128xi32, #tpu.memory_space<vmem>>) semaphore(%arg10 : memref<!tpu.dma_semaphore, #tpu.memory_space<semaphore_mem>>)
      %dma_wait3A_864 = arith.constant 0 : i32
      %dma_wait3A_865 = arith.constant 0 : i32
      %dma_wait3A_866 = tpu.memref_slice %arg5[%dma_wait3A_864, %dma_wait3A_865] : memref<2x128xi32, #tpu.memory_space<vmem>> -> memref<1x128xi32, #tpu.memory_space<vmem>>
      %dma_wait3A_867 = tpu.memref_squeeze %dma_wait3A_866 : memref<1x128xi32, #tpu.memory_space<vmem>> -> memref<128xi32, #tpu.memory_space<vmem>>
      %dma_wait3A_868 = arith.constant 0 : i32
      %dma_wait3A_869 = arith.constant 0 : i32
      %dma_wait3A_870 = tpu.memref_slice %arg3[%dma_wait3A_868, %dma_wait3A_869] : memref<10000x128xf32, #tpu.memory_space<hbm>> -> memref<10000x128xf32, #tpu.memory_space<hbm>>
      tpu.wait_indirect_dma semaphore(%arg10 : memref<!tpu.dma_semaphore, #tpu.memory_space<semaphore_mem>>) src(%dma_wait3A_870 : memref<10000x128xf32, #tpu.memory_space<hbm>>) dst(%arg7 : memref<128x128xf32, #tpu.memory_space<vmem>>)
      %run_scoped3A = arith.constant 1 : i32
      "tpu.region"() ({
        %run_scoped3A_907 = tpu.sem_alloc : memref<!tpu.dma_semaphore, #tpu.memory_space<semaphore_mem>>
        %dma_start3A_908 = arith.constant 0 : i32
        %dma_start3A_909 = tpu.memref_slice %arg5[%run_scoped3A, %dma_start3A_908] : memref<2x128xi32, #tpu.memory_space<vmem>> -> memref<1x128xi32, #tpu.memory_space<vmem>>
        %dma_start3A_910 = tpu.memref_squeeze %dma_start3A_909 : memref<1x128xi32, #tpu.memory_space<vmem>> -> memref<128xi32, #tpu.memory_space<vmem>>
        %dma_start3A_911 = arith.constant 0 : i32
        %dma_start3A_912 = arith.constant 0 : i32
        %dma_start3A_913 = tpu.memref_slice %arg9[%dma_start3A_911, %dma_start3A_912] : memref<10240x128xf32, #tpu.memory_space<vmem_shared>> -> memref<10240x128xf32, #tpu.memory_space<vmem_shared>>
        tpu.enqueue_indirect_dma source(%arg7 : memref<128x128xf32, #tpu.memory_space<vmem>>) target(%dma_start3A_913 : memref<10240x128xf32, #tpu.memory_space<vmem_shared>>) offsets(%dma_start3A_910 : memref<128xi32, #tpu.memory_space<vmem>>) semaphore(%run_scoped3A_907 : memref<!tpu.dma_semaphore, #tpu.memory_space<semaphore_mem>>) {add = true}
        %dma_wait3A_914 = arith.constant 0 : i32
        %dma_wait3A_915 = tpu.memref_slice %arg5[%run_scoped3A, %dma_wait3A_914] : memref<2x128xi32, #tpu.memory_space<vmem>> -> memref<1x128xi32, #tpu.memory_space<vmem>>
        %dma_wait3A_916 = tpu.memref_squeeze %dma_wait3A_915 : memref<1x128xi32, #tpu.memory_space<vmem>> -> memref<128xi32, #tpu.memory_space<vmem>>
        %dma_wait3A_917 = arith.constant 0 : i32
        %dma_wait3A_918 = arith.constant 0 : i32
        %dma_wait3A_919 = tpu.memref_slice %arg9[%dma_wait3A_917, %dma_wait3A_918] : memref<10240x128xf32, #tpu.memory_space<vmem_shared>> -> memref<10240x128xf32, #tpu.memory_space<vmem_shared>>
        tpu.wait_indirect_dma semaphore(%run_scoped3A_907 : memref<!tpu.dma_semaphore, #tpu.memory_space<semaphore_mem>>) src(%arg7 : memref<128x128xf32, #tpu.memory_space<vmem>>) dst(%dma_wait3A_919 : memref<10240x128xf32, #tpu.memory_space<vmem_shared>>)
        tpu.yield
      }) : () -> ()
      %add3A_871 = arith.constant 1 : i32
      %add3A_872 = arith.addi %add3A_838, %add3A_871 : i32
      %dma_wait3A_873 = arith.constant 0 : i32
      %dma_wait3A_874 = arith.constant 0 : i32
      %dma_wait3A_875 = tpu.memref_slice %arg2[%add3A_872, %dma_wait3A_873, %dma_wait3A_874] : memref<2561x2x128xi32, #tpu.memory_space<hbm>> -> memref<1x2x128xi32, #tpu.memory_space<hbm>>
      %dma_wait3A_876 = tpu.memref_squeeze %dma_wait3A_875 : memref<1x2x128xi32, #tpu.memory_space<hbm>> -> memref<2x128xi32, #tpu.memory_space<hbm>>
      %dma_wait3A_877 = arith.constant 0 : i32
      %dma_wait3A_878 = arith.constant 0 : i32
      %dma_wait3A_879 = tpu.memref_slice %arg2[%add3A_872, %dma_wait3A_877, %dma_wait3A_878] : memref<2561x2x128xi32, #tpu.memory_space<hbm>> -> memref<1x2x128xi32, #tpu.memory_space<hbm>>
      %dma_wait3A_880 = tpu.memref_squeeze %dma_wait3A_879 : memref<1x2x128xi32, #tpu.memory_space<hbm>> -> memref<2x128xi32, #tpu.memory_space<hbm>>
      tpu.wait_dma2 semaphore(%arg12 : memref<!tpu.dma_semaphore, #tpu.memory_space<semaphore_mem>>) src(%dma_wait3A_880 : memref<2x128xi32, #tpu.memory_space<hbm>>) dst(%arg6 : memref<2x128xi32, #tpu.memory_space<vmem>>)
      %add3A_881 = arith.constant 1 : i32
      %add3A_882 = arith.addi %add3A_872, %add3A_881 : i32
      %dma_start3A_883 = arith.constant 0 : i32
      %dma_start3A_884 = arith.constant 0 : i32
      %dma_start3A_885 = tpu.memref_slice %arg2[%add3A_882, %dma_start3A_883, %dma_start3A_884] : memref<2561x2x128xi32, #tpu.memory_space<hbm>> -> memref<1x2x128xi32, #tpu.memory_space<hbm>>
      %dma_start3A_886 = tpu.memref_squeeze %dma_start3A_885 : memref<1x2x128xi32, #tpu.memory_space<hbm>> -> memref<2x128xi32, #tpu.memory_space<hbm>>
      %dma_start3A_887 = arith.constant 0 : i32
      %dma_start3A_888 = arith.constant 0 : i32
      %dma_start3A_889 = tpu.memref_slice %arg2[%add3A_882, %dma_start3A_887, %dma_start3A_888] : memref<2561x2x128xi32, #tpu.memory_space<hbm>> -> memref<1x2x128xi32, #tpu.memory_space<hbm>>
      %dma_start3A_890 = tpu.memref_squeeze %dma_start3A_889 : memref<1x2x128xi32, #tpu.memory_space<hbm>> -> memref<2x128xi32, #tpu.memory_space<hbm>>
      tpu.enqueue_dma source(%dma_start3A_890 : memref<2x128xi32, #tpu.memory_space<hbm>>) target(%arg5 : memref<2x128xi32, #tpu.memory_space<vmem>>) target_semaphore(%arg11 : memref<!tpu.dma_semaphore, #tpu.memory_space<semaphore_mem>>)
      %dma_start3A_891 = arith.constant 0 : i32
      %dma_start3A_892 = arith.constant 0 : i32
      %dma_start3A_893 = tpu.memref_slice %arg6[%dma_start3A_891, %dma_start3A_892] : memref<2x128xi32, #tpu.memory_space<vmem>> -> memref<1x128xi32, #tpu.memory_space<vmem>>
      %dma_start3A_894 = tpu.memref_squeeze %dma_start3A_893 : memref<1x128xi32, #tpu.memory_space<vmem>> -> memref<128xi32, #tpu.memory_space<vmem>>
      %dma_start3A_895 = arith.constant 0 : i32
      %dma_start3A_896 = arith.constant 0 : i32
      %dma_start3A_897 = tpu.memref_slice %arg3[%dma_start3A_895, %dma_start3A_896] : memref<10000x128xf32, #tpu.memory_space<hbm>> -> memref<10000x128xf32, #tpu.memory_space<hbm>>
      tpu.enqueue_indirect_dma source(%dma_start3A_897 : memref<10000x128xf32, #tpu.memory_space<hbm>>) target(%arg7 : memref<128x128xf32, #tpu.memory_space<vmem>>) offsets(%dma_start3A_894 : memref<128xi32, #tpu.memory_space<vmem>>) semaphore(%arg10 : memref<!tpu.dma_semaphore, #tpu.memory_space<semaphore_mem>>)
      %dma_wait3A_898 = arith.constant 0 : i32
      %dma_wait3A_899 = arith.constant 0 : i32
      %dma_wait3A_900 = tpu.memref_slice %arg6[%dma_wait3A_898, %dma_wait3A_899] : memref<2x128xi32, #tpu.memory_space<vmem>> -> memref<1x128xi32, #tpu.memory_space<vmem>>
      %dma_wait3A_901 = tpu.memref_squeeze %dma_wait3A_900 : memref<1x128xi32, #tpu.memory_space<vmem>> -> memref<128xi32, #tpu.memory_space<vmem>>
      %dma_wait3A_902 = arith.constant 0 : i32
      %dma_wait3A_903 = arith.constant 0 : i32
      %dma_wait3A_904 = tpu.memref_slice %arg3[%dma_wait3A_902, %dma_wait3A_903] : memref<10000x128xf32, #tpu.memory_space<hbm>> -> memref<10000x128xf32, #tpu.memory_space<hbm>>
      tpu.wait_indirect_dma semaphore(%arg10 : memref<!tpu.dma_semaphore, #tpu.memory_space<semaphore_mem>>) src(%dma_wait3A_904 : memref<10000x128xf32, #tpu.memory_space<hbm>>) dst(%arg7 : memref<128x128xf32, #tpu.memory_space<vmem>>)
      %run_scoped3A_905 = arith.constant 1 : i32
      "tpu.region"() ({
        %run_scoped3A_907 = tpu.sem_alloc : memref<!tpu.dma_semaphore, #tpu.memory_space<semaphore_mem>>
        %dma_start3A_908 = arith.constant 0 : i32
        %dma_start3A_909 = tpu.memref_slice %arg6[%run_scoped3A_905, %dma_start3A_908] : memref<2x128xi32, #tpu.memory_space<vmem>> -> memref<1x128xi32, #tpu.memory_space<vmem>>
        %dma_start3A_910 = tpu.memref_squeeze %dma_start3A_909 : memref<1x128xi32, #tpu.memory_space<vmem>> -> memref<128xi32, #tpu.memory_space<vmem>>
        %dma_start3A_911 = arith.constant 0 : i32
        %dma_start3A_912 = arith.constant 0 : i32
        %dma_start3A_913 = tpu.memref_slice %arg9[%dma_start3A_911, %dma_start3A_912] : memref<10240x128xf32, #tpu.memory_space<vmem_shared>> -> memref<10240x128xf32, #tpu.memory_space<vmem_shared>>
        tpu.enqueue_indirect_dma source(%arg7 : memref<128x128xf32, #tpu.memory_space<vmem>>) target(%dma_start3A_913 : memref<10240x128xf32, #tpu.memory_space<vmem_shared>>) offsets(%dma_start3A_910 : memref<128xi32, #tpu.memory_space<vmem>>) semaphore(%run_scoped3A_907 : memref<!tpu.dma_semaphore, #tpu.memory_space<semaphore_mem>>) {add = true}
        %dma_wait3A_914 = arith.constant 0 : i32
        %dma_wait3A_915 = tpu.memref_slice %arg6[%run_scoped3A_905, %dma_wait3A_914] : memref<2x128xi32, #tpu.memory_space<vmem>> -> memref<1x128xi32, #tpu.memory_space<vmem>>
        %dma_wait3A_916 = tpu.memref_squeeze %dma_wait3A_915 : memref<1x128xi32, #tpu.memory_space<vmem>> -> memref<128xi32, #tpu.memory_space<vmem>>
        %dma_wait3A_917 = arith.constant 0 : i32
        %dma_wait3A_918 = arith.constant 0 : i32
        %dma_wait3A_919 = tpu.memref_slice %arg9[%dma_wait3A_917, %dma_wait3A_918] : memref<10240x128xf32, #tpu.memory_space<vmem_shared>> -> memref<10240x128xf32, #tpu.memory_space<vmem_shared>>
        tpu.wait_indirect_dma semaphore(%run_scoped3A_907 : memref<!tpu.dma_semaphore, #tpu.memory_space<semaphore_mem>>) src(%arg7 : memref<128x128xf32, #tpu.memory_space<vmem>>) dst(%dma_wait3A_919 : memref<10240x128xf32, #tpu.memory_space<vmem_shared>>)
        tpu.yield
      }) : () -> ()
      %while3A_906 = arith.constant 0 : i32
      scf.yield %while3A_906 : i32
    }
    %dma_wait3A = arith.constant 0 : i32
    %dma_wait3A_819 = arith.constant 0 : i32
    %dma_wait3A_820 = tpu.memref_slice %arg2[%select_n3A, %dma_wait3A, %dma_wait3A_819] : memref<2561x2x128xi32, #tpu.memory_space<hbm>> -> memref<1x2x128xi32, #tpu.memory_space<hbm>>
    %dma_wait3A_821 = tpu.memref_squeeze %dma_wait3A_820 : memref<1x2x128xi32, #tpu.memory_space<hbm>> -> memref<2x128xi32, #tpu.memory_space<hbm>>
    %dma_wait3A_822 = arith.constant 0 : i32
    %dma_wait3A_823 = arith.constant 0 : i32
    %dma_wait3A_824 = tpu.memref_slice %arg2[%select_n3A, %dma_wait3A_822, %dma_wait3A_823] : memref<2561x2x128xi32, #tpu.memory_space<hbm>> -> memref<1x2x128xi32, #tpu.memory_space<hbm>>
    %dma_wait3A_825 = tpu.memref_squeeze %dma_wait3A_824 : memref<1x2x128xi32, #tpu.memory_space<hbm>> -> memref<2x128xi32, #tpu.memory_space<hbm>>
    tpu.wait_dma2 semaphore(%arg11 : memref<!tpu.dma_semaphore, #tpu.memory_space<semaphore_mem>>) src(%dma_wait3A_825 : memref<2x128xi32, #tpu.memory_space<hbm>>) dst(%arg5 : memref<2x128xi32, #tpu.memory_space<vmem>>)
    %barrier3A_826 = arith.constant 0 : index
    tpu.barrier barrier_id(%barrier3A_826)
    %mul3A_827 = arith.constant 640 : i32
    %mul3A_828 = arith.muli %arg1, %mul3A_827 : i32
    %mul3A_829 = arith.constant 10240 : i32
    %mul3A_830 = arith.muli %arg0, %mul3A_829 : i32
    %mul3A_831 = arith.constant 640 : i32
    %mul3A_832 = arith.muli %arg1, %mul3A_831 : i32
    %add3A_833 = arith.addi %mul3A_830, %mul3A_832 : i32
    "tpu.region"() ({
      %run_scoped3A = tpu.sem_alloc : memref<!tpu.dma_semaphore, #tpu.memory_space<semaphore_mem>>
      %dma_start3A_834 = arith.constant 0 : i32
      %dma_start3A_835 = tpu.memref_slice %arg4[%add3A_833, %dma_start3A_834] : memref<20480x128xf32, #tpu.memory_space<hbm>> -> memref<640x128xf32, #tpu.memory_space<hbm>>
      %dma_start3A_836 = arith.constant 0 : i32
      %dma_start3A_837 = tpu.memref_slice %arg9[%mul3A_828, %dma_start3A_836] : memref<10240x128xf32, #tpu.memory_space<vmem_shared>> -> memref<640x128xf32, #tpu.memory_space<vmem_shared>>
      tpu.enqueue_dma source(%dma_start3A_837 : memref<640x128xf32, #tpu.memory_space<vmem_shared>>) target(%dma_start3A_835 : memref<640x128xf32, #tpu.memory_space<hbm>>) target_semaphore(%run_scoped3A : memref<!tpu.dma_semaphore, #tpu.memory_space<semaphore_mem>>)
      %dma_wait3A_838 = arith.constant 0 : i32
      %dma_wait3A_839 = tpu.memref_slice %arg4[%add3A_833, %dma_wait3A_838] : memref<20480x128xf32, #tpu.memory_space<hbm>> -> memref<640x128xf32, #tpu.memory_space<hbm>>
      %dma_wait3A_840 = arith.constant 0 : i32
      %dma_wait3A_841 = tpu.memref_slice %arg9[%mul3A_828, %dma_wait3A_840] : memref<10240x128xf32, #tpu.memory_space<vmem_shared>> -> memref<640x128xf32, #tpu.memory_space<vmem_shared>>
      tpu.wait_dma2 semaphore(%run_scoped3A : memref<!tpu.dma_semaphore, #tpu.memory_space<semaphore_mem>>) src(%dma_wait3A_841 : memref<640x128xf32, #tpu.memory_space<vmem_shared>>) dst(%dma_wait3A_839 : memref<640x128xf32, #tpu.memory_space<hbm>>)
      tpu.yield
    }) : () -> ()
    return
  }
}

module attributes {stable_mosaic.version = 14 : i64} {
  func.func @_tc_first(%arg0: i32, %arg1: memref<1000x128xf32, #tpu.memory_space<vmem>>, %arg2: memref<128x128xf32, #tpu.memory_space<vmem>>, %arg3: memref<1000x16xf32, #tpu.memory_space<vmem>>, %arg4: memref<1000x16xf32, #tpu.memory_space<vmem>>, %arg5: memref<1000x128xf32, #tpu.memory_space<vmem>>) attributes {dimension_semantics = [#tpu.dimension_semantics<arbitrary>], iteration_bounds = array<i64: 10>, scalar_prefetch = 0 : i64, scratch_operands = 0 : i64, tpu.core_type = #tpu.core_type<tc>, window_params = [{transform_indices = @transform_0, window_bounds = array<i64: 1000, 128>}, {pipeline_mode = #tpu.pipeline_mode<synchronous>, transform_indices = @transform_1, window_bounds = array<i64: 128, 128>}, {transform_indices = @transform_2, window_bounds = array<i64: 1000, 16>}, {transform_indices = @transform_3, window_bounds = array<i64: 1000, 16>}, {transform_indices = @transform_4, window_bounds = array<i64: 1000, 128>}]} {
    %get3A = arith.constant 0 : index
    %get3A_0 = arith.constant 0 : index
    %get3A_1 = vector.load %arg3[%get3A, %get3A_0] : memref<1000x16xf32, #tpu.memory_space<vmem>>, vector<1000x16xf32>
    %get3A_2 = arith.constant 0 : index
    %get3A_3 = arith.constant 0 : index
    %get3A_4 = vector.load %arg4[%get3A_2, %get3A_3] : memref<1000x16xf32, #tpu.memory_space<vmem>>, vector<1000x16xf32>
    %slice3A = vector.extract_strided_slice %get3A_1 {offsets = [0, 0], sizes = [1000, 1], strides = [1, 1]} : vector<1000x16xf32> to vector<1000x1xf32>
    %add3A = arith.constant 1.000000e+00 : f32
    %add3A_5 = vector.broadcast %add3A : f32 to vector<1000x1xf32>
    %add3A_6 = arith.addf %add3A_5, %slice3A : vector<1000x1xf32>
    %slice3A_7 = vector.extract_strided_slice %get3A_4 {offsets = [0, 0], sizes = [1000, 1], strides = [1, 1]} : vector<1000x16xf32> to vector<1000x1xf32>
    %add3A_8 = arith.addf %add3A_6, %slice3A_7 : vector<1000x1xf32>
    %rsqrt3A = math.rsqrt %add3A_8 : vector<1000x1xf32>
    %get3A_9 = arith.constant 0 : index
    %get3A_10 = arith.constant 0 : index
    %get3A_11 = vector.load %arg1[%get3A_9, %get3A_10] : memref<1000x128xf32, #tpu.memory_space<vmem>>, vector<1000x128xf32>
    %get3A_12 = arith.constant 0 : index
    %get3A_13 = arith.constant 0 : index
    %get3A_14 = vector.load %arg2[%get3A_12, %get3A_13] : memref<128x128xf32, #tpu.memory_space<vmem>>, vector<128x128xf32>
    %dot_general3A = arith.constant dense<0.000000e+00> : vector<1000x128xf32>
    %dot_general3A_15 = tpu.matmul %get3A_11, %get3A_14, %dot_general3A {dimension_numbers = #tpu.dot_dimension_numbers<[1], [0], [0], [1], [0, 0, 1, 1], [], []>, transpose_lhs_hint = false} : vector<1000x128xf32>, vector<128x128xf32>, vector<1000x128xf32> -> vector<1000x128xf32>
    %mul3A = vector.broadcast %rsqrt3A : vector<1000x1xf32> to vector<1000x128xf32>
    %mul3A_16 = arith.mulf %mul3A, %dot_general3A_15 : vector<1000x128xf32>
    %swap3A = arith.constant 0 : index
    %swap3A_17 = arith.constant 0 : index
    %swap3A_18 = vector.load %arg5[%swap3A, %swap3A_17] : memref<1000x128xf32, #tpu.memory_space<vmem>>, vector<1000x128xf32>
    tpu.vector_store %arg5[%swap3A, %swap3A_17], %mul3A_16 {strides = array<i32>} : memref<1000x128xf32, #tpu.memory_space<vmem>>, vector<1000x128xf32>,
    return
  }
  func.func @transform_0(%arg0: i32) -> (i32, i32) {
    %c0_i32 = arith.constant 0 : i32
    %c0_i32_0 = arith.constant 0 : i32
    return %arg0, %c0_i32 : i32, i32
  }
  func.func @transform_1(%arg0: i32) -> (i32, i32) {
    %c0_i32 = arith.constant 0 : i32
    %c0_i32_0 = arith.constant 0 : i32
    %c0_i32_1 = arith.constant 0 : i32
    return %c0_i32, %c0_i32_0 : i32, i32
  }
  func.func @transform_2(%arg0: i32) -> (i32, i32) {
    %c0_i32 = arith.constant 0 : i32
    %c0_i32_0 = arith.constant 0 : i32
    return %arg0, %c0_i32 : i32, i32
  }
  func.func @transform_3(%arg0: i32) -> (i32, i32) {
    %c0_i32 = arith.constant 0 : i32
    %c0_i32_0 = arith.constant 0 : i32
    return %arg0, %c0_i32 : i32, i32
  }
  func.func @transform_4(%arg0: i32) -> (i32, i32) {
    %c0_i32 = arith.constant 0 : i32
    %c0_i32_0 = arith.constant 0 : i32
    return %arg0, %c0_i32 : i32, i32
  }
}

module attributes {stable_mosaic.version = 14 : i64} {
  func.func @_tc_mid(%arg0: i32, %arg1: memref<1000x128xf32, #tpu.memory_space<vmem>>, %arg2: memref<1000x128xf32, #tpu.memory_space<vmem>>, %arg3: memref<1000x128xf32, #tpu.memory_space<vmem>>, %arg4: memref<128x128xf32, #tpu.memory_space<vmem>>, %arg5: memref<1x128xf32, #tpu.memory_space<vmem>>, %arg6: memref<1x128xf32, #tpu.memory_space<vmem>>, %arg7: memref<1x128xf32, #tpu.memory_space<vmem>>, %arg8: memref<1000x16xf32, #tpu.memory_space<vmem>>, %arg9: memref<1000x16xf32, #tpu.memory_space<vmem>>, %arg10: memref<1000x128xf32, #tpu.memory_space<vmem>>) attributes {dimension_semantics = [#tpu.dimension_semantics<arbitrary>], iteration_bounds = array<i64: 10>, scalar_prefetch = 0 : i64, scratch_operands = 0 : i64, tpu.core_type = #tpu.core_type<tc>, window_params = [{transform_indices = @transform_0, window_bounds = array<i64: 1000, 128>}, {transform_indices = @transform_1, window_bounds = array<i64: 1000, 128>}, {transform_indices = @transform_2, window_bounds = array<i64: 1000, 128>}, {pipeline_mode = #tpu.pipeline_mode<synchronous>, transform_indices = @transform_3, window_bounds = array<i64: 128, 128>}, {pipeline_mode = #tpu.pipeline_mode<synchronous>, transform_indices = @transform_4, window_bounds = array<i64: 1, 128>}, {pipeline_mode = #tpu.pipeline_mode<synchronous>, transform_indices = @transform_5, window_bounds = array<i64: 1, 128>}, {pipeline_mode = #tpu.pipeline_mode<synchronous>, transform_indices = @transform_6, window_bounds = array<i64: 1, 128>}, {transform_indices = @transform_7, window_bounds = array<i64: 1000, 16>}, {transform_indices = @transform_8, window_bounds = array<i64: 1000, 16>}, {transform_indices = @transform_9, window_bounds = array<i64: 1000, 128>}]} {
    %get3A = arith.constant 0 : index
    %get3A_0 = arith.constant 0 : index
    %get3A_1 = vector.load %arg8[%get3A, %get3A_0] : memref<1000x16xf32, #tpu.memory_space<vmem>>, vector<1000x16xf32>
    %get3A_2 = arith.constant 0 : index
    %get3A_3 = arith.constant 0 : index
    %get3A_4 = vector.load %arg9[%get3A_2, %get3A_3] : memref<1000x16xf32, #tpu.memory_space<vmem>>, vector<1000x16xf32>
    %slice3A = vector.extract_strided_slice %get3A_1 {offsets = [0, 0], sizes = [1000, 1], strides = [1, 1]} : vector<1000x16xf32> to vector<1000x1xf32>
    %add3A = arith.constant 1.000000e+00 : f32
    %add3A_5 = vector.broadcast %add3A : f32 to vector<1000x1xf32>
    %add3A_6 = arith.addf %add3A_5, %slice3A : vector<1000x1xf32>
    %slice3A_7 = vector.extract_strided_slice %get3A_4 {offsets = [0, 0], sizes = [1000, 1], strides = [1, 1]} : vector<1000x16xf32> to vector<1000x1xf32>
    %add3A_8 = arith.addf %add3A_6, %slice3A_7 : vector<1000x1xf32>
    %rsqrt3A = math.rsqrt %add3A_8 : vector<1000x1xf32>
    %get3A_9 = arith.constant 0 : index
    %get3A_10 = arith.constant 0 : index
    %get3A_11 = vector.load %arg1[%get3A_9, %get3A_10] : memref<1000x128xf32, #tpu.memory_space<vmem>>, vector<1000x128xf32>
    %get3A_12 = arith.constant 0 : index
    %get3A_13 = arith.constant 0 : index
    %get3A_14 = vector.load %arg2[%get3A_12, %get3A_13] : memref<1000x128xf32, #tpu.memory_space<vmem>>, vector<1000x128xf32>
    %add3A_15 = arith.addf %get3A_11, %get3A_14 : vector<1000x128xf32>
    %get3A_16 = arith.constant 0 : index
    %get3A_17 = arith.constant 0 : index
    %get3A_18 = vector.load %arg3[%get3A_16, %get3A_17] : memref<1000x128xf32, #tpu.memory_space<vmem>>, vector<1000x128xf32>
    %add3A_19 = arith.addf %add3A_15, %get3A_18 : vector<1000x128xf32>
    %mul3A = vector.broadcast %rsqrt3A : vector<1000x1xf32> to vector<1000x128xf32>
    %mul3A_20 = arith.mulf %mul3A, %add3A_19 : vector<1000x128xf32>
    %get3A_21 = arith.constant 0 : index
    %get3A_22 = arith.constant 0 : index
    %get3A_23 = vector.load %arg5[%get3A_21, %get3A_22] : memref<1x128xf32, #tpu.memory_space<vmem>>, vector<1x128xf32>
    %add3A_24 = vector.broadcast %get3A_23 : vector<1x128xf32> to vector<1000x128xf32>
    %add3A_25 = arith.addf %mul3A_20, %add3A_24 : vector<1000x128xf32>
    %get3A_26 = arith.constant 0 : index
    %get3A_27 = arith.constant 0 : index
    %get3A_28 = vector.load %arg6[%get3A_26, %get3A_27] : memref<1x128xf32, #tpu.memory_space<vmem>>, vector<1x128xf32>
    %sqrt3A = arith.constant 1.000010e+00 : f32
    %sqrt3A_29 = math.sqrt %sqrt3A : f32
    %div3A = arith.constant 1.000000e+00 : f32
    %div3A_30 = arith.divf %div3A, %sqrt3A_29 : f32
    %mul3A_31 = vector.broadcast %div3A_30 : f32 to vector<1000x128xf32>
    %mul3A_32 = arith.mulf %add3A_25, %mul3A_31 : vector<1000x128xf32>
    %mul3A_33 = vector.broadcast %get3A_28 : vector<1x128xf32> to vector<1000x128xf32>
    %mul3A_34 = arith.mulf %mul3A_33, %mul3A_32 : vector<1000x128xf32>
    %get3A_35 = arith.constant 0 : index
    %get3A_36 = arith.constant 0 : index
    %get3A_37 = vector.load %arg7[%get3A_35, %get3A_36] : memref<1x128xf32, #tpu.memory_space<vmem>>, vector<1x128xf32>
    %add3A_38 = vector.broadcast %get3A_37 : vector<1x128xf32> to vector<1000x128xf32>
    %add3A_39 = arith.addf %mul3A_34, %add3A_38 : vector<1000x128xf32>
    %max3A = arith.constant 0.000000e+00 : f32
    %max3A_40 = vector.broadcast %max3A : f32 to vector<1000x128xf32>
    %max3A_41 = arith.maximumf %add3A_39, %max3A_40 : vector<1000x128xf32>
    %get3A_42 = arith.constant 0 : index
    %get3A_43 = arith.constant 0 : index
    %get3A_44 = vector.load %arg4[%get3A_42, %get3A_43] : memref<128x128xf32, #tpu.memory_space<vmem>>, vector<128x128xf32>
    %dot_general3A = arith.constant dense<0.000000e+00> : vector<1000x128xf32>
    %dot_general3A_45 = tpu.matmul %max3A_41, %get3A_44, %dot_general3A {dimension_numbers = #tpu.dot_dimension_numbers<[1], [0], [0], [1], [0, 0, 1, 1], [], []>, transpose_lhs_hint = false} : vector<1000x128xf32>, vector<128x128xf32>, vector<1000x128xf32> -> vector<1000x128xf32>
    %mul3A_46 = vector.broadcast %rsqrt3A : vector<1000x1xf32> to vector<1000x128xf32>
    %mul3A_47 = arith.mulf %mul3A_46, %dot_general3A_45 : vector<1000x128xf32>
    %swap3A = arith.constant 0 : index
    %swap3A_48 = arith.constant 0 : index
    %swap3A_49 = vector.load %arg10[%swap3A, %swap3A_48] : memref<1000x128xf32, #tpu.memory_space<vmem>>, vector<1000x128xf32>
    tpu.vector_store %arg10[%swap3A, %swap3A_48], %mul3A_47 {strides = array<i32>} : memref<1000x128xf32, #tpu.memory_space<vmem>>, vector<1000x128xf32>,
    return
  }
  func.func @transform_0(%arg0: i32) -> (i32, i32) {
    %c0_i32 = arith.constant 0 : i32
    %c0_i32_0 = arith.constant 0 : i32
    return %arg0, %c0_i32 : i32, i32
  }
  func.func @transform_1(%arg0: i32) -> (i32, i32) {
    %c0_i32 = arith.constant 0 : i32
    %c0_i32_0 = arith.constant 0 : i32
    return %arg0, %c0_i32 : i32, i32
  }
  func.func @transform_2(%arg0: i32) -> (i32, i32) {
    %c0_i32 = arith.constant 0 : i32
    %c0_i32_0 = arith.constant 0 : i32
    return %arg0, %c0_i32 : i32, i32
  }
  func.func @transform_3(%arg0: i32) -> (i32, i32) {
    %c0_i32 = arith.constant 0 : i32
    %c0_i32_0 = arith.constant 0 : i32
    %c0_i32_1 = arith.constant 0 : i32
    return %c0_i32, %c0_i32_0 : i32, i32
  }
  func.func @transform_4(%arg0: i32) -> (i32, i32) {
    %c0_i32 = arith.constant 0 : i32
    %c0_i32_0 = arith.constant 0 : i32
    %c0_i32_1 = arith.constant 0 : i32
    return %c0_i32, %c0_i32_0 : i32, i32
  }
  func.func @transform_5(%arg0: i32) -> (i32, i32) {
    %c0_i32 = arith.constant 0 : i32
    %c0_i32_0 = arith.constant 0 : i32
    %c0_i32_1 = arith.constant 0 : i32
    return %c0_i32, %c0_i32_0 : i32, i32
  }
  func.func @transform_6(%arg0: i32) -> (i32, i32) {
    %c0_i32 = arith.constant 0 : i32
    %c0_i32_0 = arith.constant 0 : i32
    %c0_i32_1 = arith.constant 0 : i32
    return %c0_i32, %c0_i32_0 : i32, i32
  }
  func.func @transform_7(%arg0: i32) -> (i32, i32) {
    %c0_i32 = arith.constant 0 : i32
    %c0_i32_0 = arith.constant 0 : i32
    return %arg0, %c0_i32 : i32, i32
  }
  func.func @transform_8(%arg0: i32) -> (i32, i32) {
    %c0_i32 = arith.constant 0 : i32
    %c0_i32_0 = arith.constant 0 : i32
    return %arg0, %c0_i32 : i32, i32
  }
  func.func @transform_9(%arg0: i32) -> (i32, i32) {
    %c0_i32 = arith.constant 0 : i32
    %c0_i32_0 = arith.constant 0 : i32
    return %arg0, %c0_i32 : i32, i32
  }
}

module attributes {stable_mosaic.version = 14 : i64} {
  func.func @_tc_mid(%arg0: i32, %arg1: memref<1000x128xf32, #tpu.memory_space<vmem>>, %arg2: memref<1000x128xf32, #tpu.memory_space<vmem>>, %arg3: memref<1000x128xf32, #tpu.memory_space<vmem>>, %arg4: memref<128x64xf32, #tpu.memory_space<vmem>>, %arg5: memref<1x128xf32, #tpu.memory_space<vmem>>, %arg6: memref<1x128xf32, #tpu.memory_space<vmem>>, %arg7: memref<1x128xf32, #tpu.memory_space<vmem>>, %arg8: memref<1000x16xf32, #tpu.memory_space<vmem>>, %arg9: memref<1000x16xf32, #tpu.memory_space<vmem>>, %arg10: memref<1000x64xf32, #tpu.memory_space<vmem>>) attributes {dimension_semantics = [#tpu.dimension_semantics<arbitrary>], iteration_bounds = array<i64: 10>, scalar_prefetch = 0 : i64, scratch_operands = 0 : i64, tpu.core_type = #tpu.core_type<tc>, window_params = [{transform_indices = @transform_0, window_bounds = array<i64: 1000, 128>}, {transform_indices = @transform_1, window_bounds = array<i64: 1000, 128>}, {transform_indices = @transform_2, window_bounds = array<i64: 1000, 128>}, {pipeline_mode = #tpu.pipeline_mode<synchronous>, transform_indices = @transform_3, window_bounds = array<i64: 128, 64>}, {pipeline_mode = #tpu.pipeline_mode<synchronous>, transform_indices = @transform_4, window_bounds = array<i64: 1, 128>}, {pipeline_mode = #tpu.pipeline_mode<synchronous>, transform_indices = @transform_5, window_bounds = array<i64: 1, 128>}, {pipeline_mode = #tpu.pipeline_mode<synchronous>, transform_indices = @transform_6, window_bounds = array<i64: 1, 128>}, {transform_indices = @transform_7, window_bounds = array<i64: 1000, 16>}, {transform_indices = @transform_8, window_bounds = array<i64: 1000, 16>}, {transform_indices = @transform_9, window_bounds = array<i64: 1000, 64>}]} {
    %get3A = arith.constant 0 : index
    %get3A_0 = arith.constant 0 : index
    %get3A_1 = vector.load %arg8[%get3A, %get3A_0] : memref<1000x16xf32, #tpu.memory_space<vmem>>, vector<1000x16xf32>
    %get3A_2 = arith.constant 0 : index
    %get3A_3 = arith.constant 0 : index
    %get3A_4 = vector.load %arg9[%get3A_2, %get3A_3] : memref<1000x16xf32, #tpu.memory_space<vmem>>, vector<1000x16xf32>
    %slice3A = vector.extract_strided_slice %get3A_1 {offsets = [0, 0], sizes = [1000, 1], strides = [1, 1]} : vector<1000x16xf32> to vector<1000x1xf32>
    %add3A = arith.constant 1.000000e+00 : f32
    %add3A_5 = vector.broadcast %add3A : f32 to vector<1000x1xf32>
    %add3A_6 = arith.addf %add3A_5, %slice3A : vector<1000x1xf32>
    %slice3A_7 = vector.extract_strided_slice %get3A_4 {offsets = [0, 0], sizes = [1000, 1], strides = [1, 1]} : vector<1000x16xf32> to vector<1000x1xf32>
    %add3A_8 = arith.addf %add3A_6, %slice3A_7 : vector<1000x1xf32>
    %rsqrt3A = math.rsqrt %add3A_8 : vector<1000x1xf32>
    %get3A_9 = arith.constant 0 : index
    %get3A_10 = arith.constant 0 : index
    %get3A_11 = vector.load %arg1[%get3A_9, %get3A_10] : memref<1000x128xf32, #tpu.memory_space<vmem>>, vector<1000x128xf32>
    %get3A_12 = arith.constant 0 : index
    %get3A_13 = arith.constant 0 : index
    %get3A_14 = vector.load %arg2[%get3A_12, %get3A_13] : memref<1000x128xf32, #tpu.memory_space<vmem>>, vector<1000x128xf32>
    %add3A_15 = arith.addf %get3A_11, %get3A_14 : vector<1000x128xf32>
    %get3A_16 = arith.constant 0 : index
    %get3A_17 = arith.constant 0 : index
    %get3A_18 = vector.load %arg3[%get3A_16, %get3A_17] : memref<1000x128xf32, #tpu.memory_space<vmem>>, vector<1000x128xf32>
    %add3A_19 = arith.addf %add3A_15, %get3A_18 : vector<1000x128xf32>
    %mul3A = vector.broadcast %rsqrt3A : vector<1000x1xf32> to vector<1000x128xf32>
    %mul3A_20 = arith.mulf %mul3A, %add3A_19 : vector<1000x128xf32>
    %get3A_21 = arith.constant 0 : index
    %get3A_22 = arith.constant 0 : index
    %get3A_23 = vector.load %arg5[%get3A_21, %get3A_22] : memref<1x128xf32, #tpu.memory_space<vmem>>, vector<1x128xf32>
    %add3A_24 = vector.broadcast %get3A_23 : vector<1x128xf32> to vector<1000x128xf32>
    %add3A_25 = arith.addf %mul3A_20, %add3A_24 : vector<1000x128xf32>
    %get3A_26 = arith.constant 0 : index
    %get3A_27 = arith.constant 0 : index
    %get3A_28 = vector.load %arg6[%get3A_26, %get3A_27] : memref<1x128xf32, #tpu.memory_space<vmem>>, vector<1x128xf32>
    %sqrt3A = arith.constant 1.000010e+00 : f32
    %sqrt3A_29 = math.sqrt %sqrt3A : f32
    %div3A = arith.constant 1.000000e+00 : f32
    %div3A_30 = arith.divf %div3A, %sqrt3A_29 : f32
    %mul3A_31 = vector.broadcast %div3A_30 : f32 to vector<1000x128xf32>
    %mul3A_32 = arith.mulf %add3A_25, %mul3A_31 : vector<1000x128xf32>
    %mul3A_33 = vector.broadcast %get3A_28 : vector<1x128xf32> to vector<1000x128xf32>
    %mul3A_34 = arith.mulf %mul3A_33, %mul3A_32 : vector<1000x128xf32>
    %get3A_35 = arith.constant 0 : index
    %get3A_36 = arith.constant 0 : index
    %get3A_37 = vector.load %arg7[%get3A_35, %get3A_36] : memref<1x128xf32, #tpu.memory_space<vmem>>, vector<1x128xf32>
    %add3A_38 = vector.broadcast %get3A_37 : vector<1x128xf32> to vector<1000x128xf32>
    %add3A_39 = arith.addf %mul3A_34, %add3A_38 : vector<1000x128xf32>
    %max3A = arith.constant 0.000000e+00 : f32
    %max3A_40 = vector.broadcast %max3A : f32 to vector<1000x128xf32>
    %max3A_41 = arith.maximumf %add3A_39, %max3A_40 : vector<1000x128xf32>
    %get3A_42 = arith.constant 0 : index
    %get3A_43 = arith.constant 0 : index
    %get3A_44 = vector.load %arg4[%get3A_42, %get3A_43] : memref<128x64xf32, #tpu.memory_space<vmem>>, vector<128x64xf32>
    %dot_general3A = arith.constant dense<0.000000e+00> : vector<1000x64xf32>
    %dot_general3A_45 = tpu.matmul %max3A_41, %get3A_44, %dot_general3A {dimension_numbers = #tpu.dot_dimension_numbers<[1], [0], [0], [1], [0, 0, 1, 1], [], []>, transpose_lhs_hint = false} : vector<1000x128xf32>, vector<128x64xf32>, vector<1000x64xf32> -> vector<1000x64xf32>
    %mul3A_46 = vector.broadcast %rsqrt3A : vector<1000x1xf32> to vector<1000x64xf32>
    %mul3A_47 = arith.mulf %mul3A_46, %dot_general3A_45 : vector<1000x64xf32>
    %swap3A = arith.constant 0 : index
    %swap3A_48 = arith.constant 0 : index
    %swap3A_49 = vector.load %arg10[%swap3A, %swap3A_48] : memref<1000x64xf32, #tpu.memory_space<vmem>>, vector<1000x64xf32>
    tpu.vector_store %arg10[%swap3A, %swap3A_48], %mul3A_47 {strides = array<i32>} : memref<1000x64xf32, #tpu.memory_space<vmem>>, vector<1000x64xf32>,
    return
  }
  func.func @transform_0(%arg0: i32) -> (i32, i32) {
    %c0_i32 = arith.constant 0 : i32
    %c0_i32_0 = arith.constant 0 : i32
    return %arg0, %c0_i32 : i32, i32
  }
  func.func @transform_1(%arg0: i32) -> (i32, i32) {
    %c0_i32 = arith.constant 0 : i32
    %c0_i32_0 = arith.constant 0 : i32
    return %arg0, %c0_i32 : i32, i32
  }
  func.func @transform_2(%arg0: i32) -> (i32, i32) {
    %c0_i32 = arith.constant 0 : i32
    %c0_i32_0 = arith.constant 0 : i32
    return %arg0, %c0_i32 : i32, i32
  }
  func.func @transform_3(%arg0: i32) -> (i32, i32) {
    %c0_i32 = arith.constant 0 : i32
    %c0_i32_0 = arith.constant 0 : i32
    %c0_i32_1 = arith.constant 0 : i32
    return %c0_i32, %c0_i32_0 : i32, i32
  }
  func.func @transform_4(%arg0: i32) -> (i32, i32) {
    %c0_i32 = arith.constant 0 : i32
    %c0_i32_0 = arith.constant 0 : i32
    %c0_i32_1 = arith.constant 0 : i32
    return %c0_i32, %c0_i32_0 : i32, i32
  }
  func.func @transform_5(%arg0: i32) -> (i32, i32) {
    %c0_i32 = arith.constant 0 : i32
    %c0_i32_0 = arith.constant 0 : i32
    %c0_i32_1 = arith.constant 0 : i32
    return %c0_i32, %c0_i32_0 : i32, i32
  }
  func.func @transform_6(%arg0: i32) -> (i32, i32) {
    %c0_i32 = arith.constant 0 : i32
    %c0_i32_0 = arith.constant 0 : i32
    %c0_i32_1 = arith.constant 0 : i32
    return %c0_i32, %c0_i32_0 : i32, i32
  }
  func.func @transform_7(%arg0: i32) -> (i32, i32) {
    %c0_i32 = arith.constant 0 : i32
    %c0_i32_0 = arith.constant 0 : i32
    return %arg0, %c0_i32 : i32, i32
  }
  func.func @transform_8(%arg0: i32) -> (i32, i32) {
    %c0_i32 = arith.constant 0 : i32
    %c0_i32_0 = arith.constant 0 : i32
    return %arg0, %c0_i32 : i32, i32
  }
  func.func @transform_9(%arg0: i32) -> (i32, i32) {
    %c0_i32 = arith.constant 0 : i32
    %c0_i32_0 = arith.constant 0 : i32
    return %arg0, %c0_i32 : i32, i32
  }
}

module attributes {stable_mosaic.version = 14 : i64} {
  func.func @_tc_last(%arg0: i32, %arg1: memref<1000x64xf32, #tpu.memory_space<vmem>>, %arg2: memref<1000x64xf32, #tpu.memory_space<vmem>>, %arg3: memref<1000x64xf32, #tpu.memory_space<vmem>>, %arg4: memref<1x64xf32, #tpu.memory_space<vmem>>, %arg5: memref<1000x16xf32, #tpu.memory_space<vmem>>, %arg6: memref<1000x16xf32, #tpu.memory_space<vmem>>, %arg7: memref<1000x64xf32, #tpu.memory_space<vmem>>) attributes {dimension_semantics = [#tpu.dimension_semantics<arbitrary>], iteration_bounds = array<i64: 10>, scalar_prefetch = 0 : i64, scratch_operands = 0 : i64, tpu.core_type = #tpu.core_type<tc>, window_params = [{transform_indices = @transform_0, window_bounds = array<i64: 1000, 64>}, {transform_indices = @transform_1, window_bounds = array<i64: 1000, 64>}, {transform_indices = @transform_2, window_bounds = array<i64: 1000, 64>}, {pipeline_mode = #tpu.pipeline_mode<synchronous>, transform_indices = @transform_3, window_bounds = array<i64: 1, 64>}, {transform_indices = @transform_4, window_bounds = array<i64: 1000, 16>}, {transform_indices = @transform_5, window_bounds = array<i64: 1000, 16>}, {transform_indices = @transform_6, window_bounds = array<i64: 1000, 64>}]} {
    %get3A = arith.constant 0 : index
    %get3A_0 = arith.constant 0 : index
    %get3A_1 = vector.load %arg5[%get3A, %get3A_0] : memref<1000x16xf32, #tpu.memory_space<vmem>>, vector<1000x16xf32>
    %get3A_2 = arith.constant 0 : index
    %get3A_3 = arith.constant 0 : index
    %get3A_4 = vector.load %arg6[%get3A_2, %get3A_3] : memref<1000x16xf32, #tpu.memory_space<vmem>>, vector<1000x16xf32>
    %slice3A = vector.extract_strided_slice %get3A_1 {offsets = [0, 0], sizes = [1000, 1], strides = [1, 1]} : vector<1000x16xf32> to vector<1000x1xf32>
    %add3A = arith.constant 1.000000e+00 : f32
    %add3A_5 = vector.broadcast %add3A : f32 to vector<1000x1xf32>
    %add3A_6 = arith.addf %add3A_5, %slice3A : vector<1000x1xf32>
    %slice3A_7 = vector.extract_strided_slice %get3A_4 {offsets = [0, 0], sizes = [1000, 1], strides = [1, 1]} : vector<1000x16xf32> to vector<1000x1xf32>
    %add3A_8 = arith.addf %add3A_6, %slice3A_7 : vector<1000x1xf32>
    %rsqrt3A = math.rsqrt %add3A_8 : vector<1000x1xf32>
    %get3A_9 = arith.constant 0 : index
    %get3A_10 = arith.constant 0 : index
    %get3A_11 = vector.load %arg1[%get3A_9, %get3A_10] : memref<1000x64xf32, #tpu.memory_space<vmem>>, vector<1000x64xf32>
    %get3A_12 = arith.constant 0 : index
    %get3A_13 = arith.constant 0 : index
    %get3A_14 = vector.load %arg2[%get3A_12, %get3A_13] : memref<1000x64xf32, #tpu.memory_space<vmem>>, vector<1000x64xf32>
    %add3A_15 = arith.addf %get3A_11, %get3A_14 : vector<1000x64xf32>
    %get3A_16 = arith.constant 0 : index
    %get3A_17 = arith.constant 0 : index
    %get3A_18 = vector.load %arg3[%get3A_16, %get3A_17] : memref<1000x64xf32, #tpu.memory_space<vmem>>, vector<1000x64xf32>
    %add3A_19 = arith.addf %add3A_15, %get3A_18 : vector<1000x64xf32>
    %mul3A = vector.broadcast %rsqrt3A : vector<1000x1xf32> to vector<1000x64xf32>
    %mul3A_20 = arith.mulf %mul3A, %add3A_19 : vector<1000x64xf32>
    %get3A_21 = arith.constant 0 : index
    %get3A_22 = arith.constant 0 : index
    %get3A_23 = vector.load %arg4[%get3A_21, %get3A_22] : memref<1x64xf32, #tpu.memory_space<vmem>>, vector<1x64xf32>
    %add3A_24 = vector.broadcast %get3A_23 : vector<1x64xf32> to vector<1000x64xf32>
    %add3A_25 = arith.addf %mul3A_20, %add3A_24 : vector<1000x64xf32>
    %swap3A = arith.constant 0 : index
    %swap3A_26 = arith.constant 0 : index
    %swap3A_27 = vector.load %arg7[%swap3A, %swap3A_26] : memref<1000x64xf32, #tpu.memory_space<vmem>>, vector<1000x64xf32>
    tpu.vector_store %arg7[%swap3A, %swap3A_26], %add3A_25 {strides = array<i32>} : memref<1000x64xf32, #tpu.memory_space<vmem>>, vector<1000x64xf32>,
    return
  }
  func.func @transform_0(%arg0: i32) -> (i32, i32) {
    %c0_i32 = arith.constant 0 : i32
    %c0_i32_0 = arith.constant 0 : i32
    return %arg0, %c0_i32 : i32, i32
  }
  func.func @transform_1(%arg0: i32) -> (i32, i32) {
    %c0_i32 = arith.constant 0 : i32
    %c0_i32_0 = arith.constant 0 : i32
    return %arg0, %c0_i32 : i32, i32
  }
  func.func @transform_2(%arg0: i32) -> (i32, i32) {
    %c0_i32 = arith.constant 0 : i32
    %c0_i32_0 = arith.constant 0 : i32
    return %arg0, %c0_i32 : i32, i32
  }
  func.func @transform_3(%arg0: i32) -> (i32, i32) {
    %c0_i32 = arith.constant 0 : i32
    %c0_i32_0 = arith.constant 0 : i32
    %c0_i32_1 = arith.constant 0 : i32
    return %c0_i32, %c0_i32_0 : i32, i32
  }
  func.func @transform_4(%arg0: i32) -> (i32, i32) {
    %c0_i32 = arith.constant 0 : i32
    %c0_i32_0 = arith.constant 0 : i32
    return %arg0, %c0_i32 : i32, i32
  }
  func.func @transform_5(%arg0: i32) -> (i32, i32) {
    %c0_i32 = arith.constant 0 : i32
    %c0_i32_0 = arith.constant 0 : i32
    return %arg0, %c0_i32 : i32, i32
  }
  func.func @transform_6(%arg0: i32) -> (i32, i32) {
    %c0_i32 = arith.constant 0 : i32
    %c0_i32_0 = arith.constant 0 : i32
    return %arg0, %c0_i32 : i32, i32
  }
}

</mosaic_0001>

<sc_bundles>
// kernel: kernel.10.cloned.1.call-start
scs
__scs_entry_jumppad:
0x0: {  	(pc) =	sbr.rel $0x88, $3  }
0x1: {  	(tag) =	ssettag $0x0;
	lr =	simm.s32 $0x1  }
0x2: {  	[smem:$0x3F95] =	sst lr;
	_ =	strace $0xD0000000  }
0x3: {  	_ = 	snop  }
0x4: {  	_ = 	snop  }
0x5: {  	_ = 	snop  }
0x6: {  	_ = 	snop  }
0x7: {  	_ = 	snop  }
__scs_overlays_trampoline_lowered:
0x8: {  	[smem:$0x3FA4] =	sst s0  }
0x9: {  	[smem:$0x3FA5] =	sst s1  }
0xa: {  	[smem:$0x3FA6] =	sst s2  }
0xb: {  	[smem:$0x3FA7] =	sst s3  }
0xc: {  	[smem:$0x3FA8] =	sst s4  }
0xd: {  	[smem:$0x3FA9] =	sst s5  }
0xe: {  	[smem:$0x3FAA] =	sst s6  }
0xf: {  	[smem:$0x3FAB] =	sst s7  }
0x10: {  	[smem:$0x3FAC] =	sst s8  }
0x11: {  	[smem:$0x3FAD] =	sst s9;
	s0 =	simm.s32 @!p0 $0x0  }
0x12: {  	s1 =	sld [smem:$0x3F93];
	s0 =	simm.s32 @p0 $0x1  }
0x13: {  	[smem:$0x3FAE] =	sst s0;
	s0 =	simm.s32 @!p1 $0x0  }
0x14: {  	s2 =	sld [smem:$0x3F92];
	s0 =	simm.s32 @p1 $0x1  }
0x15: {  	[smem:$0x3FAF] =	sst s0;
	s0 =	simm.s32 @!p2 $0x0  }
0x16: {  	s3 =	sld [smem:$0x3FDB];
	s0 =	simm.s32 @p2 $0x1  }
0x17: {  	s4 =	simm.s32 $0x1BF5;
	[smem:$0x3FB1] =	sst s0  }
0x18: {  	s0 =	sld [smem:$0x3F94];
	_ =	swait.ge [sflag:s4], $0x0  }
0x19: {  	s7 =	sld [smem:$0x3F95]  }
0x1a: {  	s8 =	sadd.s32 $0xFFFFE003, lr  }
0x1b: {  	s9 =	sadd.s32 $0xFFFFFEF7, lr;
	s5 =	simm.s32 $0xFFFFFFFF;
	p2 =	slt.u32 s8, $0xFFFFF086  }
0x1c: {  	p1 =	slt.u32 s9, $0xF7A;
	s5 =	simm.s32 @!p2 $0x0  }
0x1d: {  	s5 =	simm.s32 @p1 $0x1;
	p0 =	seq.s32 s7, s2  }
0x1e: {  	s7 =	smul.u32 @!p0 $0xF7A, s2;
	p2 =	seq.s32 @!p0 s5, $0x0  }
0x1f: {  	s9 =	smul.u32 $0xF7A, s1;
	s8 =	simm.s32 @!p0 $0x1BF5;
	p2 =	por !p2, p0  }
0x20: {  	[sflag:s8] =	ssyncset.s32 @!p0 $0xFFFFF086;
	s6 =	sadd.s32 @!p0 s3, s7;
	s7 =	simm.s32 @!p0 $0x108  }
0x21: {  	s3 =	sadd.s32 s3, s9;
	s6 =	sadd.s32 @!p0 $0x88, s6;
	s7 =	simm.s32 @p2 $0x1082  }
0x22: {  	[simem:s7], [sflag:s8] =	dma.local @!p0 [hbm:s6], $0xF7A  }
0x23: {  	s9 =	sor.u32 $0xD0000000, s2;
	s6 =	simm.s32 $0x108;
	_ =	swait.ge @!p0 [sflag:s8], $0x0  }
0x24: {  	s3 =	sadd.s32 $0x88, s3;
	s6 =	simm.s32 @!p1 $0x1082;
	[sflag:s4] =	ssyncset.s32 $0xFFFFF086  }
0x25: {  	[simem:s6], [sflag:s4] =	dma.local [hbm:s3], $0xF7A  }
0x26: {  	[smem:$0x3F95] =	sst s1;
	(tag) =	ssettag s2;
	_ =	strace s9  }
0x27: {  	s1 =	sld [smem:$0x3FA5]  }
0x28: {  	s2 =	sld [smem:$0x3FA6]  }
0x29: {  	s4 =	sld [smem:$0x3FA8]  }
0x2a: {  	p0 =	seq.s32 s5, $0x0;
	s5 =	sld [smem:$0x3FA9]  }
0x2b: {  	s6 =	sld [smem:$0x3FAA]  }
0x2c: {  	s7 =	sld [smem:$0x3FAB]  }
0x2d: {  	s3 =	simm.s32 $0x108;
	s8 =	sld [smem:$0x3FAC]  }
0x2e: {  	s3 =	simm.s32 @!p0 $0x1082;
	s9 =	sld [smem:$0x3FAD]  }
0x2f: {  	lr =	sadd.s32 s0, s3;
	s0 =	sld [smem:$0x3FA4]  }
0x30: {  	s3 =	sld [smem:$0x3FA7]  }
0x31: {  	[smem:$0x3FB0] =	sst s10  }
0x32: {  	s10 =	sld [smem:$0x3FAE];
	_ =	sdelay $0x3  }
0x33: {  	p0 =	seq.s32 s10, $0x1;
	s10 =	sld [smem:$0x3FB0];
	_ =	sdelay $0x3  }
0x34: {  	[smem:$0x3FB0] =	sst s10  }
0x35: {  	s10 =	sld [smem:$0x3FAF];
	_ =	sdelay $0x3  }
0x36: {  	p1 =	seq.s32 s10, $0x1;
	s10 =	sld [smem:$0x3FB0];
	_ =	sdelay $0x3  }
0x37: {  	[smem:$0x3FB0] =	sst s10  }
0x38: {  	s10 =	sld [smem:$0x3FB1]  }
0x39: {  	_ = 	snop;
	(pc) =	sbr.ind lr, $3  }
0x3a: {  	_ = 	snop  }
0x3b: {  	_ = 	snop  }
0x3c: {  	p2 =	seq.s32 s10, $0x1;
	s10 =	sld [smem:$0x3FB0]  }
0x3d: {  	_ =	shalt  }
0x3e: {  	_ =	shalt  }
0x3f: {  	_ =	shalt  }
0x40: {  	_ =	shalt  }
0x41: {  	_ =	shalt  }
0x42: {  	_ =	shalt  }
0x43: {  	_ =	shalt  }
0x44: {  	_ =	shalt  }
0x45: {  	_ =	shalt  }
0x46: {  	_ =	shalt  }
0x47: {  	_ =	shalt  }
0x48: {  	_ =	shalt  }
0x49: {  	_ =	shalt  }
0x4a: {  	_ =	shalt  }
0x4b: {  	_ =	shalt  }
0x4c: {  	_ =	shalt  }
0x4d: {  	_ =	shalt  }
0x4e: {  	_ =	shalt  }
0x4f: {  	_ =	shalt  }
0x50: {  	_ =	shalt  }
0x51: {  	_ =	shalt  }
0x52: {  	_ =	shalt  }
0x53: {  	_ =	shalt  }
0x54: {  	_ =	shalt  }
0x55: {  	_ =	shalt  }
0x56: {  	_ =	shalt  }
0x57: {  	_ =	shalt  }
0x58: {  	_ =	shalt  }
0x59: {  	_ =	shalt  }
0x5a: {  	_ =	shalt  }
0x5b: {  	_ =	shalt  }
0x5c: {  	_ =	shalt  }
0x5d: {  	_ =	shalt  }
0x5e: {  	_ =	shalt  }
0x5f: {  	_ =	shalt  }
0x60: {  	_ =	shalt  }
0x61: {  	_ =	shalt  }
0x62: {  	_ =	shalt  }
0x63: {  	_ =	shalt  }
0x64: {  	_ =	shalt  }
0x65: {  	_ =	shalt  }
0x66: {  	_ =	shalt  }
0x67: {  	_ =	shalt  }
0x68: {  	_ =	shalt  }
0x69: {  	_ =	shalt  }
0x6a: {  	_ =	shalt  }
0x6b: {  	_ =	shalt  }
0x6c: {  	_ =	shalt  }
0x6d: {  	_ =	shalt  }
0x6e: {  	_ =	shalt  }
0x6f: {  	_ =	shalt  }
0x70: {  	_ =	shalt  }
0x71: {  	_ =	shalt  }
0x72: {  	_ =	shalt  }
0x73: {  	_ =	shalt  }
0x74: {  	_ =	shalt  }
0x75: {  	_ =	shalt  }
0x76: {  	_ =	shalt  }
0x77: {  	_ =	shalt  }
0x78: {  	_ =	shalt  }
0x79: {  	_ =	shalt  }
0x7a: {  	_ =	shalt  }
0x7b: {  	_ =	shalt  }
0x7c: {  	_ =	shalt  }
0x7d: {  	_ =	shalt  }
0x7e: {  	_ =	shalt  }
0x7f: {  	_ =	shalt  }
0x80: {  	_ =	shalt  }
0x81: {  	_ =	shalt  }
0x82: {  	_ =	shalt  }
0x83: {  	_ =	shalt  }
0x84: {  	_ =	shalt  }
0x85: {  	_ =	shalt  }
0x86: {  	_ =	shalt  }
0x87: {  	_ =	shalt  }
.Lfunc_end0:
.L_simem_size_0:
called_computation_lowered:
.L_overlay_start_0:
0x88: {  	s2 =	sld [smem:$0x3FD9]  }
0x89: {  	s3 =	sld [smem:$0x3FFE];
	_ =	sdelay $0x1  }
0x8a: {  	s1 =	srdreg.scid  }
0x8b: {  	s0 =	sand.u32 $0x1, s1  }
0x8c: {  	s17 =	sshll.u32 s0, $0xA;
	s2 =	sadd.s32 s3, s2  }
0x8d: {  	s2 =	sadd.s32 s2, s17  }
0x8e: {  	[smem:$0x3FBC] =	sst s2  }
0x8f: {  	_ = 	snop  }
0x90: {  	s2 =	sld [smem:$0x3FD0];
	(tm) =	ssettm $0x1  }
0x91: {  	s18 =	sld [smem:$0x3FFB];
	_ =	sdelay $0x3  }
0x92: {  	_ =	strace s18  }
0x93: {  	s3 =	sld [smem:$0x3FFC];
	_ =	sdelay $0x3  }
0x94: {  	_ =	strace s3  }
0x95: {  	s3 =	sld [smem:$0x3FFD];
	_ =	sdelay $0x3  }
0x96: {  	_ =	strace s3  }
0x97: {  	_ =	strace $0x8FFFFFFF  }
0x98: {  	s19 =	sld [smem:$0x3FDB];
	_ =	sdelay $0x1  }
0x99: {  	s4 =	simm.s32 $_scs_section_size  }
0x9a: {  	s5 =	simm.s32 $_size__tile_overlayer_lowered;
	s6 =	simm.s32 $_tile_overlayer_lowered  }
0x9b: {  	s22 =	simm.s32 $0x1BFF;
	s21 =	sshll.u32 s6, $0x1;
	s3 =	sadd.s32 s4, s19  }
0x9c: {  	s7 =	simm.s32 $0x0;
	s20 =	sshll.u32 s5, $0x1;
	s5 =	sadd.s32 s21, s3  }
0x9d: {  	[timem:s7], [sflag:s22] =	dma.local [hbm:s5], s20  }
0x9e: {  	_ =	swait.ge [sflag:s22], s20  }
0x9f: {  	s4 =	ssub.s32 $0x0, s20;
	[sflag:s22] =	ssyncset.done $0x0  }
0xa0: {  	[sflag:s22] =	ssyncadd.s32 s4;
	_ =	sdelay $0x1  }
0xa1: {  	s23 =	simm.s32 $0x1B8B  }
0xa2: {  	_ =	swait.ge [sflag:s23], $0x1  }
0xa3: {  	[sflag:s23] =	ssyncset.done $0x0  }
0xa4: {  	s25 =	simm.s32 $0x1B8E;
	s24 =	sld [smem:$0x3FFE];
	[sflag:s23] =	ssyncadd.s32 $0xFFFFFFFF  }
0xa5: {  	s26 =	simm.s32 $execute0_lowered;
	[smem:$0x3FD2] =	sst s25  }
0xa6: {  	s5 =	sshll.u32 s26, $0x1;
	_ =	strace $0x80000046;
	[dreg:$0x1] =	wrdreg $0xFFFFFFFF  }
0xa7: {  	s28 =	simm.s32 $_size_execute0_lowered;
	s3 =	sadd.s32 s3, s5;
	[dreg:$0x0] =	wrdreg $0x0  }
0xa8: {  	s5 =	sshll.u32 s28, $0x1;
	[dreg:$0x2] =	wrdreg s3  }
0xa9: {  	[dreg:$0x3] =	wrdreg s5  }
0xaa: {  	[dreg:$0x4] =	wrdreg $0xC0  }
0xab: {  	_ =	task [dreg:s7], $0x5FFFF  }
0xac: {  	[dreg:$0x1] =	wrdreg $0xFFFFFFFF  }
0xad: {  	[dreg:$0x0] =	wrdreg $0x60  }
0xae: {  	[dreg:$0x2] =	wrdreg s2  }
0xaf: {  	[dreg:$0x3] =	wrdreg s24  }
0xb0: {  	[dreg:$0x4] =	wrdreg $0x31000  }
0xb1: {  	[dreg:$0x5] =	wrdreg $0x9  }
0xb2: {  	_ =	task.clear_ibuf [dreg:s7], $0x6FFFF;
	_ =	strace $0x90000046  }
0xb3: {  	s29 =	simm.s32 $0x9;
	_ =	strace $0x80000048  }
0xb4: {  	_ =	swait.ge [sflag:s29], $0x1  }
0xb5: {  	[sflag:s29] =	ssyncadd.s32 $0xFFFFFFFF  }
0xb6: {  	_ =	strace $0x90000048  }
0xb7: {  	_ =	sfence  }
0xb8: {  	s30 =	sld [smem:$0x0];
	_ =	sdelay $0x2  }
0xb9: {  	s31 =	sshll.u32 s1, $0xD;
	s1 =	sshrl.u32 s1, $0x2  }
0xba: {  	s3 =	sand.u32 $0x4000, s31;
	s1 =	sadd.s32 s1, s30  }
0xbb: {  	s0 =	sor.u32 s3, s0;
	s1 =	sshll.u32 s1, $0x11  }
0xbc: {  	s0 =	sor.u32 s1, s0  }
0xbd: {  	s0 =	sadd.s32 $0x8F2B, s0  }
0xbe: {  	[sflag:s0] =	ssyncadd.remote.s32 $0x1  }
0xbf: {  	_ =	sfence.sel $0xFFFF  }
0xc0: {  	[dreg:$0x0] =	wrdreg $0xFFFFFFFF;
	(pc) =	sbr.abs _section_cstart, $3  }
0xc1: {  	[dreg:$0x1] =	wrdreg $0xFFFFFFFF  }
0xc2: {  	_ =	task.clear_ibuf [dreg:s7], $0x2FFFF;
	_ =	strace $0x9FFFFFFF  }
0xc3: {  	(tm) =	ssettm $0x7FFFFFFF  }
tec
execute0_lowered:
.L_overlay_start_1:
0x0: {  	(tag) =	ssettag $0x1  }
0x1: {  	s4 =	rddreg [dreg:$0x0]  }
0x2: {  	s5 =	rddreg [dreg:$0x1]  }
0x3: {  	s1 =	rddreg [dreg:$0x2]  }
0x4: {  	s0 =	rddreg [dreg:$0x3]  }
0x5: {  	s3 =	simm.s32 $0x0;
	s2 =	srdreg.scid;
	s11 =	simm.s32 $0x2800  }
0x6: {  	s14 =	simm.s32 $0x0;
	[smem:$0x7FF] =	sst s3;
	s6 =	sand.u32 $0x1, s2  }
0x7: {  	s2 =	stileid.u32;
	s7 =	smul.u32 $0x5000, s6;
	_ =	strace $0x80000047  }
0x8: {  	s8 =	smul.u32 $0x500, s2;
	s9 =	sshll.u32 s6, $0x4;
	s6 =	ssub.s32 $0x2, s6  }
0x9: {  	s10 =	smul.u32 $0xA000, s2;
	s12 =	sshll.u32 s2, $0x6;
	s9 =	sor.u32 s2, s9  }
0xa: {  	s30 =	sshrl.u32 s6, $0x1;
	s12 =	sor.u32 $0x1C01, s12;
	s7 =	sadd.s32 s8, s7  }
0xb: {  	s9 =	smul.u32 $0x500, s9;
	s8 =	ssub.s32 s6, s30;
	s31 =	sshrl.u32 s10, $0x2  }
0xc: {  	s10 =	simm.s32 $0x80;
	s7 =	sadd.s32 s7, s5;
	s5 =	sadd.s32 s31, s1  }
0xd: {  	s4 =	sadd.s32 s4, s9;
	s6 =	sadd.s32 $0x3A00, s7;
	s7 =	smax.u32 s8, $0x1  }
0xe: {  	v0 =	vimm.f32 $0.0e+00;
	v1 =	vimm.f32 $1.000000000e+00;
	s8 =	simm.s32 $0x1;
	s9 =	simm.s32 $0x3000;
	s13 =	sshrl.u32 s5, $0x3  }
.LBB2_1:
0xf: {  	[tilespmem:$0x3000] =	vst v0  }
0x10: {  	[tilespmem:$0x3010] =	vst v0  }
0x11: {  	[tilespmem:$0x3020] =	vst v0  }
0x12: {  	[tilespmem:$0x3030] =	vst v0  }
0x13: {  	[tilespmem:$0x3040] =	vst v0  }
0x14: {  	[tilespmem:$0x3050] =	vst v0  }
0x15: {  	[tilespmem:$0x3060] =	vst v0  }
0x16: {  	[tilespmem:$0x3070] =	vst v0  }
0x17: {  	[tilespmem:$0x3080] =	vst v0  }
0x18: {  	[tilespmem:$0x3090] =	vst v0  }
0x19: {  	[tilespmem:$0x30A0] =	vst v0  }
0x1a: {  	[tilespmem:$0x30B0] =	vst v0  }
0x1b: {  	[tilespmem:$0x30C0] =	vst v0  }
0x1c: {  	[tilespmem:$0x30D0] =	vst v0  }
0x1d: {  	[tilespmem:$0x30E0] =	vst v0  }
0x1e: {  	[tilespmem:$0x30F0] =	vst v0  }
0x1f: {  	[tilespmem:$0x2800] =	vst v1  }
0x20: {  	[tilespmem:$0x2810] =	vst v1  }
0x21: {  	[tilespmem:$0x2820] =	vst v1  }
0x22: {  	[tilespmem:$0x2830] =	vst v1  }
0x23: {  	[tilespmem:$0x2840] =	vst v1  }
0x24: {  	[tilespmem:$0x2850] =	vst v1  }
0x25: {  	[tilespmem:$0x2860] =	vst v1  }
0x26: {  	[tilespmem:$0x2870] =	vst v1  }
0x27: {  	[tilespmem:$0x2880] =	vst v1  }
0x28: {  	[tilespmem:$0x2890] =	vst v1  }
0x29: {  	[tilespmem:$0x28A0] =	vst v1  }
0x2a: {  	[tilespmem:$0x28B0] =	vst v1  }
0x2b: {  	[tilespmem:$0x28C0] =	vst v1  }
0x2c: {  	[tilespmem:$0x28D0] =	vst v1  }
0x2d: {  	[tilespmem:$0x28E0] =	vst v1  }
0x2e: {  	[tilespmem:$0x28F0] =	vst v1  }
0x2f: {  	[tilespmem:$0x2900] =	vst v1  }
0x30: {  	[tilespmem:$0x2910] =	vst v1  }
0x31: {  	[tilespmem:$0x2920] =	vst v1  }
0x32: {  	[tilespmem:$0x2930] =	vst v1  }
0x33: {  	[tilespmem:$0x2940] =	vst v1  }
0x34: {  	[tilespmem:$0x2950] =	vst v1  }
0x35: {  	[tilespmem:$0x2960] =	vst v1  }
0x36: {  	[tilespmem:$0x2970] =	vst v1  }
0x37: {  	[tilespmem:$0x2980] =	vst v1  }
0x38: {  	[tilespmem:$0x2990] =	vst v1  }
0x39: {  	[tilespmem:$0x29A0] =	vst v1  }
0x3a: {  	[tilespmem:$0x29B0] =	vst v1  }
0x3b: {  	[tilespmem:$0x29C0] =	vst v1  }
0x3c: {  	[tilespmem:$0x29D0] =	vst v1  }
0x3d: {  	[tilespmem:$0x29E0] =	vst v1  }
0x3e: {  	[tilespmem:$0x29F0] =	vst v1  }
0x3f: {  	[tilespmem:$0x2A00] =	vst v1  }
0x40: {  	[tilespmem:$0x2A10] =	vst v1  }
0x41: {  	[tilespmem:$0x2A20] =	vst v1  }
0x42: {  	[tilespmem:$0x2A30] =	vst v1  }
0x43: {  	[tilespmem:$0x2A40] =	vst v1  }
0x44: {  	[tilespmem:$0x2A50] =	vst v1  }
0x45: {  	[tilespmem:$0x2A60] =	vst v1  }
0x46: {  	[tilespmem:$0x2A70] =	vst v1  }
0x47: {  	[tilespmem:$0x2A80] =	vst v1  }
0x48: {  	[tilespmem:$0x2A90] =	vst v1  }
0x49: {  	[tilespmem:$0x2AA0] =	vst v1  }
0x4a: {  	[tilespmem:$0x2AB0] =	vst v1  }
0x4b: {  	[tilespmem:$0x2AC0] =	vst v1  }
0x4c: {  	[tilespmem:$0x2AD0] =	vst v1  }
0x4d: {  	[tilespmem:$0x2AE0] =	vst v1  }
0x4e: {  	[tilespmem:$0x2AF0] =	vst v1  }
0x4f: {  	[tilespmem:$0x2B00] =	vst v1  }
0x50: {  	[tilespmem:$0x2B10] =	vst v1  }
0x51: {  	[tilespmem:$0x2B20] =	vst v1  }
0x52: {  	[tilespmem:$0x2B30] =	vst v1  }
0x53: {  	[tilespmem:$0x2B40] =	vst v1  }
0x54: {  	[tilespmem:$0x2B50] =	vst v1  }
0x55: {  	[tilespmem:$0x2B60] =	vst v1  }
0x56: {  	[tilespmem:$0x2B70] =	vst v1  }
0x57: {  	[tilespmem:$0x2B80] =	vst v1  }
0x58: {  	[tilespmem:$0x2B90] =	vst v1  }
0x59: {  	[tilespmem:$0x2BA0] =	vst v1  }
0x5a: {  	[tilespmem:$0x2BB0] =	vst v1  }
0x5b: {  	[tilespmem:$0x2BC0] =	vst v1  }
0x5c: {  	[tilespmem:$0x2BD0] =	vst v1  }
0x5d: {  	[tilespmem:$0x2BE0] =	vst v1  }
0x5e: {  	[tilespmem:$0x2BF0] =	vst v1  }
0x5f: {  	[tilespmem:$0x2C00] =	vst v1  }
0x60: {  	[tilespmem:$0x2C10] =	vst v1  }
0x61: {  	[tilespmem:$0x2C20] =	vst v1  }
0x62: {  	[tilespmem:$0x2C30] =	vst v1  }
0x63: {  	[tilespmem:$0x2C40] =	vst v1  }
0x64: {  	[tilespmem:$0x2C50] =	vst v1  }
0x65: {  	[tilespmem:$0x2C60] =	vst v1  }
0x66: {  	[tilespmem:$0x2C70] =	vst v1  }
0x67: {  	[tilespmem:$0x2C80] =	vst v1  }
0x68: {  	[tilespmem:$0x2C90] =	vst v1  }
0x69: {  	[tilespmem:$0x2CA0] =	vst v1  }
0x6a: {  	[tilespmem:$0x2CB0] =	vst v1  }
0x6b: {  	[tilespmem:$0x2CC0] =	vst v1  }
0x6c: {  	[tilespmem:$0x2CD0] =	vst v1  }
0x6d: {  	[tilespmem:$0x2CE0] =	vst v1  }
0x6e: {  	[tilespmem:$0x2CF0] =	vst v1  }
0x6f: {  	[tilespmem:$0x2D00] =	vst v1  }
0x70: {  	[tilespmem:$0x2D10] =	vst v1  }
0x71: {  	[tilespmem:$0x2D20] =	vst v1  }
0x72: {  	[tilespmem:$0x2D30] =	vst v1  }
0x73: {  	[tilespmem:$0x2D40] =	vst v1  }
0x74: {  	[tilespmem:$0x2D50] =	vst v1  }
0x75: {  	[tilespmem:$0x2D60] =	vst v1  }
0x76: {  	[tilespmem:$0x2D70] =	vst v1  }
0x77: {  	[tilespmem:$0x2D80] =	vst v1  }
0x78: {  	[tilespmem:$0x2D90] =	vst v1  }
0x79: {  	[tilespmem:$0x2DA0] =	vst v1  }
0x7a: {  	[tilespmem:$0x2DB0] =	vst v1  }
0x7b: {  	[tilespmem:$0x2DC0] =	vst v1  }
0x7c: {  	[tilespmem:$0x2DD0] =	vst v1  }
0x7d: {  	[tilespmem:$0x2DE0] =	vst v1  }
0x7e: {  	[tilespmem:$0x2DF0] =	vst v1  }
0x7f: {  	[tilespmem:$0x2E00] =	vst v1  }
0x80: {  	[tilespmem:$0x2E10] =	vst v1  }
0x81: {  	[tilespmem:$0x2E20] =	vst v1  }
0x82: {  	[tilespmem:$0x2E30] =	vst v1  }
0x83: {  	[tilespmem:$0x2E40] =	vst v1  }
0x84: {  	[tilespmem:$0x2E50] =	vst v1  }
0x85: {  	[tilespmem:$0x2E60] =	vst v1  }
0x86: {  	[tilespmem:$0x2E70] =	vst v1  }
0x87: {  	[tilespmem:$0x2E80] =	vst v1  }
0x88: {  	[tilespmem:$0x2E90] =	vst v1  }
0x89: {  	[tilespmem:$0x2EA0] =	vst v1  }
0x8a: {  	[tilespmem:$0x2EB0] =	vst v1  }
0x8b: {  	[tilespmem:$0x2EC0] =	vst v1  }
0x8c: {  	[tilespmem:$0x2ED0] =	vst v1  }
0x8d: {  	[tilespmem:$0x2EE0] =	vst v1  }
0x8e: {  	[tilespmem:$0x2EF0] =	vst v1  }
0x8f: {  	[tilespmem:$0x2F00] =	vst v1  }
0x90: {  	[tilespmem:$0x2F10] =	vst v1  }
0x91: {  	[tilespmem:$0x2F20] =	vst v1  }
0x92: {  	[tilespmem:$0x2F30] =	vst v1  }
0x93: {  	[tilespmem:$0x2F40] =	vst v1  }
0x94: {  	[tilespmem:$0x2F50] =	vst v1  }
0x95: {  	[tilespmem:$0x2F60] =	vst v1  }
0x96: {  	[tilespmem:$0x2F70] =	vst v1  }
0x97: {  	[tilespmem:$0x2F80] =	vst v1  }
0x98: {  	[tilespmem:$0x2F90] =	vst v1  }
0x99: {  	[tilespmem:$0x2FA0] =	vst v1  }
0x9a: {  	[tilespmem:$0x2FB0] =	vst v1  }
0x9b: {  	[tilespmem:$0x2FC0] =	vst v1  }
0x9c: {  	[tilespmem:$0x2FD0] =	vst v1  }
0x9d: {  	[tilespmem:$0x2FE0] =	vst v1  }
0x9e: {  	[tilespmem:$0x2FF0] =	vst v1  }
0x9f: {  	[tilespmem:s3], [sflag:$0x1] =	stream.linear.gather [hbm4b:s4+s3], $0x2800, $0x38;
	[tilespmem:$0x5900] =	vst v63  }
0xa0: {  	_ =	swait.ge [sflag:s8], $0x2800  }
0xa1: {  	[sflag:s8] =	ssyncset.done $0x0  }
0xa2: {  	s15 =	sadd.s32 $0x0, s5;
	[sflag:s8] =	ssyncadd.s32 $0xFFFFD800  }
0xa3: {  	[spmem:s15] =	stream.linear.scatter [tilespmem:s9], [sflag:$0x1], $0x100, $0x38;
	[tilespmem:$0x5900] =	vst v63  }
0xa4: {  	s15 =	simm.s32 $0x400;
	_ =	swait.ge [sflag:s8], $0x100  }
.LBB2_2:
0xa5: {  	s16 =	sshra.s32 s15, $0x2;
	[sflag:s8] =	ssyncset.done $0x0;
	p0 =	sne.s32 s15, $0x9C00  }
.Ltmp0:
0xa6: {  	s16 =	sadd.s32 s16, s5;
	[sflag:s8] =	ssyncadd.s32 $0xFFFFFF00;
	(pc) =	sbr.rel @p0 .LBB2_2-.Ltmp0, $3  }
0xa7: {  	[spmem:s16] =	stream.linear.scatter [tilespmem:s9], [sflag:$0x1], $0x100, $0x38;
	[tilespmem:$0x5900] =	vst v63  }
0xa8: {  	s15 =	sadd.s32 $0x400, s15;
	_ =	sdelay $0x1  }
0xa9: {  	_ =	swait.ge [sflag:s8], $0x100  }
0xaa: {  	[sflag:s8] =	ssyncset.done $0x0  }
0xab: {  	[sflag:s8] =	ssyncadd.s32 $0xFFFFFF00  }
0xac: {  	s15 =	simm.s32 $0x0;
	[bflag:$0x0] =	sbarrier.arrive $0xFFFF  }
0xad: {  	[spmem:s1] =	stream.indirect.scatter.add.f32 [tilespmem:s11], [sflag:$0x1], $0x10, s15, s10, $0xb8;
	[tilespmem:$0x5900] =	vst v63  }
0xae: {  	_ =	swait.ge [sflag:s8], $0x800  }
0xaf: {  	s15 =	simm.s32 $0x200;
	[sflag:s8] =	ssyncset.done $0x0  }
.LBB2_4:
0xb0: {  	s16 =	sshra.s32 s15, $0x2;
	[sflag:s8] =	ssyncadd.s32 $0xFFFFF800;
	p0 =	sne.s32 s15, $0x9E00  }
0xb1: {  	[spmem:s1] =	stream.indirect.scatter.add.f32 [tilespmem:s11], [sflag:$0x1], $0x10, s16, s10, $0xb8;
	[tilespmem:$0x5900] =	vst v63  }
.Ltmp1:
0xb2: {  	_ = 	snop;
	(pc) =	sbr.rel @p0 .LBB2_4-.Ltmp1, $4  }
0xb3: {  	_ = 	snop  }
0xb4: {  	s15 =	sadd.s32 $0x200, s15  }
0xb5: {  	_ =	swait.ge [sflag:s8], $0x800  }
0xb6: {  	[sflag:s8] =	ssyncset.done $0x0  }
0xb7: {  	s14 =	sadd.s32 $0x1, s14  }
0xb8: {  	[sflag:s8] =	ssyncadd.s32 $0xFFFFF800;
	p0 =	sne.s32 s14, s7  }
.Ltmp2:
0xb9: {  	[bflag:$0x0] =	sbarrier.arrive $0xFFFF;
	(pc) =	sbr.rel @p0 .LBB2_1-.Ltmp2, $4  }
0xba: {  	[hbm:s6], [sflag:s12] =	dma.local [spmem:s13], $0x500  }
0xbb: {  	_ =	swait.ge [sflag:s8], $0x500  }
0xbc: {  	[sflag:s8] =	ssyncset.done $0x0  }
0xbd: {  	[sflag:s8] =	ssyncadd.s32 $0xFFFFFB00  }
0xbe: {  	_ =	sfence.sel $0x180000  }
0xbf: {  	[bflag:$0x0] =	sbarrier.arrive $0xFFFF  }
0xc0: {  	p0 =	sne.s32 s2, $0x0;
	_ =	strace $0x90000047  }
0xc1: {  	s0 =	sadd.s32 @!p0 $0x100000, s0;
	[bflag:$0x2] =	sbarrier.arrive $0xFFFF  }
0xc2: {  	[sflag:s0] =	ssyncadd.tile.s32 @!p0 $0x1;
	_ =	shalt  }
.Lfunc_end2:
_tile_overlayer_lowered:
.L_overlay_start_2:
0xc3: {  	(tag) =	ssettag $0x2  }
0xc4: {  	s0 =	rddreg [dreg:$0x0];
	s2 =	stileid.u32  }
0xc5: {  	s1 =	rddreg [dreg:$0x1];
	p0 =	sne.s32 s2, $0x0  }
0xc6: {  	s3 =	rddreg [dreg:$0x2];
	[bflag:$0x3] =	sbarrier.arrive $0xFFFF;
	s2 =	simm.s32 @!p0 $0x1C01  }
0xc7: {  	[timem:s3], [sflag:s2] =	dma.local @!p0 [hbm:s0], s1  }
0xc8: {  	s0 =	simm.s32 @!p0 $0x1  }
0xc9: {  	_ =	swait.ge @!p0 [sflag:s0], s1  }
0xca: {  	s1 =	ssub.s32 @!p0 $0x0, s1;
	[sflag:s0] =	ssyncset.done @!p0 $0x0  }
0xcb: {  	[sflag:s0] =	ssyncadd.s32 @!p0 s1  }
0xcc: {  	[bflag:$0x3] =	sbarrier.arrive $0xFFFF  }
0xcd: {  	_ =	shalt  }

// kernel: kernel.13.cloned.1.call-start
scs
__scs_entry_jumppad:
0x0: {  	(pc) =	sbr.rel $0x88, $3  }
0x1: {  	(tag) =	ssettag $0x0;
	lr =	simm.s32 $0x1  }
0x2: {  	[smem:$0x3F95] =	sst lr;
	_ =	strace $0xD0000000  }
0x3: {  	_ = 	snop  }
0x4: {  	_ = 	snop  }
0x5: {  	_ = 	snop  }
0x6: {  	_ = 	snop  }
0x7: {  	_ = 	snop  }
__scs_overlays_trampoline_lowered:
0x8: {  	[smem:$0x3FA4] =	sst s0  }
0x9: {  	[smem:$0x3FA5] =	sst s1  }
0xa: {  	[smem:$0x3FA6] =	sst s2  }
0xb: {  	[smem:$0x3FA7] =	sst s3  }
0xc: {  	[smem:$0x3FA8] =	sst s4  }
0xd: {  	[smem:$0x3FA9] =	sst s5  }
0xe: {  	[smem:$0x3FAA] =	sst s6  }
0xf: {  	[smem:$0x3FAB] =	sst s7  }
0x10: {  	[smem:$0x3FAC] =	sst s8  }
0x11: {  	[smem:$0x3FAD] =	sst s9;
	s0 =	simm.s32 @!p0 $0x0  }
0x12: {  	s1 =	sld [smem:$0x3F93];
	s0 =	simm.s32 @p0 $0x1  }
0x13: {  	[smem:$0x3FAE] =	sst s0;
	s0 =	simm.s32 @!p1 $0x0  }
0x14: {  	s2 =	sld [smem:$0x3F92];
	s0 =	simm.s32 @p1 $0x1  }
0x15: {  	[smem:$0x3FAF] =	sst s0;
	s0 =	simm.s32 @!p2 $0x0  }
0x16: {  	s3 =	sld [smem:$0x3FDB];
	s0 =	simm.s32 @p2 $0x1  }
0x17: {  	s4 =	simm.s32 $0x1BF5;
	[smem:$0x3FB1] =	sst s0  }
0x18: {  	s0 =	sld [smem:$0x3F94];
	_ =	swait.ge [sflag:s4], $0x0  }
0x19: {  	s7 =	sld [smem:$0x3F95]  }
0x1a: {  	s8 =	sadd.s32 $0xFFFFE003, lr  }
0x1b: {  	s9 =	sadd.s32 $0xFFFFFEF7, lr;
	s5 =	simm.s32 $0xFFFFFFFF;
	p2 =	slt.u32 s8, $0xFFFFF086  }
0x1c: {  	p1 =	slt.u32 s9, $0xF7A;
	s5 =	simm.s32 @!p2 $0x0  }
0x1d: {  	s5 =	simm.s32 @p1 $0x1;
	p0 =	seq.s32 s7, s2  }
0x1e: {  	s7 =	smul.u32 @!p0 $0xF7A, s2;
	p2 =	seq.s32 @!p0 s5, $0x0  }
0x1f: {  	s9 =	smul.u32 $0xF7A, s1;
	s8 =	simm.s32 @!p0 $0x1BF5;
	p2 =	por !p2, p0  }
0x20: {  	[sflag:s8] =	ssyncset.s32 @!p0 $0xFFFFF086;
	s6 =	sadd.s32 @!p0 s3, s7;
	s7 =	simm.s32 @!p0 $0x108  }
0x21: {  	s3 =	sadd.s32 s3, s9;
	s6 =	sadd.s32 @!p0 $0x88, s6;
	s7 =	simm.s32 @p2 $0x1082  }
0x22: {  	[simem:s7], [sflag:s8] =	dma.local @!p0 [hbm:s6], $0xF7A  }
0x23: {  	s9 =	sor.u32 $0xD0000000, s2;
	s6 =	simm.s32 $0x108;
	_ =	swait.ge @!p0 [sflag:s8], $0x0  }
0x24: {  	s3 =	sadd.s32 $0x88, s3;
	s6 =	simm.s32 @!p1 $0x1082;
	[sflag:s4] =	ssyncset.s32 $0xFFFFF086  }
0x25: {  	[simem:s6], [sflag:s4] =	dma.local [hbm:s3], $0xF7A  }
0x26: {  	[smem:$0x3F95] =	sst s1;
	(tag) =	ssettag s2;
	_ =	strace s9  }
0x27: {  	s1 =	sld [smem:$0x3FA5]  }
0x28: {  	s2 =	sld [smem:$0x3FA6]  }
0x29: {  	s4 =	sld [smem:$0x3FA8]  }
0x2a: {  	p0 =	seq.s32 s5, $0x0;
	s5 =	sld [smem:$0x3FA9]  }
0x2b: {  	s6 =	sld [smem:$0x3FAA]  }
0x2c: {  	s7 =	sld [smem:$0x3FAB]  }
0x2d: {  	s3 =	simm.s32 $0x108;
	s8 =	sld [smem:$0x3FAC]  }
0x2e: {  	s3 =	simm.s32 @!p0 $0x1082;
	s9 =	sld [smem:$0x3FAD]  }
0x2f: {  	lr =	sadd.s32 s0, s3;
	s0 =	sld [smem:$0x3FA4]  }
0x30: {  	s3 =	sld [smem:$0x3FA7]  }
0x31: {  	[smem:$0x3FB0] =	sst s10  }
0x32: {  	s10 =	sld [smem:$0x3FAE];
	_ =	sdelay $0x3  }
0x33: {  	p0 =	seq.s32 s10, $0x1;
	s10 =	sld [smem:$0x3FB0];
	_ =	sdelay $0x3  }
0x34: {  	[smem:$0x3FB0] =	sst s10  }
0x35: {  	s10 =	sld [smem:$0x3FAF];
	_ =	sdelay $0x3  }
0x36: {  	p1 =	seq.s32 s10, $0x1;
	s10 =	sld [smem:$0x3FB0];
	_ =	sdelay $0x3  }
0x37: {  	[smem:$0x3FB0] =	sst s10  }
0x38: {  	s10 =	sld [smem:$0x3FB1]  }
0x39: {  	_ = 	snop;
	(pc) =	sbr.ind lr, $3  }
0x3a: {  	_ = 	snop  }
0x3b: {  	_ = 	snop  }
0x3c: {  	p2 =	seq.s32 s10, $0x1;
	s10 =	sld [smem:$0x3FB0]  }
0x3d: {  	_ =	shalt  }
0x3e: {  	_ =	shalt  }
0x3f: {  	_ =	shalt  }
0x40: {  	_ =	shalt  }
0x41: {  	_ =	shalt  }
0x42: {  	_ =	shalt  }
0x43: {  	_ =	shalt  }
0x44: {  	_ =	shalt  }
0x45: {  	_ =	shalt  }
0x46: {  	_ =	shalt  }
0x47: {  	_ =	shalt  }
0x48: {  	_ =	shalt  }
0x49: {  	_ =	shalt  }
0x4a: {  	_ =	shalt  }
0x4b: {  	_ =	shalt  }
0x4c: {  	_ =	shalt  }
0x4d: {  	_ =	shalt  }
0x4e: {  	_ =	shalt  }
0x4f: {  	_ =	shalt  }
0x50: {  	_ =	shalt  }
0x51: {  	_ =	shalt  }
0x52: {  	_ =	shalt  }
0x53: {  	_ =	shalt  }
0x54: {  	_ =	shalt  }
0x55: {  	_ =	shalt  }
0x56: {  	_ =	shalt  }
0x57: {  	_ =	shalt  }
0x58: {  	_ =	shalt  }
0x59: {  	_ =	shalt  }
0x5a: {  	_ =	shalt  }
0x5b: {  	_ =	shalt  }
0x5c: {  	_ =	shalt  }
0x5d: {  	_ =	shalt  }
0x5e: {  	_ =	shalt  }
0x5f: {  	_ =	shalt  }
0x60: {  	_ =	shalt  }
0x61: {  	_ =	shalt  }
0x62: {  	_ =	shalt  }
0x63: {  	_ =	shalt  }
0x64: {  	_ =	shalt  }
0x65: {  	_ =	shalt  }
0x66: {  	_ =	shalt  }
0x67: {  	_ =	shalt  }
0x68: {  	_ =	shalt  }
0x69: {  	_ =	shalt  }
0x6a: {  	_ =	shalt  }
0x6b: {  	_ =	shalt  }
0x6c: {  	_ =	shalt  }
0x6d: {  	_ =	shalt  }
0x6e: {  	_ =	shalt  }
0x6f: {  	_ =	shalt  }
0x70: {  	_ =	shalt  }
0x71: {  	_ =	shalt  }
0x72: {  	_ =	shalt  }
0x73: {  	_ =	shalt  }
0x74: {  	_ =	shalt  }
0x75: {  	_ =	shalt  }
0x76: {  	_ =	shalt  }
0x77: {  	_ =	shalt  }
0x78: {  	_ =	shalt  }
0x79: {  	_ =	shalt  }
0x7a: {  	_ =	shalt  }
0x7b: {  	_ =	shalt  }
0x7c: {  	_ =	shalt  }
0x7d: {  	_ =	shalt  }
0x7e: {  	_ =	shalt  }
0x7f: {  	_ =	shalt  }
0x80: {  	_ =	shalt  }
0x81: {  	_ =	shalt  }
0x82: {  	_ =	shalt  }
0x83: {  	_ =	shalt  }
0x84: {  	_ =	shalt  }
0x85: {  	_ =	shalt  }
0x86: {  	_ =	shalt  }
0x87: {  	_ =	shalt  }
.Lfunc_end0:
.L_simem_size_0:
called_computation.1_lowered:
.L_overlay_start_0:
0x88: {  	s2 =	sld [smem:$0x3FD9]  }
0x89: {  	s3 =	sld [smem:$0x3FFE];
	_ =	sdelay $0x1  }
0x8a: {  	s1 =	srdreg.scid  }
0x8b: {  	s0 =	sand.u32 $0x1, s1  }
0x8c: {  	s16 =	sshll.u32 s0, $0xA;
	s2 =	sadd.s32 s3, s2  }
0x8d: {  	s2 =	sadd.s32 s2, s16  }
0x8e: {  	[smem:$0x3FBC] =	sst s2  }
0x8f: {  	_ = 	snop  }
0x90: {  	(tm) =	ssettm $0x1  }
0x91: {  	s17 =	sld [smem:$0x3FFB];
	_ =	sdelay $0x3  }
0x92: {  	_ =	strace s17  }
0x93: {  	s2 =	sld [smem:$0x3FFC];
	_ =	sdelay $0x3  }
0x94: {  	_ =	strace s2  }
0x95: {  	s2 =	sld [smem:$0x3FFD];
	_ =	sdelay $0x3  }
0x96: {  	_ =	strace s2  }
0x97: {  	_ =	strace $0x8FFFFFFF  }
0x98: {  	s18 =	sld [smem:$0x3FDB];
	_ =	sdelay $0x1  }
0x99: {  	s19 =	simm.s32 $_scs_section_size  }
0x9a: {  	s4 =	simm.s32 $_size__tile_overlayer_lowered;
	s5 =	simm.s32 $_tile_overlayer_lowered  }
0x9b: {  	s22 =	simm.s32 $0x1BFF;
	s21 =	sshll.u32 s5, $0x1;
	s2 =	sadd.s32 s19, s18  }
0x9c: {  	s6 =	simm.s32 $0x0;
	s20 =	sshll.u32 s4, $0x1;
	s4 =	sadd.s32 s21, s2  }
0x9d: {  	[timem:s6], [sflag:s22] =	dma.local [hbm:s4], s20  }
0x9e: {  	_ =	swait.ge [sflag:s22], s20  }
0x9f: {  	s3 =	ssub.s32 $0x0, s20;
	[sflag:s22] =	ssyncset.done $0x0  }
0xa0: {  	[sflag:s22] =	ssyncadd.s32 s3;
	_ =	sdelay $0x1  }
0xa1: {  	s23 =	simm.s32 $0x1B8B  }
0xa2: {  	_ =	swait.ge [sflag:s23], $0x1  }
0xa3: {  	[sflag:s23] =	ssyncset.done $0x0  }
0xa4: {  	s25 =	simm.s32 $0x1B8E;
	s24 =	sld [smem:$0x3FFE];
	[sflag:s23] =	ssyncadd.s32 $0xFFFFFFFF  }
0xa5: {  	s26 =	simm.s32 $execute0_lowered;
	[smem:$0x3FD2] =	sst s25  }
0xa6: {  	s4 =	sshll.u32 s26, $0x1;
	_ =	strace $0x80000049;
	[dreg:$0x1] =	wrdreg $0xFFFFFFFF  }
0xa7: {  	s28 =	simm.s32 $_size_execute0_lowered;
	s2 =	sadd.s32 s2, s4;
	[dreg:$0x0] =	wrdreg $0x0  }
0xa8: {  	s4 =	sshll.u32 s28, $0x1;
	[dreg:$0x2] =	wrdreg s2  }
0xa9: {  	[dreg:$0x3] =	wrdreg s4  }
0xaa: {  	[dreg:$0x4] =	wrdreg $0xC0  }
0xab: {  	_ =	task [dreg:s6], $0x5FFFF  }
0xac: {  	[dreg:$0x1] =	wrdreg $0xFFFFFFFF  }
0xad: {  	[dreg:$0x0] =	wrdreg $0x60  }
0xae: {  	[dreg:$0x2] =	wrdreg s24  }
0xaf: {  	[dreg:$0x3] =	wrdreg $0x4A000  }
0xb0: {  	[dreg:$0x4] =	wrdreg $0x9  }
0xb1: {  	_ =	task.clear_ibuf [dreg:s6], $0x5FFFF;
	_ =	strace $0x90000049  }
0xb2: {  	s29 =	simm.s32 $0x9;
	_ =	strace $0x8000004B  }
0xb3: {  	_ =	swait.ge [sflag:s29], $0x1  }
0xb4: {  	[sflag:s29] =	ssyncadd.s32 $0xFFFFFFFF  }
0xb5: {  	_ =	strace $0x9000004B  }
0xb6: {  	_ =	sfence  }
0xb7: {  	s30 =	sld [smem:$0x0];
	_ =	sdelay $0x2  }
0xb8: {  	s31 =	sshll.u32 s1, $0xD;
	s1 =	sshrl.u32 s1, $0x2  }
0xb9: {  	s3 =	sand.u32 $0x4000, s31;
	s1 =	sadd.s32 s1, s30  }
0xba: {  	s0 =	sor.u32 s3, s0;
	s1 =	sshll.u32 s1, $0x11  }
0xbb: {  	s0 =	sor.u32 s1, s0  }
0xbc: {  	s0 =	sadd.s32 $0x8F2B, s0  }
0xbd: {  	[sflag:s0] =	ssyncadd.remote.s32 $0x1  }
0xbe: {  	_ =	sfence.sel $0xFFFF  }
0xbf: {  	[dreg:$0x0] =	wrdreg $0xFFFFFFFF;
	(pc) =	sbr.abs _section_cstart, $3  }
0xc0: {  	[dreg:$0x1] =	wrdreg $0xFFFFFFFF  }
0xc1: {  	_ =	task.clear_ibuf [dreg:s6], $0x2FFFF;
	_ =	strace $0x9FFFFFFF  }
0xc2: {  	(tm) =	ssettm $0x7FFFFFFF  }
0xc3: {  	_ =	shalt  }
tec
execute0_lowered:
.L_overlay_start_1:
0x0: {  	(tag) =	ssettag $0x1  }
0x1: {  	s5 =	rddreg [dreg:$0x0]  }
0x2: {  	s2 =	rddreg [dreg:$0x1]  }
0x3: {  	s0 =	rddreg [dreg:$0x2]  }
0x4: {  	s1 =	stileid.u32;
	s4 =	srdreg.scid  }
0x5: {  	s3 =	simm.s32 $0x0;
	s13 =	simm.s32 $0x4;
	s14 =	simm.s32 $0x2  }
0x6: {  	s15 =	simm.s32 $0x100;
	s16 =	simm.s32 $0x80;
	s6 =	smul.u32 $0x1A, s1  }
0x7: {  	s17 =	simm.s32 $0x200;
	s18 =	simm.s32 $0x1;
	s7 =	smul.u32 $0x86, s1  }
0x8: {  	s19 =	simm.s32 $0x3;
	s20 =	simm.s32 $0x180;
	s8 =	smul.u32 $0x2800, s1  }
0x9: {  	s21 =	simm.s32 $0x0;
	s4 =	sand.u32 $0x1, s4;
	s9 =	smul.u32 $0x50000, s1  }
0xa: {  	[smem:$0x7FF] =	sst s3;
	p0 =	seq.s32 s4, $0x0;
	s28 =	smul.u32 $0x28000, s4  }
0xb: {  	_ =	strace $0x8000004A;
	s29 =	ssub.s32 $0x2, s4;
	s4 =	sadd.s32 $0x70000, s5  }
0xc: {  	s6 =	sadd.s32 $0x860, s6;
	s30 =	sshrl.u32 s29, $0x1;
	s31 =	sshrl.u32 s9, $0x2  }
0xd: {  	s6 =	smov.u32 @p0 s7;
	s7 =	sadd.s32 s8, s28;
	s12 =	ssub.s32 s29, s30  }
0xe: {  	s6 =	sshll.u32 s6, $0x5;
	s10 =	sadd.s32 s7, s5;
	s7 =	simm.s32 $0x43  }
0xf: {  	s9 =	smax.u32 s12, $0x1;
	s12 =	simm.s32 $0x4200;
	s11 =	sadd.s32 s6, s5  }
0x10: {  	s5 =	sadd.s32 s31, s2;
	s7 =	simm.s32 @!p0 $0xD;
	s8 =	sadd.s32 $0x97200, s10  }
0x11: {  	v0 =	vimm.f32 $0.0e+00;
	s6 =	sadd.s32 $0xDA00, s11;
	s10 =	sadd.s32 $0xDA40, s11;
	s11 =	sadd.s32 $0xDA20, s11  }
.LBB2_1:
0x12: {  	[tilespmem:$0x4200] =	vst v0  }
0x13: {  	[tilespmem:$0x4210] =	vst v0  }
0x14: {  	[tilespmem:$0x4220] =	vst v0  }
0x15: {  	[tilespmem:$0x4230] =	vst v0  }
0x16: {  	[tilespmem:$0x4240] =	vst v0  }
0x17: {  	[tilespmem:$0x4250] =	vst v0  }
0x18: {  	[tilespmem:$0x4260] =	vst v0  }
0x19: {  	[tilespmem:$0x4270] =	vst v0  }
0x1a: {  	[tilespmem:$0x4280] =	vst v0  }
0x1b: {  	[tilespmem:$0x4290] =	vst v0  }
0x1c: {  	[tilespmem:$0x42A0] =	vst v0  }
0x1d: {  	[tilespmem:$0x42B0] =	vst v0  }
0x1e: {  	[tilespmem:$0x42C0] =	vst v0  }
0x1f: {  	[tilespmem:$0x42D0] =	vst v0  }
0x20: {  	[tilespmem:$0x42E0] =	vst v0  }
0x21: {  	[tilespmem:$0x42F0] =	vst v0  }
0x22: {  	[tilespmem:$0x4300] =	vst v0  }
0x23: {  	[tilespmem:$0x4310] =	vst v0  }
0x24: {  	[tilespmem:$0x4320] =	vst v0  }
0x25: {  	[tilespmem:$0x4330] =	vst v0  }
0x26: {  	[tilespmem:$0x4340] =	vst v0  }
0x27: {  	[tilespmem:$0x4350] =	vst v0  }
0x28: {  	[tilespmem:$0x4360] =	vst v0  }
0x29: {  	[tilespmem:$0x4370] =	vst v0  }
0x2a: {  	[tilespmem:$0x4380] =	vst v0  }
0x2b: {  	[tilespmem:$0x4390] =	vst v0  }
0x2c: {  	[tilespmem:$0x43A0] =	vst v0  }
0x2d: {  	[tilespmem:$0x43B0] =	vst v0  }
0x2e: {  	[tilespmem:$0x43C0] =	vst v0  }
0x2f: {  	[tilespmem:$0x43D0] =	vst v0  }
0x30: {  	[tilespmem:$0x43E0] =	vst v0  }
0x31: {  	[tilespmem:$0x43F0] =	vst v0  }
0x32: {  	[tilespmem:$0x4400] =	vst v0  }
0x33: {  	[tilespmem:$0x4410] =	vst v0  }
0x34: {  	[tilespmem:$0x4420] =	vst v0  }
0x35: {  	[tilespmem:$0x4430] =	vst v0  }
0x36: {  	[tilespmem:$0x4440] =	vst v0  }
0x37: {  	[tilespmem:$0x4450] =	vst v0  }
0x38: {  	[tilespmem:$0x4460] =	vst v0  }
0x39: {  	[tilespmem:$0x4470] =	vst v0  }
0x3a: {  	[tilespmem:$0x4480] =	vst v0  }
0x3b: {  	[tilespmem:$0x4490] =	vst v0  }
0x3c: {  	[tilespmem:$0x44A0] =	vst v0  }
0x3d: {  	[tilespmem:$0x44B0] =	vst v0  }
0x3e: {  	[tilespmem:$0x44C0] =	vst v0  }
0x3f: {  	[tilespmem:$0x44D0] =	vst v0  }
0x40: {  	[tilespmem:$0x44E0] =	vst v0  }
0x41: {  	[tilespmem:$0x44F0] =	vst v0  }
0x42: {  	[tilespmem:$0x4500] =	vst v0  }
0x43: {  	[tilespmem:$0x4510] =	vst v0  }
0x44: {  	[tilespmem:$0x4520] =	vst v0  }
0x45: {  	[tilespmem:$0x4530] =	vst v0  }
0x46: {  	[tilespmem:$0x4540] =	vst v0  }
0x47: {  	[tilespmem:$0x4550] =	vst v0  }
0x48: {  	[tilespmem:$0x4560] =	vst v0  }
0x49: {  	[tilespmem:$0x4570] =	vst v0  }
0x4a: {  	[tilespmem:$0x4580] =	vst v0  }
0x4b: {  	[tilespmem:$0x4590] =	vst v0  }
0x4c: {  	[tilespmem:$0x45A0] =	vst v0  }
0x4d: {  	[tilespmem:$0x45B0] =	vst v0  }
0x4e: {  	[tilespmem:$0x45C0] =	vst v0  }
0x4f: {  	[tilespmem:$0x45D0] =	vst v0  }
0x50: {  	[tilespmem:$0x45E0] =	vst v0  }
0x51: {  	[tilespmem:$0x45F0] =	vst v0  }
0x52: {  	[tilespmem:$0x4600] =	vst v0  }
0x53: {  	[tilespmem:$0x4610] =	vst v0  }
0x54: {  	[tilespmem:$0x4620] =	vst v0  }
0x55: {  	[tilespmem:$0x4630] =	vst v0  }
0x56: {  	[tilespmem:$0x4640] =	vst v0  }
0x57: {  	[tilespmem:$0x4650] =	vst v0  }
0x58: {  	[tilespmem:$0x4660] =	vst v0  }
0x59: {  	[tilespmem:$0x4670] =	vst v0  }
0x5a: {  	[tilespmem:$0x4680] =	vst v0  }
0x5b: {  	[tilespmem:$0x4690] =	vst v0  }
0x5c: {  	[tilespmem:$0x46A0] =	vst v0  }
0x5d: {  	[tilespmem:$0x46B0] =	vst v0  }
0x5e: {  	[tilespmem:$0x46C0] =	vst v0  }
0x5f: {  	[tilespmem:$0x46D0] =	vst v0  }
0x60: {  	[tilespmem:$0x46E0] =	vst v0  }
0x61: {  	[tilespmem:$0x46F0] =	vst v0  }
0x62: {  	[tilespmem:$0x4700] =	vst v0  }
0x63: {  	[tilespmem:$0x4710] =	vst v0  }
0x64: {  	[tilespmem:$0x4720] =	vst v0  }
0x65: {  	[tilespmem:$0x4730] =	vst v0  }
0x66: {  	[tilespmem:$0x4740] =	vst v0  }
0x67: {  	[tilespmem:$0x4750] =	vst v0  }
0x68: {  	[tilespmem:$0x4760] =	vst v0  }
0x69: {  	[tilespmem:$0x4770] =	vst v0  }
0x6a: {  	[tilespmem:$0x4780] =	vst v0  }
0x6b: {  	[tilespmem:$0x4790] =	vst v0  }
0x6c: {  	[tilespmem:$0x47A0] =	vst v0  }
0x6d: {  	[tilespmem:$0x47B0] =	vst v0  }
0x6e: {  	[tilespmem:$0x47C0] =	vst v0  }
0x6f: {  	[tilespmem:$0x47D0] =	vst v0  }
0x70: {  	[tilespmem:$0x47E0] =	vst v0  }
0x71: {  	[tilespmem:$0x47F0] =	vst v0  }
0x72: {  	[tilespmem:$0x4800] =	vst v0  }
0x73: {  	[tilespmem:$0x4810] =	vst v0  }
0x74: {  	[tilespmem:$0x4820] =	vst v0  }
0x75: {  	[tilespmem:$0x4830] =	vst v0  }
0x76: {  	[tilespmem:$0x4840] =	vst v0  }
0x77: {  	[tilespmem:$0x4850] =	vst v0  }
0x78: {  	[tilespmem:$0x4860] =	vst v0  }
0x79: {  	[tilespmem:$0x4870] =	vst v0  }
0x7a: {  	[tilespmem:$0x4880] =	vst v0  }
0x7b: {  	[tilespmem:$0x4890] =	vst v0  }
0x7c: {  	[tilespmem:$0x48A0] =	vst v0  }
0x7d: {  	[tilespmem:$0x48B0] =	vst v0  }
0x7e: {  	[tilespmem:$0x48C0] =	vst v0  }
0x7f: {  	[tilespmem:$0x48D0] =	vst v0  }
0x80: {  	[tilespmem:$0x48E0] =	vst v0  }
0x81: {  	[tilespmem:$0x48F0] =	vst v0  }
0x82: {  	[tilespmem:$0x4900] =	vst v0  }
0x83: {  	[tilespmem:$0x4910] =	vst v0  }
0x84: {  	[tilespmem:$0x4920] =	vst v0  }
0x85: {  	[tilespmem:$0x4930] =	vst v0  }
0x86: {  	[tilespmem:$0x4940] =	vst v0  }
0x87: {  	[tilespmem:$0x4950] =	vst v0  }
0x88: {  	[tilespmem:$0x4960] =	vst v0  }
0x89: {  	[tilespmem:$0x4970] =	vst v0  }
0x8a: {  	[tilespmem:$0x4980] =	vst v0  }
0x8b: {  	[tilespmem:$0x4990] =	vst v0  }
0x8c: {  	[tilespmem:$0x49A0] =	vst v0  }
0x8d: {  	[tilespmem:$0x49B0] =	vst v0  }
0x8e: {  	[tilespmem:$0x49C0] =	vst v0  }
0x8f: {  	[tilespmem:$0x49D0] =	vst v0  }
0x90: {  	[tilespmem:$0x49E0] =	vst v0  }
0x91: {  	[tilespmem:$0x49F0] =	vst v0;
	s22 =	sadd.s32 $0x0, s5  }
0x92: {  	[spmem:s22] =	stream.linear.scatter [tilespmem:s12], [sflag:$0x4], $0x800, $0x38;
	[tilespmem:$0x18A00] =	vst v63  }
0x93: {  	s22 =	simm.s32 $0x2000;
	_ =	swait.ge [sflag:s13], $0x800  }
.LBB2_2:
0x94: {  	s23 =	sshra.s32 s22, $0x2;
	[sflag:s13] =	ssyncset.done $0x0;
	p0 =	sne.s32 s22, $0x4E000  }
.Ltmp0:
0x95: {  	s23 =	sadd.s32 s23, s5;
	[sflag:s13] =	ssyncadd.s32 $0xFFFFF800;
	(pc) =	sbr.rel @p0 .LBB2_2-.Ltmp0, $3  }
0x96: {  	[spmem:s23] =	stream.linear.scatter [tilespmem:s12], [sflag:$0x4], $0x800, $0x38;
	[tilespmem:$0x18A00] =	vst v63  }
0x97: {  	s22 =	sadd.s32 $0x2000, s22;
	_ =	sdelay $0x1  }
0x98: {  	_ =	swait.ge [sflag:s13], $0x800  }
0x99: {  	[sflag:s13] =	ssyncset.done $0x0  }
0x9a: {  	[sflag:s13] =	ssyncadd.s32 $0xFFFFF800  }
0x9b: {  	[bflag:$0x0] =	sbarrier.arrive $0xFFFF  }
0x9c: {  	[tilespmem:s3], [sflag:$0x2] =	stream.linear.gather [hbm4b:s6+s3], $0x100, $0x38;
	[tilespmem:$0x18A00] =	vst v63  }
0x9d: {  	_ =	swait.ge [sflag:s14], $0x100  }
0x9e: {  	[sflag:s14] =	ssyncset.done $0x0  }
0x9f: {  	[sflag:s14] =	ssyncadd.s32 $0xFFFFFF00  }
0xa0: {  	[tilespmem:s15], [sflag:$0x3] =	stream.linear.gather [hbm4b:s11+s3], $0x100, $0x38;
	[tilespmem:$0x18A00] =	vst v63  }
0xa1: {  	_ = 	snop  }
0xa2: {  	[tilespmem:s17], [sflag:$0x1] =	stream.indirect.gather [hbm4b:s4+s16], $0x80, s3, s16, $0xb8;
	[tilespmem:$0x18A00] =	vst v63  }
0xa3: {  	_ =	swait.ge [sflag:s18], $0x4000  }
0xa4: {  	[sflag:s18] =	ssyncset.done $0x0  }
0xa5: {  	[sflag:s18] =	ssyncadd.s32 $0xFFFFC000  }
0xa6: {  	[spmem:s2] =	stream.indirect.scatter.add.f32 [tilespmem:s17], [sflag:$0x4], $0x80, s16, s16, $0xb8;
	[tilespmem:$0x18A00] =	vst v63  }
0xa7: {  	_ =	swait.ge [sflag:s13], $0x4000  }
0xa8: {  	[sflag:s13] =	ssyncset.done $0x0  }
0xa9: {  	[sflag:s13] =	ssyncadd.s32 $0xFFFFC000  }
0xaa: {  	_ =	swait.ge [sflag:s19], $0x100  }
0xab: {  	[sflag:s19] =	ssyncset.done $0x0  }
0xac: {  	[sflag:s19] =	ssyncadd.s32 $0xFFFFFF00  }
0xad: {  	[tilespmem:s3], [sflag:$0x2] =	stream.linear.gather [hbm4b:s10+s3], $0x100, $0x38;
	[tilespmem:$0x18A00] =	vst v63  }
0xae: {  	_ = 	snop  }
0xaf: {  	[tilespmem:s17], [sflag:$0x1] =	stream.indirect.gather [hbm4b:s4+s16], $0x80, s15, s16, $0xb8;
	[tilespmem:$0x18A00] =	vst v63  }
0xb0: {  	p0 =	sne.s32 s7, $0x1;
	_ =	swait.ge [sflag:s18], $0x4000  }
.Ltmp1:
0xb1: {  	[sflag:s18] =	ssyncset.done $0x0;
	(pc) =	sbr.rel @!p0 .LBB2_5-.Ltmp1, $4  }
0xb2: {  	[sflag:s18] =	ssyncadd.s32 $0xFFFFC000  }
0xb3: {  	[spmem:s2] =	stream.indirect.scatter.add.f32 [tilespmem:s17], [sflag:$0x4], $0x80, s20, s16, $0xb8;
	[tilespmem:$0x18A00] =	vst v63  }
0xb4: {  	s22 =	sadd.s32 $0xFFFFFFFF, s7;
	_ =	swait.ge [sflag:s13], $0x4000  }
0xb5: {  	s23 =	smov.u32 s10;
	s24 =	smov.u32 s11;
	[sflag:s13] =	ssyncset.done $0x0  }
.LBB2_4:
0xb6: {  	[sflag:s13] =	ssyncadd.s32 $0xFFFFC000;
	s23 =	sadd.s32 $0x40, s23;
	s24 =	sadd.s32 $0x40, s24  }
0xb7: {  	p0 =	sne.s32 s22, $0x1;
	s22 =	sadd.s32 $0xFFFFFFFF, s22;
	_ =	swait.ge [sflag:s14], $0x100  }
0xb8: {  	[sflag:s14] =	ssyncset.done $0x0  }
0xb9: {  	[sflag:s14] =	ssyncadd.s32 $0xFFFFFF00  }
0xba: {  	[tilespmem:s15], [sflag:$0x3] =	stream.linear.gather [hbm4b:s24+s3], $0x100, $0x38;
	[tilespmem:$0x18A00] =	vst v63  }
0xbb: {  	_ = 	snop  }
0xbc: {  	[tilespmem:s17], [sflag:$0x1] =	stream.indirect.gather [hbm4b:s4+s16], $0x80, s3, s16, $0xb8;
	[tilespmem:$0x18A00] =	vst v63  }
0xbd: {  	_ =	swait.ge [sflag:s18], $0x4000  }
0xbe: {  	[sflag:s18] =	ssyncset.done $0x0  }
0xbf: {  	[sflag:s18] =	ssyncadd.s32 $0xFFFFC000  }
0xc0: {  	[spmem:s2] =	stream.indirect.scatter.add.f32 [tilespmem:s17], [sflag:$0x4], $0x80, s16, s16, $0xb8;
	[tilespmem:$0x18A00] =	vst v63  }
0xc1: {  	_ =	swait.ge [sflag:s13], $0x4000  }
0xc2: {  	[sflag:s13] =	ssyncset.done $0x0  }
0xc3: {  	[sflag:s13] =	ssyncadd.s32 $0xFFFFC000  }
0xc4: {  	_ =	swait.ge [sflag:s19], $0x100  }
0xc5: {  	[sflag:s19] =	ssyncset.done $0x0  }
0xc6: {  	[sflag:s19] =	ssyncadd.s32 $0xFFFFFF00  }
0xc7: {  	[tilespmem:s3], [sflag:$0x2] =	stream.linear.gather [hbm4b:s23+s3], $0x100, $0x38;
	[tilespmem:$0x18A00] =	vst v63  }
0xc8: {  	_ = 	snop  }
0xc9: {  	[tilespmem:s17], [sflag:$0x1] =	stream.indirect.gather [hbm4b:s4+s16], $0x80, s15, s16, $0xb8;
	[tilespmem:$0x18A00] =	vst v63  }
0xca: {  	_ =	swait.ge [sflag:s18], $0x4000  }
.Ltmp2:
0xcb: {  	[sflag:s18] =	ssyncset.done $0x0;
	(pc) =	sbr.rel @p0 .LBB2_4-.Ltmp2, $4  }
0xcc: {  	[sflag:s18] =	ssyncadd.s32 $0xFFFFC000  }
0xcd: {  	[spmem:s2] =	stream.indirect.scatter.add.f32 [tilespmem:s17], [sflag:$0x4], $0x80, s20, s16, $0xb8;
	[tilespmem:$0x18A00] =	vst v63  }
0xce: {  	_ =	swait.ge [sflag:s13], $0x4000  }
0xcf: {  	[sflag:s13] =	ssyncset.done $0x0  }
.LBB2_5:
0xd0: {  	[sflag:s13] =	ssyncadd.s32 $0xFFFFC000  }
0xd1: {  	_ =	swait.ge [sflag:s14], $0x100  }
0xd2: {  	s22 =	sshll.u32 s1, $0x6;
	s21 =	sadd.s32 $0x1, s21;
	[sflag:s14] =	ssyncset.done $0x0  }
0xd3: {  	s23 =	sshrl.u32 s5, $0x3;
	p0 =	sne.s32 s21, s9;
	[sflag:s14] =	ssyncadd.s32 $0xFFFFFF00  }
.Ltmp3:
0xd4: {  	s22 =	sor.u32 $0x1C04, s22;
	[bflag:$0x0] =	sbarrier.arrive $0xFFFF;
	(pc) =	sbr.rel @p0 .LBB2_1-.Ltmp3, $4  }
0xd5: {  	[hbm:s8], [sflag:s22] =	dma.local [spmem:s23], $0x2800  }
0xd6: {  	_ =	swait.ge [sflag:s13], $0x2800  }
0xd7: {  	[sflag:s13] =	ssyncset.done $0x0  }
0xd8: {  	[sflag:s13] =	ssyncadd.s32 $0xFFFFD800  }
0xd9: {  	_ =	sfence.sel $0x180000  }
0xda: {  	[bflag:$0x0] =	sbarrier.arrive $0xFFFF  }
0xdb: {  	p0 =	sne.s32 s1, $0x0;
	_ =	strace $0x9000004A  }
0xdc: {  	s0 =	sadd.s32 @!p0 $0x100000, s0;
	[bflag:$0x2] =	sbarrier.arrive $0xFFFF  }
0xdd: {  	[sflag:s0] =	ssyncadd.tile.s32 @!p0 $0x1;
	_ =	shalt  }
.Lfunc_end2:
_tile_overlayer_lowered:
.L_overlay_start_2:
0xde: {  	(tag) =	ssettag $0x2  }
0xdf: {  	s0 =	rddreg [dreg:$0x0];
	s2 =	stileid.u32  }
0xe0: {  	s1 =	rddreg [dreg:$0x1];
	p0 =	sne.s32 s2, $0x0  }
0xe1: {  	s3 =	rddreg [dreg:$0x2];
	[bflag:$0x3] =	sbarrier.arrive $0xFFFF;
	s2 =	simm.s32 @!p0 $0x1C04  }
0xe2: {  	[timem:s3], [sflag:s2] =	dma.local @!p0 [hbm:s0], s1  }
0xe3: {  	s0 =	simm.s32 @!p0 $0x4  }
0xe4: {  	_ =	swait.ge @!p0 [sflag:s0], s1  }
0xe5: {  	s1 =	ssub.s32 @!p0 $0x0, s1;
	[sflag:s0] =	ssyncset.done @!p0 $0x0  }
0xe6: {  	[sflag:s0] =	ssyncadd.s32 @!p0 s1  }
0xe7: {  	[bflag:$0x3] =	sbarrier.arrive $0xFFFF  }
0xe8: {  	_ =	shalt  }

// kernel: kernel.16.cloned.1.call-start
scs
__scs_entry_jumppad:
0x0: {  	(pc) =	sbr.rel $0x88, $3  }
0x1: {  	(tag) =	ssettag $0x0;
	lr =	simm.s32 $0x1  }
0x2: {  	[smem:$0x3F95] =	sst lr;
	_ =	strace $0xD0000000  }
0x3: {  	_ = 	snop  }
0x4: {  	_ = 	snop  }
0x5: {  	_ = 	snop  }
0x6: {  	_ = 	snop  }
0x7: {  	_ = 	snop  }
__scs_overlays_trampoline_lowered:
0x8: {  	[smem:$0x3FA4] =	sst s0  }
0x9: {  	[smem:$0x3FA5] =	sst s1  }
0xa: {  	[smem:$0x3FA6] =	sst s2  }
0xb: {  	[smem:$0x3FA7] =	sst s3  }
0xc: {  	[smem:$0x3FA8] =	sst s4  }
0xd: {  	[smem:$0x3FA9] =	sst s5  }
0xe: {  	[smem:$0x3FAA] =	sst s6  }
0xf: {  	[smem:$0x3FAB] =	sst s7  }
0x10: {  	[smem:$0x3FAC] =	sst s8  }
0x11: {  	[smem:$0x3FAD] =	sst s9;
	s0 =	simm.s32 @!p0 $0x0  }
0x12: {  	s1 =	sld [smem:$0x3F93];
	s0 =	simm.s32 @p0 $0x1  }
0x13: {  	[smem:$0x3FAE] =	sst s0;
	s0 =	simm.s32 @!p1 $0x0  }
0x14: {  	s2 =	sld [smem:$0x3F92];
	s0 =	simm.s32 @p1 $0x1  }
0x15: {  	[smem:$0x3FAF] =	sst s0;
	s0 =	simm.s32 @!p2 $0x0  }
0x16: {  	s3 =	sld [smem:$0x3FDB];
	s0 =	simm.s32 @p2 $0x1  }
0x17: {  	s4 =	simm.s32 $0x1BF5;
	[smem:$0x3FB1] =	sst s0  }
0x18: {  	s0 =	sld [smem:$0x3F94];
	_ =	swait.ge [sflag:s4], $0x0  }
0x19: {  	s7 =	sld [smem:$0x3F95]  }
0x1a: {  	s8 =	sadd.s32 $0xFFFFE003, lr  }
0x1b: {  	s9 =	sadd.s32 $0xFFFFFEF7, lr;
	s5 =	simm.s32 $0xFFFFFFFF;
	p2 =	slt.u32 s8, $0xFFFFF086  }
0x1c: {  	p1 =	slt.u32 s9, $0xF7A;
	s5 =	simm.s32 @!p2 $0x0  }
0x1d: {  	s5 =	simm.s32 @p1 $0x1;
	p0 =	seq.s32 s7, s2  }
0x1e: {  	s7 =	smul.u32 @!p0 $0xF7A, s2;
	p2 =	seq.s32 @!p0 s5, $0x0  }
0x1f: {  	s9 =	smul.u32 $0xF7A, s1;
	s8 =	simm.s32 @!p0 $0x1BF5;
	p2 =	por !p2, p0  }
0x20: {  	[sflag:s8] =	ssyncset.s32 @!p0 $0xFFFFF086;
	s6 =	sadd.s32 @!p0 s3, s7;
	s7 =	simm.s32 @!p0 $0x108  }
0x21: {  	s3 =	sadd.s32 s3, s9;
	s6 =	sadd.s32 @!p0 $0x88, s6;
	s7 =	simm.s32 @p2 $0x1082  }
0x22: {  	[simem:s7], [sflag:s8] =	dma.local @!p0 [hbm:s6], $0xF7A  }
0x23: {  	s9 =	sor.u32 $0xD0000000, s2;
	s6 =	simm.s32 $0x108;
	_ =	swait.ge @!p0 [sflag:s8], $0x0  }
0x24: {  	s3 =	sadd.s32 $0x88, s3;
	s6 =	simm.s32 @!p1 $0x1082;
	[sflag:s4] =	ssyncset.s32 $0xFFFFF086  }
0x25: {  	[simem:s6], [sflag:s4] =	dma.local [hbm:s3], $0xF7A  }
0x26: {  	[smem:$0x3F95] =	sst s1;
	(tag) =	ssettag s2;
	_ =	strace s9  }
0x27: {  	s1 =	sld [smem:$0x3FA5]  }
0x28: {  	s2 =	sld [smem:$0x3FA6]  }
0x29: {  	s4 =	sld [smem:$0x3FA8]  }
0x2a: {  	p0 =	seq.s32 s5, $0x0;
	s5 =	sld [smem:$0x3FA9]  }
0x2b: {  	s6 =	sld [smem:$0x3FAA]  }
0x2c: {  	s7 =	sld [smem:$0x3FAB]  }
0x2d: {  	s3 =	simm.s32 $0x108;
	s8 =	sld [smem:$0x3FAC]  }
0x2e: {  	s3 =	simm.s32 @!p0 $0x1082;
	s9 =	sld [smem:$0x3FAD]  }
0x2f: {  	lr =	sadd.s32 s0, s3;
	s0 =	sld [smem:$0x3FA4]  }
0x30: {  	s3 =	sld [smem:$0x3FA7]  }
0x31: {  	[smem:$0x3FB0] =	sst s10  }
0x32: {  	s10 =	sld [smem:$0x3FAE];
	_ =	sdelay $0x3  }
0x33: {  	p0 =	seq.s32 s10, $0x1;
	s10 =	sld [smem:$0x3FB0];
	_ =	sdelay $0x3  }
0x34: {  	[smem:$0x3FB0] =	sst s10  }
0x35: {  	s10 =	sld [smem:$0x3FAF];
	_ =	sdelay $0x3  }
0x36: {  	p1 =	seq.s32 s10, $0x1;
	s10 =	sld [smem:$0x3FB0];
	_ =	sdelay $0x3  }
0x37: {  	[smem:$0x3FB0] =	sst s10  }
0x38: {  	s10 =	sld [smem:$0x3FB1]  }
0x39: {  	_ = 	snop;
	(pc) =	sbr.ind lr, $3  }
0x3a: {  	_ = 	snop  }
0x3b: {  	_ = 	snop  }
0x3c: {  	p2 =	seq.s32 s10, $0x1;
	s10 =	sld [smem:$0x3FB0]  }
0x3d: {  	_ =	shalt  }
0x3e: {  	_ =	shalt  }
0x3f: {  	_ =	shalt  }
0x40: {  	_ =	shalt  }
0x41: {  	_ =	shalt  }
0x42: {  	_ =	shalt  }
0x43: {  	_ =	shalt  }
0x44: {  	_ =	shalt  }
0x45: {  	_ =	shalt  }
0x46: {  	_ =	shalt  }
0x47: {  	_ =	shalt  }
0x48: {  	_ =	shalt  }
0x49: {  	_ =	shalt  }
0x4a: {  	_ =	shalt  }
0x4b: {  	_ =	shalt  }
0x4c: {  	_ =	shalt  }
0x4d: {  	_ =	shalt  }
0x4e: {  	_ =	shalt  }
0x4f: {  	_ =	shalt  }
0x50: {  	_ =	shalt  }
0x51: {  	_ =	shalt  }
0x52: {  	_ =	shalt  }
0x53: {  	_ =	shalt  }
0x54: {  	_ =	shalt  }
0x55: {  	_ =	shalt  }
0x56: {  	_ =	shalt  }
0x57: {  	_ =	shalt  }
0x58: {  	_ =	shalt  }
0x59: {  	_ =	shalt  }
0x5a: {  	_ =	shalt  }
0x5b: {  	_ =	shalt  }
0x5c: {  	_ =	shalt  }
0x5d: {  	_ =	shalt  }
0x5e: {  	_ =	shalt  }
0x5f: {  	_ =	shalt  }
0x60: {  	_ =	shalt  }
0x61: {  	_ =	shalt  }
0x62: {  	_ =	shalt  }
0x63: {  	_ =	shalt  }
0x64: {  	_ =	shalt  }
0x65: {  	_ =	shalt  }
0x66: {  	_ =	shalt  }
0x67: {  	_ =	shalt  }
0x68: {  	_ =	shalt  }
0x69: {  	_ =	shalt  }
0x6a: {  	_ =	shalt  }
0x6b: {  	_ =	shalt  }
0x6c: {  	_ =	shalt  }
0x6d: {  	_ =	shalt  }
0x6e: {  	_ =	shalt  }
0x6f: {  	_ =	shalt  }
0x70: {  	_ =	shalt  }
0x71: {  	_ =	shalt  }
0x72: {  	_ =	shalt  }
0x73: {  	_ =	shalt  }
0x74: {  	_ =	shalt  }
0x75: {  	_ =	shalt  }
0x76: {  	_ =	shalt  }
0x77: {  	_ =	shalt  }
0x78: {  	_ =	shalt  }
0x79: {  	_ =	shalt  }
0x7a: {  	_ =	shalt  }
0x7b: {  	_ =	shalt  }
0x7c: {  	_ =	shalt  }
0x7d: {  	_ =	shalt  }
0x7e: {  	_ =	shalt  }
0x7f: {  	_ =	shalt  }
0x80: {  	_ =	shalt  }
0x81: {  	_ =	shalt  }
0x82: {  	_ =	shalt  }
0x83: {  	_ =	shalt  }
0x84: {  	_ =	shalt  }
0x85: {  	_ =	shalt  }
0x86: {  	_ =	shalt  }
0x87: {  	_ =	shalt  }
.Lfunc_end0:
.L_simem_size_0:
called_computation.2_lowered:
.L_overlay_start_0:
0x88: {  	s2 =	sld [smem:$0x3FD9]  }
0x89: {  	s3 =	sld [smem:$0x3FFE];
	_ =	sdelay $0x1  }
0x8a: {  	s1 =	srdreg.scid  }
0x8b: {  	s0 =	sand.u32 $0x1, s1  }
0x8c: {  	s16 =	sshll.u32 s0, $0xA;
	s2 =	sadd.s32 s3, s2  }
0x8d: {  	s2 =	sadd.s32 s2, s16  }
0x8e: {  	[smem:$0x3FBC] =	sst s2  }
0x8f: {  	_ = 	snop  }
0x90: {  	(tm) =	ssettm $0x1  }
0x91: {  	s17 =	sld [smem:$0x3FFB];
	_ =	sdelay $0x3  }
0x92: {  	_ =	strace s17  }
0x93: {  	s2 =	sld [smem:$0x3FFC];
	_ =	sdelay $0x3  }
0x94: {  	_ =	strace s2  }
0x95: {  	s2 =	sld [smem:$0x3FFD];
	_ =	sdelay $0x3  }
0x96: {  	_ =	strace s2  }
0x97: {  	_ =	strace $0x8FFFFFFF  }
0x98: {  	s18 =	sld [smem:$0x3FDB];
	_ =	sdelay $0x1  }
0x99: {  	s19 =	simm.s32 $_scs_section_size  }
0x9a: {  	s4 =	simm.s32 $_size__tile_overlayer_lowered;
	s5 =	simm.s32 $_tile_overlayer_lowered  }
0x9b: {  	s22 =	simm.s32 $0x1BFF;
	s21 =	sshll.u32 s5, $0x1;
	s2 =	sadd.s32 s19, s18  }
0x9c: {  	s6 =	simm.s32 $0x0;
	s20 =	sshll.u32 s4, $0x1;
	s4 =	sadd.s32 s21, s2  }
0x9d: {  	[timem:s6], [sflag:s22] =	dma.local [hbm:s4], s20  }
0x9e: {  	_ =	swait.ge [sflag:s22], s20  }
0x9f: {  	s3 =	ssub.s32 $0x0, s20;
	[sflag:s22] =	ssyncset.done $0x0  }
0xa0: {  	[sflag:s22] =	ssyncadd.s32 s3;
	_ =	sdelay $0x1  }
0xa1: {  	s23 =	simm.s32 $0x1B8B  }
0xa2: {  	_ =	swait.ge [sflag:s23], $0x1  }
0xa3: {  	[sflag:s23] =	ssyncset.done $0x0  }
0xa4: {  	s25 =	simm.s32 $0x1B8E;
	s24 =	sld [smem:$0x3FFE];
	[sflag:s23] =	ssyncadd.s32 $0xFFFFFFFF  }
0xa5: {  	s26 =	simm.s32 $execute0_lowered;
	[smem:$0x3FD2] =	sst s25  }
0xa6: {  	s4 =	sshll.u32 s26, $0x1;
	_ =	strace $0x8000004C;
	[dreg:$0x1] =	wrdreg $0xFFFFFFFF  }
0xa7: {  	s28 =	simm.s32 $_size_execute0_lowered;
	s2 =	sadd.s32 s2, s4;
	[dreg:$0x0] =	wrdreg $0x0  }
0xa8: {  	s4 =	sshll.u32 s28, $0x1;
	[dreg:$0x2] =	wrdreg s2  }
0xa9: {  	[dreg:$0x3] =	wrdreg s4  }
0xaa: {  	[dreg:$0x4] =	wrdreg $0xC0  }
0xab: {  	_ =	task [dreg:s6], $0x5FFFF  }
0xac: {  	[dreg:$0x1] =	wrdreg $0xFFFFFFFF  }
0xad: {  	[dreg:$0x0] =	wrdreg $0x60  }
0xae: {  	[dreg:$0x2] =	wrdreg s24  }
0xaf: {  	[dreg:$0x3] =	wrdreg $0x4A000  }
0xb0: {  	[dreg:$0x4] =	wrdreg $0x9  }
0xb1: {  	_ =	task.clear_ibuf [dreg:s6], $0x5FFFF;
	_ =	strace $0x9000004C  }
0xb2: {  	s29 =	simm.s32 $0x9;
	_ =	strace $0x8000004E  }
0xb3: {  	_ =	swait.ge [sflag:s29], $0x1  }
0xb4: {  	[sflag:s29] =	ssyncadd.s32 $0xFFFFFFFF  }
0xb5: {  	_ =	strace $0x9000004E  }
0xb6: {  	_ =	sfence  }
0xb7: {  	s30 =	sld [smem:$0x0];
	_ =	sdelay $0x2  }
0xb8: {  	s31 =	sshll.u32 s1, $0xD;
	s1 =	sshrl.u32 s1, $0x2  }
0xb9: {  	s3 =	sand.u32 $0x4000, s31;
	s1 =	sadd.s32 s1, s30  }
0xba: {  	s0 =	sor.u32 s3, s0;
	s1 =	sshll.u32 s1, $0x11  }
0xbb: {  	s0 =	sor.u32 s1, s0  }
0xbc: {  	s0 =	sadd.s32 $0x8F2B, s0  }
0xbd: {  	[sflag:s0] =	ssyncadd.remote.s32 $0x1  }
0xbe: {  	_ =	sfence.sel $0xFFFF  }
0xbf: {  	[dreg:$0x0] =	wrdreg $0xFFFFFFFF;
	(pc) =	sbr.abs _section_cstart, $3  }
0xc0: {  	[dreg:$0x1] =	wrdreg $0xFFFFFFFF  }
0xc1: {  	_ =	task.clear_ibuf [dreg:s6], $0x2FFFF;
	_ =	strace $0x9FFFFFFF  }
0xc2: {  	(tm) =	ssettm $0x7FFFFFFF  }
0xc3: {  	_ =	shalt  }
tec
execute0_lowered:
.L_overlay_start_1:
0x0: {  	(tag) =	ssettag $0x1  }
0x1: {  	s5 =	rddreg [dreg:$0x0]  }
0x2: {  	s2 =	rddreg [dreg:$0x1]  }
0x3: {  	s0 =	rddreg [dreg:$0x2]  }
0x4: {  	s1 =	stileid.u32;
	s4 =	srdreg.scid  }
0x5: {  	s3 =	simm.s32 $0x0;
	s13 =	simm.s32 $0x4;
	s14 =	simm.s32 $0x2  }
0x6: {  	s15 =	simm.s32 $0x100;
	s16 =	simm.s32 $0x80;
	s6 =	smul.u32 $0x1A, s1  }
0x7: {  	s17 =	simm.s32 $0x200;
	s18 =	simm.s32 $0x1;
	s7 =	smul.u32 $0x86, s1  }
0x8: {  	s19 =	simm.s32 $0x3;
	s20 =	simm.s32 $0x180;
	s8 =	smul.u32 $0x2800, s1  }
0x9: {  	s21 =	simm.s32 $0x0;
	s4 =	sand.u32 $0x1, s4;
	s9 =	smul.u32 $0x50000, s1  }
0xa: {  	[smem:$0x7FF] =	sst s3;
	p0 =	seq.s32 s4, $0x0;
	s28 =	smul.u32 $0x28000, s4  }
0xb: {  	_ =	strace $0x8000004D;
	s29 =	ssub.s32 $0x2, s4;
	s4 =	sadd.s32 $0x70000, s5  }
0xc: {  	s6 =	sadd.s32 $0x860, s6;
	s30 =	sshrl.u32 s29, $0x1;
	s31 =	sshrl.u32 s9, $0x2  }
0xd: {  	s6 =	smov.u32 @p0 s7;
	s7 =	sadd.s32 s8, s28;
	s12 =	ssub.s32 s29, s30  }
0xe: {  	s6 =	sshll.u32 s6, $0x5;
	s10 =	sadd.s32 s7, s5;
	s7 =	simm.s32 $0x43  }
0xf: {  	s9 =	smax.u32 s12, $0x1;
	s12 =	simm.s32 $0x4200;
	s11 =	sadd.s32 s6, s5  }
0x10: {  	s5 =	sadd.s32 s31, s2;
	s7 =	simm.s32 @!p0 $0xD;
	s8 =	sadd.s32 $0x97200, s10  }
0x11: {  	v0 =	vimm.f32 $0.0e+00;
	s6 =	sadd.s32 $0xDA00, s11;
	s10 =	sadd.s32 $0xDA40, s11;
	s11 =	sadd.s32 $0xDA20, s11  }
.LBB2_1:
0x12: {  	[tilespmem:$0x4200] =	vst v0  }
0x13: {  	[tilespmem:$0x4210] =	vst v0  }
0x14: {  	[tilespmem:$0x4220] =	vst v0  }
0x15: {  	[tilespmem:$0x4230] =	vst v0  }
0x16: {  	[tilespmem:$0x4240] =	vst v0  }
0x17: {  	[tilespmem:$0x4250] =	vst v0  }
0x18: {  	[tilespmem:$0x4260] =	vst v0  }
0x19: {  	[tilespmem:$0x4270] =	vst v0  }
0x1a: {  	[tilespmem:$0x4280] =	vst v0  }
0x1b: {  	[tilespmem:$0x4290] =	vst v0  }
0x1c: {  	[tilespmem:$0x42A0] =	vst v0  }
0x1d: {  	[tilespmem:$0x42B0] =	vst v0  }
0x1e: {  	[tilespmem:$0x42C0] =	vst v0  }
0x1f: {  	[tilespmem:$0x42D0] =	vst v0  }
0x20: {  	[tilespmem:$0x42E0] =	vst v0  }
0x21: {  	[tilespmem:$0x42F0] =	vst v0  }
0x22: {  	[tilespmem:$0x4300] =	vst v0  }
0x23: {  	[tilespmem:$0x4310] =	vst v0  }
0x24: {  	[tilespmem:$0x4320] =	vst v0  }
0x25: {  	[tilespmem:$0x4330] =	vst v0  }
0x26: {  	[tilespmem:$0x4340] =	vst v0  }
0x27: {  	[tilespmem:$0x4350] =	vst v0  }
0x28: {  	[tilespmem:$0x4360] =	vst v0  }
0x29: {  	[tilespmem:$0x4370] =	vst v0  }
0x2a: {  	[tilespmem:$0x4380] =	vst v0  }
0x2b: {  	[tilespmem:$0x4390] =	vst v0  }
0x2c: {  	[tilespmem:$0x43A0] =	vst v0  }
0x2d: {  	[tilespmem:$0x43B0] =	vst v0  }
0x2e: {  	[tilespmem:$0x43C0] =	vst v0  }
0x2f: {  	[tilespmem:$0x43D0] =	vst v0  }
0x30: {  	[tilespmem:$0x43E0] =	vst v0  }
0x31: {  	[tilespmem:$0x43F0] =	vst v0  }
0x32: {  	[tilespmem:$0x4400] =	vst v0  }
0x33: {  	[tilespmem:$0x4410] =	vst v0  }
0x34: {  	[tilespmem:$0x4420] =	vst v0  }
0x35: {  	[tilespmem:$0x4430] =	vst v0  }
0x36: {  	[tilespmem:$0x4440] =	vst v0  }
0x37: {  	[tilespmem:$0x4450] =	vst v0  }
0x38: {  	[tilespmem:$0x4460] =	vst v0  }
0x39: {  	[tilespmem:$0x4470] =	vst v0  }
0x3a: {  	[tilespmem:$0x4480] =	vst v0  }
0x3b: {  	[tilespmem:$0x4490] =	vst v0  }
0x3c: {  	[tilespmem:$0x44A0] =	vst v0  }
0x3d: {  	[tilespmem:$0x44B0] =	vst v0  }
0x3e: {  	[tilespmem:$0x44C0] =	vst v0  }
0x3f: {  	[tilespmem:$0x44D0] =	vst v0  }
0x40: {  	[tilespmem:$0x44E0] =	vst v0  }
0x41: {  	[tilespmem:$0x44F0] =	vst v0  }
0x42: {  	[tilespmem:$0x4500] =	vst v0  }
0x43: {  	[tilespmem:$0x4510] =	vst v0  }
0x44: {  	[tilespmem:$0x4520] =	vst v0  }
0x45: {  	[tilespmem:$0x4530] =	vst v0  }
0x46: {  	[tilespmem:$0x4540] =	vst v0  }
0x47: {  	[tilespmem:$0x4550] =	vst v0  }
0x48: {  	[tilespmem:$0x4560] =	vst v0  }
0x49: {  	[tilespmem:$0x4570] =	vst v0  }
0x4a: {  	[tilespmem:$0x4580] =	vst v0  }
0x4b: {  	[tilespmem:$0x4590] =	vst v0  }
0x4c: {  	[tilespmem:$0x45A0] =	vst v0  }
0x4d: {  	[tilespmem:$0x45B0] =	vst v0  }
0x4e: {  	[tilespmem:$0x45C0] =	vst v0  }
0x4f: {  	[tilespmem:$0x45D0] =	vst v0  }
0x50: {  	[tilespmem:$0x45E0] =	vst v0  }
0x51: {  	[tilespmem:$0x45F0] =	vst v0  }
0x52: {  	[tilespmem:$0x4600] =	vst v0  }
0x53: {  	[tilespmem:$0x4610] =	vst v0  }
0x54: {  	[tilespmem:$0x4620] =	vst v0  }
0x55: {  	[tilespmem:$0x4630] =	vst v0  }
0x56: {  	[tilespmem:$0x4640] =	vst v0  }
0x57: {  	[tilespmem:$0x4650] =	vst v0  }
0x58: {  	[tilespmem:$0x4660] =	vst v0  }
0x59: {  	[tilespmem:$0x4670] =	vst v0  }
0x5a: {  	[tilespmem:$0x4680] =	vst v0  }
0x5b: {  	[tilespmem:$0x4690] =	vst v0  }
0x5c: {  	[tilespmem:$0x46A0] =	vst v0  }
0x5d: {  	[tilespmem:$0x46B0] =	vst v0  }
0x5e: {  	[tilespmem:$0x46C0] =	vst v0  }
0x5f: {  	[tilespmem:$0x46D0] =	vst v0  }
0x60: {  	[tilespmem:$0x46E0] =	vst v0  }
0x61: {  	[tilespmem:$0x46F0] =	vst v0  }
0x62: {  	[tilespmem:$0x4700] =	vst v0  }
0x63: {  	[tilespmem:$0x4710] =	vst v0  }
0x64: {  	[tilespmem:$0x4720] =	vst v0  }
0x65: {  	[tilespmem:$0x4730] =	vst v0  }
0x66: {  	[tilespmem:$0x4740] =	vst v0  }
0x67: {  	[tilespmem:$0x4750] =	vst v0  }
0x68: {  	[tilespmem:$0x4760] =	vst v0  }
0x69: {  	[tilespmem:$0x4770] =	vst v0  }
0x6a: {  	[tilespmem:$0x4780] =	vst v0  }
0x6b: {  	[tilespmem:$0x4790] =	vst v0  }
0x6c: {  	[tilespmem:$0x47A0] =	vst v0  }
0x6d: {  	[tilespmem:$0x47B0] =	vst v0  }
0x6e: {  	[tilespmem:$0x47C0] =	vst v0  }
0x6f: {  	[tilespmem:$0x47D0] =	vst v0  }
0x70: {  	[tilespmem:$0x47E0] =	vst v0  }
0x71: {  	[tilespmem:$0x47F0] =	vst v0  }
0x72: {  	[tilespmem:$0x4800] =	vst v0  }
0x73: {  	[tilespmem:$0x4810] =	vst v0  }
0x74: {  	[tilespmem:$0x4820] =	vst v0  }
0x75: {  	[tilespmem:$0x4830] =	vst v0  }
0x76: {  	[tilespmem:$0x4840] =	vst v0  }
0x77: {  	[tilespmem:$0x4850] =	vst v0  }
0x78: {  	[tilespmem:$0x4860] =	vst v0  }
0x79: {  	[tilespmem:$0x4870] =	vst v0  }
0x7a: {  	[tilespmem:$0x4880] =	vst v0  }
0x7b: {  	[tilespmem:$0x4890] =	vst v0  }
0x7c: {  	[tilespmem:$0x48A0] =	vst v0  }
0x7d: {  	[tilespmem:$0x48B0] =	vst v0  }
0x7e: {  	[tilespmem:$0x48C0] =	vst v0  }
0x7f: {  	[tilespmem:$0x48D0] =	vst v0  }
0x80: {  	[tilespmem:$0x48E0] =	vst v0  }
0x81: {  	[tilespmem:$0x48F0] =	vst v0  }
0x82: {  	[tilespmem:$0x4900] =	vst v0  }
0x83: {  	[tilespmem:$0x4910] =	vst v0  }
0x84: {  	[tilespmem:$0x4920] =	vst v0  }
0x85: {  	[tilespmem:$0x4930] =	vst v0  }
0x86: {  	[tilespmem:$0x4940] =	vst v0  }
0x87: {  	[tilespmem:$0x4950] =	vst v0  }
0x88: {  	[tilespmem:$0x4960] =	vst v0  }
0x89: {  	[tilespmem:$0x4970] =	vst v0  }
0x8a: {  	[tilespmem:$0x4980] =	vst v0  }
0x8b: {  	[tilespmem:$0x4990] =	vst v0  }
0x8c: {  	[tilespmem:$0x49A0] =	vst v0  }
0x8d: {  	[tilespmem:$0x49B0] =	vst v0  }
0x8e: {  	[tilespmem:$0x49C0] =	vst v0  }
0x8f: {  	[tilespmem:$0x49D0] =	vst v0  }
0x90: {  	[tilespmem:$0x49E0] =	vst v0  }
0x91: {  	[tilespmem:$0x49F0] =	vst v0;
	s22 =	sadd.s32 $0x0, s5  }
0x92: {  	[spmem:s22] =	stream.linear.scatter [tilespmem:s12], [sflag:$0x4], $0x800, $0x38;
	[tilespmem:$0x18A00] =	vst v63  }
0x93: {  	s22 =	simm.s32 $0x2000;
	_ =	swait.ge [sflag:s13], $0x800  }
.LBB2_2:
0x94: {  	s23 =	sshra.s32 s22, $0x2;
	[sflag:s13] =	ssyncset.done $0x0;
	p0 =	sne.s32 s22, $0x4E000  }
.Ltmp0:
0x95: {  	s23 =	sadd.s32 s23, s5;
	[sflag:s13] =	ssyncadd.s32 $0xFFFFF800;
	(pc) =	sbr.rel @p0 .LBB2_2-.Ltmp0, $3  }
0x96: {  	[spmem:s23] =	stream.linear.scatter [tilespmem:s12], [sflag:$0x4], $0x800, $0x38;
	[tilespmem:$0x18A00] =	vst v63  }
0x97: {  	s22 =	sadd.s32 $0x2000, s22;
	_ =	sdelay $0x1  }
0x98: {  	_ =	swait.ge [sflag:s13], $0x800  }
0x99: {  	[sflag:s13] =	ssyncset.done $0x0  }
0x9a: {  	[sflag:s13] =	ssyncadd.s32 $0xFFFFF800  }
0x9b: {  	[bflag:$0x0] =	sbarrier.arrive $0xFFFF  }
0x9c: {  	[tilespmem:s3], [sflag:$0x2] =	stream.linear.gather [hbm4b:s6+s3], $0x100, $0x38;
	[tilespmem:$0x18A00] =	vst v63  }
0x9d: {  	_ =	swait.ge [sflag:s14], $0x100  }
0x9e: {  	[sflag:s14] =	ssyncset.done $0x0  }
0x9f: {  	[sflag:s14] =	ssyncadd.s32 $0xFFFFFF00  }
0xa0: {  	[tilespmem:s15], [sflag:$0x3] =	stream.linear.gather [hbm4b:s11+s3], $0x100, $0x38;
	[tilespmem:$0x18A00] =	vst v63  }
0xa1: {  	_ = 	snop  }
0xa2: {  	[tilespmem:s17], [sflag:$0x1] =	stream.indirect.gather [hbm4b:s4+s16], $0x80, s3, s16, $0xb8;
	[tilespmem:$0x18A00] =	vst v63  }
0xa3: {  	_ =	swait.ge [sflag:s18], $0x4000  }
0xa4: {  	[sflag:s18] =	ssyncset.done $0x0  }
0xa5: {  	[sflag:s18] =	ssyncadd.s32 $0xFFFFC000  }
0xa6: {  	[spmem:s2] =	stream.indirect.scatter.add.f32 [tilespmem:s17], [sflag:$0x4], $0x80, s16, s16, $0xb8;
	[tilespmem:$0x18A00] =	vst v63  }
0xa7: {  	_ =	swait.ge [sflag:s13], $0x4000  }
0xa8: {  	[sflag:s13] =	ssyncset.done $0x0  }
0xa9: {  	[sflag:s13] =	ssyncadd.s32 $0xFFFFC000  }
0xaa: {  	_ =	swait.ge [sflag:s19], $0x100  }
0xab: {  	[sflag:s19] =	ssyncset.done $0x0  }
0xac: {  	[sflag:s19] =	ssyncadd.s32 $0xFFFFFF00  }
0xad: {  	[tilespmem:s3], [sflag:$0x2] =	stream.linear.gather [hbm4b:s10+s3], $0x100, $0x38;
	[tilespmem:$0x18A00] =	vst v63  }
0xae: {  	_ = 	snop  }
0xaf: {  	[tilespmem:s17], [sflag:$0x1] =	stream.indirect.gather [hbm4b:s4+s16], $0x80, s15, s16, $0xb8;
	[tilespmem:$0x18A00] =	vst v63  }
0xb0: {  	p0 =	sne.s32 s7, $0x1;
	_ =	swait.ge [sflag:s18], $0x4000  }
.Ltmp1:
0xb1: {  	[sflag:s18] =	ssyncset.done $0x0;
	(pc) =	sbr.rel @!p0 .LBB2_5-.Ltmp1, $4  }
0xb2: {  	[sflag:s18] =	ssyncadd.s32 $0xFFFFC000  }
0xb3: {  	[spmem:s2] =	stream.indirect.scatter.add.f32 [tilespmem:s17], [sflag:$0x4], $0x80, s20, s16, $0xb8;
	[tilespmem:$0x18A00] =	vst v63  }
0xb4: {  	s22 =	sadd.s32 $0xFFFFFFFF, s7;
	_ =	swait.ge [sflag:s13], $0x4000  }
0xb5: {  	s23 =	smov.u32 s10;
	s24 =	smov.u32 s11;
	[sflag:s13] =	ssyncset.done $0x0  }
.LBB2_4:
0xb6: {  	[sflag:s13] =	ssyncadd.s32 $0xFFFFC000;
	s23 =	sadd.s32 $0x40, s23;
	s24 =	sadd.s32 $0x40, s24  }
0xb7: {  	p0 =	sne.s32 s22, $0x1;
	s22 =	sadd.s32 $0xFFFFFFFF, s22;
	_ =	swait.ge [sflag:s14], $0x100  }
0xb8: {  	[sflag:s14] =	ssyncset.done $0x0  }
0xb9: {  	[sflag:s14] =	ssyncadd.s32 $0xFFFFFF00  }
0xba: {  	[tilespmem:s15], [sflag:$0x3] =	stream.linear.gather [hbm4b:s24+s3], $0x100, $0x38;
	[tilespmem:$0x18A00] =	vst v63  }
0xbb: {  	_ = 	snop  }
0xbc: {  	[tilespmem:s17], [sflag:$0x1] =	stream.indirect.gather [hbm4b:s4+s16], $0x80, s3, s16, $0xb8;
	[tilespmem:$0x18A00] =	vst v63  }
0xbd: {  	_ =	swait.ge [sflag:s18], $0x4000  }
0xbe: {  	[sflag:s18] =	ssyncset.done $0x0  }
0xbf: {  	[sflag:s18] =	ssyncadd.s32 $0xFFFFC000  }
0xc0: {  	[spmem:s2] =	stream.indirect.scatter.add.f32 [tilespmem:s17], [sflag:$0x4], $0x80, s16, s16, $0xb8;
	[tilespmem:$0x18A00] =	vst v63  }
0xc1: {  	_ =	swait.ge [sflag:s13], $0x4000  }
0xc2: {  	[sflag:s13] =	ssyncset.done $0x0  }
0xc3: {  	[sflag:s13] =	ssyncadd.s32 $0xFFFFC000  }
0xc4: {  	_ =	swait.ge [sflag:s19], $0x100  }
0xc5: {  	[sflag:s19] =	ssyncset.done $0x0  }
0xc6: {  	[sflag:s19] =	ssyncadd.s32 $0xFFFFFF00  }
0xc7: {  	[tilespmem:s3], [sflag:$0x2] =	stream.linear.gather [hbm4b:s23+s3], $0x100, $0x38;
	[tilespmem:$0x18A00] =	vst v63  }
0xc8: {  	_ = 	snop  }
0xc9: {  	[tilespmem:s17], [sflag:$0x1] =	stream.indirect.gather [hbm4b:s4+s16], $0x80, s15, s16, $0xb8;
	[tilespmem:$0x18A00] =	vst v63  }
0xca: {  	_ =	swait.ge [sflag:s18], $0x4000  }
.Ltmp2:
0xcb: {  	[sflag:s18] =	ssyncset.done $0x0;
	(pc) =	sbr.rel @p0 .LBB2_4-.Ltmp2, $4  }
0xcc: {  	[sflag:s18] =	ssyncadd.s32 $0xFFFFC000  }
0xcd: {  	[spmem:s2] =	stream.indirect.scatter.add.f32 [tilespmem:s17], [sflag:$0x4], $0x80, s20, s16, $0xb8;
	[tilespmem:$0x18A00] =	vst v63  }
0xce: {  	_ =	swait.ge [sflag:s13], $0x4000  }
0xcf: {  	[sflag:s13] =	ssyncset.done $0x0  }
.LBB2_5:
0xd0: {  	[sflag:s13] =	ssyncadd.s32 $0xFFFFC000  }
0xd1: {  	_ =	swait.ge [sflag:s14], $0x100  }
0xd2: {  	s22 =	sshll.u32 s1, $0x6;
	s21 =	sadd.s32 $0x1, s21;
	[sflag:s14] =	ssyncset.done $0x0  }
0xd3: {  	s23 =	sshrl.u32 s5, $0x3;
	p0 =	sne.s32 s21, s9;
	[sflag:s14] =	ssyncadd.s32 $0xFFFFFF00  }
.Ltmp3:
0xd4: {  	s22 =	sor.u32 $0x1C04, s22;
	[bflag:$0x0] =	sbarrier.arrive $0xFFFF;
	(pc) =	sbr.rel @p0 .LBB2_1-.Ltmp3, $4  }
0xd5: {  	[hbm:s8], [sflag:s22] =	dma.local [spmem:s23], $0x2800  }
0xd6: {  	_ =	swait.ge [sflag:s13], $0x2800  }
0xd7: {  	[sflag:s13] =	ssyncset.done $0x0  }
0xd8: {  	[sflag:s13] =	ssyncadd.s32 $0xFFFFD800  }
0xd9: {  	_ =	sfence.sel $0x180000  }
0xda: {  	[bflag:$0x0] =	sbarrier.arrive $0xFFFF  }
0xdb: {  	p0 =	sne.s32 s1, $0x0;
	_ =	strace $0x9000004D  }
0xdc: {  	s0 =	sadd.s32 @!p0 $0x100000, s0;
	[bflag:$0x2] =	sbarrier.arrive $0xFFFF  }
0xdd: {  	[sflag:s0] =	ssyncadd.tile.s32 @!p0 $0x1;
	_ =	shalt  }
.Lfunc_end2:
_tile_overlayer_lowered:
.L_overlay_start_2:
0xde: {  	(tag) =	ssettag $0x2  }
0xdf: {  	s0 =	rddreg [dreg:$0x0];
	s2 =	stileid.u32  }
0xe0: {  	s1 =	rddreg [dreg:$0x1];
	p0 =	sne.s32 s2, $0x0  }
0xe1: {  	s3 =	rddreg [dreg:$0x2];
	[bflag:$0x3] =	sbarrier.arrive $0xFFFF;
	s2 =	simm.s32 @!p0 $0x1C04  }
0xe2: {  	[timem:s3], [sflag:s2] =	dma.local @!p0 [hbm:s0], s1  }
0xe3: {  	s0 =	simm.s32 @!p0 $0x4  }
0xe4: {  	_ =	swait.ge @!p0 [sflag:s0], s1  }
0xe5: {  	s1 =	ssub.s32 @!p0 $0x0, s1;
	[sflag:s0] =	ssyncset.done @!p0 $0x0  }
0xe6: {  	[sflag:s0] =	ssyncadd.s32 @!p0 s1  }
0xe7: {  	[bflag:$0x3] =	sbarrier.arrive $0xFFFF  }
0xe8: {  	_ =	shalt  }

// kernel: kernel.19.cloned.1.call-start
scs
__scs_entry_jumppad:
0x0: {  	(pc) =	sbr.rel $0x88, $3  }
0x1: {  	(tag) =	ssettag $0x0;
	lr =	simm.s32 $0x1  }
0x2: {  	[smem:$0x3F95] =	sst lr;
	_ =	strace $0xD0000000  }
0x3: {  	_ = 	snop  }
0x4: {  	_ = 	snop  }
0x5: {  	_ = 	snop  }
0x6: {  	_ = 	snop  }
0x7: {  	_ = 	snop  }
__scs_overlays_trampoline_lowered:
0x8: {  	[smem:$0x3FA4] =	sst s0  }
0x9: {  	[smem:$0x3FA5] =	sst s1  }
0xa: {  	[smem:$0x3FA6] =	sst s2  }
0xb: {  	[smem:$0x3FA7] =	sst s3  }
0xc: {  	[smem:$0x3FA8] =	sst s4  }
0xd: {  	[smem:$0x3FA9] =	sst s5  }
0xe: {  	[smem:$0x3FAA] =	sst s6  }
0xf: {  	[smem:$0x3FAB] =	sst s7  }
0x10: {  	[smem:$0x3FAC] =	sst s8  }
0x11: {  	[smem:$0x3FAD] =	sst s9;
	s0 =	simm.s32 @!p0 $0x0  }
0x12: {  	s1 =	sld [smem:$0x3F93];
	s0 =	simm.s32 @p0 $0x1  }
0x13: {  	[smem:$0x3FAE] =	sst s0;
	s0 =	simm.s32 @!p1 $0x0  }
0x14: {  	s2 =	sld [smem:$0x3F92];
	s0 =	simm.s32 @p1 $0x1  }
0x15: {  	[smem:$0x3FAF] =	sst s0;
	s0 =	simm.s32 @!p2 $0x0  }
0x16: {  	s3 =	sld [smem:$0x3FDB];
	s0 =	simm.s32 @p2 $0x1  }
0x17: {  	s4 =	simm.s32 $0x1BF5;
	[smem:$0x3FB1] =	sst s0  }
0x18: {  	s0 =	sld [smem:$0x3F94];
	_ =	swait.ge [sflag:s4], $0x0  }
0x19: {  	s7 =	sld [smem:$0x3F95]  }
0x1a: {  	s8 =	sadd.s32 $0xFFFFE003, lr  }
0x1b: {  	s9 =	sadd.s32 $0xFFFFFEF7, lr;
	s5 =	simm.s32 $0xFFFFFFFF;
	p2 =	slt.u32 s8, $0xFFFFF086  }
0x1c: {  	p1 =	slt.u32 s9, $0xF7A;
	s5 =	simm.s32 @!p2 $0x0  }
0x1d: {  	s5 =	simm.s32 @p1 $0x1;
	p0 =	seq.s32 s7, s2  }
0x1e: {  	s7 =	smul.u32 @!p0 $0xF7A, s2;
	p2 =	seq.s32 @!p0 s5, $0x0  }
0x1f: {  	s9 =	smul.u32 $0xF7A, s1;
	s8 =	simm.s32 @!p0 $0x1BF5;
	p2 =	por !p2, p0  }
0x20: {  	[sflag:s8] =	ssyncset.s32 @!p0 $0xFFFFF086;
	s6 =	sadd.s32 @!p0 s3, s7;
	s7 =	simm.s32 @!p0 $0x108  }
0x21: {  	s3 =	sadd.s32 s3, s9;
	s6 =	sadd.s32 @!p0 $0x88, s6;
	s7 =	simm.s32 @p2 $0x1082  }
0x22: {  	[simem:s7], [sflag:s8] =	dma.local @!p0 [hbm:s6], $0xF7A  }
0x23: {  	s9 =	sor.u32 $0xD0000000, s2;
	s6 =	simm.s32 $0x108;
	_ =	swait.ge @!p0 [sflag:s8], $0x0  }
0x24: {  	s3 =	sadd.s32 $0x88, s3;
	s6 =	simm.s32 @!p1 $0x1082;
	[sflag:s4] =	ssyncset.s32 $0xFFFFF086  }
0x25: {  	[simem:s6], [sflag:s4] =	dma.local [hbm:s3], $0xF7A  }
0x26: {  	[smem:$0x3F95] =	sst s1;
	(tag) =	ssettag s2;
	_ =	strace s9  }
0x27: {  	s1 =	sld [smem:$0x3FA5]  }
0x28: {  	s2 =	sld [smem:$0x3FA6]  }
0x29: {  	s4 =	sld [smem:$0x3FA8]  }
0x2a: {  	p0 =	seq.s32 s5, $0x0;
	s5 =	sld [smem:$0x3FA9]  }
0x2b: {  	s6 =	sld [smem:$0x3FAA]  }
0x2c: {  	s7 =	sld [smem:$0x3FAB]  }
0x2d: {  	s3 =	simm.s32 $0x108;
	s8 =	sld [smem:$0x3FAC]  }
0x2e: {  	s3 =	simm.s32 @!p0 $0x1082;
	s9 =	sld [smem:$0x3FAD]  }
0x2f: {  	lr =	sadd.s32 s0, s3;
	s0 =	sld [smem:$0x3FA4]  }
0x30: {  	s3 =	sld [smem:$0x3FA7]  }
0x31: {  	[smem:$0x3FB0] =	sst s10  }
0x32: {  	s10 =	sld [smem:$0x3FAE];
	_ =	sdelay $0x3  }
0x33: {  	p0 =	seq.s32 s10, $0x1;
	s10 =	sld [smem:$0x3FB0];
	_ =	sdelay $0x3  }
0x34: {  	[smem:$0x3FB0] =	sst s10  }
0x35: {  	s10 =	sld [smem:$0x3FAF];
	_ =	sdelay $0x3  }
0x36: {  	p1 =	seq.s32 s10, $0x1;
	s10 =	sld [smem:$0x3FB0];
	_ =	sdelay $0x3  }
0x37: {  	[smem:$0x3FB0] =	sst s10  }
0x38: {  	s10 =	sld [smem:$0x3FB1]  }
0x39: {  	_ = 	snop;
	(pc) =	sbr.ind lr, $3  }
0x3a: {  	_ = 	snop  }
0x3b: {  	_ = 	snop  }
0x3c: {  	p2 =	seq.s32 s10, $0x1;
	s10 =	sld [smem:$0x3FB0]  }
0x3d: {  	_ =	shalt  }
0x3e: {  	_ =	shalt  }
0x3f: {  	_ =	shalt  }
0x40: {  	_ =	shalt  }
0x41: {  	_ =	shalt  }
0x42: {  	_ =	shalt  }
0x43: {  	_ =	shalt  }
0x44: {  	_ =	shalt  }
0x45: {  	_ =	shalt  }
0x46: {  	_ =	shalt  }
0x47: {  	_ =	shalt  }
0x48: {  	_ =	shalt  }
0x49: {  	_ =	shalt  }
0x4a: {  	_ =	shalt  }
0x4b: {  	_ =	shalt  }
0x4c: {  	_ =	shalt  }
0x4d: {  	_ =	shalt  }
0x4e: {  	_ =	shalt  }
0x4f: {  	_ =	shalt  }
0x50: {  	_ =	shalt  }
0x51: {  	_ =	shalt  }
0x52: {  	_ =	shalt  }
0x53: {  	_ =	shalt  }
0x54: {  	_ =	shalt  }
0x55: {  	_ =	shalt  }
0x56: {  	_ =	shalt  }
0x57: {  	_ =	shalt  }
0x58: {  	_ =	shalt  }
0x59: {  	_ =	shalt  }
0x5a: {  	_ =	shalt  }
0x5b: {  	_ =	shalt  }
0x5c: {  	_ =	shalt  }
0x5d: {  	_ =	shalt  }
0x5e: {  	_ =	shalt  }
0x5f: {  	_ =	shalt  }
0x60: {  	_ =	shalt  }
0x61: {  	_ =	shalt  }
0x62: {  	_ =	shalt  }
0x63: {  	_ =	shalt  }
0x64: {  	_ =	shalt  }
0x65: {  	_ =	shalt  }
0x66: {  	_ =	shalt  }
0x67: {  	_ =	shalt  }
0x68: {  	_ =	shalt  }
0x69: {  	_ =	shalt  }
0x6a: {  	_ =	shalt  }
0x6b: {  	_ =	shalt  }
0x6c: {  	_ =	shalt  }
0x6d: {  	_ =	shalt  }
0x6e: {  	_ =	shalt  }
0x6f: {  	_ =	shalt  }
0x70: {  	_ =	shalt  }
0x71: {  	_ =	shalt  }
0x72: {  	_ =	shalt  }
0x73: {  	_ =	shalt  }
0x74: {  	_ =	shalt  }
0x75: {  	_ =	shalt  }
0x76: {  	_ =	shalt  }
0x77: {  	_ =	shalt  }
0x78: {  	_ =	shalt  }
0x79: {  	_ =	shalt  }
0x7a: {  	_ =	shalt  }
0x7b: {  	_ =	shalt  }
0x7c: {  	_ =	shalt  }
0x7d: {  	_ =	shalt  }
0x7e: {  	_ =	shalt  }
0x7f: {  	_ =	shalt  }
0x80: {  	_ =	shalt  }
0x81: {  	_ =	shalt  }
0x82: {  	_ =	shalt  }
0x83: {  	_ =	shalt  }
0x84: {  	_ =	shalt  }
0x85: {  	_ =	shalt  }
0x86: {  	_ =	shalt  }
0x87: {  	_ =	shalt  }
.Lfunc_end0:
.L_simem_size_0:
called_computation.3_lowered:
.L_overlay_start_0:
0x88: {  	s2 =	sld [smem:$0x3FD9]  }
0x89: {  	s3 =	sld [smem:$0x3FFE];
	_ =	sdelay $0x1  }
0x8a: {  	s1 =	srdreg.scid  }
0x8b: {  	s0 =	sand.u32 $0x1, s1  }
0x8c: {  	s17 =	sshll.u32 s0, $0xA;
	s2 =	sadd.s32 s3, s2  }
0x8d: {  	s2 =	sadd.s32 s2, s17  }
0x8e: {  	[smem:$0x3FBC] =	sst s2  }
0x8f: {  	_ = 	snop  }
0x90: {  	s2 =	sld [smem:$0x3FD0];
	(tm) =	ssettm $0x1  }
0x91: {  	s18 =	sld [smem:$0x3FFB];
	_ =	sdelay $0x3  }
0x92: {  	_ =	strace s18  }
0x93: {  	s3 =	sld [smem:$0x3FFC];
	_ =	sdelay $0x3  }
0x94: {  	_ =	strace s3  }
0x95: {  	s3 =	sld [smem:$0x3FFD];
	_ =	sdelay $0x3  }
0x96: {  	_ =	strace s3  }
0x97: {  	_ =	strace $0x8FFFFFFF  }
0x98: {  	s19 =	sld [smem:$0x3FDB];
	_ =	sdelay $0x1  }
0x99: {  	s4 =	simm.s32 $_scs_section_size  }
0x9a: {  	s5 =	simm.s32 $_size__tile_overlayer_lowered;
	s6 =	simm.s32 $_tile_overlayer_lowered  }
0x9b: {  	s22 =	simm.s32 $0x1BFF;
	s21 =	sshll.u32 s6, $0x1;
	s3 =	sadd.s32 s4, s19  }
0x9c: {  	s7 =	simm.s32 $0x0;
	s20 =	sshll.u32 s5, $0x1;
	s5 =	sadd.s32 s21, s3  }
0x9d: {  	[timem:s7], [sflag:s22] =	dma.local [hbm:s5], s20  }
0x9e: {  	_ =	swait.ge [sflag:s22], s20  }
0x9f: {  	s4 =	ssub.s32 $0x0, s20;
	[sflag:s22] =	ssyncset.done $0x0  }
0xa0: {  	[sflag:s22] =	ssyncadd.s32 s4;
	_ =	sdelay $0x1  }
0xa1: {  	s23 =	simm.s32 $0x1B8B  }
0xa2: {  	_ =	swait.ge [sflag:s23], $0x1  }
0xa3: {  	[sflag:s23] =	ssyncset.done $0x0  }
0xa4: {  	s25 =	simm.s32 $0x1B8E;
	s24 =	sld [smem:$0x3FFE];
	[sflag:s23] =	ssyncadd.s32 $0xFFFFFFFF  }
0xa5: {  	s26 =	simm.s32 $execute0_lowered;
	[smem:$0x3FD2] =	sst s25  }
0xa6: {  	s5 =	sshll.u32 s26, $0x1;
	_ =	strace $0x8000004F;
	[dreg:$0x1] =	wrdreg $0xFFFFFFFF  }
0xa7: {  	s28 =	simm.s32 $_size_execute0_lowered;
	s3 =	sadd.s32 s3, s5;
	[dreg:$0x0] =	wrdreg $0x0  }
0xa8: {  	s5 =	sshll.u32 s28, $0x1;
	[dreg:$0x2] =	wrdreg s3  }
0xa9: {  	[dreg:$0x3] =	wrdreg s5  }
0xaa: {  	[dreg:$0x4] =	wrdreg $0xC0  }
0xab: {  	_ =	task [dreg:s7], $0x5FFFF  }
0xac: {  	[dreg:$0x1] =	wrdreg $0xFFFFFFFF  }
0xad: {  	[dreg:$0x0] =	wrdreg $0x60  }
0xae: {  	[dreg:$0x2] =	wrdreg s24  }
0xaf: {  	[dreg:$0x3] =	wrdreg s2  }
0xb0: {  	[dreg:$0x4] =	wrdreg $0x26000  }
0xb1: {  	[dreg:$0x5] =	wrdreg $0x9  }
0xb2: {  	_ =	task.clear_ibuf [dreg:s7], $0x6FFFF;
	_ =	strace $0x9000004F  }
0xb3: {  	s29 =	simm.s32 $0x9;
	_ =	strace $0x80000051  }
0xb4: {  	_ =	swait.ge [sflag:s29], $0x1  }
0xb5: {  	[sflag:s29] =	ssyncadd.s32 $0xFFFFFFFF  }
0xb6: {  	_ =	strace $0x90000051  }
0xb7: {  	_ =	sfence  }
0xb8: {  	s30 =	sld [smem:$0x0];
	_ =	sdelay $0x2  }
0xb9: {  	s31 =	sshll.u32 s1, $0xD;
	s1 =	sshrl.u32 s1, $0x2  }
0xba: {  	s3 =	sand.u32 $0x4000, s31;
	s1 =	sadd.s32 s1, s30  }
0xbb: {  	s0 =	sor.u32 s3, s0;
	s1 =	sshll.u32 s1, $0x11  }
0xbc: {  	s0 =	sor.u32 s1, s0  }
0xbd: {  	s0 =	sadd.s32 $0x8F2B, s0  }
0xbe: {  	[sflag:s0] =	ssyncadd.remote.s32 $0x1  }
0xbf: {  	_ =	sfence.sel $0xFFFF  }
0xc0: {  	[dreg:$0x0] =	wrdreg $0xFFFFFFFF;
	(pc) =	sbr.abs _section_cstart, $3  }
0xc1: {  	[dreg:$0x1] =	wrdreg $0xFFFFFFFF  }
0xc2: {  	_ =	task.clear_ibuf [dreg:s7], $0x2FFFF;
	_ =	strace $0x9FFFFFFF  }
0xc3: {  	(tm) =	ssettm $0x7FFFFFFF  }
tec
execute0_lowered:
.L_overlay_start_1:
0x0: {  	(tag) =	ssettag $0x1  }
0x1: {  	s5 =	rddreg [dreg:$0x0]  }
0x2: {  	s2 =	rddreg [dreg:$0x1]  }
0x3: {  	s3 =	rddreg [dreg:$0x2]  }
0x4: {  	s0 =	rddreg [dreg:$0x3];
	s1 =	stileid.u32  }
0x5: {  	s4 =	simm.s32 $0x0;
	s6 =	srdreg.scid;
	s13 =	simm.s32 $0x4  }
0x6: {  	s14 =	simm.s32 $0x2;
	s15 =	simm.s32 $0x100;
	s16 =	simm.s32 $0x80  }
0x7: {  	s17 =	simm.s32 $0x200;
	s18 =	simm.s32 $0x1;
	s7 =	smul.u32 $0x1A, s1  }
0x8: {  	s19 =	simm.s32 $0x3;
	s20 =	simm.s32 $0x180;
	s8 =	smul.u32 $0x86, s1  }
0x9: {  	s21 =	simm.s32 $0x0;
	s6 =	sand.u32 $0x1, s6;
	s28 =	smul.u32 $0x1400, s1  }
0xa: {  	[smem:$0x7FF] =	sst s4;
	s10 =	smul.u32 $0x28000, s1;
	p0 =	seq.s32 s6, $0x0  }
0xb: {  	s9 =	smul.u32 $0x14000, s6;
	s6 =	ssub.s32 $0x2, s6;
	s7 =	sadd.s32 $0x860, s7  }
0xc: {  	_ =	strace $0x80000050;
	s30 =	sshrl.u32 s6, $0x1;
	s7 =	smov.u32 @p0 s8  }
0xd: {  	s31 =	sshrl.u32 s10, $0x2;
	s29 =	sadd.s32 s28, s9;
	s7 =	sshll.u32 s7, $0x5  }
0xe: {  	s12 =	ssub.s32 s6, s30;
	s9 =	sadd.s32 s29, s5;
	s11 =	sadd.s32 s7, s5  }
0xf: {  	s5 =	sadd.s32 s31, s3;
	s7 =	simm.s32 $0x43;
	s8 =	sadd.s32 $0x70000, s9  }
0x10: {  	s9 =	smax.u32 s12, $0x1;
	s12 =	simm.s32 $0x2200;
	s6 =	sadd.s32 $0xDA00, s11  }
0x11: {  	v0 =	vimm.f32 $0.0e+00;
	s7 =	simm.s32 @!p0 $0xD;
	s10 =	sadd.s32 $0xDA40, s11;
	s11 =	sadd.s32 $0xDA20, s11  }
.LBB2_1:
0x12: {  	[tilespmem:$0x2200] =	vst v0  }
0x13: {  	[tilespmem:$0x2210] =	vst v0  }
0x14: {  	[tilespmem:$0x2220] =	vst v0  }
0x15: {  	[tilespmem:$0x2230] =	vst v0  }
0x16: {  	[tilespmem:$0x2240] =	vst v0  }
0x17: {  	[tilespmem:$0x2250] =	vst v0  }
0x18: {  	[tilespmem:$0x2260] =	vst v0  }
0x19: {  	[tilespmem:$0x2270] =	vst v0  }
0x1a: {  	[tilespmem:$0x2280] =	vst v0  }
0x1b: {  	[tilespmem:$0x2290] =	vst v0  }
0x1c: {  	[tilespmem:$0x22A0] =	vst v0  }
0x1d: {  	[tilespmem:$0x22B0] =	vst v0  }
0x1e: {  	[tilespmem:$0x22C0] =	vst v0  }
0x1f: {  	[tilespmem:$0x22D0] =	vst v0  }
0x20: {  	[tilespmem:$0x22E0] =	vst v0  }
0x21: {  	[tilespmem:$0x22F0] =	vst v0  }
0x22: {  	[tilespmem:$0x2300] =	vst v0  }
0x23: {  	[tilespmem:$0x2310] =	vst v0  }
0x24: {  	[tilespmem:$0x2320] =	vst v0  }
0x25: {  	[tilespmem:$0x2330] =	vst v0  }
0x26: {  	[tilespmem:$0x2340] =	vst v0  }
0x27: {  	[tilespmem:$0x2350] =	vst v0  }
0x28: {  	[tilespmem:$0x2360] =	vst v0  }
0x29: {  	[tilespmem:$0x2370] =	vst v0  }
0x2a: {  	[tilespmem:$0x2380] =	vst v0  }
0x2b: {  	[tilespmem:$0x2390] =	vst v0  }
0x2c: {  	[tilespmem:$0x23A0] =	vst v0  }
0x2d: {  	[tilespmem:$0x23B0] =	vst v0  }
0x2e: {  	[tilespmem:$0x23C0] =	vst v0  }
0x2f: {  	[tilespmem:$0x23D0] =	vst v0  }
0x30: {  	[tilespmem:$0x23E0] =	vst v0  }
0x31: {  	[tilespmem:$0x23F0] =	vst v0  }
0x32: {  	[tilespmem:$0x2400] =	vst v0  }
0x33: {  	[tilespmem:$0x2410] =	vst v0  }
0x34: {  	[tilespmem:$0x2420] =	vst v0  }
0x35: {  	[tilespmem:$0x2430] =	vst v0  }
0x36: {  	[tilespmem:$0x2440] =	vst v0  }
0x37: {  	[tilespmem:$0x2450] =	vst v0  }
0x38: {  	[tilespmem:$0x2460] =	vst v0  }
0x39: {  	[tilespmem:$0x2470] =	vst v0  }
0x3a: {  	[tilespmem:$0x2480] =	vst v0  }
0x3b: {  	[tilespmem:$0x2490] =	vst v0  }
0x3c: {  	[tilespmem:$0x24A0] =	vst v0  }
0x3d: {  	[tilespmem:$0x24B0] =	vst v0  }
0x3e: {  	[tilespmem:$0x24C0] =	vst v0  }
0x3f: {  	[tilespmem:$0x24D0] =	vst v0  }
0x40: {  	[tilespmem:$0x24E0] =	vst v0  }
0x41: {  	[tilespmem:$0x24F0] =	vst v0  }
0x42: {  	[tilespmem:$0x2500] =	vst v0  }
0x43: {  	[tilespmem:$0x2510] =	vst v0  }
0x44: {  	[tilespmem:$0x2520] =	vst v0  }
0x45: {  	[tilespmem:$0x2530] =	vst v0  }
0x46: {  	[tilespmem:$0x2540] =	vst v0  }
0x47: {  	[tilespmem:$0x2550] =	vst v0  }
0x48: {  	[tilespmem:$0x2560] =	vst v0  }
0x49: {  	[tilespmem:$0x2570] =	vst v0  }
0x4a: {  	[tilespmem:$0x2580] =	vst v0  }
0x4b: {  	[tilespmem:$0x2590] =	vst v0  }
0x4c: {  	[tilespmem:$0x25A0] =	vst v0  }
0x4d: {  	[tilespmem:$0x25B0] =	vst v0  }
0x4e: {  	[tilespmem:$0x25C0] =	vst v0  }
0x4f: {  	[tilespmem:$0x25D0] =	vst v0  }
0x50: {  	[tilespmem:$0x25E0] =	vst v0  }
0x51: {  	[tilespmem:$0x25F0] =	vst v0;
	s22 =	sadd.s32 $0x0, s5  }
0x52: {  	[spmem:s22] =	stream.linear.scatter [tilespmem:s12], [sflag:$0x4], $0x400, $0x38;
	[tilespmem:$0xC600] =	vst v63  }
0x53: {  	s22 =	simm.s32 $0x1000;
	_ =	swait.ge [sflag:s13], $0x400  }
.LBB2_2:
0x54: {  	s23 =	sshra.s32 s22, $0x2;
	[sflag:s13] =	ssyncset.done $0x0;
	p0 =	sne.s32 s22, $0x27000  }
.Ltmp0:
0x55: {  	s23 =	sadd.s32 s23, s5;
	[sflag:s13] =	ssyncadd.s32 $0xFFFFFC00;
	(pc) =	sbr.rel @p0 .LBB2_2-.Ltmp0, $3  }
0x56: {  	[spmem:s23] =	stream.linear.scatter [tilespmem:s12], [sflag:$0x4], $0x400, $0x38;
	[tilespmem:$0xC600] =	vst v63  }
0x57: {  	s22 =	sadd.s32 $0x1000, s22;
	_ =	sdelay $0x1  }
0x58: {  	_ =	swait.ge [sflag:s13], $0x400  }
0x59: {  	[sflag:s13] =	ssyncset.done $0x0  }
0x5a: {  	[sflag:s13] =	ssyncadd.s32 $0xFFFFFC00  }
0x5b: {  	[bflag:$0x0] =	sbarrier.arrive $0xFFFF  }
0x5c: {  	[tilespmem:s4], [sflag:$0x2] =	stream.linear.gather [hbm4b:s6+s4], $0x100, $0x38;
	[tilespmem:$0xC600] =	vst v63  }
0x5d: {  	_ =	swait.ge [sflag:s14], $0x100  }
0x5e: {  	[sflag:s14] =	ssyncset.done $0x0  }
0x5f: {  	[sflag:s14] =	ssyncadd.s32 $0xFFFFFF00  }
0x60: {  	[tilespmem:s15], [sflag:$0x3] =	stream.linear.gather [hbm4b:s11+s4], $0x100, $0x38;
	[tilespmem:$0xC600] =	vst v63  }
0x61: {  	_ = 	snop  }
0x62: {  	[tilespmem:s17], [sflag:$0x1] =	stream.indirect.gather [hbm4b:s2+s16], $0x40, s4, s16, $0xb8;
	[tilespmem:$0xC600] =	vst v63  }
0x63: {  	_ =	swait.ge [sflag:s18], $0x2000  }
0x64: {  	[sflag:s18] =	ssyncset.done $0x0  }
0x65: {  	[sflag:s18] =	ssyncadd.s32 $0xFFFFE000  }
0x66: {  	[spmem:s3] =	stream.indirect.scatter.add.f32 [tilespmem:s17], [sflag:$0x4], $0x40, s16, s16, $0xb8;
	[tilespmem:$0xC600] =	vst v63  }
0x67: {  	_ =	swait.ge [sflag:s13], $0x2000  }
0x68: {  	[sflag:s13] =	ssyncset.done $0x0  }
0x69: {  	[sflag:s13] =	ssyncadd.s32 $0xFFFFE000  }
0x6a: {  	_ =	swait.ge [sflag:s19], $0x100  }
0x6b: {  	[sflag:s19] =	ssyncset.done $0x0  }
0x6c: {  	[sflag:s19] =	ssyncadd.s32 $0xFFFFFF00  }
0x6d: {  	[tilespmem:s4], [sflag:$0x2] =	stream.linear.gather [hbm4b:s10+s4], $0x100, $0x38;
	[tilespmem:$0xC600] =	vst v63  }
0x6e: {  	_ = 	snop  }
0x6f: {  	[tilespmem:s17], [sflag:$0x1] =	stream.indirect.gather [hbm4b:s2+s16], $0x40, s15, s16, $0xb8;
	[tilespmem:$0xC600] =	vst v63  }
0x70: {  	p0 =	sne.s32 s7, $0x1;
	_ =	swait.ge [sflag:s18], $0x2000  }
.Ltmp1:
0x71: {  	[sflag:s18] =	ssyncset.done $0x0;
	(pc) =	sbr.rel @!p0 .LBB2_5-.Ltmp1, $4  }
0x72: {  	[sflag:s18] =	ssyncadd.s32 $0xFFFFE000  }
0x73: {  	[spmem:s3] =	stream.indirect.scatter.add.f32 [tilespmem:s17], [sflag:$0x4], $0x40, s20, s16, $0xb8;
	[tilespmem:$0xC600] =	vst v63  }
0x74: {  	s22 =	sadd.s32 $0xFFFFFFFF, s7;
	_ =	swait.ge [sflag:s13], $0x2000  }
0x75: {  	s23 =	smov.u32 s10;
	s24 =	smov.u32 s11;
	[sflag:s13] =	ssyncset.done $0x0  }
.LBB2_4:
0x76: {  	[sflag:s13] =	ssyncadd.s32 $0xFFFFE000;
	s23 =	sadd.s32 $0x40, s23;
	s24 =	sadd.s32 $0x40, s24  }
0x77: {  	p0 =	sne.s32 s22, $0x1;
	s22 =	sadd.s32 $0xFFFFFFFF, s22;
	_ =	swait.ge [sflag:s14], $0x100  }
0x78: {  	[sflag:s14] =	ssyncset.done $0x0  }
0x79: {  	[sflag:s14] =	ssyncadd.s32 $0xFFFFFF00  }
0x7a: {  	[tilespmem:s15], [sflag:$0x3] =	stream.linear.gather [hbm4b:s24+s4], $0x100, $0x38;
	[tilespmem:$0xC600] =	vst v63  }
0x7b: {  	_ = 	snop  }
0x7c: {  	[tilespmem:s17], [sflag:$0x1] =	stream.indirect.gather [hbm4b:s2+s16], $0x40, s4, s16, $0xb8;
	[tilespmem:$0xC600] =	vst v63  }
0x7d: {  	_ =	swait.ge [sflag:s18], $0x2000  }
0x7e: {  	[sflag:s18] =	ssyncset.done $0x0  }
0x7f: {  	[sflag:s18] =	ssyncadd.s32 $0xFFFFE000  }
0x80: {  	[spmem:s3] =	stream.indirect.scatter.add.f32 [tilespmem:s17], [sflag:$0x4], $0x40, s16, s16, $0xb8;
	[tilespmem:$0xC600] =	vst v63  }
0x81: {  	_ =	swait.ge [sflag:s13], $0x2000  }
0x82: {  	[sflag:s13] =	ssyncset.done $0x0  }
0x83: {  	[sflag:s13] =	ssyncadd.s32 $0xFFFFE000  }
0x84: {  	_ =	swait.ge [sflag:s19], $0x100  }
0x85: {  	[sflag:s19] =	ssyncset.done $0x0  }
0x86: {  	[sflag:s19] =	ssyncadd.s32 $0xFFFFFF00  }
0x87: {  	[tilespmem:s4], [sflag:$0x2] =	stream.linear.gather [hbm4b:s23+s4], $0x100, $0x38;
	[tilespmem:$0xC600] =	vst v63  }
0x88: {  	_ = 	snop  }
0x89: {  	[tilespmem:s17], [sflag:$0x1] =	stream.indirect.gather [hbm4b:s2+s16], $0x40, s15, s16, $0xb8;
	[tilespmem:$0xC600] =	vst v63  }
0x8a: {  	_ =	swait.ge [sflag:s18], $0x2000  }
.Ltmp2:
0x8b: {  	[sflag:s18] =	ssyncset.done $0x0;
	(pc) =	sbr.rel @p0 .LBB2_4-.Ltmp2, $4  }
0x8c: {  	[sflag:s18] =	ssyncadd.s32 $0xFFFFE000  }
0x8d: {  	[spmem:s3] =	stream.indirect.scatter.add.f32 [tilespmem:s17], [sflag:$0x4], $0x40, s20, s16, $0xb8;
	[tilespmem:$0xC600] =	vst v63  }
0x8e: {  	_ =	swait.ge [sflag:s13], $0x2000  }
0x8f: {  	[sflag:s13] =	ssyncset.done $0x0  }
.LBB2_5:
0x90: {  	[sflag:s13] =	ssyncadd.s32 $0xFFFFE000  }
0x91: {  	_ =	swait.ge [sflag:s14], $0x100  }
0x92: {  	s22 =	sshll.u32 s1, $0x6;
	s21 =	sadd.s32 $0x1, s21;
	[sflag:s14] =	ssyncset.done $0x0  }
0x93: {  	s23 =	sshrl.u32 s5, $0x3;
	p0 =	sne.s32 s21, s9;
	[sflag:s14] =	ssyncadd.s32 $0xFFFFFF00  }
.Ltmp3:
0x94: {  	s22 =	sor.u32 $0x1C04, s22;
	[bflag:$0x0] =	sbarrier.arrive $0xFFFF;
	(pc) =	sbr.rel @p0 .LBB2_1-.Ltmp3, $4  }
0x95: {  	[hbm:s8], [sflag:s22] =	dma.local [spmem:s23], $0x1400  }
0x96: {  	_ =	swait.ge [sflag:s13], $0x1400  }
0x97: {  	[sflag:s13] =	ssyncset.done $0x0  }
0x98: {  	[sflag:s13] =	ssyncadd.s32 $0xFFFFEC00  }
0x99: {  	_ =	sfence.sel $0x180000  }
0x9a: {  	[bflag:$0x0] =	sbarrier.arrive $0xFFFF  }
0x9b: {  	p0 =	sne.s32 s1, $0x0;
	_ =	strace $0x90000050  }
0x9c: {  	s0 =	sadd.s32 @!p0 $0x100000, s0;
	[bflag:$0x2] =	sbarrier.arrive $0xFFFF  }
0x9d: {  	[sflag:s0] =	ssyncadd.tile.s32 @!p0 $0x1;
	_ =	shalt  }
.Lfunc_end2:
_tile_overlayer_lowered:
.L_overlay_start_2:
0x9e: {  	(tag) =	ssettag $0x2  }
0x9f: {  	s0 =	rddreg [dreg:$0x0];
	s2 =	stileid.u32  }
0xa0: {  	s1 =	rddreg [dreg:$0x1];
	p0 =	sne.s32 s2, $0x0  }
0xa1: {  	s3 =	rddreg [dreg:$0x2];
	[bflag:$0x3] =	sbarrier.arrive $0xFFFF;
	s2 =	simm.s32 @!p0 $0x1C04  }
0xa2: {  	[timem:s3], [sflag:s2] =	dma.local @!p0 [hbm:s0], s1  }
0xa3: {  	s0 =	simm.s32 @!p0 $0x4  }
0xa4: {  	_ =	swait.ge @!p0 [sflag:s0], s1  }
0xa5: {  	s1 =	ssub.s32 @!p0 $0x0, s1;
	[sflag:s0] =	ssyncset.done @!p0 $0x0  }
0xa6: {  	[sflag:s0] =	ssyncadd.s32 @!p0 s1  }
0xa7: {  	[bflag:$0x3] =	sbarrier.arrive $0xFFFF  }
0xa8: {  	_ =	shalt  }

</sc_bundles>
